<compile_context>
chip_gen: v7x
topology: tpu7x:2x2x1
jax: 0.10.2.dev20260603
libtpu: 0.0.44.dev20260713+nightly
codegen_flags: <defaults>
</compile_context>

<pallas_src>
import jax
import jax.numpy as jnp
from jax import lax
from jax.experimental import pallas as pl
from jax.experimental.pallas import tpu as pltpu
from jax.experimental.pallas import tpu_sc as plsc

N = 10000
IN_CH = 128
D = 64
HD = D // 2
E = 320000
NC = 2
NS = 16
NW = NC * NS
CH = 128
NCHUNK = E // CH
DEG_Q, DEG_R = divmod(NCHUNK, NW)
SC_Q, SC_R = divmod(NCHUNK, NS)
N_PAD = 10240
RPT = N_PAD // NS
HRO = RPT // 4
TAIL_V = tuple(max(0, min(HRO, N - ((NS - 1) * RPT + q * HRO))) for q in range(4))
DEPTH = 8

_mesh = plsc.VectorSubcoreMesh(
    core_axis_name="c", subcore_axis_name="s", num_cores=NC, num_subcores=NS
)
_sc_params = pltpu.CompilerParams(use_tc_tiling_on_sc=False)
_sc_params_nl = pltpu.CompilerParams(
    use_tc_tiling_on_sc=False, needs_layout_passes=False
)


def _deg_body(e_hbm, ones_hbm, zeros_hbm, deg_out, idx_v, ones_v, deg_sh, dsem):
    c = lax.axis_index("c")
    s = lax.axis_index("s")
    wid = c * NS + s
    cnt = DEG_Q + jnp.where(wid < DEG_R, 1, 0)
    lo = NCHUNK + wid * DEG_Q + jnp.minimum(wid, DEG_R)
    pltpu.sync_copy(e_hbm.at[pl.ds(lo, DEG_Q), :], idx_v.at[pl.ds(0, DEG_Q), :])

    @pl.when(wid < DEG_R)
    def _():
        pltpu.sync_copy(e_hbm.at[pl.ds(lo + DEG_Q, 1), :],
                        idx_v.at[pl.ds(DEG_Q, 1), :])

    pltpu.sync_copy(ones_hbm, ones_v)
    for q in range(RPT // CH):
        pltpu.sync_copy(zeros_hbm, deg_sh.at[pl.ds(s * RPT + q * CH, CH)])
    plsc.subcore_barrier()

    def body(i, carry):
        for b in range(DEPTH):
            pltpu.async_copy(ones_v, deg_sh.at[idx_v.at[i * DEPTH + b]], dsem,
                             add=True)
        for b in range(DEPTH):
            pltpu.make_async_copy(
                ones_v, deg_sh.at[idx_v.at[i * DEPTH + b]], dsem
            ).wait()
        return carry

    lax.fori_loop(0, DEG_Q // DEPTH, body, 0)

    def tail(j, carry):
        pltpu.sync_copy(ones_v, deg_sh.at[idx_v.at[j]], add=True)
        return carry

    lax.fori_loop((DEG_Q // DEPTH) * DEPTH, cnt, tail, 0)
    plsc.subcore_barrier()
    pltpu.sync_copy(
        deg_sh.at[pl.ds(s * RPT, RPT)],
        deg_out.at[pl.ds(c * N_PAD + s * RPT, RPT)],
    )


_deg_kernel = pl.kernel(
    _deg_body,
    out_type=jax.ShapeDtypeStruct((NC * N_PAD,), jnp.float32),
    mesh=_mesh,
    scratch_types=[
        pltpu.VMEM((DEG_Q + 1, CH), jnp.int32),
        pltpu.VMEM((CH,), jnp.float32),
        pltpu.VMEM_SHARED((N_PAD,), jnp.float32),
        pltpu.SemaphoreType.DMA,
    ],
    compiler_params=_sc_params,
)

_ITER = -(-(SC_Q + 1) // DEPTH)


def _scat_body(e_hbm, g0_hbm, g1_hbm, zeros_hbm, degp_hbm, out_hbm,
               sidx_v, didx_v, gbuf, g_sh, acc_sh, gsem, d0_v, d1_v, gv, av):
    c = lax.axis_index("c")
    s = lax.axis_index("s")
    cnt = SC_Q + jnp.where(s < SC_R, 1, 0)
    lo = s * SC_Q + jnp.minimum(s, SC_R)
    pltpu.sync_copy(e_hbm.at[pl.ds(lo, SC_Q), :], sidx_v.at[pl.ds(0, SC_Q), :])
    pltpu.sync_copy(e_hbm.at[pl.ds(NCHUNK + lo, SC_Q), :],
                    didx_v.at[pl.ds(0, SC_Q), :])

    @pl.when(s < SC_R)
    def _():
        pltpu.sync_copy(e_hbm.at[pl.ds(lo + SC_Q, 1), :],
                        sidx_v.at[pl.ds(SC_Q, 1), :])
        pltpu.sync_copy(e_hbm.at[pl.ds(NCHUNK + lo + SC_Q, 1), :],
                        didx_v.at[pl.ds(SC_Q, 1), :])

    for q in range(RPT // CH):
        pltpu.sync_copy(zeros_hbm, acc_sh.at[pl.ds(s * RPT + q * CH, CH), :])
    pltpu.sync_copy(degp_hbm.at[pl.ds(s * RPT, RPT)], d0_v)
    pltpu.sync_copy(degp_hbm.at[pl.ds(N_PAD + s * RPT, RPT)], d1_v)

    def dinv_loop(t, carry):
        d = d0_v[pl.ds(t * 16, 16)] + d1_v[pl.ds(t * 16, 16)] + 1.0
        yi = jnp.int32(0x5F3759DF) - (plsc.bitcast(d, jnp.int32) >> 1)
        y = plsc.bitcast(yi, jnp.float32)
        for _ in range(3):
            y = y * (1.5 - 0.5 * d * y * y)
        d0_v[pl.ds(t * 16, 16)] = y
        return carry

    lax.fori_loop(0, RPT // 16, dinv_loop, 0)
    for part in range(4):
        row0 = s * RPT + part * HRO

        @pl.when(c == 0)
        def _():
            pltpu.sync_copy(g0_hbm.at[pl.ds(row0, HRO), :], gv)

        @pl.when(c == 1)
        def _():
            pltpu.sync_copy(g1_hbm.at[pl.ds(row0, HRO), :], gv)

        def scale_loop(r, carry, _part=part):
            idx = jnp.full((16,), _part * HRO, jnp.int32) + r
            dv = plsc.load_gather(d0_v, [idx])
            for k in range(HD // 16):
                gv[r, pl.ds(k * 16, 16)] = gv[r, pl.ds(k * 16, 16)] * dv
            return carry

        lax.fori_loop(0, HRO, scale_loop, 0)
        pltpu.sync_copy(gv, g_sh.at[pl.ds(row0, HRO), :])

    plsc.subcore_barrier()
    for b in range(DEPTH):
        pltpu.async_copy(g_sh.at[sidx_v.at[b]], gbuf.at[b], gsem.at[b])

    def body(i, carry):
        j0 = i * DEPTH
        for b in range(DEPTH):
            j = j0 + b

            @pl.when(j < cnt)
            def _():
                pltpu.make_async_copy(
                    g_sh.at[sidx_v.at[j]], gbuf.at[b], gsem.at[b]
                ).wait()
                pltpu.sync_copy(gbuf.at[b], acc_sh.at[didx_v.at[j]], add=True)

            jn = j + DEPTH

            @pl.when(jn < cnt)
            def _():
                pltpu.async_copy(g_sh.at[sidx_v.at[jn]], gbuf.at[b], gsem.at[b])

        return carry

    lax.fori_loop(0, _ITER, body, 0)
    plsc.subcore_barrier()
    for half in range(4):
        row0 = s * RPT + half * HRO
        pltpu.sync_copy(g_sh.at[pl.ds(row0, HRO), :], gv)
        pltpu.sync_copy(acc_sh.at[pl.ds(row0, HRO), :], av)

        def row_loop(r, carry, _half=half):
            idx = jnp.full((16,), _half * HRO, jnp.int32) + r
            dv = plsc.load_gather(d0_v, [idx])
            for k in range(HD // 16):
                t = gv[r, pl.ds(k * 16, 16)] + av[r, pl.ds(k * 16, 16)]
                gv[r, pl.ds(k * 16, 16)] = t * dv
            return carry

        lax.fori_loop(0, HRO, row_loop, 0)
        nvalid = TAIL_V[half]

        @pl.when(s < NS - 1)
        def _():
            pltpu.sync_copy(gv, out_hbm.at[pl.ds(row0, HRO), pl.ds(c * HD, HD)])

        if nvalid > 0:
            @pl.when(s == NS - 1)
            def _():
                pltpu.sync_copy(
                    gv.at[pl.ds(0, nvalid), :],
                    out_hbm.at[pl.ds(row0, nvalid), pl.ds(c * HD, HD)],
                )


_scat_kernel = pl.kernel(
    _scat_body,
    out_type=jax.ShapeDtypeStruct((N, D), jnp.float32),
    mesh=_mesh,
    scratch_types=[
        pltpu.VMEM((SC_Q + 1, CH), jnp.int32),
        pltpu.VMEM((SC_Q + 1, CH), jnp.int32),
        pltpu.VMEM((DEPTH, CH, HD), jnp.float32),
        pltpu.VMEM_SHARED((N_PAD, HD), jnp.float32),
        pltpu.VMEM_SHARED((N_PAD, HD), jnp.float32),
        pltpu.SemaphoreType.DMA((DEPTH,)),
        pltpu.VMEM((RPT,), jnp.float32),
        pltpu.VMEM((RPT,), jnp.float32),
        pltpu.VMEM((HRO, HD), jnp.float32),
        pltpu.VMEM((HRO, HD), jnp.float32),
    ],
    compiler_params=_sc_params_nl,
)


def _proj_body(x_ref, w_ref, b_ref, g0_ref, g1_ref):
    h = lax.dot_general(
        x_ref[...], w_ref[...], (((1,), (1,)), ((), ())),
        preferred_element_type=jnp.float32,
    )
    h = h + b_ref[...]
    nrm = jnp.sqrt(jnp.sum(h * h, axis=1, keepdims=True))
    g = (h / jnp.maximum(nrm, 1e-12)) * 1.8
    g0_ref[pl.ds(0, N), :] = g[:, :HD]
    g1_ref[pl.ds(0, N), :] = g[:, HD:]
    tail = jnp.zeros((N_PAD - N, HD), jnp.float32)
    g0_ref[pl.ds(N, N_PAD - N), :] = tail
    g1_ref[pl.ds(N, N_PAD - N), :] = tail


_proj = pl.pallas_call(
    _proj_body,
    out_shape=(
        jax.ShapeDtypeStruct((N_PAD, HD), jnp.float32),
        jax.ShapeDtypeStruct((N_PAD, HD), jnp.float32),
    ),
)


def kernel(x, edge_index, W, b):
    e2d = edge_index.astype(jnp.int32).reshape(NC * NCHUNK, CH)
    ones = jnp.ones((CH,), jnp.float32)
    zeros1 = jnp.zeros((CH,), jnp.float32)
    zeros2 = jnp.zeros((CH, HD), jnp.float32)

    degp = _deg_kernel(e2d, ones, zeros1)
    g0, g1 = _proj(x, W, b.reshape(1, D))
    return _scat_kernel(e2d, g0, g1, zeros2, degp)

# --- scband reference (transcript-rebuilt; emitter-appended) ---
"""Pipeline reference for scband-gnaeencoder-35605278883998 (READ-ONLY COPY).

The authoritative reference and input builder live on the scoring server;
editing this copy changes nothing except your own understanding.
"""

import jax, jax.numpy as jnp
import numpy as np

N_NODES = 10000
IN_CH = 128
Z_DIM = 64
N_EDGES = 320000


def setup_inputs(seed: int = 0) -> dict:
    key = jax.random.key(seed)
    k1, k2, k3, k4 = jax.random.split(key, 4)
    x = jax.random.normal(k1, (N_NODES, IN_CH), dtype=jnp.float32)
    edge_index = jax.random.randint(k2, (2, N_EDGES), 0, N_NODES, dtype=jnp.int64)
    # linear1 params (torch nn.Linear: out = x @ W.T + b)
    bound = 1.0 / np.sqrt(IN_CH)
    W = jax.random.uniform(k3, (Z_DIM, IN_CH), dtype=jnp.float32, minval=-bound, maxval=bound)
    b = jax.random.uniform(k4, (Z_DIM,), dtype=jnp.float32, minval=-bound, maxval=bound)
    return {"x": x, "edge_index": edge_index, "W": W, "b": b}


def reference(x, edge_index, W, b):
    # linear1
    h = x @ W.T + b
    # F.normalize(p=2, dim=1) * 1.8
    nrm = jnp.sqrt(jnp.sum(h * h, axis=1, keepdims=True))
    h = h / jnp.maximum(nrm, 1e-12) * 1.8
    # APPNP(K=1, alpha=0) with gcn_norm (add self-loops, symmetric normalization)
    N = h.shape[0]
    src = edge_index[0]
    dst = edge_index[1]
    loop = jnp.arange(N, dtype=edge_index.dtype)
    src_full = jnp.concatenate([src, loop])
    dst_full = jnp.concatenate([dst, loop])
    ew = jnp.ones(src_full.shape[0], dtype=h.dtype)
    deg = jax.ops.segment_sum(ew, dst_full, num_segments=N)
    deg_inv_sqrt = jnp.where(deg > 0, deg ** -0.5, 0.0)
    norm = deg_inv_sqrt[src_full] * ew * deg_inv_sqrt[dst_full]
    msgs = norm[:, None] * h[src_full]
    out = jax.ops.segment_sum(msgs, dst_full, num_segments=N)
    # alpha = 0 -> out = (1-0)*Ahat h + 0*h0 = Ahat h
    return out

if __name__ == "__main__":
    import jax
    _d = setup_inputs()
    print(jax.jit(kernel)(*tuple(_d.values())))

</pallas_src>

<mosaic_0001>
#map = affine_map<(d0, d1) -> (0, 0)>
#map1 = affine_map<(d0, d1) -> (0)>
module attributes {stable_mosaic.version = 14 : i64} {
  func.func @_deg_body(%arg0: i32, %arg1: i32, %arg2: memref<5000x128xi32, #tpu.memory_space<hbm>>, %arg3: memref<128xf32, #tpu.memory_space<hbm>>, %arg4: memref<128xf32, #tpu.memory_space<hbm>>, %arg5: memref<20480xf32, #tpu.memory_space<hbm>>, %arg6: memref<79x128xi32, #tpu.memory_space<vmem>>, %arg7: memref<128xf32, #tpu.memory_space<vmem>>, %arg8: memref<10240xf32, #tpu.memory_space<vmem_shared>>, %arg9: memref<!tpu.dma_semaphore, #tpu.memory_space<semaphore_mem>>) attributes {dimension_semantics = [#tpu.dimension_semantics<core_parallel>, #tpu.dimension_semantics<subcore_parallel>], iteration_bounds = array<i64: 2, 16>, scalar_prefetch = 0 : i64, scratch_operands = 4 : i64, tpu.core_type = #tpu.core_type<sc_vector_subcore>, window_params = [{transform_indices = #map}, {transform_indices = #map1}, {transform_indices = #map1}, {transform_indices = #map1}]} {
    %mul3A = arith.constant 16 : i32
    %mul3A_0 = arith.muli %arg0, %mul3A : i32
    %add3A = arith.addi %mul3A_0, %arg1 : i32
    %lt3A = arith.constant 4 : i32
    %lt3A_1 = arith.cmpi slt, %add3A, %lt3A : i32
    %jit3A = arith.constant 1 : i32
    %jit3A_2 = arith.constant 0 : i32
    %select_n3A = arith.select %lt3A_1, %jit3A, %jit3A_2 : i32
    %add3A_3 = arith.constant 78 : i32
    %add3A_4 = arith.addi %add3A_3, %select_n3A : i32
    %mul3A_5 = arith.constant 78 : i32
    %mul3A_6 = arith.muli %add3A, %mul3A_5 : i32
    %add3A_7 = arith.constant 2500 : i32
    %add3A_8 = arith.addi %add3A_7, %mul3A_6 : i32
    %min3A = arith.constant 4 : i32
    %min3A_9 = arith.minsi %add3A, %min3A : i32
    %add3A_10 = arith.addi %add3A_8, %min3A_9 : i32
    "tpu.region"() ({
      %run_scoped3A = tpu.sem_alloc : memref<!tpu.dma_semaphore, #tpu.memory_space<semaphore_mem>>
      %dma_start3A = arith.constant 0 : i32
      %dma_start3A_56 = arith.constant 0 : i32
      %dma_start3A_57 = tpu.memref_slice %arg6[%dma_start3A, %dma_start3A_56] : memref<79x128xi32, #tpu.memory_space<vmem>> -> memref<78x128xi32, #tpu.memory_space<vmem>>
      %dma_start3A_58 = arith.constant 0 : i32
      %dma_start3A_59 = tpu.memref_slice %arg2[%add3A_10, %dma_start3A_58] : memref<5000x128xi32, #tpu.memory_space<hbm>> -> memref<78x128xi32, #tpu.memory_space<hbm>>
      %dma_start3A_60 = arith.constant 0 : i32
      %dma_start3A_61 = arith.constant 0 : i32
      %dma_start3A_62 = tpu.memref_slice %arg6[%dma_start3A_60, %dma_start3A_61] : memref<79x128xi32, #tpu.memory_space<vmem>> -> memref<78x128xi32, #tpu.memory_space<vmem>>
      %dma_start3A_63 = arith.constant 0 : i32
      %dma_start3A_64 = tpu.memref_slice %arg2[%add3A_10, %dma_start3A_63] : memref<5000x128xi32, #tpu.memory_space<hbm>> -> memref<78x128xi32, #tpu.memory_space<hbm>>
      tpu.enqueue_dma source(%dma_start3A_64 : memref<78x128xi32, #tpu.memory_space<hbm>>) target(%dma_start3A_62 : memref<78x128xi32, #tpu.memory_space<vmem>>) target_semaphore(%run_scoped3A : memref<!tpu.dma_semaphore, #tpu.memory_space<semaphore_mem>>)
      %dma_wait3A = arith.constant 0 : i32
      %dma_wait3A_65 = arith.constant 0 : i32
      %dma_wait3A_66 = tpu.memref_slice %arg6[%dma_wait3A, %dma_wait3A_65] : memref<79x128xi32, #tpu.memory_space<vmem>> -> memref<78x128xi32, #tpu.memory_space<vmem>>
      %dma_wait3A_67 = arith.constant 0 : i32
      %dma_wait3A_68 = tpu.memref_slice %arg2[%add3A_10, %dma_wait3A_67] : memref<5000x128xi32, #tpu.memory_space<hbm>> -> memref<78x128xi32, #tpu.memory_space<hbm>>
      %dma_wait3A_69 = arith.constant 0 : i32
      %dma_wait3A_70 = arith.constant 0 : i32
      %dma_wait3A_71 = tpu.memref_slice %arg6[%dma_wait3A_69, %dma_wait3A_70] : memref<79x128xi32, #tpu.memory_space<vmem>> -> memref<78x128xi32, #tpu.memory_space<vmem>>
      %dma_wait3A_72 = arith.constant 0 : i32
      %dma_wait3A_73 = tpu.memref_slice %arg2[%add3A_10, %dma_wait3A_72] : memref<5000x128xi32, #tpu.memory_space<hbm>> -> memref<78x128xi32, #tpu.memory_space<hbm>>
      tpu.wait_dma2 semaphore(%run_scoped3A : memref<!tpu.dma_semaphore, #tpu.memory_space<semaphore_mem>>) src(%dma_wait3A_73 : memref<78x128xi32, #tpu.memory_space<hbm>>) dst(%dma_wait3A_71 : memref<78x128xi32, #tpu.memory_space<vmem>>)
      tpu.yield
    }) : () -> ()
    %lt3A_11 = arith.constant 4 : i32
    %lt3A_12 = arith.cmpi slt, %add3A, %lt3A_11 : i32
    %convert_element_type3A = arith.extui %lt3A_12 : i1 to i32
    %cond3A = arith.constant 0 : i32
    %cond3A_13 = arith.cmpi ne, %convert_element_type3A, %cond3A : i32
    scf.if %cond3A_13 {
      %add3A_56 = arith.constant 78 : i32
      %add3A_57 = arith.addi %add3A_10, %add3A_56 : i32
      "tpu.region"() ({
        %run_scoped3A = tpu.sem_alloc : memref<!tpu.dma_semaphore, #tpu.memory_space<semaphore_mem>>
        %dma_start3A = arith.constant 78 : i32
        %dma_start3A_58 = arith.constant 0 : i32
        %dma_start3A_59 = tpu.memref_slice %arg6[%dma_start3A, %dma_start3A_58] : memref<79x128xi32, #tpu.memory_space<vmem>> -> memref<1x128xi32, #tpu.memory_space<vmem>>
        %dma_start3A_60 = arith.constant 0 : i32
        %dma_start3A_61 = tpu.memref_slice %arg2[%add3A_57, %dma_start3A_60] : memref<5000x128xi32, #tpu.memory_space<hbm>> -> memref<1x128xi32, #tpu.memory_space<hbm>>
        %dma_start3A_62 = arith.constant 78 : i32
        %dma_start3A_63 = arith.constant 0 : i32
        %dma_start3A_64 = tpu.memref_slice %arg6[%dma_start3A_62, %dma_start3A_63] : memref<79x128xi32, #tpu.memory_space<vmem>> -> memref<1x128xi32, #tpu.memory_space<vmem>>
        %dma_start3A_65 = arith.constant 0 : i32
        %dma_start3A_66 = tpu.memref_slice %arg2[%add3A_57, %dma_start3A_65] : memref<5000x128xi32, #tpu.memory_space<hbm>> -> memref<1x128xi32, #tpu.memory_space<hbm>>
        tpu.enqueue_dma source(%dma_start3A_66 : memref<1x128xi32, #tpu.memory_space<hbm>>) target(%dma_start3A_64 : memref<1x128xi32, #tpu.memory_space<vmem>>) target_semaphore(%run_scoped3A : memref<!tpu.dma_semaphore, #tpu.memory_space<semaphore_mem>>)
        %dma_wait3A = arith.constant 78 : i32
        %dma_wait3A_67 = arith.constant 0 : i32
        %dma_wait3A_68 = tpu.memref_slice %arg6[%dma_wait3A, %dma_wait3A_67] : memref<79x128xi32, #tpu.memory_space<vmem>> -> memref<1x128xi32, #tpu.memory_space<vmem>>
        %dma_wait3A_69 = arith.constant 0 : i32
        %dma_wait3A_70 = tpu.memref_slice %arg2[%add3A_57, %dma_wait3A_69] : memref<5000x128xi32, #tpu.memory_space<hbm>> -> memref<1x128xi32, #tpu.memory_space<hbm>>
        %dma_wait3A_71 = arith.constant 78 : i32
        %dma_wait3A_72 = arith.constant 0 : i32
        %dma_wait3A_73 = tpu.memref_slice %arg6[%dma_wait3A_71, %dma_wait3A_72] : memref<79x128xi32, #tpu.memory_space<vmem>> -> memref<1x128xi32, #tpu.memory_space<vmem>>
        %dma_wait3A_74 = arith.constant 0 : i32
        %dma_wait3A_75 = tpu.memref_slice %arg2[%add3A_57, %dma_wait3A_74] : memref<5000x128xi32, #tpu.memory_space<hbm>> -> memref<1x128xi32, #tpu.memory_space<hbm>>
        tpu.wait_dma2 semaphore(%run_scoped3A : memref<!tpu.dma_semaphore, #tpu.memory_space<semaphore_mem>>) src(%dma_wait3A_75 : memref<1x128xi32, #tpu.memory_space<hbm>>) dst(%dma_wait3A_73 : memref<1x128xi32, #tpu.memory_space<vmem>>)
        tpu.yield
      }) : () -> ()
    } else {
    }
    "tpu.region"() ({
      %run_scoped3A = tpu.sem_alloc : memref<!tpu.dma_semaphore, #tpu.memory_space<semaphore_mem>>
      tpu.enqueue_dma source(%arg3 : memref<128xf32, #tpu.memory_space<hbm>>) target(%arg7 : memref<128xf32, #tpu.memory_space<vmem>>) target_semaphore(%run_scoped3A : memref<!tpu.dma_semaphore, #tpu.memory_space<semaphore_mem>>)
      tpu.wait_dma2 semaphore(%run_scoped3A : memref<!tpu.dma_semaphore, #tpu.memory_space<semaphore_mem>>) src(%arg3 : memref<128xf32, #tpu.memory_space<hbm>>) dst(%arg7 : memref<128xf32, #tpu.memory_space<vmem>>)
      tpu.yield
    }) : () -> ()
    %mul3A_14 = arith.constant 640 : i32
    %mul3A_15 = arith.muli %arg1, %mul3A_14 : i32
    %add3A_16 = arith.constant 0 : i32
    %add3A_17 = arith.addi %mul3A_15, %add3A_16 : i32
    "tpu.region"() ({
      %run_scoped3A = tpu.sem_alloc : memref<!tpu.dma_semaphore, #tpu.memory_space<semaphore_mem>>
      %dma_start3A = tpu.memref_slice %arg8[%add3A_17] : memref<10240xf32, #tpu.memory_space<vmem_shared>> -> memref<128xf32, #tpu.memory_space<vmem_shared>>
      tpu.enqueue_dma source(%arg4 : memref<128xf32, #tpu.memory_space<hbm>>) target(%dma_start3A : memref<128xf32, #tpu.memory_space<vmem_shared>>) target_semaphore(%run_scoped3A : memref<!tpu.dma_semaphore, #tpu.memory_space<semaphore_mem>>)
      %dma_wait3A = tpu.memref_slice %arg8[%add3A_17] : memref<10240xf32, #tpu.memory_space<vmem_shared>> -> memref<128xf32, #tpu.memory_space<vmem_shared>>
      tpu.wait_dma2 semaphore(%run_scoped3A : memref<!tpu.dma_semaphore, #tpu.memory_space<semaphore_mem>>) src(%arg4 : memref<128xf32, #tpu.memory_space<hbm>>) dst(%dma_wait3A : memref<128xf32, #tpu.memory_space<vmem_shared>>)
      tpu.yield
    }) : () -> ()
    %mul3A_18 = arith.constant 640 : i32
    %mul3A_19 = arith.muli %arg1, %mul3A_18 : i32
    %add3A_20 = arith.constant 128 : i32
    %add3A_21 = arith.addi %mul3A_19, %add3A_20 : i32
    "tpu.region"() ({
      %run_scoped3A = tpu.sem_alloc : memref<!tpu.dma_semaphore, #tpu.memory_space<semaphore_mem>>
      %dma_start3A = tpu.memref_slice %arg8[%add3A_21] : memref<10240xf32, #tpu.memory_space<vmem_shared>> -> memref<128xf32, #tpu.memory_space<vmem_shared>>
      tpu.enqueue_dma source(%arg4 : memref<128xf32, #tpu.memory_space<hbm>>) target(%dma_start3A : memref<128xf32, #tpu.memory_space<vmem_shared>>) target_semaphore(%run_scoped3A : memref<!tpu.dma_semaphore, #tpu.memory_space<semaphore_mem>>)
      %dma_wait3A = tpu.memref_slice %arg8[%add3A_21] : memref<10240xf32, #tpu.memory_space<vmem_shared>> -> memref<128xf32, #tpu.memory_space<vmem_shared>>
      tpu.wait_dma2 semaphore(%run_scoped3A : memref<!tpu.dma_semaphore, #tpu.memory_space<semaphore_mem>>) src(%arg4 : memref<128xf32, #tpu.memory_space<hbm>>) dst(%dma_wait3A : memref<128xf32, #tpu.memory_space<vmem_shared>>)
      tpu.yield
    }) : () -> ()
    %mul3A_22 = arith.constant 640 : i32
    %mul3A_23 = arith.muli %arg1, %mul3A_22 : i32
    %add3A_24 = arith.constant 256 : i32
    %add3A_25 = arith.addi %mul3A_23, %add3A_24 : i32
    "tpu.region"() ({
      %run_scoped3A = tpu.sem_alloc : memref<!tpu.dma_semaphore, #tpu.memory_space<semaphore_mem>>
      %dma_start3A = tpu.memref_slice %arg8[%add3A_25] : memref<10240xf32, #tpu.memory_space<vmem_shared>> -> memref<128xf32, #tpu.memory_space<vmem_shared>>
      tpu.enqueue_dma source(%arg4 : memref<128xf32, #tpu.memory_space<hbm>>) target(%dma_start3A : memref<128xf32, #tpu.memory_space<vmem_shared>>) target_semaphore(%run_scoped3A : memref<!tpu.dma_semaphore, #tpu.memory_space<semaphore_mem>>)
      %dma_wait3A = tpu.memref_slice %arg8[%add3A_25] : memref<10240xf32, #tpu.memory_space<vmem_shared>> -> memref<128xf32, #tpu.memory_space<vmem_shared>>
      tpu.wait_dma2 semaphore(%run_scoped3A : memref<!tpu.dma_semaphore, #tpu.memory_space<semaphore_mem>>) src(%arg4 : memref<128xf32, #tpu.memory_space<hbm>>) dst(%dma_wait3A : memref<128xf32, #tpu.memory_space<vmem_shared>>)
      tpu.yield
    }) : () -> ()
    %mul3A_26 = arith.constant 640 : i32
    %mul3A_27 = arith.muli %arg1, %mul3A_26 : i32
    %add3A_28 = arith.constant 384 : i32
    %add3A_29 = arith.addi %mul3A_27, %add3A_28 : i32
    "tpu.region"() ({
      %run_scoped3A = tpu.sem_alloc : memref<!tpu.dma_semaphore, #tpu.memory_space<semaphore_mem>>
      %dma_start3A = tpu.memref_slice %arg8[%add3A_29] : memref<10240xf32, #tpu.memory_space<vmem_shared>> -> memref<128xf32, #tpu.memory_space<vmem_shared>>
      tpu.enqueue_dma source(%arg4 : memref<128xf32, #tpu.memory_space<hbm>>) target(%dma_start3A : memref<128xf32, #tpu.memory_space<vmem_shared>>) target_semaphore(%run_scoped3A : memref<!tpu.dma_semaphore, #tpu.memory_space<semaphore_mem>>)
      %dma_wait3A = tpu.memref_slice %arg8[%add3A_29] : memref<10240xf32, #tpu.memory_space<vmem_shared>> -> memref<128xf32, #tpu.memory_space<vmem_shared>>
      tpu.wait_dma2 semaphore(%run_scoped3A : memref<!tpu.dma_semaphore, #tpu.memory_space<semaphore_mem>>) src(%arg4 : memref<128xf32, #tpu.memory_space<hbm>>) dst(%dma_wait3A : memref<128xf32, #tpu.memory_space<vmem_shared>>)
      tpu.yield
    }) : () -> ()
    %mul3A_30 = arith.constant 640 : i32
    %mul3A_31 = arith.muli %arg1, %mul3A_30 : i32
    %add3A_32 = arith.constant 512 : i32
    %add3A_33 = arith.addi %mul3A_31, %add3A_32 : i32
    "tpu.region"() ({
      %run_scoped3A = tpu.sem_alloc : memref<!tpu.dma_semaphore, #tpu.memory_space<semaphore_mem>>
      %dma_start3A = tpu.memref_slice %arg8[%add3A_33] : memref<10240xf32, #tpu.memory_space<vmem_shared>> -> memref<128xf32, #tpu.memory_space<vmem_shared>>
      tpu.enqueue_dma source(%arg4 : memref<128xf32, #tpu.memory_space<hbm>>) target(%dma_start3A : memref<128xf32, #tpu.memory_space<vmem_shared>>) target_semaphore(%run_scoped3A : memref<!tpu.dma_semaphore, #tpu.memory_space<semaphore_mem>>)
      %dma_wait3A = tpu.memref_slice %arg8[%add3A_33] : memref<10240xf32, #tpu.memory_space<vmem_shared>> -> memref<128xf32, #tpu.memory_space<vmem_shared>>
      tpu.wait_dma2 semaphore(%run_scoped3A : memref<!tpu.dma_semaphore, #tpu.memory_space<semaphore_mem>>) src(%arg4 : memref<128xf32, #tpu.memory_space<hbm>>) dst(%dma_wait3A : memref<128xf32, #tpu.memory_space<vmem_shared>>)
      tpu.yield
    }) : () -> ()
    %barrier3A = arith.constant 0 : index
    tpu.barrier barrier_id(%barrier3A)
    %scan3A = arith.constant 0 : i32
    %scan3A_34 = arith.constant 0 : i32
    %scan3A_35 = arith.constant 9 : i32
    %scan3A_36 = arith.addi %scan3A_34, %scan3A_35 : i32
    %scan3A_37 = arith.constant 1 : i32
    scf.for %scan3A_56 = %scan3A_34 to %scan3A_36 step %scan3A_37  : i32 {
      %mul3A_57 = arith.constant 8 : i32
      %mul3A_58 = arith.muli %scan3A_56, %mul3A_57 : i32
      %add3A_59 = arith.constant 0 : i32
      %add3A_60 = arith.addi %mul3A_58, %add3A_59 : i32
      %dma_start3A = arith.constant 0 : i32
      %dma_start3A_61 = tpu.memref_slice %arg6[%add3A_60, %dma_start3A] : memref<79x128xi32, #tpu.memory_space<vmem>> -> memref<1x128xi32, #tpu.memory_space<vmem>>
      %dma_start3A_62 = tpu.memref_squeeze %dma_start3A_61 : memref<1x128xi32, #tpu.memory_space<vmem>> -> memref<128xi32, #tpu.memory_space<vmem>>
      %dma_start3A_63 = arith.constant 0 : i32
      %dma_start3A_64 = tpu.memref_slice %arg8[%dma_start3A_63] : memref<10240xf32, #tpu.memory_space<vmem_shared>> -> memref<10240xf32, #tpu.memory_space<vmem_shared>>
      tpu.enqueue_indirect_dma source(%arg7 : memref<128xf32, #tpu.memory_space<vmem>>) target(%dma_start3A_64 : memref<10240xf32, #tpu.memory_space<vmem_shared>>) offsets(%dma_start3A_62 : memref<128xi32, #tpu.memory_space<vmem>>) semaphore(%arg9 : memref<!tpu.dma_semaphore, #tpu.memory_space<semaphore_mem>>) {add = true}
      %mul3A_65 = arith.constant 8 : i32
      %mul3A_66 = arith.muli %scan3A_56, %mul3A_65 : i32
      %add3A_67 = arith.constant 1 : i32
      %add3A_68 = arith.addi %mul3A_66, %add3A_67 : i32
      %dma_start3A_69 = arith.constant 0 : i32
      %dma_start3A_70 = tpu.memref_slice %arg6[%add3A_68, %dma_start3A_69] : memref<79x128xi32, #tpu.memory_space<vmem>> -> memref<1x128xi32, #tpu.memory_space<vmem>>
      %dma_start3A_71 = tpu.memref_squeeze %dma_start3A_70 : memref<1x128xi32, #tpu.memory_space<vmem>> -> memref<128xi32, #tpu.memory_space<vmem>>
      %dma_start3A_72 = arith.constant 0 : i32
      %dma_start3A_73 = tpu.memref_slice %arg8[%dma_start3A_72] : memref<10240xf32, #tpu.memory_space<vmem_shared>> -> memref<10240xf32, #tpu.memory_space<vmem_shared>>
      tpu.enqueue_indirect_dma source(%arg7 : memref<128xf32, #tpu.memory_space<vmem>>) target(%dma_start3A_73 : memref<10240xf32, #tpu.memory_space<vmem_shared>>) offsets(%dma_start3A_71 : memref<128xi32, #tpu.memory_space<vmem>>) semaphore(%arg9 : memref<!tpu.dma_semaphore, #tpu.memory_space<semaphore_mem>>) {add = true}
      %mul3A_74 = arith.constant 8 : i32
      %mul3A_75 = arith.muli %scan3A_56, %mul3A_74 : i32
      %add3A_76 = arith.constant 2 : i32
      %add3A_77 = arith.addi %mul3A_75, %add3A_76 : i32
      %dma_start3A_78 = arith.constant 0 : i32
      %dma_start3A_79 = tpu.memref_slice %arg6[%add3A_77, %dma_start3A_78] : memref<79x128xi32, #tpu.memory_space<vmem>> -> memref<1x128xi32, #tpu.memory_space<vmem>>
      %dma_start3A_80 = tpu.memref_squeeze %dma_start3A_79 : memref<1x128xi32, #tpu.memory_space<vmem>> -> memref<128xi32, #tpu.memory_space<vmem>>
      %dma_start3A_81 = arith.constant 0 : i32
      %dma_start3A_82 = tpu.memref_slice %arg8[%dma_start3A_81] : memref<10240xf32, #tpu.memory_space<vmem_shared>> -> memref<10240xf32, #tpu.memory_space<vmem_shared>>
      tpu.enqueue_indirect_dma source(%arg7 : memref<128xf32, #tpu.memory_space<vmem>>) target(%dma_start3A_82 : memref<10240xf32, #tpu.memory_space<vmem_shared>>) offsets(%dma_start3A_80 : memref<128xi32, #tpu.memory_space<vmem>>) semaphore(%arg9 : memref<!tpu.dma_semaphore, #tpu.memory_space<semaphore_mem>>) {add = true}
      %mul3A_83 = arith.constant 8 : i32
      %mul3A_84 = arith.muli %scan3A_56, %mul3A_83 : i32
      %add3A_85 = arith.constant 3 : i32
      %add3A_86 = arith.addi %mul3A_84, %add3A_85 : i32
      %dma_start3A_87 = arith.constant 0 : i32
      %dma_start3A_88 = tpu.memref_slice %arg6[%add3A_86, %dma_start3A_87] : memref<79x128xi32, #tpu.memory_space<vmem>> -> memref<1x128xi32, #tpu.memory_space<vmem>>
      %dma_start3A_89 = tpu.memref_squeeze %dma_start3A_88 : memref<1x128xi32, #tpu.memory_space<vmem>> -> memref<128xi32, #tpu.memory_space<vmem>>
      %dma_start3A_90 = arith.constant 0 : i32
      %dma_start3A_91 = tpu.memref_slice %arg8[%dma_start3A_90] : memref<10240xf32, #tpu.memory_space<vmem_shared>> -> memref<10240xf32, #tpu.memory_space<vmem_shared>>
      tpu.enqueue_indirect_dma source(%arg7 : memref<128xf32, #tpu.memory_space<vmem>>) target(%dma_start3A_91 : memref<10240xf32, #tpu.memory_space<vmem_shared>>) offsets(%dma_start3A_89 : memref<128xi32, #tpu.memory_space<vmem>>) semaphore(%arg9 : memref<!tpu.dma_semaphore, #tpu.memory_space<semaphore_mem>>) {add = true}
      %mul3A_92 = arith.constant 8 : i32
      %mul3A_93 = arith.muli %scan3A_56, %mul3A_92 : i32
      %add3A_94 = arith.constant 4 : i32
      %add3A_95 = arith.addi %mul3A_93, %add3A_94 : i32
      %dma_start3A_96 = arith.constant 0 : i32
      %dma_start3A_97 = tpu.memref_slice %arg6[%add3A_95, %dma_start3A_96] : memref<79x128xi32, #tpu.memory_space<vmem>> -> memref<1x128xi32, #tpu.memory_space<vmem>>
      %dma_start3A_98 = tpu.memref_squeeze %dma_start3A_97 : memref<1x128xi32, #tpu.memory_space<vmem>> -> memref<128xi32, #tpu.memory_space<vmem>>
      %dma_start3A_99 = arith.constant 0 : i32
      %dma_start3A_100 = tpu.memref_slice %arg8[%dma_start3A_99] : memref<10240xf32, #tpu.memory_space<vmem_shared>> -> memref<10240xf32, #tpu.memory_space<vmem_shared>>
      tpu.enqueue_indirect_dma source(%arg7 : memref<128xf32, #tpu.memory_space<vmem>>) target(%dma_start3A_100 : memref<10240xf32, #tpu.memory_space<vmem_shared>>) offsets(%dma_start3A_98 : memref<128xi32, #tpu.memory_space<vmem>>) semaphore(%arg9 : memref<!tpu.dma_semaphore, #tpu.memory_space<semaphore_mem>>) {add = true}
      %mul3A_101 = arith.constant 8 : i32
      %mul3A_102 = arith.muli %scan3A_56, %mul3A_101 : i32
      %add3A_103 = arith.constant 5 : i32
      %add3A_104 = arith.addi %mul3A_102, %add3A_103 : i32
      %dma_start3A_105 = arith.constant 0 : i32
      %dma_start3A_106 = tpu.memref_slice %arg6[%add3A_104, %dma_start3A_105] : memref<79x128xi32, #tpu.memory_space<vmem>> -> memref<1x128xi32, #tpu.memory_space<vmem>>
      %dma_start3A_107 = tpu.memref_squeeze %dma_start3A_106 : memref<1x128xi32, #tpu.memory_space<vmem>> -> memref<128xi32, #tpu.memory_space<vmem>>
      %dma_start3A_108 = arith.constant 0 : i32
      %dma_start3A_109 = tpu.memref_slice %arg8[%dma_start3A_108] : memref<10240xf32, #tpu.memory_space<vmem_shared>> -> memref<10240xf32, #tpu.memory_space<vmem_shared>>
      tpu.enqueue_indirect_dma source(%arg7 : memref<128xf32, #tpu.memory_space<vmem>>) target(%dma_start3A_109 : memref<10240xf32, #tpu.memory_space<vmem_shared>>) offsets(%dma_start3A_107 : memref<128xi32, #tpu.memory_space<vmem>>) semaphore(%arg9 : memref<!tpu.dma_semaphore, #tpu.memory_space<semaphore_mem>>) {add = true}
      %mul3A_110 = arith.constant 8 : i32
      %mul3A_111 = arith.muli %scan3A_56, %mul3A_110 : i32
      %add3A_112 = arith.constant 6 : i32
      %add3A_113 = arith.addi %mul3A_111, %add3A_112 : i32
      %dma_start3A_114 = arith.constant 0 : i32
      %dma_start3A_115 = tpu.memref_slice %arg6[%add3A_113, %dma_start3A_114] : memref<79x128xi32, #tpu.memory_space<vmem>> -> memref<1x128xi32, #tpu.memory_space<vmem>>
      %dma_start3A_116 = tpu.memref_squeeze %dma_start3A_115 : memref<1x128xi32, #tpu.memory_space<vmem>> -> memref<128xi32, #tpu.memory_space<vmem>>
      %dma_start3A_117 = arith.constant 0 : i32
      %dma_start3A_118 = tpu.memref_slice %arg8[%dma_start3A_117] : memref<10240xf32, #tpu.memory_space<vmem_shared>> -> memref<10240xf32, #tpu.memory_space<vmem_shared>>
      tpu.enqueue_indirect_dma source(%arg7 : memref<128xf32, #tpu.memory_space<vmem>>) target(%dma_start3A_118 : memref<10240xf32, #tpu.memory_space<vmem_shared>>) offsets(%dma_start3A_116 : memref<128xi32, #tpu.memory_space<vmem>>) semaphore(%arg9 : memref<!tpu.dma_semaphore, #tpu.memory_space<semaphore_mem>>) {add = true}
      %mul3A_119 = arith.constant 8 : i32
      %mul3A_120 = arith.muli %scan3A_56, %mul3A_119 : i32
      %add3A_121 = arith.constant 7 : i32
      %add3A_122 = arith.addi %mul3A_120, %add3A_121 : i32
      %dma_start3A_123 = arith.constant 0 : i32
      %dma_start3A_124 = tpu.memref_slice %arg6[%add3A_122, %dma_start3A_123] : memref<79x128xi32, #tpu.memory_space<vmem>> -> memref<1x128xi32, #tpu.memory_space<vmem>>
      %dma_start3A_125 = tpu.memref_squeeze %dma_start3A_124 : memref<1x128xi32, #tpu.memory_space<vmem>> -> memref<128xi32, #tpu.memory_space<vmem>>
      %dma_start3A_126 = arith.constant 0 : i32
      %dma_start3A_127 = tpu.memref_slice %arg8[%dma_start3A_126] : memref<10240xf32, #tpu.memory_space<vmem_shared>> -> memref<10240xf32, #tpu.memory_space<vmem_shared>>
      tpu.enqueue_indirect_dma source(%arg7 : memref<128xf32, #tpu.memory_space<vmem>>) target(%dma_start3A_127 : memref<10240xf32, #tpu.memory_space<vmem_shared>>) offsets(%dma_start3A_125 : memref<128xi32, #tpu.memory_space<vmem>>) semaphore(%arg9 : memref<!tpu.dma_semaphore, #tpu.memory_space<semaphore_mem>>) {add = true}
      %mul3A_128 = arith.constant 8 : i32
      %mul3A_129 = arith.muli %scan3A_56, %mul3A_128 : i32
      %add3A_130 = arith.constant 0 : i32
      %add3A_131 = arith.addi %mul3A_129, %add3A_130 : i32
      %dma_wait3A = arith.constant 0 : i32
      %dma_wait3A_132 = tpu.memref_slice %arg6[%add3A_131, %dma_wait3A] : memref<79x128xi32, #tpu.memory_space<vmem>> -> memref<1x128xi32, #tpu.memory_space<vmem>>
      %dma_wait3A_133 = tpu.memref_squeeze %dma_wait3A_132 : memref<1x128xi32, #tpu.memory_space<vmem>> -> memref<128xi32, #tpu.memory_space<vmem>>
      %dma_wait3A_134 = arith.constant 0 : i32
      %dma_wait3A_135 = tpu.memref_slice %arg8[%dma_wait3A_134] : memref<10240xf32, #tpu.memory_space<vmem_shared>> -> memref<10240xf32, #tpu.memory_space<vmem_shared>>
      tpu.wait_indirect_dma semaphore(%arg9 : memref<!tpu.dma_semaphore, #tpu.memory_space<semaphore_mem>>) src(%arg7 : memref<128xf32, #tpu.memory_space<vmem>>) dst(%dma_wait3A_135 : memref<10240xf32, #tpu.memory_space<vmem_shared>>)
      %mul3A_136 = arith.constant 8 : i32
      %mul3A_137 = arith.muli %scan3A_56, %mul3A_136 : i32
      %add3A_138 = arith.constant 1 : i32
      %add3A_139 = arith.addi %mul3A_137, %add3A_138 : i32
      %dma_wait3A_140 = arith.constant 0 : i32
      %dma_wait3A_141 = tpu.memref_slice %arg6[%add3A_139, %dma_wait3A_140] : memref<79x128xi32, #tpu.memory_space<vmem>> -> memref<1x128xi32, #tpu.memory_space<vmem>>
      %dma_wait3A_142 = tpu.memref_squeeze %dma_wait3A_141 : memref<1x128xi32, #tpu.memory_space<vmem>> -> memref<128xi32, #tpu.memory_space<vmem>>
      %dma_wait3A_143 = arith.constant 0 : i32
      %dma_wait3A_144 = tpu.memref_slice %arg8[%dma_wait3A_143] : memref<10240xf32, #tpu.memory_space<vmem_shared>> -> memref<10240xf32, #tpu.memory_space<vmem_shared>>
      tpu.wait_indirect_dma semaphore(%arg9 : memref<!tpu.dma_semaphore, #tpu.memory_space<semaphore_mem>>) src(%arg7 : memref<128xf32, #tpu.memory_space<vmem>>) dst(%dma_wait3A_144 : memref<10240xf32, #tpu.memory_space<vmem_shared>>)
      %mul3A_145 = arith.constant 8 : i32
      %mul3A_146 = arith.muli %scan3A_56, %mul3A_145 : i32
      %add3A_147 = arith.constant 2 : i32
      %add3A_148 = arith.addi %mul3A_146, %add3A_147 : i32
      %dma_wait3A_149 = arith.constant 0 : i32
      %dma_wait3A_150 = tpu.memref_slice %arg6[%add3A_148, %dma_wait3A_149] : memref<79x128xi32, #tpu.memory_space<vmem>> -> memref<1x128xi32, #tpu.memory_space<vmem>>
      %dma_wait3A_151 = tpu.memref_squeeze %dma_wait3A_150 : memref<1x128xi32, #tpu.memory_space<vmem>> -> memref<128xi32, #tpu.memory_space<vmem>>
      %dma_wait3A_152 = arith.constant 0 : i32
      %dma_wait3A_153 = tpu.memref_slice %arg8[%dma_wait3A_152] : memref<10240xf32, #tpu.memory_space<vmem_shared>> -> memref<10240xf32, #tpu.memory_space<vmem_shared>>
      tpu.wait_indirect_dma semaphore(%arg9 : memref<!tpu.dma_semaphore, #tpu.memory_space<semaphore_mem>>) src(%arg7 : memref<128xf32, #tpu.memory_space<vmem>>) dst(%dma_wait3A_153 : memref<10240xf32, #tpu.memory_space<vmem_shared>>)
      %mul3A_154 = arith.constant 8 : i32
      %mul3A_155 = arith.muli %scan3A_56, %mul3A_154 : i32
      %add3A_156 = arith.constant 3 : i32
      %add3A_157 = arith.addi %mul3A_155, %add3A_156 : i32
      %dma_wait3A_158 = arith.constant 0 : i32
      %dma_wait3A_159 = tpu.memref_slice %arg6[%add3A_157, %dma_wait3A_158] : memref<79x128xi32, #tpu.memory_space<vmem>> -> memref<1x128xi32, #tpu.memory_space<vmem>>
      %dma_wait3A_160 = tpu.memref_squeeze %dma_wait3A_159 : memref<1x128xi32, #tpu.memory_space<vmem>> -> memref<128xi32, #tpu.memory_space<vmem>>
      %dma_wait3A_161 = arith.constant 0 : i32
      %dma_wait3A_162 = tpu.memref_slice %arg8[%dma_wait3A_161] : memref<10240xf32, #tpu.memory_space<vmem_shared>> -> memref<10240xf32, #tpu.memory_space<vmem_shared>>
      tpu.wait_indirect_dma semaphore(%arg9 : memref<!tpu.dma_semaphore, #tpu.memory_space<semaphore_mem>>) src(%arg7 : memref<128xf32, #tpu.memory_space<vmem>>) dst(%dma_wait3A_162 : memref<10240xf32, #tpu.memory_space<vmem_shared>>)
      %mul3A_163 = arith.constant 8 : i32
      %mul3A_164 = arith.muli %scan3A_56, %mul3A_163 : i32
      %add3A_165 = arith.constant 4 : i32
      %add3A_166 = arith.addi %mul3A_164, %add3A_165 : i32
      %dma_wait3A_167 = arith.constant 0 : i32
      %dma_wait3A_168 = tpu.memref_slice %arg6[%add3A_166, %dma_wait3A_167] : memref<79x128xi32, #tpu.memory_space<vmem>> -> memref<1x128xi32, #tpu.memory_space<vmem>>
      %dma_wait3A_169 = tpu.memref_squeeze %dma_wait3A_168 : memref<1x128xi32, #tpu.memory_space<vmem>> -> memref<128xi32, #tpu.memory_space<vmem>>
      %dma_wait3A_170 = arith.constant 0 : i32
      %dma_wait3A_171 = tpu.memref_slice %arg8[%dma_wait3A_170] : memref<10240xf32, #tpu.memory_space<vmem_shared>> -> memref<10240xf32, #tpu.memory_space<vmem_shared>>
      tpu.wait_indirect_dma semaphore(%arg9 : memref<!tpu.dma_semaphore, #tpu.memory_space<semaphore_mem>>) src(%arg7 : memref<128xf32, #tpu.memory_space<vmem>>) dst(%dma_wait3A_171 : memref<10240xf32, #tpu.memory_space<vmem_shared>>)
      %mul3A_172 = arith.constant 8 : i32
      %mul3A_173 = arith.muli %scan3A_56, %mul3A_172 : i32
      %add3A_174 = arith.constant 5 : i32
      %add3A_175 = arith.addi %mul3A_173, %add3A_174 : i32
      %dma_wait3A_176 = arith.constant 0 : i32
      %dma_wait3A_177 = tpu.memref_slice %arg6[%add3A_175, %dma_wait3A_176] : memref<79x128xi32, #tpu.memory_space<vmem>> -> memref<1x128xi32, #tpu.memory_space<vmem>>
      %dma_wait3A_178 = tpu.memref_squeeze %dma_wait3A_177 : memref<1x128xi32, #tpu.memory_space<vmem>> -> memref<128xi32, #tpu.memory_space<vmem>>
      %dma_wait3A_179 = arith.constant 0 : i32
      %dma_wait3A_180 = tpu.memref_slice %arg8[%dma_wait3A_179] : memref<10240xf32, #tpu.memory_space<vmem_shared>> -> memref<10240xf32, #tpu.memory_space<vmem_shared>>
      tpu.wait_indirect_dma semaphore(%arg9 : memref<!tpu.dma_semaphore, #tpu.memory_space<semaphore_mem>>) src(%arg7 : memref<128xf32, #tpu.memory_space<vmem>>) dst(%dma_wait3A_180 : memref<10240xf32, #tpu.memory_space<vmem_shared>>)
      %mul3A_181 = arith.constant 8 : i32
      %mul3A_182 = arith.muli %scan3A_56, %mul3A_181 : i32
      %add3A_183 = arith.constant 6 : i32
      %add3A_184 = arith.addi %mul3A_182, %add3A_183 : i32
      %dma_wait3A_185 = arith.constant 0 : i32
      %dma_wait3A_186 = tpu.memref_slice %arg6[%add3A_184, %dma_wait3A_185] : memref<79x128xi32, #tpu.memory_space<vmem>> -> memref<1x128xi32, #tpu.memory_space<vmem>>
      %dma_wait3A_187 = tpu.memref_squeeze %dma_wait3A_186 : memref<1x128xi32, #tpu.memory_space<vmem>> -> memref<128xi32, #tpu.memory_space<vmem>>
      %dma_wait3A_188 = arith.constant 0 : i32
      %dma_wait3A_189 = tpu.memref_slice %arg8[%dma_wait3A_188] : memref<10240xf32, #tpu.memory_space<vmem_shared>> -> memref<10240xf32, #tpu.memory_space<vmem_shared>>
      tpu.wait_indirect_dma semaphore(%arg9 : memref<!tpu.dma_semaphore, #tpu.memory_space<semaphore_mem>>) src(%arg7 : memref<128xf32, #tpu.memory_space<vmem>>) dst(%dma_wait3A_189 : memref<10240xf32, #tpu.memory_space<vmem_shared>>)
      %mul3A_190 = arith.constant 8 : i32
      %mul3A_191 = arith.muli %scan3A_56, %mul3A_190 : i32
      %add3A_192 = arith.constant 7 : i32
      %add3A_193 = arith.addi %mul3A_191, %add3A_192 : i32
      %dma_wait3A_194 = arith.constant 0 : i32
      %dma_wait3A_195 = tpu.memref_slice %arg6[%add3A_193, %dma_wait3A_194] : memref<79x128xi32, #tpu.memory_space<vmem>> -> memref<1x128xi32, #tpu.memory_space<vmem>>
      %dma_wait3A_196 = tpu.memref_squeeze %dma_wait3A_195 : memref<1x128xi32, #tpu.memory_space<vmem>> -> memref<128xi32, #tpu.memory_space<vmem>>
      %dma_wait3A_197 = arith.constant 0 : i32
      %dma_wait3A_198 = tpu.memref_slice %arg8[%dma_wait3A_197] : memref<10240xf32, #tpu.memory_space<vmem_shared>> -> memref<10240xf32, #tpu.memory_space<vmem_shared>>
      tpu.wait_indirect_dma semaphore(%arg9 : memref<!tpu.dma_semaphore, #tpu.memory_space<semaphore_mem>>) src(%arg7 : memref<128xf32, #tpu.memory_space<vmem>>) dst(%dma_wait3A_198 : memref<10240xf32, #tpu.memory_space<vmem_shared>>)
    }
    %scan3A_38 = arith.constant 9 : i32
    %while3A = arith.constant 0 : i32
    %while3A_39 = arith.constant 72 : i32
    %while3A_40 = arith.subi %add3A_4, %while3A_39 : i32
    %while3A_41 = arith.addi %while3A_39, %while3A_40 : i32
    %while3A_42 = arith.constant 1 : i32
    %while3A_43 = arith.divsi %while3A_40, %while3A_42 : i32
    %while3A_44 = arith.muli %while3A_43, %while3A_42 : i32
    %while3A_45 = arith.addi %while3A_39, %while3A_44 : i32
    %while3A_46 = arith.constant 1 : i32
    scf.for %while3A_56 = %while3A_39 to %while3A_45 step %while3A_46  : i32 {
      "tpu.region"() ({
        %run_scoped3A = tpu.sem_alloc : memref<!tpu.dma_semaphore, #tpu.memory_space<semaphore_mem>>
        %dma_start3A = arith.constant 0 : i32
        %dma_start3A_57 = tpu.memref_slice %arg6[%while3A_56, %dma_start3A] : memref<79x128xi32, #tpu.memory_space<vmem>> -> memref<1x128xi32, #tpu.memory_space<vmem>>
        %dma_start3A_58 = tpu.memref_squeeze %dma_start3A_57 : memref<1x128xi32, #tpu.memory_space<vmem>> -> memref<128xi32, #tpu.memory_space<vmem>>
        %dma_start3A_59 = arith.constant 0 : i32
        %dma_start3A_60 = tpu.memref_slice %arg8[%dma_start3A_59] : memref<10240xf32, #tpu.memory_space<vmem_shared>> -> memref<10240xf32, #tpu.memory_space<vmem_shared>>
        tpu.enqueue_indirect_dma source(%arg7 : memref<128xf32, #tpu.memory_space<vmem>>) target(%dma_start3A_60 : memref<10240xf32, #tpu.memory_space<vmem_shared>>) offsets(%dma_start3A_58 : memref<128xi32, #tpu.memory_space<vmem>>) semaphore(%run_scoped3A : memref<!tpu.dma_semaphore, #tpu.memory_space<semaphore_mem>>) {add = true}
        %dma_wait3A = arith.constant 0 : i32
        %dma_wait3A_61 = tpu.memref_slice %arg6[%while3A_56, %dma_wait3A] : memref<79x128xi32, #tpu.memory_space<vmem>> -> memref<1x128xi32, #tpu.memory_space<vmem>>
        %dma_wait3A_62 = tpu.memref_squeeze %dma_wait3A_61 : memref<1x128xi32, #tpu.memory_space<vmem>> -> memref<128xi32, #tpu.memory_space<vmem>>
        %dma_wait3A_63 = arith.constant 0 : i32
        %dma_wait3A_64 = tpu.memref_slice %arg8[%dma_wait3A_63] : memref<10240xf32, #tpu.memory_space<vmem_shared>> -> memref<10240xf32, #tpu.memory_space<vmem_shared>>
        tpu.wait_indirect_dma semaphore(%run_scoped3A : memref<!tpu.dma_semaphore, #tpu.memory_space<semaphore_mem>>) src(%arg7 : memref<128xf32, #tpu.memory_space<vmem>>) dst(%dma_wait3A_64 : memref<10240xf32, #tpu.memory_space<vmem_shared>>)
        tpu.yield
      }) : () -> ()
    }
    %while3A_47 = arith.constant 1 : i32
    scf.for %while3A_56 = %while3A_45 to %while3A_41 step %while3A_47  : i32 {
      "tpu.region"() ({
        %run_scoped3A = tpu.sem_alloc : memref<!tpu.dma_semaphore, #tpu.memory_space<semaphore_mem>>
        %dma_start3A = arith.constant 0 : i32
        %dma_start3A_57 = tpu.memref_slice %arg6[%while3A_56, %dma_start3A] : memref<79x128xi32, #tpu.memory_space<vmem>> -> memref<1x128xi32, #tpu.memory_space<vmem>>
        %dma_start3A_58 = tpu.memref_squeeze %dma_start3A_57 : memref<1x128xi32, #tpu.memory_space<vmem>> -> memref<128xi32, #tpu.memory_space<vmem>>
        %dma_start3A_59 = arith.constant 0 : i32
        %dma_start3A_60 = tpu.memref_slice %arg8[%dma_start3A_59] : memref<10240xf32, #tpu.memory_space<vmem_shared>> -> memref<10240xf32, #tpu.memory_space<vmem_shared>>
        tpu.enqueue_indirect_dma source(%arg7 : memref<128xf32, #tpu.memory_space<vmem>>) target(%dma_start3A_60 : memref<10240xf32, #tpu.memory_space<vmem_shared>>) offsets(%dma_start3A_58 : memref<128xi32, #tpu.memory_space<vmem>>) semaphore(%run_scoped3A : memref<!tpu.dma_semaphore, #tpu.memory_space<semaphore_mem>>) {add = true}
        %dma_wait3A = arith.constant 0 : i32
        %dma_wait3A_61 = tpu.memref_slice %arg6[%while3A_56, %dma_wait3A] : memref<79x128xi32, #tpu.memory_space<vmem>> -> memref<1x128xi32, #tpu.memory_space<vmem>>
        %dma_wait3A_62 = tpu.memref_squeeze %dma_wait3A_61 : memref<1x128xi32, #tpu.memory_space<vmem>> -> memref<128xi32, #tpu.memory_space<vmem>>
        %dma_wait3A_63 = arith.constant 0 : i32
        %dma_wait3A_64 = tpu.memref_slice %arg8[%dma_wait3A_63] : memref<10240xf32, #tpu.memory_space<vmem_shared>> -> memref<10240xf32, #tpu.memory_space<vmem_shared>>
        tpu.wait_indirect_dma semaphore(%run_scoped3A : memref<!tpu.dma_semaphore, #tpu.memory_space<semaphore_mem>>) src(%arg7 : memref<128xf32, #tpu.memory_space<vmem>>) dst(%dma_wait3A_64 : memref<10240xf32, #tpu.memory_space<vmem_shared>>)
        tpu.yield
      }) : () -> ()
    }
    %barrier3A_48 = arith.constant 0 : index
    tpu.barrier barrier_id(%barrier3A_48)
    %mul3A_49 = arith.constant 640 : i32
    %mul3A_50 = arith.muli %arg1, %mul3A_49 : i32
    %mul3A_51 = arith.constant 10240 : i32
    %mul3A_52 = arith.muli %arg0, %mul3A_51 : i32
    %mul3A_53 = arith.constant 640 : i32
    %mul3A_54 = arith.muli %arg1, %mul3A_53 : i32
    %add3A_55 = arith.addi %mul3A_52, %mul3A_54 : i32
    "tpu.region"() ({
      %run_scoped3A = tpu.sem_alloc : memref<!tpu.dma_semaphore, #tpu.memory_space<semaphore_mem>>
      %dma_start3A = tpu.memref_slice %arg5[%add3A_55] : memref<20480xf32, #tpu.memory_space<hbm>> -> memref<640xf32, #tpu.memory_space<hbm>>
      %dma_start3A_56 = tpu.memref_slice %arg8[%mul3A_50] : memref<10240xf32, #tpu.memory_space<vmem_shared>> -> memref<640xf32, #tpu.memory_space<vmem_shared>>
      tpu.enqueue_dma source(%dma_start3A_56 : memref<640xf32, #tpu.memory_space<vmem_shared>>) target(%dma_start3A : memref<640xf32, #tpu.memory_space<hbm>>) target_semaphore(%run_scoped3A : memref<!tpu.dma_semaphore, #tpu.memory_space<semaphore_mem>>)
      %dma_wait3A = tpu.memref_slice %arg5[%add3A_55] : memref<20480xf32, #tpu.memory_space<hbm>> -> memref<640xf32, #tpu.memory_space<hbm>>
      %dma_wait3A_57 = tpu.memref_slice %arg8[%mul3A_50] : memref<10240xf32, #tpu.memory_space<vmem_shared>> -> memref<640xf32, #tpu.memory_space<vmem_shared>>
      tpu.wait_dma2 semaphore(%run_scoped3A : memref<!tpu.dma_semaphore, #tpu.memory_space<semaphore_mem>>) src(%dma_wait3A_57 : memref<640xf32, #tpu.memory_space<vmem_shared>>) dst(%dma_wait3A : memref<640xf32, #tpu.memory_space<hbm>>)
      tpu.yield
    }) : () -> ()
    return
  }
}

#map = affine_map<(d0, d1) -> (0, 0)>
#map1 = affine_map<(d0, d1) -> (0)>
module attributes {stable_mosaic.version = 14 : i64} {
  func.func @_scat_body(%arg0: i32, %arg1: i32, %arg2: memref<5000x128xi32, #tpu.memory_space<hbm>>, %arg3: memref<10240x32xf32, #tpu.memory_space<hbm>>, %arg4: memref<10240x32xf32, #tpu.memory_space<hbm>>, %arg5: memref<128x32xf32, #tpu.memory_space<hbm>>, %arg6: memref<20480xf32, #tpu.memory_space<hbm>>, %arg7: memref<10000x64xf32, #tpu.memory_space<hbm>>, %arg8: memref<157x128xi32, #tpu.memory_space<vmem>>, %arg9: memref<157x128xi32, #tpu.memory_space<vmem>>, %arg10: memref<8x128x32xf32, #tpu.memory_space<vmem>>, %arg11: memref<10240x32xf32, #tpu.memory_space<vmem_shared>>, %arg12: memref<10240x32xf32, #tpu.memory_space<vmem_shared>>, %arg13: memref<8x!tpu.dma_semaphore, #tpu.memory_space<semaphore_mem>>, %arg14: memref<640xf32, #tpu.memory_space<vmem>>, %arg15: memref<640xf32, #tpu.memory_space<vmem>>, %arg16: memref<160x32xf32, #tpu.memory_space<vmem>>, %arg17: memref<160x32xf32, #tpu.memory_space<vmem>>) attributes {dimension_semantics = [#tpu.dimension_semantics<core_parallel>, #tpu.dimension_semantics<subcore_parallel>], iteration_bounds = array<i64: 2, 16>, scalar_prefetch = 0 : i64, scratch_operands = 10 : i64, tpu.core_type = #tpu.core_type<sc_vector_subcore>, window_params = [{transform_indices = #map}, {transform_indices = #map}, {transform_indices = #map}, {transform_indices = #map}, {transform_indices = #map1}, {transform_indices = #map}]} {
    %lt3A = arith.constant 4 : i32
    %lt3A_0 = arith.cmpi slt, %arg1, %lt3A : i32
    %jit3A = arith.constant 1 : i32
    %jit3A_1 = arith.constant 0 : i32
    %select_n3A = arith.select %lt3A_0, %jit3A, %jit3A_1 : i32
    %add3A = arith.constant 156 : i32
    %add3A_2 = arith.addi %add3A, %select_n3A : i32
    %mul3A = arith.constant 156 : i32
    %mul3A_3 = arith.muli %arg1, %mul3A : i32
    %min3A = arith.constant 4 : i32
    %min3A_4 = arith.minsi %arg1, %min3A : i32
    %add3A_5 = arith.addi %mul3A_3, %min3A_4 : i32
    "tpu.region"() ({
      %run_scoped3A = tpu.sem_alloc : memref<!tpu.dma_semaphore, #tpu.memory_space<semaphore_mem>>
      %dma_start3A_322 = arith.constant 0 : i32
      %dma_start3A_323 = arith.constant 0 : i32
      %dma_start3A_324 = tpu.memref_slice %arg8[%dma_start3A_322, %dma_start3A_323] : memref<157x128xi32, #tpu.memory_space<vmem>> -> memref<156x128xi32, #tpu.memory_space<vmem>>
      %dma_start3A_325 = arith.constant 0 : i32
      %dma_start3A_326 = tpu.memref_slice %arg2[%add3A_5, %dma_start3A_325] : memref<5000x128xi32, #tpu.memory_space<hbm>> -> memref<156x128xi32, #tpu.memory_space<hbm>>
      %dma_start3A_327 = arith.constant 0 : i32
      %dma_start3A_328 = arith.constant 0 : i32
      %dma_start3A_329 = tpu.memref_slice %arg8[%dma_start3A_327, %dma_start3A_328] : memref<157x128xi32, #tpu.memory_space<vmem>> -> memref<156x128xi32, #tpu.memory_space<vmem>>
      %dma_start3A_330 = arith.constant 0 : i32
      %dma_start3A_331 = tpu.memref_slice %arg2[%add3A_5, %dma_start3A_330] : memref<5000x128xi32, #tpu.memory_space<hbm>> -> memref<156x128xi32, #tpu.memory_space<hbm>>
      tpu.enqueue_dma source(%dma_start3A_331 : memref<156x128xi32, #tpu.memory_space<hbm>>) target(%dma_start3A_329 : memref<156x128xi32, #tpu.memory_space<vmem>>) target_semaphore(%run_scoped3A : memref<!tpu.dma_semaphore, #tpu.memory_space<semaphore_mem>>)
      %dma_wait3A = arith.constant 0 : i32
      %dma_wait3A_332 = arith.constant 0 : i32
      %dma_wait3A_333 = tpu.memref_slice %arg8[%dma_wait3A, %dma_wait3A_332] : memref<157x128xi32, #tpu.memory_space<vmem>> -> memref<156x128xi32, #tpu.memory_space<vmem>>
      %dma_wait3A_334 = arith.constant 0 : i32
      %dma_wait3A_335 = tpu.memref_slice %arg2[%add3A_5, %dma_wait3A_334] : memref<5000x128xi32, #tpu.memory_space<hbm>> -> memref<156x128xi32, #tpu.memory_space<hbm>>
      %dma_wait3A_336 = arith.constant 0 : i32
      %dma_wait3A_337 = arith.constant 0 : i32
      %dma_wait3A_338 = tpu.memref_slice %arg8[%dma_wait3A_336, %dma_wait3A_337] : memref<157x128xi32, #tpu.memory_space<vmem>> -> memref<156x128xi32, #tpu.memory_space<vmem>>
      %dma_wait3A_339 = arith.constant 0 : i32
      %dma_wait3A_340 = tpu.memref_slice %arg2[%add3A_5, %dma_wait3A_339] : memref<5000x128xi32, #tpu.memory_space<hbm>> -> memref<156x128xi32, #tpu.memory_space<hbm>>
      tpu.wait_dma2 semaphore(%run_scoped3A : memref<!tpu.dma_semaphore, #tpu.memory_space<semaphore_mem>>) src(%dma_wait3A_340 : memref<156x128xi32, #tpu.memory_space<hbm>>) dst(%dma_wait3A_338 : memref<156x128xi32, #tpu.memory_space<vmem>>)
      tpu.yield
    }) : () -> ()
    %add3A_6 = arith.constant 2500 : i32
    %add3A_7 = arith.addi %add3A_6, %add3A_5 : i32
    "tpu.region"() ({
      %run_scoped3A = tpu.sem_alloc : memref<!tpu.dma_semaphore, #tpu.memory_space<semaphore_mem>>
      %dma_start3A_322 = arith.constant 0 : i32
      %dma_start3A_323 = arith.constant 0 : i32
      %dma_start3A_324 = tpu.memref_slice %arg9[%dma_start3A_322, %dma_start3A_323] : memref<157x128xi32, #tpu.memory_space<vmem>> -> memref<156x128xi32, #tpu.memory_space<vmem>>
      %dma_start3A_325 = arith.constant 0 : i32
      %dma_start3A_326 = tpu.memref_slice %arg2[%add3A_7, %dma_start3A_325] : memref<5000x128xi32, #tpu.memory_space<hbm>> -> memref<156x128xi32, #tpu.memory_space<hbm>>
      %dma_start3A_327 = arith.constant 0 : i32
      %dma_start3A_328 = arith.constant 0 : i32
      %dma_start3A_329 = tpu.memref_slice %arg9[%dma_start3A_327, %dma_start3A_328] : memref<157x128xi32, #tpu.memory_space<vmem>> -> memref<156x128xi32, #tpu.memory_space<vmem>>
      %dma_start3A_330 = arith.constant 0 : i32
      %dma_start3A_331 = tpu.memref_slice %arg2[%add3A_7, %dma_start3A_330] : memref<5000x128xi32, #tpu.memory_space<hbm>> -> memref<156x128xi32, #tpu.memory_space<hbm>>
      tpu.enqueue_dma source(%dma_start3A_331 : memref<156x128xi32, #tpu.memory_space<hbm>>) target(%dma_start3A_329 : memref<156x128xi32, #tpu.memory_space<vmem>>) target_semaphore(%run_scoped3A : memref<!tpu.dma_semaphore, #tpu.memory_space<semaphore_mem>>)
      %dma_wait3A = arith.constant 0 : i32
      %dma_wait3A_332 = arith.constant 0 : i32
      %dma_wait3A_333 = tpu.memref_slice %arg9[%dma_wait3A, %dma_wait3A_332] : memref<157x128xi32, #tpu.memory_space<vmem>> -> memref<156x128xi32, #tpu.memory_space<vmem>>
      %dma_wait3A_334 = arith.constant 0 : i32
      %dma_wait3A_335 = tpu.memref_slice %arg2[%add3A_7, %dma_wait3A_334] : memref<5000x128xi32, #tpu.memory_space<hbm>> -> memref<156x128xi32, #tpu.memory_space<hbm>>
      %dma_wait3A_336 = arith.constant 0 : i32
      %dma_wait3A_337 = arith.constant 0 : i32
      %dma_wait3A_338 = tpu.memref_slice %arg9[%dma_wait3A_336, %dma_wait3A_337] : memref<157x128xi32, #tpu.memory_space<vmem>> -> memref<156x128xi32, #tpu.memory_space<vmem>>
      %dma_wait3A_339 = arith.constant 0 : i32
      %dma_wait3A_340 = tpu.memref_slice %arg2[%add3A_7, %dma_wait3A_339] : memref<5000x128xi32, #tpu.memory_space<hbm>> -> memref<156x128xi32, #tpu.memory_space<hbm>>
      tpu.wait_dma2 semaphore(%run_scoped3A : memref<!tpu.dma_semaphore, #tpu.memory_space<semaphore_mem>>) src(%dma_wait3A_340 : memref<156x128xi32, #tpu.memory_space<hbm>>) dst(%dma_wait3A_338 : memref<156x128xi32, #tpu.memory_space<vmem>>)
      tpu.yield
    }) : () -> ()
    %lt3A_8 = arith.constant 4 : i32
    %lt3A_9 = arith.cmpi slt, %arg1, %lt3A_8 : i32
    %convert_element_type3A = arith.extui %lt3A_9 : i1 to i32
    %cond3A = arith.constant 0 : i32
    %cond3A_10 = arith.cmpi ne, %convert_element_type3A, %cond3A : i32
    scf.if %cond3A_10 {
      %add3A_322 = arith.constant 156 : i32
      %add3A_323 = arith.addi %add3A_5, %add3A_322 : i32
      "tpu.region"() ({
        %run_scoped3A = tpu.sem_alloc : memref<!tpu.dma_semaphore, #tpu.memory_space<semaphore_mem>>
        %dma_start3A_328 = arith.constant 156 : i32
        %dma_start3A_329 = arith.constant 0 : i32
        %dma_start3A_330 = tpu.memref_slice %arg8[%dma_start3A_328, %dma_start3A_329] : memref<157x128xi32, #tpu.memory_space<vmem>> -> memref<1x128xi32, #tpu.memory_space<vmem>>
        %dma_start3A_331 = arith.constant 0 : i32
        %dma_start3A_332 = tpu.memref_slice %arg2[%add3A_323, %dma_start3A_331] : memref<5000x128xi32, #tpu.memory_space<hbm>> -> memref<1x128xi32, #tpu.memory_space<hbm>>
        %dma_start3A_333 = arith.constant 156 : i32
        %dma_start3A_334 = arith.constant 0 : i32
        %dma_start3A_335 = tpu.memref_slice %arg8[%dma_start3A_333, %dma_start3A_334] : memref<157x128xi32, #tpu.memory_space<vmem>> -> memref<1x128xi32, #tpu.memory_space<vmem>>
        %dma_start3A_336 = arith.constant 0 : i32
        %dma_start3A_337 = tpu.memref_slice %arg2[%add3A_323, %dma_start3A_336] : memref<5000x128xi32, #tpu.memory_space<hbm>> -> memref<1x128xi32, #tpu.memory_space<hbm>>
        tpu.enqueue_dma source(%dma_start3A_337 : memref<1x128xi32, #tpu.memory_space<hbm>>) target(%dma_start3A_335 : memref<1x128xi32, #tpu.memory_space<vmem>>) target_semaphore(%run_scoped3A : memref<!tpu.dma_semaphore, #tpu.memory_space<semaphore_mem>>)
        %dma_wait3A = arith.constant 156 : i32
        %dma_wait3A_338 = arith.constant 0 : i32
        %dma_wait3A_339 = tpu.memref_slice %arg8[%dma_wait3A, %dma_wait3A_338] : memref<157x128xi32, #tpu.memory_space<vmem>> -> memref<1x128xi32, #tpu.memory_space<vmem>>
        %dma_wait3A_340 = arith.constant 0 : i32
        %dma_wait3A_341 = tpu.memref_slice %arg2[%add3A_323, %dma_wait3A_340] : memref<5000x128xi32, #tpu.memory_space<hbm>> -> memref<1x128xi32, #tpu.memory_space<hbm>>
        %dma_wait3A_342 = arith.constant 156 : i32
        %dma_wait3A_343 = arith.constant 0 : i32
        %dma_wait3A_344 = tpu.memref_slice %arg8[%dma_wait3A_342, %dma_wait3A_343] : memref<157x128xi32, #tpu.memory_space<vmem>> -> memref<1x128xi32, #tpu.memory_space<vmem>>
        %dma_wait3A_345 = arith.constant 0 : i32
        %dma_wait3A_346 = tpu.memref_slice %arg2[%add3A_323, %dma_wait3A_345] : memref<5000x128xi32, #tpu.memory_space<hbm>> -> memref<1x128xi32, #tpu.memory_space<hbm>>
        tpu.wait_dma2 semaphore(%run_scoped3A : memref<!tpu.dma_semaphore, #tpu.memory_space<semaphore_mem>>) src(%dma_wait3A_346 : memref<1x128xi32, #tpu.memory_space<hbm>>) dst(%dma_wait3A_344 : memref<1x128xi32, #tpu.memory_space<vmem>>)
        tpu.yield
      }) : () -> ()
      %add3A_324 = arith.constant 2500 : i32
      %add3A_325 = arith.addi %add3A_324, %add3A_5 : i32
      %add3A_326 = arith.constant 156 : i32
      %add3A_327 = arith.addi %add3A_325, %add3A_326 : i32
      "tpu.region"() ({
        %run_scoped3A = tpu.sem_alloc : memref<!tpu.dma_semaphore, #tpu.memory_space<semaphore_mem>>
        %dma_start3A_328 = arith.constant 156 : i32
        %dma_start3A_329 = arith.constant 0 : i32
        %dma_start3A_330 = tpu.memref_slice %arg9[%dma_start3A_328, %dma_start3A_329] : memref<157x128xi32, #tpu.memory_space<vmem>> -> memref<1x128xi32, #tpu.memory_space<vmem>>
        %dma_start3A_331 = arith.constant 0 : i32
        %dma_start3A_332 = tpu.memref_slice %arg2[%add3A_327, %dma_start3A_331] : memref<5000x128xi32, #tpu.memory_space<hbm>> -> memref<1x128xi32, #tpu.memory_space<hbm>>
        %dma_start3A_333 = arith.constant 156 : i32
        %dma_start3A_334 = arith.constant 0 : i32
        %dma_start3A_335 = tpu.memref_slice %arg9[%dma_start3A_333, %dma_start3A_334] : memref<157x128xi32, #tpu.memory_space<vmem>> -> memref<1x128xi32, #tpu.memory_space<vmem>>
        %dma_start3A_336 = arith.constant 0 : i32
        %dma_start3A_337 = tpu.memref_slice %arg2[%add3A_327, %dma_start3A_336] : memref<5000x128xi32, #tpu.memory_space<hbm>> -> memref<1x128xi32, #tpu.memory_space<hbm>>
        tpu.enqueue_dma source(%dma_start3A_337 : memref<1x128xi32, #tpu.memory_space<hbm>>) target(%dma_start3A_335 : memref<1x128xi32, #tpu.memory_space<vmem>>) target_semaphore(%run_scoped3A : memref<!tpu.dma_semaphore, #tpu.memory_space<semaphore_mem>>)
        %dma_wait3A = arith.constant 156 : i32
        %dma_wait3A_338 = arith.constant 0 : i32
        %dma_wait3A_339 = tpu.memref_slice %arg9[%dma_wait3A, %dma_wait3A_338] : memref<157x128xi32, #tpu.memory_space<vmem>> -> memref<1x128xi32, #tpu.memory_space<vmem>>
        %dma_wait3A_340 = arith.constant 0 : i32
        %dma_wait3A_341 = tpu.memref_slice %arg2[%add3A_327, %dma_wait3A_340] : memref<5000x128xi32, #tpu.memory_space<hbm>> -> memref<1x128xi32, #tpu.memory_space<hbm>>
        %dma_wait3A_342 = arith.constant 156 : i32
        %dma_wait3A_343 = arith.constant 0 : i32
        %dma_wait3A_344 = tpu.memref_slice %arg9[%dma_wait3A_342, %dma_wait3A_343] : memref<157x128xi32, #tpu.memory_space<vmem>> -> memref<1x128xi32, #tpu.memory_space<vmem>>
        %dma_wait3A_345 = arith.constant 0 : i32
        %dma_wait3A_346 = tpu.memref_slice %arg2[%add3A_327, %dma_wait3A_345] : memref<5000x128xi32, #tpu.memory_space<hbm>> -> memref<1x128xi32, #tpu.memory_space<hbm>>
        tpu.wait_dma2 semaphore(%run_scoped3A : memref<!tpu.dma_semaphore, #tpu.memory_space<semaphore_mem>>) src(%dma_wait3A_346 : memref<1x128xi32, #tpu.memory_space<hbm>>) dst(%dma_wait3A_344 : memref<1x128xi32, #tpu.memory_space<vmem>>)
        tpu.yield
      }) : () -> ()
    } else {
    }
    %mul3A_11 = arith.constant 640 : i32
    %mul3A_12 = arith.muli %arg1, %mul3A_11 : i32
    %add3A_13 = arith.constant 0 : i32
    %add3A_14 = arith.addi %mul3A_12, %add3A_13 : i32
    "tpu.region"() ({
      %run_scoped3A = tpu.sem_alloc : memref<!tpu.dma_semaphore, #tpu.memory_space<semaphore_mem>>
      %dma_start3A_322 = arith.constant 0 : i32
      %dma_start3A_323 = tpu.memref_slice %arg12[%add3A_14, %dma_start3A_322] : memref<10240x32xf32, #tpu.memory_space<vmem_shared>> -> memref<128x32xf32, #tpu.memory_space<vmem_shared>>
      tpu.enqueue_dma source(%arg5 : memref<128x32xf32, #tpu.memory_space<hbm>>) target(%dma_start3A_323 : memref<128x32xf32, #tpu.memory_space<vmem_shared>>) target_semaphore(%run_scoped3A : memref<!tpu.dma_semaphore, #tpu.memory_space<semaphore_mem>>)
      %dma_wait3A = arith.constant 0 : i32
      %dma_wait3A_324 = tpu.memref_slice %arg12[%add3A_14, %dma_wait3A] : memref<10240x32xf32, #tpu.memory_space<vmem_shared>> -> memref<128x32xf32, #tpu.memory_space<vmem_shared>>
      tpu.wait_dma2 semaphore(%run_scoped3A : memref<!tpu.dma_semaphore, #tpu.memory_space<semaphore_mem>>) src(%arg5 : memref<128x32xf32, #tpu.memory_space<hbm>>) dst(%dma_wait3A_324 : memref<128x32xf32, #tpu.memory_space<vmem_shared>>)
      tpu.yield
    }) : () -> ()
    %mul3A_15 = arith.constant 640 : i32
    %mul3A_16 = arith.muli %arg1, %mul3A_15 : i32
    %add3A_17 = arith.constant 128 : i32
    %add3A_18 = arith.addi %mul3A_16, %add3A_17 : i32
    "tpu.region"() ({
      %run_scoped3A = tpu.sem_alloc : memref<!tpu.dma_semaphore, #tpu.memory_space<semaphore_mem>>
      %dma_start3A_322 = arith.constant 0 : i32
      %dma_start3A_323 = tpu.memref_slice %arg12[%add3A_18, %dma_start3A_322] : memref<10240x32xf32, #tpu.memory_space<vmem_shared>> -> memref<128x32xf32, #tpu.memory_space<vmem_shared>>
      tpu.enqueue_dma source(%arg5 : memref<128x32xf32, #tpu.memory_space<hbm>>) target(%dma_start3A_323 : memref<128x32xf32, #tpu.memory_space<vmem_shared>>) target_semaphore(%run_scoped3A : memref<!tpu.dma_semaphore, #tpu.memory_space<semaphore_mem>>)
      %dma_wait3A = arith.constant 0 : i32
      %dma_wait3A_324 = tpu.memref_slice %arg12[%add3A_18, %dma_wait3A] : memref<10240x32xf32, #tpu.memory_space<vmem_shared>> -> memref<128x32xf32, #tpu.memory_space<vmem_shared>>
      tpu.wait_dma2 semaphore(%run_scoped3A : memref<!tpu.dma_semaphore, #tpu.memory_space<semaphore_mem>>) src(%arg5 : memref<128x32xf32, #tpu.memory_space<hbm>>) dst(%dma_wait3A_324 : memref<128x32xf32, #tpu.memory_space<vmem_shared>>)
      tpu.yield
    }) : () -> ()
    %mul3A_19 = arith.constant 640 : i32
    %mul3A_20 = arith.muli %arg1, %mul3A_19 : i32
    %add3A_21 = arith.constant 256 : i32
    %add3A_22 = arith.addi %mul3A_20, %add3A_21 : i32
    "tpu.region"() ({
      %run_scoped3A = tpu.sem_alloc : memref<!tpu.dma_semaphore, #tpu.memory_space<semaphore_mem>>
      %dma_start3A_322 = arith.constant 0 : i32
      %dma_start3A_323 = tpu.memref_slice %arg12[%add3A_22, %dma_start3A_322] : memref<10240x32xf32, #tpu.memory_space<vmem_shared>> -> memref<128x32xf32, #tpu.memory_space<vmem_shared>>
      tpu.enqueue_dma source(%arg5 : memref<128x32xf32, #tpu.memory_space<hbm>>) target(%dma_start3A_323 : memref<128x32xf32, #tpu.memory_space<vmem_shared>>) target_semaphore(%run_scoped3A : memref<!tpu.dma_semaphore, #tpu.memory_space<semaphore_mem>>)
      %dma_wait3A = arith.constant 0 : i32
      %dma_wait3A_324 = tpu.memref_slice %arg12[%add3A_22, %dma_wait3A] : memref<10240x32xf32, #tpu.memory_space<vmem_shared>> -> memref<128x32xf32, #tpu.memory_space<vmem_shared>>
      tpu.wait_dma2 semaphore(%run_scoped3A : memref<!tpu.dma_semaphore, #tpu.memory_space<semaphore_mem>>) src(%arg5 : memref<128x32xf32, #tpu.memory_space<hbm>>) dst(%dma_wait3A_324 : memref<128x32xf32, #tpu.memory_space<vmem_shared>>)
      tpu.yield
    }) : () -> ()
    %mul3A_23 = arith.constant 640 : i32
    %mul3A_24 = arith.muli %arg1, %mul3A_23 : i32
    %add3A_25 = arith.constant 384 : i32
    %add3A_26 = arith.addi %mul3A_24, %add3A_25 : i32
    "tpu.region"() ({
      %run_scoped3A = tpu.sem_alloc : memref<!tpu.dma_semaphore, #tpu.memory_space<semaphore_mem>>
      %dma_start3A_322 = arith.constant 0 : i32
      %dma_start3A_323 = tpu.memref_slice %arg12[%add3A_26, %dma_start3A_322] : memref<10240x32xf32, #tpu.memory_space<vmem_shared>> -> memref<128x32xf32, #tpu.memory_space<vmem_shared>>
      tpu.enqueue_dma source(%arg5 : memref<128x32xf32, #tpu.memory_space<hbm>>) target(%dma_start3A_323 : memref<128x32xf32, #tpu.memory_space<vmem_shared>>) target_semaphore(%run_scoped3A : memref<!tpu.dma_semaphore, #tpu.memory_space<semaphore_mem>>)
      %dma_wait3A = arith.constant 0 : i32
      %dma_wait3A_324 = tpu.memref_slice %arg12[%add3A_26, %dma_wait3A] : memref<10240x32xf32, #tpu.memory_space<vmem_shared>> -> memref<128x32xf32, #tpu.memory_space<vmem_shared>>
      tpu.wait_dma2 semaphore(%run_scoped3A : memref<!tpu.dma_semaphore, #tpu.memory_space<semaphore_mem>>) src(%arg5 : memref<128x32xf32, #tpu.memory_space<hbm>>) dst(%dma_wait3A_324 : memref<128x32xf32, #tpu.memory_space<vmem_shared>>)
      tpu.yield
    }) : () -> ()
    %mul3A_27 = arith.constant 640 : i32
    %mul3A_28 = arith.muli %arg1, %mul3A_27 : i32
    %add3A_29 = arith.constant 512 : i32
    %add3A_30 = arith.addi %mul3A_28, %add3A_29 : i32
    "tpu.region"() ({
      %run_scoped3A = tpu.sem_alloc : memref<!tpu.dma_semaphore, #tpu.memory_space<semaphore_mem>>
      %dma_start3A_322 = arith.constant 0 : i32
      %dma_start3A_323 = tpu.memref_slice %arg12[%add3A_30, %dma_start3A_322] : memref<10240x32xf32, #tpu.memory_space<vmem_shared>> -> memref<128x32xf32, #tpu.memory_space<vmem_shared>>
      tpu.enqueue_dma source(%arg5 : memref<128x32xf32, #tpu.memory_space<hbm>>) target(%dma_start3A_323 : memref<128x32xf32, #tpu.memory_space<vmem_shared>>) target_semaphore(%run_scoped3A : memref<!tpu.dma_semaphore, #tpu.memory_space<semaphore_mem>>)
      %dma_wait3A = arith.constant 0 : i32
      %dma_wait3A_324 = tpu.memref_slice %arg12[%add3A_30, %dma_wait3A] : memref<10240x32xf32, #tpu.memory_space<vmem_shared>> -> memref<128x32xf32, #tpu.memory_space<vmem_shared>>
      tpu.wait_dma2 semaphore(%run_scoped3A : memref<!tpu.dma_semaphore, #tpu.memory_space<semaphore_mem>>) src(%arg5 : memref<128x32xf32, #tpu.memory_space<hbm>>) dst(%dma_wait3A_324 : memref<128x32xf32, #tpu.memory_space<vmem_shared>>)
      tpu.yield
    }) : () -> ()
    %mul3A_31 = arith.constant 640 : i32
    %mul3A_32 = arith.muli %arg1, %mul3A_31 : i32
    "tpu.region"() ({
      %run_scoped3A = tpu.sem_alloc : memref<!tpu.dma_semaphore, #tpu.memory_space<semaphore_mem>>
      %dma_start3A_322 = tpu.memref_slice %arg6[%mul3A_32] : memref<20480xf32, #tpu.memory_space<hbm>> -> memref<640xf32, #tpu.memory_space<hbm>>
      %dma_start3A_323 = tpu.memref_slice %arg6[%mul3A_32] : memref<20480xf32, #tpu.memory_space<hbm>> -> memref<640xf32, #tpu.memory_space<hbm>>
      tpu.enqueue_dma source(%dma_start3A_323 : memref<640xf32, #tpu.memory_space<hbm>>) target(%arg14 : memref<640xf32, #tpu.memory_space<vmem>>) target_semaphore(%run_scoped3A : memref<!tpu.dma_semaphore, #tpu.memory_space<semaphore_mem>>)
      %dma_wait3A = tpu.memref_slice %arg6[%mul3A_32] : memref<20480xf32, #tpu.memory_space<hbm>> -> memref<640xf32, #tpu.memory_space<hbm>>
      %dma_wait3A_324 = tpu.memref_slice %arg6[%mul3A_32] : memref<20480xf32, #tpu.memory_space<hbm>> -> memref<640xf32, #tpu.memory_space<hbm>>
      tpu.wait_dma2 semaphore(%run_scoped3A : memref<!tpu.dma_semaphore, #tpu.memory_space<semaphore_mem>>) src(%dma_wait3A_324 : memref<640xf32, #tpu.memory_space<hbm>>) dst(%arg14 : memref<640xf32, #tpu.memory_space<vmem>>)
      tpu.yield
    }) : () -> ()
    %mul3A_33 = arith.constant 640 : i32
    %mul3A_34 = arith.muli %arg1, %mul3A_33 : i32
    %add3A_35 = arith.constant 10240 : i32
    %add3A_36 = arith.addi %add3A_35, %mul3A_34 : i32
    "tpu.region"() ({
      %run_scoped3A = tpu.sem_alloc : memref<!tpu.dma_semaphore, #tpu.memory_space<semaphore_mem>>
      %dma_start3A_322 = tpu.memref_slice %arg6[%add3A_36] : memref<20480xf32, #tpu.memory_space<hbm>> -> memref<640xf32, #tpu.memory_space<hbm>>
      %dma_start3A_323 = tpu.memref_slice %arg6[%add3A_36] : memref<20480xf32, #tpu.memory_space<hbm>> -> memref<640xf32, #tpu.memory_space<hbm>>
      tpu.enqueue_dma source(%dma_start3A_323 : memref<640xf32, #tpu.memory_space<hbm>>) target(%arg15 : memref<640xf32, #tpu.memory_space<vmem>>) target_semaphore(%run_scoped3A : memref<!tpu.dma_semaphore, #tpu.memory_space<semaphore_mem>>)
      %dma_wait3A = tpu.memref_slice %arg6[%add3A_36] : memref<20480xf32, #tpu.memory_space<hbm>> -> memref<640xf32, #tpu.memory_space<hbm>>
      %dma_wait3A_324 = tpu.memref_slice %arg6[%add3A_36] : memref<20480xf32, #tpu.memory_space<hbm>> -> memref<640xf32, #tpu.memory_space<hbm>>
      tpu.wait_dma2 semaphore(%run_scoped3A : memref<!tpu.dma_semaphore, #tpu.memory_space<semaphore_mem>>) src(%dma_wait3A_324 : memref<640xf32, #tpu.memory_space<hbm>>) dst(%arg15 : memref<640xf32, #tpu.memory_space<vmem>>)
      tpu.yield
    }) : () -> ()
    %scan3A = arith.constant 0 : i32
    %scan3A_37 = arith.constant 0 : i32
    %scan3A_38 = arith.constant 40 : i32
    %scan3A_39 = arith.addi %scan3A_37, %scan3A_38 : i32
    %scan3A_40 = arith.constant 1 : i32
    scf.for %scan3A_322 = %scan3A_37 to %scan3A_39 step %scan3A_40  : i32 {
      %mul3A_323 = arith.constant 16 : i32
      %mul3A_324 = arith.muli %scan3A_322, %mul3A_323 : i32
      %get3A = arith.index_cast %mul3A_324 : i32 to index
      %get3A_325 = tpu.vector_load %arg14[%get3A] {strides = array<i32>} : memref<640xf32, #tpu.memory_space<vmem>>, vector<16xf32>,
      %mul3A_326 = arith.constant 16 : i32
      %mul3A_327 = arith.muli %scan3A_322, %mul3A_326 : i32
      %get3A_328 = arith.index_cast %mul3A_327 : i32 to index
      %get3A_329 = tpu.vector_load %arg15[%get3A_328] {strides = array<i32>} : memref<640xf32, #tpu.memory_space<vmem>>, vector<16xf32>,
      %add3A_330 = arith.addf %get3A_325, %get3A_329 : vector<16xf32>
      %add3A_331 = arith.constant 1.000000e+00 : f32
      %add3A_332 = vector.broadcast %add3A_331 : f32 to vector<16xf32>
      %add3A_333 = arith.addf %add3A_330, %add3A_332 : vector<16xf32>
      %bitcast3A = vector.bitcast %add3A_333 : vector<16xf32> to vector<16xi32>
      %shift_right_arithmetic3A = arith.constant 1 : i32
      %shift_right_arithmetic3A_334 = vector.broadcast %shift_right_arithmetic3A : i32 to vector<16xi32>
      %shift_right_arithmetic3A_335 = arith.shrsi %bitcast3A, %shift_right_arithmetic3A_334 : vector<16xi32>
      %sub3A = arith.constant 1597463007 : i32
      %sub3A_336 = vector.broadcast %sub3A : i32 to vector<16xi32>
      %sub3A_337 = arith.subi %sub3A_336, %shift_right_arithmetic3A_335 : vector<16xi32>
      %bitcast3A_338 = vector.bitcast %sub3A_337 : vector<16xi32> to vector<16xf32>
      %mul3A_339 = arith.constant 5.000000e-01 : f32
      %mul3A_340 = vector.broadcast %mul3A_339 : f32 to vector<16xf32>
      %mul3A_341 = arith.mulf %mul3A_340, %add3A_333 : vector<16xf32>
      %mul3A_342 = arith.mulf %mul3A_341, %bitcast3A_338 : vector<16xf32>
      %mul3A_343 = arith.mulf %mul3A_342, %bitcast3A_338 : vector<16xf32>
      %sub3A_344 = arith.constant 1.500000e+00 : f32
      %sub3A_345 = vector.broadcast %sub3A_344 : f32 to vector<16xf32>
      %sub3A_346 = arith.subf %sub3A_345, %mul3A_343 : vector<16xf32>
      %mul3A_347 = arith.mulf %bitcast3A_338, %sub3A_346 : vector<16xf32>
      %mul3A_348 = arith.constant 5.000000e-01 : f32
      %mul3A_349 = vector.broadcast %mul3A_348 : f32 to vector<16xf32>
      %mul3A_350 = arith.mulf %mul3A_349, %add3A_333 : vector<16xf32>
      %mul3A_351 = arith.mulf %mul3A_350, %mul3A_347 : vector<16xf32>
      %mul3A_352 = arith.mulf %mul3A_351, %mul3A_347 : vector<16xf32>
      %sub3A_353 = arith.constant 1.500000e+00 : f32
      %sub3A_354 = vector.broadcast %sub3A_353 : f32 to vector<16xf32>
      %sub3A_355 = arith.subf %sub3A_354, %mul3A_352 : vector<16xf32>
      %mul3A_356 = arith.mulf %mul3A_347, %sub3A_355 : vector<16xf32>
      %mul3A_357 = arith.constant 5.000000e-01 : f32
      %mul3A_358 = vector.broadcast %mul3A_357 : f32 to vector<16xf32>
      %mul3A_359 = arith.mulf %mul3A_358, %add3A_333 : vector<16xf32>
      %mul3A_360 = arith.mulf %mul3A_359, %mul3A_356 : vector<16xf32>
      %mul3A_361 = arith.mulf %mul3A_360, %mul3A_356 : vector<16xf32>
      %sub3A_362 = arith.constant 1.500000e+00 : f32
      %sub3A_363 = vector.broadcast %sub3A_362 : f32 to vector<16xf32>
      %sub3A_364 = arith.subf %sub3A_363, %mul3A_361 : vector<16xf32>
      %mul3A_365 = arith.mulf %mul3A_356, %sub3A_364 : vector<16xf32>
      %mul3A_366 = arith.constant 16 : i32
      %mul3A_367 = arith.muli %scan3A_322, %mul3A_366 : i32
      %swap3A = arith.index_cast %mul3A_367 : i32 to index
      %swap3A_368 = tpu.vector_load %arg14[%swap3A] {strides = array<i32>} : memref<640xf32, #tpu.memory_space<vmem>>, vector<16xf32>,
      tpu.vector_store %arg14[%swap3A], %mul3A_365 {strides = array<i32>} : memref<640xf32, #tpu.memory_space<vmem>>, vector<16xf32>,
    }
    %scan3A_41 = arith.constant 40 : i32
    %mul3A_42 = arith.constant 640 : i32
    %mul3A_43 = arith.muli %arg1, %mul3A_42 : i32
    %add3A_44 = arith.constant 0 : i32
    %add3A_45 = arith.addi %mul3A_43, %add3A_44 : i32
    %eq3A = arith.constant 0 : i32
    %eq3A_46 = arith.cmpi eq, %arg0, %eq3A : i32
    %convert_element_type3A_47 = arith.extui %eq3A_46 : i1 to i32
    %cond3A_48 = arith.constant 0 : i32
    %cond3A_49 = arith.cmpi ne, %convert_element_type3A_47, %cond3A_48 : i32
    scf.if %cond3A_49 {
      "tpu.region"() ({
        %run_scoped3A = tpu.sem_alloc : memref<!tpu.dma_semaphore, #tpu.memory_space<semaphore_mem>>
        %dma_start3A_322 = arith.constant 0 : i32
        %dma_start3A_323 = tpu.memref_slice %arg3[%add3A_45, %dma_start3A_322] : memref<10240x32xf32, #tpu.memory_space<hbm>> -> memref<160x32xf32, #tpu.memory_space<hbm>>
        %dma_start3A_324 = arith.constant 0 : i32
        %dma_start3A_325 = tpu.memref_slice %arg3[%add3A_45, %dma_start3A_324] : memref<10240x32xf32, #tpu.memory_space<hbm>> -> memref<160x32xf32, #tpu.memory_space<hbm>>
        tpu.enqueue_dma source(%dma_start3A_325 : memref<160x32xf32, #tpu.memory_space<hbm>>) target(%arg16 : memref<160x32xf32, #tpu.memory_space<vmem>>) target_semaphore(%run_scoped3A : memref<!tpu.dma_semaphore, #tpu.memory_space<semaphore_mem>>)
        %dma_wait3A = arith.constant 0 : i32
        %dma_wait3A_326 = tpu.memref_slice %arg3[%add3A_45, %dma_wait3A] : memref<10240x32xf32, #tpu.memory_space<hbm>> -> memref<160x32xf32, #tpu.memory_space<hbm>>
        %dma_wait3A_327 = arith.constant 0 : i32
        %dma_wait3A_328 = tpu.memref_slice %arg3[%add3A_45, %dma_wait3A_327] : memref<10240x32xf32, #tpu.memory_space<hbm>> -> memref<160x32xf32, #tpu.memory_space<hbm>>
        tpu.wait_dma2 semaphore(%run_scoped3A : memref<!tpu.dma_semaphore, #tpu.memory_space<semaphore_mem>>) src(%dma_wait3A_328 : memref<160x32xf32, #tpu.memory_space<hbm>>) dst(%arg16 : memref<160x32xf32, #tpu.memory_space<vmem>>)
        tpu.yield
      }) : () -> ()
    } else {
    }
    %eq3A_50 = arith.constant 1 : i32
    %eq3A_51 = arith.cmpi eq, %arg0, %eq3A_50 : i32
    %convert_element_type3A_52 = arith.extui %eq3A_51 : i1 to i32
    %cond3A_53 = arith.constant 0 : i32
    %cond3A_54 = arith.cmpi ne, %convert_element_type3A_52, %cond3A_53 : i32
    scf.if %cond3A_54 {
      "tpu.region"() ({
        %run_scoped3A = tpu.sem_alloc : memref<!tpu.dma_semaphore, #tpu.memory_space<semaphore_mem>>
        %dma_start3A_322 = arith.constant 0 : i32
        %dma_start3A_323 = tpu.memref_slice %arg4[%add3A_45, %dma_start3A_322] : memref<10240x32xf32, #tpu.memory_space<hbm>> -> memref<160x32xf32, #tpu.memory_space<hbm>>
        %dma_start3A_324 = arith.constant 0 : i32
        %dma_start3A_325 = tpu.memref_slice %arg4[%add3A_45, %dma_start3A_324] : memref<10240x32xf32, #tpu.memory_space<hbm>> -> memref<160x32xf32, #tpu.memory_space<hbm>>
        tpu.enqueue_dma source(%dma_start3A_325 : memref<160x32xf32, #tpu.memory_space<hbm>>) target(%arg16 : memref<160x32xf32, #tpu.memory_space<vmem>>) target_semaphore(%run_scoped3A : memref<!tpu.dma_semaphore, #tpu.memory_space<semaphore_mem>>)
        %dma_wait3A = arith.constant 0 : i32
        %dma_wait3A_326 = tpu.memref_slice %arg4[%add3A_45, %dma_wait3A] : memref<10240x32xf32, #tpu.memory_space<hbm>> -> memref<160x32xf32, #tpu.memory_space<hbm>>
        %dma_wait3A_327 = arith.constant 0 : i32
        %dma_wait3A_328 = tpu.memref_slice %arg4[%add3A_45, %dma_wait3A_327] : memref<10240x32xf32, #tpu.memory_space<hbm>> -> memref<160x32xf32, #tpu.memory_space<hbm>>
        tpu.wait_dma2 semaphore(%run_scoped3A : memref<!tpu.dma_semaphore, #tpu.memory_space<semaphore_mem>>) src(%dma_wait3A_328 : memref<160x32xf32, #tpu.memory_space<hbm>>) dst(%arg16 : memref<160x32xf32, #tpu.memory_space<vmem>>)
        tpu.yield
      }) : () -> ()
    } else {
    }
    %scan3A_55 = arith.constant 0 : i32
    %scan3A_56 = arith.constant 0 : i32
    %scan3A_57 = arith.constant 160 : i32
    %scan3A_58 = arith.addi %scan3A_56, %scan3A_57 : i32
    %scan3A_59 = arith.constant 1 : i32
    scf.for %scan3A_322 = %scan3A_56 to %scan3A_58 step %scan3A_59  : i32 {
      %broadcast_in_dim3A = arith.constant 0 : i32
      %broadcast_in_dim3A_323 = vector.broadcast %broadcast_in_dim3A : i32 to vector<16xi32>
      %add3A_324 = vector.broadcast %scan3A_322 : i32 to vector<16xi32>
      %add3A_325 = arith.addi %broadcast_in_dim3A_323, %add3A_324 : vector<16xi32>
      %gather3A = tpu.vector_load_idx %arg14[%add3A_325] : memref<640xf32, #tpu.memory_space<vmem>>[vector<16xi32>], vector<16xf32>,
      %get3A = arith.index_cast %scan3A_322 : i32 to index
      %get3A_326 = arith.constant 0 : index
      %get3A_327 = tpu.vector_load %arg16[%get3A, %get3A_326] {strides = array<i32>} : memref<160x32xf32, #tpu.memory_space<vmem>>, vector<16xf32>,
      %mul3A_328 = arith.mulf %get3A_327, %gather3A : vector<16xf32>
      %swap3A = arith.index_cast %scan3A_322 : i32 to index
      %swap3A_329 = arith.constant 0 : index
      %swap3A_330 = tpu.vector_load %arg16[%swap3A, %swap3A_329] {strides = array<i32>} : memref<160x32xf32, #tpu.memory_space<vmem>>, vector<16xf32>,
      tpu.vector_store %arg16[%swap3A, %swap3A_329], %mul3A_328 {strides = array<i32>} : memref<160x32xf32, #tpu.memory_space<vmem>>, vector<16xf32>,
      %get3A_331 = arith.index_cast %scan3A_322 : i32 to index
      %get3A_332 = arith.constant 16 : index
      %get3A_333 = tpu.vector_load %arg16[%get3A_331, %get3A_332] {strides = array<i32>} : memref<160x32xf32, #tpu.memory_space<vmem>>, vector<16xf32>,
      %mul3A_334 = arith.mulf %get3A_333, %gather3A : vector<16xf32>
      %swap3A_335 = arith.index_cast %scan3A_322 : i32 to index
      %swap3A_336 = arith.constant 16 : index
      %swap3A_337 = tpu.vector_load %arg16[%swap3A_335, %swap3A_336] {strides = array<i32>} : memref<160x32xf32, #tpu.memory_space<vmem>>, vector<16xf32>,
      tpu.vector_store %arg16[%swap3A_335, %swap3A_336], %mul3A_334 {strides = array<i32>} : memref<160x32xf32, #tpu.memory_space<vmem>>, vector<16xf32>,
    }
    %scan3A_60 = arith.constant 160 : i32
    "tpu.region"() ({
      %run_scoped3A = tpu.sem_alloc : memref<!tpu.dma_semaphore, #tpu.memory_space<semaphore_mem>>
      %dma_start3A_322 = arith.constant 0 : i32
      %dma_start3A_323 = tpu.memref_slice %arg11[%add3A_45, %dma_start3A_322] : memref<10240x32xf32, #tpu.memory_space<vmem_shared>> -> memref<160x32xf32, #tpu.memory_space<vmem_shared>>
      %dma_start3A_324 = arith.constant 0 : i32
      %dma_start3A_325 = tpu.memref_slice %arg11[%add3A_45, %dma_start3A_324] : memref<10240x32xf32, #tpu.memory_space<vmem_shared>> -> memref<160x32xf32, #tpu.memory_space<vmem_shared>>
      tpu.enqueue_dma source(%arg16 : memref<160x32xf32, #tpu.memory_space<vmem>>) target(%dma_start3A_325 : memref<160x32xf32, #tpu.memory_space<vmem_shared>>) target_semaphore(%run_scoped3A : memref<!tpu.dma_semaphore, #tpu.memory_space<semaphore_mem>>)
      %dma_wait3A = arith.constant 0 : i32
      %dma_wait3A_326 = tpu.memref_slice %arg11[%add3A_45, %dma_wait3A] : memref<10240x32xf32, #tpu.memory_space<vmem_shared>> -> memref<160x32xf32, #tpu.memory_space<vmem_shared>>
      %dma_wait3A_327 = arith.constant 0 : i32
      %dma_wait3A_328 = tpu.memref_slice %arg11[%add3A_45, %dma_wait3A_327] : memref<10240x32xf32, #tpu.memory_space<vmem_shared>> -> memref<160x32xf32, #tpu.memory_space<vmem_shared>>
      tpu.wait_dma2 semaphore(%run_scoped3A : memref<!tpu.dma_semaphore, #tpu.memory_space<semaphore_mem>>) src(%arg16 : memref<160x32xf32, #tpu.memory_space<vmem>>) dst(%dma_wait3A_328 : memref<160x32xf32, #tpu.memory_space<vmem_shared>>)
      tpu.yield
    }) : () -> ()
    %mul3A_61 = arith.constant 640 : i32
    %mul3A_62 = arith.muli %arg1, %mul3A_61 : i32
    %add3A_63 = arith.constant 160 : i32
    %add3A_64 = arith.addi %mul3A_62, %add3A_63 : i32
    %eq3A_65 = arith.constant 0 : i32
    %eq3A_66 = arith.cmpi eq, %arg0, %eq3A_65 : i32
    %convert_element_type3A_67 = arith.extui %eq3A_66 : i1 to i32
    %cond3A_68 = arith.constant 0 : i32
    %cond3A_69 = arith.cmpi ne, %convert_element_type3A_67, %cond3A_68 : i32
    scf.if %cond3A_69 {
      "tpu.region"() ({
        %run_scoped3A = tpu.sem_alloc : memref<!tpu.dma_semaphore, #tpu.memory_space<semaphore_mem>>
        %dma_start3A_322 = arith.constant 0 : i32
        %dma_start3A_323 = tpu.memref_slice %arg3[%add3A_64, %dma_start3A_322] : memref<10240x32xf32, #tpu.memory_space<hbm>> -> memref<160x32xf32, #tpu.memory_space<hbm>>
        %dma_start3A_324 = arith.constant 0 : i32
        %dma_start3A_325 = tpu.memref_slice %arg3[%add3A_64, %dma_start3A_324] : memref<10240x32xf32, #tpu.memory_space<hbm>> -> memref<160x32xf32, #tpu.memory_space<hbm>>
        tpu.enqueue_dma source(%dma_start3A_325 : memref<160x32xf32, #tpu.memory_space<hbm>>) target(%arg16 : memref<160x32xf32, #tpu.memory_space<vmem>>) target_semaphore(%run_scoped3A : memref<!tpu.dma_semaphore, #tpu.memory_space<semaphore_mem>>)
        %dma_wait3A = arith.constant 0 : i32
        %dma_wait3A_326 = tpu.memref_slice %arg3[%add3A_64, %dma_wait3A] : memref<10240x32xf32, #tpu.memory_space<hbm>> -> memref<160x32xf32, #tpu.memory_space<hbm>>
        %dma_wait3A_327 = arith.constant 0 : i32
        %dma_wait3A_328 = tpu.memref_slice %arg3[%add3A_64, %dma_wait3A_327] : memref<10240x32xf32, #tpu.memory_space<hbm>> -> memref<160x32xf32, #tpu.memory_space<hbm>>
        tpu.wait_dma2 semaphore(%run_scoped3A : memref<!tpu.dma_semaphore, #tpu.memory_space<semaphore_mem>>) src(%dma_wait3A_328 : memref<160x32xf32, #tpu.memory_space<hbm>>) dst(%arg16 : memref<160x32xf32, #tpu.memory_space<vmem>>)
        tpu.yield
      }) : () -> ()
    } else {
    }
    %eq3A_70 = arith.constant 1 : i32
    %eq3A_71 = arith.cmpi eq, %arg0, %eq3A_70 : i32
    %convert_element_type3A_72 = arith.extui %eq3A_71 : i1 to i32
    %cond3A_73 = arith.constant 0 : i32
    %cond3A_74 = arith.cmpi ne, %convert_element_type3A_72, %cond3A_73 : i32
    scf.if %cond3A_74 {
      "tpu.region"() ({
        %run_scoped3A = tpu.sem_alloc : memref<!tpu.dma_semaphore, #tpu.memory_space<semaphore_mem>>
        %dma_start3A_322 = arith.constant 0 : i32
        %dma_start3A_323 = tpu.memref_slice %arg4[%add3A_64, %dma_start3A_322] : memref<10240x32xf32, #tpu.memory_space<hbm>> -> memref<160x32xf32, #tpu.memory_space<hbm>>
        %dma_start3A_324 = arith.constant 0 : i32
        %dma_start3A_325 = tpu.memref_slice %arg4[%add3A_64, %dma_start3A_324] : memref<10240x32xf32, #tpu.memory_space<hbm>> -> memref<160x32xf32, #tpu.memory_space<hbm>>
        tpu.enqueue_dma source(%dma_start3A_325 : memref<160x32xf32, #tpu.memory_space<hbm>>) target(%arg16 : memref<160x32xf32, #tpu.memory_space<vmem>>) target_semaphore(%run_scoped3A : memref<!tpu.dma_semaphore, #tpu.memory_space<semaphore_mem>>)
        %dma_wait3A = arith.constant 0 : i32
        %dma_wait3A_326 = tpu.memref_slice %arg4[%add3A_64, %dma_wait3A] : memref<10240x32xf32, #tpu.memory_space<hbm>> -> memref<160x32xf32, #tpu.memory_space<hbm>>
        %dma_wait3A_327 = arith.constant 0 : i32
        %dma_wait3A_328 = tpu.memref_slice %arg4[%add3A_64, %dma_wait3A_327] : memref<10240x32xf32, #tpu.memory_space<hbm>> -> memref<160x32xf32, #tpu.memory_space<hbm>>
        tpu.wait_dma2 semaphore(%run_scoped3A : memref<!tpu.dma_semaphore, #tpu.memory_space<semaphore_mem>>) src(%dma_wait3A_328 : memref<160x32xf32, #tpu.memory_space<hbm>>) dst(%arg16 : memref<160x32xf32, #tpu.memory_space<vmem>>)
        tpu.yield
      }) : () -> ()
    } else {
    }
    %scan3A_75 = arith.constant 0 : i32
    %scan3A_76 = arith.constant 0 : i32
    %scan3A_77 = arith.constant 160 : i32
    %scan3A_78 = arith.addi %scan3A_76, %scan3A_77 : i32
    %scan3A_79 = arith.constant 1 : i32
    scf.for %scan3A_322 = %scan3A_76 to %scan3A_78 step %scan3A_79  : i32 {
      %broadcast_in_dim3A = arith.constant 160 : i32
      %broadcast_in_dim3A_323 = vector.broadcast %broadcast_in_dim3A : i32 to vector<16xi32>
      %add3A_324 = vector.broadcast %scan3A_322 : i32 to vector<16xi32>
      %add3A_325 = arith.addi %broadcast_in_dim3A_323, %add3A_324 : vector<16xi32>
      %gather3A = tpu.vector_load_idx %arg14[%add3A_325] : memref<640xf32, #tpu.memory_space<vmem>>[vector<16xi32>], vector<16xf32>,
      %get3A = arith.index_cast %scan3A_322 : i32 to index
      %get3A_326 = arith.constant 0 : index
      %get3A_327 = tpu.vector_load %arg16[%get3A, %get3A_326] {strides = array<i32>} : memref<160x32xf32, #tpu.memory_space<vmem>>, vector<16xf32>,
      %mul3A_328 = arith.mulf %get3A_327, %gather3A : vector<16xf32>
      %swap3A = arith.index_cast %scan3A_322 : i32 to index
      %swap3A_329 = arith.constant 0 : index
      %swap3A_330 = tpu.vector_load %arg16[%swap3A, %swap3A_329] {strides = array<i32>} : memref<160x32xf32, #tpu.memory_space<vmem>>, vector<16xf32>,
      tpu.vector_store %arg16[%swap3A, %swap3A_329], %mul3A_328 {strides = array<i32>} : memref<160x32xf32, #tpu.memory_space<vmem>>, vector<16xf32>,
      %get3A_331 = arith.index_cast %scan3A_322 : i32 to index
      %get3A_332 = arith.constant 16 : index
      %get3A_333 = tpu.vector_load %arg16[%get3A_331, %get3A_332] {strides = array<i32>} : memref<160x32xf32, #tpu.memory_space<vmem>>, vector<16xf32>,
      %mul3A_334 = arith.mulf %get3A_333, %gather3A : vector<16xf32>
      %swap3A_335 = arith.index_cast %scan3A_322 : i32 to index
      %swap3A_336 = arith.constant 16 : index
      %swap3A_337 = tpu.vector_load %arg16[%swap3A_335, %swap3A_336] {strides = array<i32>} : memref<160x32xf32, #tpu.memory_space<vmem>>, vector<16xf32>,
      tpu.vector_store %arg16[%swap3A_335, %swap3A_336], %mul3A_334 {strides = array<i32>} : memref<160x32xf32, #tpu.memory_space<vmem>>, vector<16xf32>,
    }
    %scan3A_80 = arith.constant 160 : i32
    "tpu.region"() ({
      %run_scoped3A = tpu.sem_alloc : memref<!tpu.dma_semaphore, #tpu.memory_space<semaphore_mem>>
      %dma_start3A_322 = arith.constant 0 : i32
      %dma_start3A_323 = tpu.memref_slice %arg11[%add3A_64, %dma_start3A_322] : memref<10240x32xf32, #tpu.memory_space<vmem_shared>> -> memref<160x32xf32, #tpu.memory_space<vmem_shared>>
      %dma_start3A_324 = arith.constant 0 : i32
      %dma_start3A_325 = tpu.memref_slice %arg11[%add3A_64, %dma_start3A_324] : memref<10240x32xf32, #tpu.memory_space<vmem_shared>> -> memref<160x32xf32, #tpu.memory_space<vmem_shared>>
      tpu.enqueue_dma source(%arg16 : memref<160x32xf32, #tpu.memory_space<vmem>>) target(%dma_start3A_325 : memref<160x32xf32, #tpu.memory_space<vmem_shared>>) target_semaphore(%run_scoped3A : memref<!tpu.dma_semaphore, #tpu.memory_space<semaphore_mem>>)
      %dma_wait3A = arith.constant 0 : i32
      %dma_wait3A_326 = tpu.memref_slice %arg11[%add3A_64, %dma_wait3A] : memref<10240x32xf32, #tpu.memory_space<vmem_shared>> -> memref<160x32xf32, #tpu.memory_space<vmem_shared>>
      %dma_wait3A_327 = arith.constant 0 : i32
      %dma_wait3A_328 = tpu.memref_slice %arg11[%add3A_64, %dma_wait3A_327] : memref<10240x32xf32, #tpu.memory_space<vmem_shared>> -> memref<160x32xf32, #tpu.memory_space<vmem_shared>>
      tpu.wait_dma2 semaphore(%run_scoped3A : memref<!tpu.dma_semaphore, #tpu.memory_space<semaphore_mem>>) src(%arg16 : memref<160x32xf32, #tpu.memory_space<vmem>>) dst(%dma_wait3A_328 : memref<160x32xf32, #tpu.memory_space<vmem_shared>>)
      tpu.yield
    }) : () -> ()
    %mul3A_81 = arith.constant 640 : i32
    %mul3A_82 = arith.muli %arg1, %mul3A_81 : i32
    %add3A_83 = arith.constant 320 : i32
    %add3A_84 = arith.addi %mul3A_82, %add3A_83 : i32
    %eq3A_85 = arith.constant 0 : i32
    %eq3A_86 = arith.cmpi eq, %arg0, %eq3A_85 : i32
    %convert_element_type3A_87 = arith.extui %eq3A_86 : i1 to i32
    %cond3A_88 = arith.constant 0 : i32
    %cond3A_89 = arith.cmpi ne, %convert_element_type3A_87, %cond3A_88 : i32
    scf.if %cond3A_89 {
      "tpu.region"() ({
        %run_scoped3A = tpu.sem_alloc : memref<!tpu.dma_semaphore, #tpu.memory_space<semaphore_mem>>
        %dma_start3A_322 = arith.constant 0 : i32
        %dma_start3A_323 = tpu.memref_slice %arg3[%add3A_84, %dma_start3A_322] : memref<10240x32xf32, #tpu.memory_space<hbm>> -> memref<160x32xf32, #tpu.memory_space<hbm>>
        %dma_start3A_324 = arith.constant 0 : i32
        %dma_start3A_325 = tpu.memref_slice %arg3[%add3A_84, %dma_start3A_324] : memref<10240x32xf32, #tpu.memory_space<hbm>> -> memref<160x32xf32, #tpu.memory_space<hbm>>
        tpu.enqueue_dma source(%dma_start3A_325 : memref<160x32xf32, #tpu.memory_space<hbm>>) target(%arg16 : memref<160x32xf32, #tpu.memory_space<vmem>>) target_semaphore(%run_scoped3A : memref<!tpu.dma_semaphore, #tpu.memory_space<semaphore_mem>>)
        %dma_wait3A = arith.constant 0 : i32
        %dma_wait3A_326 = tpu.memref_slice %arg3[%add3A_84, %dma_wait3A] : memref<10240x32xf32, #tpu.memory_space<hbm>> -> memref<160x32xf32, #tpu.memory_space<hbm>>
        %dma_wait3A_327 = arith.constant 0 : i32
        %dma_wait3A_328 = tpu.memref_slice %arg3[%add3A_84, %dma_wait3A_327] : memref<10240x32xf32, #tpu.memory_space<hbm>> -> memref<160x32xf32, #tpu.memory_space<hbm>>
        tpu.wait_dma2 semaphore(%run_scoped3A : memref<!tpu.dma_semaphore, #tpu.memory_space<semaphore_mem>>) src(%dma_wait3A_328 : memref<160x32xf32, #tpu.memory_space<hbm>>) dst(%arg16 : memref<160x32xf32, #tpu.memory_space<vmem>>)
        tpu.yield
      }) : () -> ()
    } else {
    }
    %eq3A_90 = arith.constant 1 : i32
    %eq3A_91 = arith.cmpi eq, %arg0, %eq3A_90 : i32
    %convert_element_type3A_92 = arith.extui %eq3A_91 : i1 to i32
    %cond3A_93 = arith.constant 0 : i32
    %cond3A_94 = arith.cmpi ne, %convert_element_type3A_92, %cond3A_93 : i32
    scf.if %cond3A_94 {
      "tpu.region"() ({
        %run_scoped3A = tpu.sem_alloc : memref<!tpu.dma_semaphore, #tpu.memory_space<semaphore_mem>>
        %dma_start3A_322 = arith.constant 0 : i32
        %dma_start3A_323 = tpu.memref_slice %arg4[%add3A_84, %dma_start3A_322] : memref<10240x32xf32, #tpu.memory_space<hbm>> -> memref<160x32xf32, #tpu.memory_space<hbm>>
        %dma_start3A_324 = arith.constant 0 : i32
        %dma_start3A_325 = tpu.memref_slice %arg4[%add3A_84, %dma_start3A_324] : memref<10240x32xf32, #tpu.memory_space<hbm>> -> memref<160x32xf32, #tpu.memory_space<hbm>>
        tpu.enqueue_dma source(%dma_start3A_325 : memref<160x32xf32, #tpu.memory_space<hbm>>) target(%arg16 : memref<160x32xf32, #tpu.memory_space<vmem>>) target_semaphore(%run_scoped3A : memref<!tpu.dma_semaphore, #tpu.memory_space<semaphore_mem>>)
        %dma_wait3A = arith.constant 0 : i32
        %dma_wait3A_326 = tpu.memref_slice %arg4[%add3A_84, %dma_wait3A] : memref<10240x32xf32, #tpu.memory_space<hbm>> -> memref<160x32xf32, #tpu.memory_space<hbm>>
        %dma_wait3A_327 = arith.constant 0 : i32
        %dma_wait3A_328 = tpu.memref_slice %arg4[%add3A_84, %dma_wait3A_327] : memref<10240x32xf32, #tpu.memory_space<hbm>> -> memref<160x32xf32, #tpu.memory_space<hbm>>
        tpu.wait_dma2 semaphore(%run_scoped3A : memref<!tpu.dma_semaphore, #tpu.memory_space<semaphore_mem>>) src(%dma_wait3A_328 : memref<160x32xf32, #tpu.memory_space<hbm>>) dst(%arg16 : memref<160x32xf32, #tpu.memory_space<vmem>>)
        tpu.yield
      }) : () -> ()
    } else {
    }
    %scan3A_95 = arith.constant 0 : i32
    %scan3A_96 = arith.constant 0 : i32
    %scan3A_97 = arith.constant 160 : i32
    %scan3A_98 = arith.addi %scan3A_96, %scan3A_97 : i32
    %scan3A_99 = arith.constant 1 : i32
    scf.for %scan3A_322 = %scan3A_96 to %scan3A_98 step %scan3A_99  : i32 {
      %broadcast_in_dim3A = arith.constant 320 : i32
      %broadcast_in_dim3A_323 = vector.broadcast %broadcast_in_dim3A : i32 to vector<16xi32>
      %add3A_324 = vector.broadcast %scan3A_322 : i32 to vector<16xi32>
      %add3A_325 = arith.addi %broadcast_in_dim3A_323, %add3A_324 : vector<16xi32>
      %gather3A = tpu.vector_load_idx %arg14[%add3A_325] : memref<640xf32, #tpu.memory_space<vmem>>[vector<16xi32>], vector<16xf32>,
      %get3A = arith.index_cast %scan3A_322 : i32 to index
      %get3A_326 = arith.constant 0 : index
      %get3A_327 = tpu.vector_load %arg16[%get3A, %get3A_326] {strides = array<i32>} : memref<160x32xf32, #tpu.memory_space<vmem>>, vector<16xf32>,
      %mul3A_328 = arith.mulf %get3A_327, %gather3A : vector<16xf32>
      %swap3A = arith.index_cast %scan3A_322 : i32 to index
      %swap3A_329 = arith.constant 0 : index
      %swap3A_330 = tpu.vector_load %arg16[%swap3A, %swap3A_329] {strides = array<i32>} : memref<160x32xf32, #tpu.memory_space<vmem>>, vector<16xf32>,
      tpu.vector_store %arg16[%swap3A, %swap3A_329], %mul3A_328 {strides = array<i32>} : memref<160x32xf32, #tpu.memory_space<vmem>>, vector<16xf32>,
      %get3A_331 = arith.index_cast %scan3A_322 : i32 to index
      %get3A_332 = arith.constant 16 : index
      %get3A_333 = tpu.vector_load %arg16[%get3A_331, %get3A_332] {strides = array<i32>} : memref<160x32xf32, #tpu.memory_space<vmem>>, vector<16xf32>,
      %mul3A_334 = arith.mulf %get3A_333, %gather3A : vector<16xf32>
      %swap3A_335 = arith.index_cast %scan3A_322 : i32 to index
      %swap3A_336 = arith.constant 16 : index
      %swap3A_337 = tpu.vector_load %arg16[%swap3A_335, %swap3A_336] {strides = array<i32>} : memref<160x32xf32, #tpu.memory_space<vmem>>, vector<16xf32>,
      tpu.vector_store %arg16[%swap3A_335, %swap3A_336], %mul3A_334 {strides = array<i32>} : memref<160x32xf32, #tpu.memory_space<vmem>>, vector<16xf32>,
    }
    %scan3A_100 = arith.constant 160 : i32
    "tpu.region"() ({
      %run_scoped3A = tpu.sem_alloc : memref<!tpu.dma_semaphore, #tpu.memory_space<semaphore_mem>>
      %dma_start3A_322 = arith.constant 0 : i32
      %dma_start3A_323 = tpu.memref_slice %arg11[%add3A_84, %dma_start3A_322] : memref<10240x32xf32, #tpu.memory_space<vmem_shared>> -> memref<160x32xf32, #tpu.memory_space<vmem_shared>>
      %dma_start3A_324 = arith.constant 0 : i32
      %dma_start3A_325 = tpu.memref_slice %arg11[%add3A_84, %dma_start3A_324] : memref<10240x32xf32, #tpu.memory_space<vmem_shared>> -> memref<160x32xf32, #tpu.memory_space<vmem_shared>>
      tpu.enqueue_dma source(%arg16 : memref<160x32xf32, #tpu.memory_space<vmem>>) target(%dma_start3A_325 : memref<160x32xf32, #tpu.memory_space<vmem_shared>>) target_semaphore(%run_scoped3A : memref<!tpu.dma_semaphore, #tpu.memory_space<semaphore_mem>>)
      %dma_wait3A = arith.constant 0 : i32
      %dma_wait3A_326 = tpu.memref_slice %arg11[%add3A_84, %dma_wait3A] : memref<10240x32xf32, #tpu.memory_space<vmem_shared>> -> memref<160x32xf32, #tpu.memory_space<vmem_shared>>
      %dma_wait3A_327 = arith.constant 0 : i32
      %dma_wait3A_328 = tpu.memref_slice %arg11[%add3A_84, %dma_wait3A_327] : memref<10240x32xf32, #tpu.memory_space<vmem_shared>> -> memref<160x32xf32, #tpu.memory_space<vmem_shared>>
      tpu.wait_dma2 semaphore(%run_scoped3A : memref<!tpu.dma_semaphore, #tpu.memory_space<semaphore_mem>>) src(%arg16 : memref<160x32xf32, #tpu.memory_space<vmem>>) dst(%dma_wait3A_328 : memref<160x32xf32, #tpu.memory_space<vmem_shared>>)
      tpu.yield
    }) : () -> ()
    %mul3A_101 = arith.constant 640 : i32
    %mul3A_102 = arith.muli %arg1, %mul3A_101 : i32
    %add3A_103 = arith.constant 480 : i32
    %add3A_104 = arith.addi %mul3A_102, %add3A_103 : i32
    %eq3A_105 = arith.constant 0 : i32
    %eq3A_106 = arith.cmpi eq, %arg0, %eq3A_105 : i32
    %convert_element_type3A_107 = arith.extui %eq3A_106 : i1 to i32
    %cond3A_108 = arith.constant 0 : i32
    %cond3A_109 = arith.cmpi ne, %convert_element_type3A_107, %cond3A_108 : i32
    scf.if %cond3A_109 {
      "tpu.region"() ({
        %run_scoped3A = tpu.sem_alloc : memref<!tpu.dma_semaphore, #tpu.memory_space<semaphore_mem>>
        %dma_start3A_322 = arith.constant 0 : i32
        %dma_start3A_323 = tpu.memref_slice %arg3[%add3A_104, %dma_start3A_322] : memref<10240x32xf32, #tpu.memory_space<hbm>> -> memref<160x32xf32, #tpu.memory_space<hbm>>
        %dma_start3A_324 = arith.constant 0 : i32
        %dma_start3A_325 = tpu.memref_slice %arg3[%add3A_104, %dma_start3A_324] : memref<10240x32xf32, #tpu.memory_space<hbm>> -> memref<160x32xf32, #tpu.memory_space<hbm>>
        tpu.enqueue_dma source(%dma_start3A_325 : memref<160x32xf32, #tpu.memory_space<hbm>>) target(%arg16 : memref<160x32xf32, #tpu.memory_space<vmem>>) target_semaphore(%run_scoped3A : memref<!tpu.dma_semaphore, #tpu.memory_space<semaphore_mem>>)
        %dma_wait3A = arith.constant 0 : i32
        %dma_wait3A_326 = tpu.memref_slice %arg3[%add3A_104, %dma_wait3A] : memref<10240x32xf32, #tpu.memory_space<hbm>> -> memref<160x32xf32, #tpu.memory_space<hbm>>
        %dma_wait3A_327 = arith.constant 0 : i32
        %dma_wait3A_328 = tpu.memref_slice %arg3[%add3A_104, %dma_wait3A_327] : memref<10240x32xf32, #tpu.memory_space<hbm>> -> memref<160x32xf32, #tpu.memory_space<hbm>>
        tpu.wait_dma2 semaphore(%run_scoped3A : memref<!tpu.dma_semaphore, #tpu.memory_space<semaphore_mem>>) src(%dma_wait3A_328 : memref<160x32xf32, #tpu.memory_space<hbm>>) dst(%arg16 : memref<160x32xf32, #tpu.memory_space<vmem>>)
        tpu.yield
      }) : () -> ()
    } else {
    }
    %eq3A_110 = arith.constant 1 : i32
    %eq3A_111 = arith.cmpi eq, %arg0, %eq3A_110 : i32
    %convert_element_type3A_112 = arith.extui %eq3A_111 : i1 to i32
    %cond3A_113 = arith.constant 0 : i32
    %cond3A_114 = arith.cmpi ne, %convert_element_type3A_112, %cond3A_113 : i32
    scf.if %cond3A_114 {
      "tpu.region"() ({
        %run_scoped3A = tpu.sem_alloc : memref<!tpu.dma_semaphore, #tpu.memory_space<semaphore_mem>>
        %dma_start3A_322 = arith.constant 0 : i32
        %dma_start3A_323 = tpu.memref_slice %arg4[%add3A_104, %dma_start3A_322] : memref<10240x32xf32, #tpu.memory_space<hbm>> -> memref<160x32xf32, #tpu.memory_space<hbm>>
        %dma_start3A_324 = arith.constant 0 : i32
        %dma_start3A_325 = tpu.memref_slice %arg4[%add3A_104, %dma_start3A_324] : memref<10240x32xf32, #tpu.memory_space<hbm>> -> memref<160x32xf32, #tpu.memory_space<hbm>>
        tpu.enqueue_dma source(%dma_start3A_325 : memref<160x32xf32, #tpu.memory_space<hbm>>) target(%arg16 : memref<160x32xf32, #tpu.memory_space<vmem>>) target_semaphore(%run_scoped3A : memref<!tpu.dma_semaphore, #tpu.memory_space<semaphore_mem>>)
        %dma_wait3A = arith.constant 0 : i32
        %dma_wait3A_326 = tpu.memref_slice %arg4[%add3A_104, %dma_wait3A] : memref<10240x32xf32, #tpu.memory_space<hbm>> -> memref<160x32xf32, #tpu.memory_space<hbm>>
        %dma_wait3A_327 = arith.constant 0 : i32
        %dma_wait3A_328 = tpu.memref_slice %arg4[%add3A_104, %dma_wait3A_327] : memref<10240x32xf32, #tpu.memory_space<hbm>> -> memref<160x32xf32, #tpu.memory_space<hbm>>
        tpu.wait_dma2 semaphore(%run_scoped3A : memref<!tpu.dma_semaphore, #tpu.memory_space<semaphore_mem>>) src(%dma_wait3A_328 : memref<160x32xf32, #tpu.memory_space<hbm>>) dst(%arg16 : memref<160x32xf32, #tpu.memory_space<vmem>>)
        tpu.yield
      }) : () -> ()
    } else {
    }
    %scan3A_115 = arith.constant 0 : i32
    %scan3A_116 = arith.constant 0 : i32
    %scan3A_117 = arith.constant 160 : i32
    %scan3A_118 = arith.addi %scan3A_116, %scan3A_117 : i32
    %scan3A_119 = arith.constant 1 : i32
    scf.for %scan3A_322 = %scan3A_116 to %scan3A_118 step %scan3A_119  : i32 {
      %broadcast_in_dim3A = arith.constant 480 : i32
      %broadcast_in_dim3A_323 = vector.broadcast %broadcast_in_dim3A : i32 to vector<16xi32>
      %add3A_324 = vector.broadcast %scan3A_322 : i32 to vector<16xi32>
      %add3A_325 = arith.addi %broadcast_in_dim3A_323, %add3A_324 : vector<16xi32>
      %gather3A = tpu.vector_load_idx %arg14[%add3A_325] : memref<640xf32, #tpu.memory_space<vmem>>[vector<16xi32>], vector<16xf32>,
      %get3A = arith.index_cast %scan3A_322 : i32 to index
      %get3A_326 = arith.constant 0 : index
      %get3A_327 = tpu.vector_load %arg16[%get3A, %get3A_326] {strides = array<i32>} : memref<160x32xf32, #tpu.memory_space<vmem>>, vector<16xf32>,
      %mul3A_328 = arith.mulf %get3A_327, %gather3A : vector<16xf32>
      %swap3A = arith.index_cast %scan3A_322 : i32 to index
      %swap3A_329 = arith.constant 0 : index
      %swap3A_330 = tpu.vector_load %arg16[%swap3A, %swap3A_329] {strides = array<i32>} : memref<160x32xf32, #tpu.memory_space<vmem>>, vector<16xf32>,
      tpu.vector_store %arg16[%swap3A, %swap3A_329], %mul3A_328 {strides = array<i32>} : memref<160x32xf32, #tpu.memory_space<vmem>>, vector<16xf32>,
      %get3A_331 = arith.index_cast %scan3A_322 : i32 to index
      %get3A_332 = arith.constant 16 : index
      %get3A_333 = tpu.vector_load %arg16[%get3A_331, %get3A_332] {strides = array<i32>} : memref<160x32xf32, #tpu.memory_space<vmem>>, vector<16xf32>,
      %mul3A_334 = arith.mulf %get3A_333, %gather3A : vector<16xf32>
      %swap3A_335 = arith.index_cast %scan3A_322 : i32 to index
      %swap3A_336 = arith.constant 16 : index
      %swap3A_337 = tpu.vector_load %arg16[%swap3A_335, %swap3A_336] {strides = array<i32>} : memref<160x32xf32, #tpu.memory_space<vmem>>, vector<16xf32>,
      tpu.vector_store %arg16[%swap3A_335, %swap3A_336], %mul3A_334 {strides = array<i32>} : memref<160x32xf32, #tpu.memory_space<vmem>>, vector<16xf32>,
    }
    %scan3A_120 = arith.constant 160 : i32
    "tpu.region"() ({
      %run_scoped3A = tpu.sem_alloc : memref<!tpu.dma_semaphore, #tpu.memory_space<semaphore_mem>>
      %dma_start3A_322 = arith.constant 0 : i32
      %dma_start3A_323 = tpu.memref_slice %arg11[%add3A_104, %dma_start3A_322] : memref<10240x32xf32, #tpu.memory_space<vmem_shared>> -> memref<160x32xf32, #tpu.memory_space<vmem_shared>>
      %dma_start3A_324 = arith.constant 0 : i32
      %dma_start3A_325 = tpu.memref_slice %arg11[%add3A_104, %dma_start3A_324] : memref<10240x32xf32, #tpu.memory_space<vmem_shared>> -> memref<160x32xf32, #tpu.memory_space<vmem_shared>>
      tpu.enqueue_dma source(%arg16 : memref<160x32xf32, #tpu.memory_space<vmem>>) target(%dma_start3A_325 : memref<160x32xf32, #tpu.memory_space<vmem_shared>>) target_semaphore(%run_scoped3A : memref<!tpu.dma_semaphore, #tpu.memory_space<semaphore_mem>>)
      %dma_wait3A = arith.constant 0 : i32
      %dma_wait3A_326 = tpu.memref_slice %arg11[%add3A_104, %dma_wait3A] : memref<10240x32xf32, #tpu.memory_space<vmem_shared>> -> memref<160x32xf32, #tpu.memory_space<vmem_shared>>
      %dma_wait3A_327 = arith.constant 0 : i32
      %dma_wait3A_328 = tpu.memref_slice %arg11[%add3A_104, %dma_wait3A_327] : memref<10240x32xf32, #tpu.memory_space<vmem_shared>> -> memref<160x32xf32, #tpu.memory_space<vmem_shared>>
      tpu.wait_dma2 semaphore(%run_scoped3A : memref<!tpu.dma_semaphore, #tpu.memory_space<semaphore_mem>>) src(%arg16 : memref<160x32xf32, #tpu.memory_space<vmem>>) dst(%dma_wait3A_328 : memref<160x32xf32, #tpu.memory_space<vmem_shared>>)
      tpu.yield
    }) : () -> ()
    %barrier3A = arith.constant 0 : index
    tpu.barrier barrier_id(%barrier3A)
    %dma_start3A = arith.constant 0 : i32
    %dma_start3A_121 = arith.constant 0 : i32
    %dma_start3A_122 = arith.constant 0 : i32
    %dma_start3A_123 = arith.constant 0 : i32
    %dma_start3A_124 = arith.constant 0 : i32
    %dma_start3A_125 = tpu.memref_slice %arg10[%dma_start3A_121, %dma_start3A_123, %dma_start3A_124] : memref<8x128x32xf32, #tpu.memory_space<vmem>> -> memref<1x128x32xf32, #tpu.memory_space<vmem>>
    %dma_start3A_126 = tpu.memref_squeeze %dma_start3A_125 : memref<1x128x32xf32, #tpu.memory_space<vmem>> -> memref<128x32xf32, #tpu.memory_space<vmem>>
    %dma_start3A_127 = arith.constant 0 : i32
    %dma_start3A_128 = tpu.memref_slice %arg8[%dma_start3A, %dma_start3A_127] : memref<157x128xi32, #tpu.memory_space<vmem>> -> memref<1x128xi32, #tpu.memory_space<vmem>>
    %dma_start3A_129 = tpu.memref_squeeze %dma_start3A_128 : memref<1x128xi32, #tpu.memory_space<vmem>> -> memref<128xi32, #tpu.memory_space<vmem>>
    %dma_start3A_130 = arith.constant 0 : i32
    %dma_start3A_131 = arith.constant 0 : i32
    %dma_start3A_132 = tpu.memref_slice %arg11[%dma_start3A_130, %dma_start3A_131] : memref<10240x32xf32, #tpu.memory_space<vmem_shared>> -> memref<10240x32xf32, #tpu.memory_space<vmem_shared>>
    %dma_start3A_133 = tpu.memref_slice %arg13[%dma_start3A_122] : memref<8x!tpu.dma_semaphore, #tpu.memory_space<semaphore_mem>> -> memref<1x!tpu.dma_semaphore, #tpu.memory_space<semaphore_mem>>
    %dma_start3A_134 = tpu.memref_squeeze %dma_start3A_133 : memref<1x!tpu.dma_semaphore, #tpu.memory_space<semaphore_mem>> -> memref<!tpu.dma_semaphore, #tpu.memory_space<semaphore_mem>>
    tpu.enqueue_indirect_dma source(%dma_start3A_132 : memref<10240x32xf32, #tpu.memory_space<vmem_shared>>) target(%dma_start3A_126 : memref<128x32xf32, #tpu.memory_space<vmem>>) offsets(%dma_start3A_129 : memref<128xi32, #tpu.memory_space<vmem>>) semaphore(%dma_start3A_134 : memref<!tpu.dma_semaphore, #tpu.memory_space<semaphore_mem>>)
    %dma_start3A_135 = arith.constant 1 : i32
    %dma_start3A_136 = arith.constant 1 : i32
    %dma_start3A_137 = arith.constant 1 : i32
    %dma_start3A_138 = arith.constant 0 : i32
    %dma_start3A_139 = arith.constant 0 : i32
    %dma_start3A_140 = tpu.memref_slice %arg10[%dma_start3A_136, %dma_start3A_138, %dma_start3A_139] : memref<8x128x32xf32, #tpu.memory_space<vmem>> -> memref<1x128x32xf32, #tpu.memory_space<vmem>>
    %dma_start3A_141 = tpu.memref_squeeze %dma_start3A_140 : memref<1x128x32xf32, #tpu.memory_space<vmem>> -> memref<128x32xf32, #tpu.memory_space<vmem>>
    %dma_start3A_142 = arith.constant 0 : i32
    %dma_start3A_143 = tpu.memref_slice %arg8[%dma_start3A_135, %dma_start3A_142] : memref<157x128xi32, #tpu.memory_space<vmem>> -> memref<1x128xi32, #tpu.memory_space<vmem>>
    %dma_start3A_144 = tpu.memref_squeeze %dma_start3A_143 : memref<1x128xi32, #tpu.memory_space<vmem>> -> memref<128xi32, #tpu.memory_space<vmem>>
    %dma_start3A_145 = arith.constant 0 : i32
    %dma_start3A_146 = arith.constant 0 : i32
    %dma_start3A_147 = tpu.memref_slice %arg11[%dma_start3A_145, %dma_start3A_146] : memref<10240x32xf32, #tpu.memory_space<vmem_shared>> -> memref<10240x32xf32, #tpu.memory_space<vmem_shared>>
    %dma_start3A_148 = tpu.memref_slice %arg13[%dma_start3A_137] : memref<8x!tpu.dma_semaphore, #tpu.memory_space<semaphore_mem>> -> memref<1x!tpu.dma_semaphore, #tpu.memory_space<semaphore_mem>>
    %dma_start3A_149 = tpu.memref_squeeze %dma_start3A_148 : memref<1x!tpu.dma_semaphore, #tpu.memory_space<semaphore_mem>> -> memref<!tpu.dma_semaphore, #tpu.memory_space<semaphore_mem>>
    tpu.enqueue_indirect_dma source(%dma_start3A_147 : memref<10240x32xf32, #tpu.memory_space<vmem_shared>>) target(%dma_start3A_141 : memref<128x32xf32, #tpu.memory_space<vmem>>) offsets(%dma_start3A_144 : memref<128xi32, #tpu.memory_space<vmem>>) semaphore(%dma_start3A_149 : memref<!tpu.dma_semaphore, #tpu.memory_space<semaphore_mem>>)
    %dma_start3A_150 = arith.constant 2 : i32
    %dma_start3A_151 = arith.constant 2 : i32
    %dma_start3A_152 = arith.constant 2 : i32
    %dma_start3A_153 = arith.constant 0 : i32
    %dma_start3A_154 = arith.constant 0 : i32
    %dma_start3A_155 = tpu.memref_slice %arg10[%dma_start3A_151, %dma_start3A_153, %dma_start3A_154] : memref<8x128x32xf32, #tpu.memory_space<vmem>> -> memref<1x128x32xf32, #tpu.memory_space<vmem>>
    %dma_start3A_156 = tpu.memref_squeeze %dma_start3A_155 : memref<1x128x32xf32, #tpu.memory_space<vmem>> -> memref<128x32xf32, #tpu.memory_space<vmem>>
    %dma_start3A_157 = arith.constant 0 : i32
    %dma_start3A_158 = tpu.memref_slice %arg8[%dma_start3A_150, %dma_start3A_157] : memref<157x128xi32, #tpu.memory_space<vmem>> -> memref<1x128xi32, #tpu.memory_space<vmem>>
    %dma_start3A_159 = tpu.memref_squeeze %dma_start3A_158 : memref<1x128xi32, #tpu.memory_space<vmem>> -> memref<128xi32, #tpu.memory_space<vmem>>
    %dma_start3A_160 = arith.constant 0 : i32
    %dma_start3A_161 = arith.constant 0 : i32
    %dma_start3A_162 = tpu.memref_slice %arg11[%dma_start3A_160, %dma_start3A_161] : memref<10240x32xf32, #tpu.memory_space<vmem_shared>> -> memref<10240x32xf32, #tpu.memory_space<vmem_shared>>
    %dma_start3A_163 = tpu.memref_slice %arg13[%dma_start3A_152] : memref<8x!tpu.dma_semaphore, #tpu.memory_space<semaphore_mem>> -> memref<1x!tpu.dma_semaphore, #tpu.memory_space<semaphore_mem>>
    %dma_start3A_164 = tpu.memref_squeeze %dma_start3A_163 : memref<1x!tpu.dma_semaphore, #tpu.memory_space<semaphore_mem>> -> memref<!tpu.dma_semaphore, #tpu.memory_space<semaphore_mem>>
    tpu.enqueue_indirect_dma source(%dma_start3A_162 : memref<10240x32xf32, #tpu.memory_space<vmem_shared>>) target(%dma_start3A_156 : memref<128x32xf32, #tpu.memory_space<vmem>>) offsets(%dma_start3A_159 : memref<128xi32, #tpu.memory_space<vmem>>) semaphore(%dma_start3A_164 : memref<!tpu.dma_semaphore, #tpu.memory_space<semaphore_mem>>)
    %dma_start3A_165 = arith.constant 3 : i32
    %dma_start3A_166 = arith.constant 3 : i32
    %dma_start3A_167 = arith.constant 3 : i32
    %dma_start3A_168 = arith.constant 0 : i32
    %dma_start3A_169 = arith.constant 0 : i32
    %dma_start3A_170 = tpu.memref_slice %arg10[%dma_start3A_166, %dma_start3A_168, %dma_start3A_169] : memref<8x128x32xf32, #tpu.memory_space<vmem>> -> memref<1x128x32xf32, #tpu.memory_space<vmem>>
    %dma_start3A_171 = tpu.memref_squeeze %dma_start3A_170 : memref<1x128x32xf32, #tpu.memory_space<vmem>> -> memref<128x32xf32, #tpu.memory_space<vmem>>
    %dma_start3A_172 = arith.constant 0 : i32
    %dma_start3A_173 = tpu.memref_slice %arg8[%dma_start3A_165, %dma_start3A_172] : memref<157x128xi32, #tpu.memory_space<vmem>> -> memref<1x128xi32, #tpu.memory_space<vmem>>
    %dma_start3A_174 = tpu.memref_squeeze %dma_start3A_173 : memref<1x128xi32, #tpu.memory_space<vmem>> -> memref<128xi32, #tpu.memory_space<vmem>>
    %dma_start3A_175 = arith.constant 0 : i32
    %dma_start3A_176 = arith.constant 0 : i32
    %dma_start3A_177 = tpu.memref_slice %arg11[%dma_start3A_175, %dma_start3A_176] : memref<10240x32xf32, #tpu.memory_space<vmem_shared>> -> memref<10240x32xf32, #tpu.memory_space<vmem_shared>>
    %dma_start3A_178 = tpu.memref_slice %arg13[%dma_start3A_167] : memref<8x!tpu.dma_semaphore, #tpu.memory_space<semaphore_mem>> -> memref<1x!tpu.dma_semaphore, #tpu.memory_space<semaphore_mem>>
    %dma_start3A_179 = tpu.memref_squeeze %dma_start3A_178 : memref<1x!tpu.dma_semaphore, #tpu.memory_space<semaphore_mem>> -> memref<!tpu.dma_semaphore, #tpu.memory_space<semaphore_mem>>
    tpu.enqueue_indirect_dma source(%dma_start3A_177 : memref<10240x32xf32, #tpu.memory_space<vmem_shared>>) target(%dma_start3A_171 : memref<128x32xf32, #tpu.memory_space<vmem>>) offsets(%dma_start3A_174 : memref<128xi32, #tpu.memory_space<vmem>>) semaphore(%dma_start3A_179 : memref<!tpu.dma_semaphore, #tpu.memory_space<semaphore_mem>>)
    %dma_start3A_180 = arith.constant 4 : i32
    %dma_start3A_181 = arith.constant 4 : i32
    %dma_start3A_182 = arith.constant 4 : i32
    %dma_start3A_183 = arith.constant 0 : i32
    %dma_start3A_184 = arith.constant 0 : i32
    %dma_start3A_185 = tpu.memref_slice %arg10[%dma_start3A_181, %dma_start3A_183, %dma_start3A_184] : memref<8x128x32xf32, #tpu.memory_space<vmem>> -> memref<1x128x32xf32, #tpu.memory_space<vmem>>
    %dma_start3A_186 = tpu.memref_squeeze %dma_start3A_185 : memref<1x128x32xf32, #tpu.memory_space<vmem>> -> memref<128x32xf32, #tpu.memory_space<vmem>>
    %dma_start3A_187 = arith.constant 0 : i32
    %dma_start3A_188 = tpu.memref_slice %arg8[%dma_start3A_180, %dma_start3A_187] : memref<157x128xi32, #tpu.memory_space<vmem>> -> memref<1x128xi32, #tpu.memory_space<vmem>>
    %dma_start3A_189 = tpu.memref_squeeze %dma_start3A_188 : memref<1x128xi32, #tpu.memory_space<vmem>> -> memref<128xi32, #tpu.memory_space<vmem>>
    %dma_start3A_190 = arith.constant 0 : i32
    %dma_start3A_191 = arith.constant 0 : i32
    %dma_start3A_192 = tpu.memref_slice %arg11[%dma_start3A_190, %dma_start3A_191] : memref<10240x32xf32, #tpu.memory_space<vmem_shared>> -> memref<10240x32xf32, #tpu.memory_space<vmem_shared>>
    %dma_start3A_193 = tpu.memref_slice %arg13[%dma_start3A_182] : memref<8x!tpu.dma_semaphore, #tpu.memory_space<semaphore_mem>> -> memref<1x!tpu.dma_semaphore, #tpu.memory_space<semaphore_mem>>
    %dma_start3A_194 = tpu.memref_squeeze %dma_start3A_193 : memref<1x!tpu.dma_semaphore, #tpu.memory_space<semaphore_mem>> -> memref<!tpu.dma_semaphore, #tpu.memory_space<semaphore_mem>>
    tpu.enqueue_indirect_dma source(%dma_start3A_192 : memref<10240x32xf32, #tpu.memory_space<vmem_shared>>) target(%dma_start3A_186 : memref<128x32xf32, #tpu.memory_space<vmem>>) offsets(%dma_start3A_189 : memref<128xi32, #tpu.memory_space<vmem>>) semaphore(%dma_start3A_194 : memref<!tpu.dma_semaphore, #tpu.memory_space<semaphore_mem>>)
    %dma_start3A_195 = arith.constant 5 : i32
    %dma_start3A_196 = arith.constant 5 : i32
    %dma_start3A_197 = arith.constant 5 : i32
    %dma_start3A_198 = arith.constant 0 : i32
    %dma_start3A_199 = arith.constant 0 : i32
    %dma_start3A_200 = tpu.memref_slice %arg10[%dma_start3A_196, %dma_start3A_198, %dma_start3A_199] : memref<8x128x32xf32, #tpu.memory_space<vmem>> -> memref<1x128x32xf32, #tpu.memory_space<vmem>>
    %dma_start3A_201 = tpu.memref_squeeze %dma_start3A_200 : memref<1x128x32xf32, #tpu.memory_space<vmem>> -> memref<128x32xf32, #tpu.memory_space<vmem>>
    %dma_start3A_202 = arith.constant 0 : i32
    %dma_start3A_203 = tpu.memref_slice %arg8[%dma_start3A_195, %dma_start3A_202] : memref<157x128xi32, #tpu.memory_space<vmem>> -> memref<1x128xi32, #tpu.memory_space<vmem>>
    %dma_start3A_204 = tpu.memref_squeeze %dma_start3A_203 : memref<1x128xi32, #tpu.memory_space<vmem>> -> memref<128xi32, #tpu.memory_space<vmem>>
    %dma_start3A_205 = arith.constant 0 : i32
    %dma_start3A_206 = arith.constant 0 : i32
    %dma_start3A_207 = tpu.memref_slice %arg11[%dma_start3A_205, %dma_start3A_206] : memref<10240x32xf32, #tpu.memory_space<vmem_shared>> -> memref<10240x32xf32, #tpu.memory_space<vmem_shared>>
    %dma_start3A_208 = tpu.memref_slice %arg13[%dma_start3A_197] : memref<8x!tpu.dma_semaphore, #tpu.memory_space<semaphore_mem>> -> memref<1x!tpu.dma_semaphore, #tpu.memory_space<semaphore_mem>>
    %dma_start3A_209 = tpu.memref_squeeze %dma_start3A_208 : memref<1x!tpu.dma_semaphore, #tpu.memory_space<semaphore_mem>> -> memref<!tpu.dma_semaphore, #tpu.memory_space<semaphore_mem>>
    tpu.enqueue_indirect_dma source(%dma_start3A_207 : memref<10240x32xf32, #tpu.memory_space<vmem_shared>>) target(%dma_start3A_201 : memref<128x32xf32, #tpu.memory_space<vmem>>) offsets(%dma_start3A_204 : memref<128xi32, #tpu.memory_space<vmem>>) semaphore(%dma_start3A_209 : memref<!tpu.dma_semaphore, #tpu.memory_space<semaphore_mem>>)
    %dma_start3A_210 = arith.constant 6 : i32
    %dma_start3A_211 = arith.constant 6 : i32
    %dma_start3A_212 = arith.constant 6 : i32
    %dma_start3A_213 = arith.constant 0 : i32
    %dma_start3A_214 = arith.constant 0 : i32
    %dma_start3A_215 = tpu.memref_slice %arg10[%dma_start3A_211, %dma_start3A_213, %dma_start3A_214] : memref<8x128x32xf32, #tpu.memory_space<vmem>> -> memref<1x128x32xf32, #tpu.memory_space<vmem>>
    %dma_start3A_216 = tpu.memref_squeeze %dma_start3A_215 : memref<1x128x32xf32, #tpu.memory_space<vmem>> -> memref<128x32xf32, #tpu.memory_space<vmem>>
    %dma_start3A_217 = arith.constant 0 : i32
    %dma_start3A_218 = tpu.memref_slice %arg8[%dma_start3A_210, %dma_start3A_217] : memref<157x128xi32, #tpu.memory_space<vmem>> -> memref<1x128xi32, #tpu.memory_space<vmem>>
    %dma_start3A_219 = tpu.memref_squeeze %dma_start3A_218 : memref<1x128xi32, #tpu.memory_space<vmem>> -> memref<128xi32, #tpu.memory_space<vmem>>
    %dma_start3A_220 = arith.constant 0 : i32
    %dma_start3A_221 = arith.constant 0 : i32
    %dma_start3A_222 = tpu.memref_slice %arg11[%dma_start3A_220, %dma_start3A_221] : memref<10240x32xf32, #tpu.memory_space<vmem_shared>> -> memref<10240x32xf32, #tpu.memory_space<vmem_shared>>
    %dma_start3A_223 = tpu.memref_slice %arg13[%dma_start3A_212] : memref<8x!tpu.dma_semaphore, #tpu.memory_space<semaphore_mem>> -> memref<1x!tpu.dma_semaphore, #tpu.memory_space<semaphore_mem>>
    %dma_start3A_224 = tpu.memref_squeeze %dma_start3A_223 : memref<1x!tpu.dma_semaphore, #tpu.memory_space<semaphore_mem>> -> memref<!tpu.dma_semaphore, #tpu.memory_space<semaphore_mem>>
    tpu.enqueue_indirect_dma source(%dma_start3A_222 : memref<10240x32xf32, #tpu.memory_space<vmem_shared>>) target(%dma_start3A_216 : memref<128x32xf32, #tpu.memory_space<vmem>>) offsets(%dma_start3A_219 : memref<128xi32, #tpu.memory_space<vmem>>) semaphore(%dma_start3A_224 : memref<!tpu.dma_semaphore, #tpu.memory_space<semaphore_mem>>)
    %dma_start3A_225 = arith.constant 7 : i32
    %dma_start3A_226 = arith.constant 7 : i32
    %dma_start3A_227 = arith.constant 7 : i32
    %dma_start3A_228 = arith.constant 0 : i32
    %dma_start3A_229 = arith.constant 0 : i32
    %dma_start3A_230 = tpu.memref_slice %arg10[%dma_start3A_226, %dma_start3A_228, %dma_start3A_229] : memref<8x128x32xf32, #tpu.memory_space<vmem>> -> memref<1x128x32xf32, #tpu.memory_space<vmem>>
    %dma_start3A_231 = tpu.memref_squeeze %dma_start3A_230 : memref<1x128x32xf32, #tpu.memory_space<vmem>> -> memref<128x32xf32, #tpu.memory_space<vmem>>
    %dma_start3A_232 = arith.constant 0 : i32
    %dma_start3A_233 = tpu.memref_slice %arg8[%dma_start3A_225, %dma_start3A_232] : memref<157x128xi32, #tpu.memory_space<vmem>> -> memref<1x128xi32, #tpu.memory_space<vmem>>
    %dma_start3A_234 = tpu.memref_squeeze %dma_start3A_233 : memref<1x128xi32, #tpu.memory_space<vmem>> -> memref<128xi32, #tpu.memory_space<vmem>>
    %dma_start3A_235 = arith.constant 0 : i32
    %dma_start3A_236 = arith.constant 0 : i32
    %dma_start3A_237 = tpu.memref_slice %arg11[%dma_start3A_235, %dma_start3A_236] : memref<10240x32xf32, #tpu.memory_space<vmem_shared>> -> memref<10240x32xf32, #tpu.memory_space<vmem_shared>>
    %dma_start3A_238 = tpu.memref_slice %arg13[%dma_start3A_227] : memref<8x!tpu.dma_semaphore, #tpu.memory_space<semaphore_mem>> -> memref<1x!tpu.dma_semaphore, #tpu.memory_space<semaphore_mem>>
    %dma_start3A_239 = tpu.memref_squeeze %dma_start3A_238 : memref<1x!tpu.dma_semaphore, #tpu.memory_space<semaphore_mem>> -> memref<!tpu.dma_semaphore, #tpu.memory_space<semaphore_mem>>
    tpu.enqueue_indirect_dma source(%dma_start3A_237 : memref<10240x32xf32, #tpu.memory_space<vmem_shared>>) target(%dma_start3A_231 : memref<128x32xf32, #tpu.memory_space<vmem>>) offsets(%dma_start3A_234 : memref<128xi32, #tpu.memory_space<vmem>>) semaphore(%dma_start3A_239 : memref<!tpu.dma_semaphore, #tpu.memory_space<semaphore_mem>>)
    %scan3A_240 = arith.constant 0 : i32
    %scan3A_241 = arith.constant 0 : i32
    %scan3A_242 = arith.constant 20 : i32
    %scan3A_243 = arith.addi %scan3A_241, %scan3A_242 : i32
    %scan3A_244 = arith.constant 1 : i32
    scf.for %scan3A_322 = %scan3A_241 to %scan3A_243 step %scan3A_244  : i32 {
      %mul3A_323 = arith.constant 8 : i32
      %mul3A_324 = arith.muli %scan3A_322, %mul3A_323 : i32
      %add3A_325 = arith.constant 0 : i32
      %add3A_326 = arith.addi %mul3A_324, %add3A_325 : i32
      %lt3A_327 = arith.cmpi slt, %add3A_326, %add3A_2 : i32
      %convert_element_type3A_328 = arith.extui %lt3A_327 : i1 to i32
      %cond3A_329 = arith.constant 0 : i32
      %cond3A_330 = arith.cmpi ne, %convert_element_type3A_328, %cond3A_329 : i32
      scf.if %cond3A_330 {
        %dma_wait3A = arith.constant 0 : i32
        %dma_wait3A_421 = arith.constant 0 : i32
        %dma_wait3A_422 = arith.constant 0 : i32
        %dma_wait3A_423 = arith.constant 0 : i32
        %dma_wait3A_424 = tpu.memref_slice %arg10[%dma_wait3A, %dma_wait3A_422, %dma_wait3A_423] : memref<8x128x32xf32, #tpu.memory_space<vmem>> -> memref<1x128x32xf32, #tpu.memory_space<vmem>>
        %dma_wait3A_425 = tpu.memref_squeeze %dma_wait3A_424 : memref<1x128x32xf32, #tpu.memory_space<vmem>> -> memref<128x32xf32, #tpu.memory_space<vmem>>
        %dma_wait3A_426 = arith.constant 0 : i32
        %dma_wait3A_427 = tpu.memref_slice %arg8[%add3A_326, %dma_wait3A_426] : memref<157x128xi32, #tpu.memory_space<vmem>> -> memref<1x128xi32, #tpu.memory_space<vmem>>
        %dma_wait3A_428 = tpu.memref_squeeze %dma_wait3A_427 : memref<1x128xi32, #tpu.memory_space<vmem>> -> memref<128xi32, #tpu.memory_space<vmem>>
        %dma_wait3A_429 = arith.constant 0 : i32
        %dma_wait3A_430 = arith.constant 0 : i32
        %dma_wait3A_431 = tpu.memref_slice %arg11[%dma_wait3A_429, %dma_wait3A_430] : memref<10240x32xf32, #tpu.memory_space<vmem_shared>> -> memref<10240x32xf32, #tpu.memory_space<vmem_shared>>
        %dma_wait3A_432 = tpu.memref_slice %arg13[%dma_wait3A_421] : memref<8x!tpu.dma_semaphore, #tpu.memory_space<semaphore_mem>> -> memref<1x!tpu.dma_semaphore, #tpu.memory_space<semaphore_mem>>
        %dma_wait3A_433 = tpu.memref_squeeze %dma_wait3A_432 : memref<1x!tpu.dma_semaphore, #tpu.memory_space<semaphore_mem>> -> memref<!tpu.dma_semaphore, #tpu.memory_space<semaphore_mem>>
        tpu.wait_indirect_dma semaphore(%dma_wait3A_433 : memref<!tpu.dma_semaphore, #tpu.memory_space<semaphore_mem>>) src(%dma_wait3A_431 : memref<10240x32xf32, #tpu.memory_space<vmem_shared>>) dst(%dma_wait3A_425 : memref<128x32xf32, #tpu.memory_space<vmem>>)
        %run_scoped3A = arith.constant 0 : i32
        "tpu.region"() ({
          %run_scoped3A_434 = tpu.sem_alloc : memref<!tpu.dma_semaphore, #tpu.memory_space<semaphore_mem>>
          %dma_start3A_435 = arith.constant 0 : i32
          %dma_start3A_436 = arith.constant 0 : i32
          %dma_start3A_437 = tpu.memref_slice %arg10[%run_scoped3A, %dma_start3A_435, %dma_start3A_436] : memref<8x128x32xf32, #tpu.memory_space<vmem>> -> memref<1x128x32xf32, #tpu.memory_space<vmem>>
          %dma_start3A_438 = tpu.memref_squeeze %dma_start3A_437 : memref<1x128x32xf32, #tpu.memory_space<vmem>> -> memref<128x32xf32, #tpu.memory_space<vmem>>
          %dma_start3A_439 = arith.constant 0 : i32
          %dma_start3A_440 = tpu.memref_slice %arg9[%add3A_326, %dma_start3A_439] : memref<157x128xi32, #tpu.memory_space<vmem>> -> memref<1x128xi32, #tpu.memory_space<vmem>>
          %dma_start3A_441 = tpu.memref_squeeze %dma_start3A_440 : memref<1x128xi32, #tpu.memory_space<vmem>> -> memref<128xi32, #tpu.memory_space<vmem>>
          %dma_start3A_442 = arith.constant 0 : i32
          %dma_start3A_443 = arith.constant 0 : i32
          %dma_start3A_444 = tpu.memref_slice %arg12[%dma_start3A_442, %dma_start3A_443] : memref<10240x32xf32, #tpu.memory_space<vmem_shared>> -> memref<10240x32xf32, #tpu.memory_space<vmem_shared>>
          tpu.enqueue_indirect_dma source(%dma_start3A_438 : memref<128x32xf32, #tpu.memory_space<vmem>>) target(%dma_start3A_444 : memref<10240x32xf32, #tpu.memory_space<vmem_shared>>) offsets(%dma_start3A_441 : memref<128xi32, #tpu.memory_space<vmem>>) semaphore(%run_scoped3A_434 : memref<!tpu.dma_semaphore, #tpu.memory_space<semaphore_mem>>) {add = true}
          %dma_wait3A_445 = arith.constant 0 : i32
          %dma_wait3A_446 = arith.constant 0 : i32
          %dma_wait3A_447 = tpu.memref_slice %arg10[%run_scoped3A, %dma_wait3A_445, %dma_wait3A_446] : memref<8x128x32xf32, #tpu.memory_space<vmem>> -> memref<1x128x32xf32, #tpu.memory_space<vmem>>
          %dma_wait3A_448 = tpu.memref_squeeze %dma_wait3A_447 : memref<1x128x32xf32, #tpu.memory_space<vmem>> -> memref<128x32xf32, #tpu.memory_space<vmem>>
          %dma_wait3A_449 = arith.constant 0 : i32
          %dma_wait3A_450 = tpu.memref_slice %arg9[%add3A_326, %dma_wait3A_449] : memref<157x128xi32, #tpu.memory_space<vmem>> -> memref<1x128xi32, #tpu.memory_space<vmem>>
          %dma_wait3A_451 = tpu.memref_squeeze %dma_wait3A_450 : memref<1x128xi32, #tpu.memory_space<vmem>> -> memref<128xi32, #tpu.memory_space<vmem>>
          %dma_wait3A_452 = arith.constant 0 : i32
          %dma_wait3A_453 = arith.constant 0 : i32
          %dma_wait3A_454 = tpu.memref_slice %arg12[%dma_wait3A_452, %dma_wait3A_453] : memref<10240x32xf32, #tpu.memory_space<vmem_shared>> -> memref<10240x32xf32, #tpu.memory_space<vmem_shared>>
          tpu.wait_indirect_dma semaphore(%run_scoped3A_434 : memref<!tpu.dma_semaphore, #tpu.memory_space<semaphore_mem>>) src(%dma_wait3A_448 : memref<128x32xf32, #tpu.memory_space<vmem>>) dst(%dma_wait3A_454 : memref<10240x32xf32, #tpu.memory_space<vmem_shared>>)
          tpu.yield
        }) : () -> ()
      } else {
      }
      %add3A_331 = arith.constant 8 : i32
      %add3A_332 = arith.addi %add3A_326, %add3A_331 : i32
      %lt3A_333 = arith.cmpi slt, %add3A_332, %add3A_2 : i32
      %convert_element_type3A_334 = arith.extui %lt3A_333 : i1 to i32
      %cond3A_335 = arith.constant 0 : i32
      %cond3A_336 = arith.cmpi ne, %convert_element_type3A_334, %cond3A_335 : i32
      scf.if %cond3A_336 {
        %dma_start3A_421 = arith.constant 0 : i32
        %dma_start3A_422 = arith.constant 0 : i32
        %dma_start3A_423 = arith.constant 0 : i32
        %dma_start3A_424 = arith.constant 0 : i32
        %dma_start3A_425 = tpu.memref_slice %arg10[%dma_start3A_421, %dma_start3A_423, %dma_start3A_424] : memref<8x128x32xf32, #tpu.memory_space<vmem>> -> memref<1x128x32xf32, #tpu.memory_space<vmem>>
        %dma_start3A_426 = tpu.memref_squeeze %dma_start3A_425 : memref<1x128x32xf32, #tpu.memory_space<vmem>> -> memref<128x32xf32, #tpu.memory_space<vmem>>
        %dma_start3A_427 = arith.constant 0 : i32
        %dma_start3A_428 = tpu.memref_slice %arg8[%add3A_332, %dma_start3A_427] : memref<157x128xi32, #tpu.memory_space<vmem>> -> memref<1x128xi32, #tpu.memory_space<vmem>>
        %dma_start3A_429 = tpu.memref_squeeze %dma_start3A_428 : memref<1x128xi32, #tpu.memory_space<vmem>> -> memref<128xi32, #tpu.memory_space<vmem>>
        %dma_start3A_430 = arith.constant 0 : i32
        %dma_start3A_431 = arith.constant 0 : i32
        %dma_start3A_432 = tpu.memref_slice %arg11[%dma_start3A_430, %dma_start3A_431] : memref<10240x32xf32, #tpu.memory_space<vmem_shared>> -> memref<10240x32xf32, #tpu.memory_space<vmem_shared>>
        %dma_start3A_433 = tpu.memref_slice %arg13[%dma_start3A_422] : memref<8x!tpu.dma_semaphore, #tpu.memory_space<semaphore_mem>> -> memref<1x!tpu.dma_semaphore, #tpu.memory_space<semaphore_mem>>
        %dma_start3A_434 = tpu.memref_squeeze %dma_start3A_433 : memref<1x!tpu.dma_semaphore, #tpu.memory_space<semaphore_mem>> -> memref<!tpu.dma_semaphore, #tpu.memory_space<semaphore_mem>>
        tpu.enqueue_indirect_dma source(%dma_start3A_432 : memref<10240x32xf32, #tpu.memory_space<vmem_shared>>) target(%dma_start3A_426 : memref<128x32xf32, #tpu.memory_space<vmem>>) offsets(%dma_start3A_429 : memref<128xi32, #tpu.memory_space<vmem>>) semaphore(%dma_start3A_434 : memref<!tpu.dma_semaphore, #tpu.memory_space<semaphore_mem>>)
      } else {
      }
      %add3A_337 = arith.constant 1 : i32
      %add3A_338 = arith.addi %mul3A_324, %add3A_337 : i32
      %lt3A_339 = arith.cmpi slt, %add3A_338, %add3A_2 : i32
      %convert_element_type3A_340 = arith.extui %lt3A_339 : i1 to i32
      %cond3A_341 = arith.constant 0 : i32
      %cond3A_342 = arith.cmpi ne, %convert_element_type3A_340, %cond3A_341 : i32
      scf.if %cond3A_342 {
        %dma_wait3A = arith.constant 1 : i32
        %dma_wait3A_421 = arith.constant 1 : i32
        %dma_wait3A_422 = arith.constant 0 : i32
        %dma_wait3A_423 = arith.constant 0 : i32
        %dma_wait3A_424 = tpu.memref_slice %arg10[%dma_wait3A, %dma_wait3A_422, %dma_wait3A_423] : memref<8x128x32xf32, #tpu.memory_space<vmem>> -> memref<1x128x32xf32, #tpu.memory_space<vmem>>
        %dma_wait3A_425 = tpu.memref_squeeze %dma_wait3A_424 : memref<1x128x32xf32, #tpu.memory_space<vmem>> -> memref<128x32xf32, #tpu.memory_space<vmem>>
        %dma_wait3A_426 = arith.constant 0 : i32
        %dma_wait3A_427 = tpu.memref_slice %arg8[%add3A_338, %dma_wait3A_426] : memref<157x128xi32, #tpu.memory_space<vmem>> -> memref<1x128xi32, #tpu.memory_space<vmem>>
        %dma_wait3A_428 = tpu.memref_squeeze %dma_wait3A_427 : memref<1x128xi32, #tpu.memory_space<vmem>> -> memref<128xi32, #tpu.memory_space<vmem>>
        %dma_wait3A_429 = arith.constant 0 : i32
        %dma_wait3A_430 = arith.constant 0 : i32
        %dma_wait3A_431 = tpu.memref_slice %arg11[%dma_wait3A_429, %dma_wait3A_430] : memref<10240x32xf32, #tpu.memory_space<vmem_shared>> -> memref<10240x32xf32, #tpu.memory_space<vmem_shared>>
        %dma_wait3A_432 = tpu.memref_slice %arg13[%dma_wait3A_421] : memref<8x!tpu.dma_semaphore, #tpu.memory_space<semaphore_mem>> -> memref<1x!tpu.dma_semaphore, #tpu.memory_space<semaphore_mem>>
        %dma_wait3A_433 = tpu.memref_squeeze %dma_wait3A_432 : memref<1x!tpu.dma_semaphore, #tpu.memory_space<semaphore_mem>> -> memref<!tpu.dma_semaphore, #tpu.memory_space<semaphore_mem>>
        tpu.wait_indirect_dma semaphore(%dma_wait3A_433 : memref<!tpu.dma_semaphore, #tpu.memory_space<semaphore_mem>>) src(%dma_wait3A_431 : memref<10240x32xf32, #tpu.memory_space<vmem_shared>>) dst(%dma_wait3A_425 : memref<128x32xf32, #tpu.memory_space<vmem>>)
        %run_scoped3A = arith.constant 1 : i32
        "tpu.region"() ({
          %run_scoped3A_434 = tpu.sem_alloc : memref<!tpu.dma_semaphore, #tpu.memory_space<semaphore_mem>>
          %dma_start3A_435 = arith.constant 0 : i32
          %dma_start3A_436 = arith.constant 0 : i32
          %dma_start3A_437 = tpu.memref_slice %arg10[%run_scoped3A, %dma_start3A_435, %dma_start3A_436] : memref<8x128x32xf32, #tpu.memory_space<vmem>> -> memref<1x128x32xf32, #tpu.memory_space<vmem>>
          %dma_start3A_438 = tpu.memref_squeeze %dma_start3A_437 : memref<1x128x32xf32, #tpu.memory_space<vmem>> -> memref<128x32xf32, #tpu.memory_space<vmem>>
          %dma_start3A_439 = arith.constant 0 : i32
          %dma_start3A_440 = tpu.memref_slice %arg9[%add3A_338, %dma_start3A_439] : memref<157x128xi32, #tpu.memory_space<vmem>> -> memref<1x128xi32, #tpu.memory_space<vmem>>
          %dma_start3A_441 = tpu.memref_squeeze %dma_start3A_440 : memref<1x128xi32, #tpu.memory_space<vmem>> -> memref<128xi32, #tpu.memory_space<vmem>>
          %dma_start3A_442 = arith.constant 0 : i32
          %dma_start3A_443 = arith.constant 0 : i32
          %dma_start3A_444 = tpu.memref_slice %arg12[%dma_start3A_442, %dma_start3A_443] : memref<10240x32xf32, #tpu.memory_space<vmem_shared>> -> memref<10240x32xf32, #tpu.memory_space<vmem_shared>>
          tpu.enqueue_indirect_dma source(%dma_start3A_438 : memref<128x32xf32, #tpu.memory_space<vmem>>) target(%dma_start3A_444 : memref<10240x32xf32, #tpu.memory_space<vmem_shared>>) offsets(%dma_start3A_441 : memref<128xi32, #tpu.memory_space<vmem>>) semaphore(%run_scoped3A_434 : memref<!tpu.dma_semaphore, #tpu.memory_space<semaphore_mem>>) {add = true}
          %dma_wait3A_445 = arith.constant 0 : i32
          %dma_wait3A_446 = arith.constant 0 : i32
          %dma_wait3A_447 = tpu.memref_slice %arg10[%run_scoped3A, %dma_wait3A_445, %dma_wait3A_446] : memref<8x128x32xf32, #tpu.memory_space<vmem>> -> memref<1x128x32xf32, #tpu.memory_space<vmem>>
          %dma_wait3A_448 = tpu.memref_squeeze %dma_wait3A_447 : memref<1x128x32xf32, #tpu.memory_space<vmem>> -> memref<128x32xf32, #tpu.memory_space<vmem>>
          %dma_wait3A_449 = arith.constant 0 : i32
          %dma_wait3A_450 = tpu.memref_slice %arg9[%add3A_338, %dma_wait3A_449] : memref<157x128xi32, #tpu.memory_space<vmem>> -> memref<1x128xi32, #tpu.memory_space<vmem>>
          %dma_wait3A_451 = tpu.memref_squeeze %dma_wait3A_450 : memref<1x128xi32, #tpu.memory_space<vmem>> -> memref<128xi32, #tpu.memory_space<vmem>>
          %dma_wait3A_452 = arith.constant 0 : i32
          %dma_wait3A_453 = arith.constant 0 : i32
          %dma_wait3A_454 = tpu.memref_slice %arg12[%dma_wait3A_452, %dma_wait3A_453] : memref<10240x32xf32, #tpu.memory_space<vmem_shared>> -> memref<10240x32xf32, #tpu.memory_space<vmem_shared>>
          tpu.wait_indirect_dma semaphore(%run_scoped3A_434 : memref<!tpu.dma_semaphore, #tpu.memory_space<semaphore_mem>>) src(%dma_wait3A_448 : memref<128x32xf32, #tpu.memory_space<vmem>>) dst(%dma_wait3A_454 : memref<10240x32xf32, #tpu.memory_space<vmem_shared>>)
          tpu.yield
        }) : () -> ()
      } else {
      }
      %add3A_343 = arith.constant 8 : i32
      %add3A_344 = arith.addi %add3A_338, %add3A_343 : i32
      %lt3A_345 = arith.cmpi slt, %add3A_344, %add3A_2 : i32
      %convert_element_type3A_346 = arith.extui %lt3A_345 : i1 to i32
      %cond3A_347 = arith.constant 0 : i32
      %cond3A_348 = arith.cmpi ne, %convert_element_type3A_346, %cond3A_347 : i32
      scf.if %cond3A_348 {
        %dma_start3A_421 = arith.constant 1 : i32
        %dma_start3A_422 = arith.constant 1 : i32
        %dma_start3A_423 = arith.constant 0 : i32
        %dma_start3A_424 = arith.constant 0 : i32
        %dma_start3A_425 = tpu.memref_slice %arg10[%dma_start3A_421, %dma_start3A_423, %dma_start3A_424] : memref<8x128x32xf32, #tpu.memory_space<vmem>> -> memref<1x128x32xf32, #tpu.memory_space<vmem>>
        %dma_start3A_426 = tpu.memref_squeeze %dma_start3A_425 : memref<1x128x32xf32, #tpu.memory_space<vmem>> -> memref<128x32xf32, #tpu.memory_space<vmem>>
        %dma_start3A_427 = arith.constant 0 : i32
        %dma_start3A_428 = tpu.memref_slice %arg8[%add3A_344, %dma_start3A_427] : memref<157x128xi32, #tpu.memory_space<vmem>> -> memref<1x128xi32, #tpu.memory_space<vmem>>
        %dma_start3A_429 = tpu.memref_squeeze %dma_start3A_428 : memref<1x128xi32, #tpu.memory_space<vmem>> -> memref<128xi32, #tpu.memory_space<vmem>>
        %dma_start3A_430 = arith.constant 0 : i32
        %dma_start3A_431 = arith.constant 0 : i32
        %dma_start3A_432 = tpu.memref_slice %arg11[%dma_start3A_430, %dma_start3A_431] : memref<10240x32xf32, #tpu.memory_space<vmem_shared>> -> memref<10240x32xf32, #tpu.memory_space<vmem_shared>>
        %dma_start3A_433 = tpu.memref_slice %arg13[%dma_start3A_422] : memref<8x!tpu.dma_semaphore, #tpu.memory_space<semaphore_mem>> -> memref<1x!tpu.dma_semaphore, #tpu.memory_space<semaphore_mem>>
        %dma_start3A_434 = tpu.memref_squeeze %dma_start3A_433 : memref<1x!tpu.dma_semaphore, #tpu.memory_space<semaphore_mem>> -> memref<!tpu.dma_semaphore, #tpu.memory_space<semaphore_mem>>
        tpu.enqueue_indirect_dma source(%dma_start3A_432 : memref<10240x32xf32, #tpu.memory_space<vmem_shared>>) target(%dma_start3A_426 : memref<128x32xf32, #tpu.memory_space<vmem>>) offsets(%dma_start3A_429 : memref<128xi32, #tpu.memory_space<vmem>>) semaphore(%dma_start3A_434 : memref<!tpu.dma_semaphore, #tpu.memory_space<semaphore_mem>>)
      } else {
      }
      %add3A_349 = arith.constant 2 : i32
      %add3A_350 = arith.addi %mul3A_324, %add3A_349 : i32
      %lt3A_351 = arith.cmpi slt, %add3A_350, %add3A_2 : i32
      %convert_element_type3A_352 = arith.extui %lt3A_351 : i1 to i32
      %cond3A_353 = arith.constant 0 : i32
      %cond3A_354 = arith.cmpi ne, %convert_element_type3A_352, %cond3A_353 : i32
      scf.if %cond3A_354 {
        %dma_wait3A = arith.constant 2 : i32
        %dma_wait3A_421 = arith.constant 2 : i32
        %dma_wait3A_422 = arith.constant 0 : i32
        %dma_wait3A_423 = arith.constant 0 : i32
        %dma_wait3A_424 = tpu.memref_slice %arg10[%dma_wait3A, %dma_wait3A_422, %dma_wait3A_423] : memref<8x128x32xf32, #tpu.memory_space<vmem>> -> memref<1x128x32xf32, #tpu.memory_space<vmem>>
        %dma_wait3A_425 = tpu.memref_squeeze %dma_wait3A_424 : memref<1x128x32xf32, #tpu.memory_space<vmem>> -> memref<128x32xf32, #tpu.memory_space<vmem>>
        %dma_wait3A_426 = arith.constant 0 : i32
        %dma_wait3A_427 = tpu.memref_slice %arg8[%add3A_350, %dma_wait3A_426] : memref<157x128xi32, #tpu.memory_space<vmem>> -> memref<1x128xi32, #tpu.memory_space<vmem>>
        %dma_wait3A_428 = tpu.memref_squeeze %dma_wait3A_427 : memref<1x128xi32, #tpu.memory_space<vmem>> -> memref<128xi32, #tpu.memory_space<vmem>>
        %dma_wait3A_429 = arith.constant 0 : i32
        %dma_wait3A_430 = arith.constant 0 : i32
        %dma_wait3A_431 = tpu.memref_slice %arg11[%dma_wait3A_429, %dma_wait3A_430] : memref<10240x32xf32, #tpu.memory_space<vmem_shared>> -> memref<10240x32xf32, #tpu.memory_space<vmem_shared>>
        %dma_wait3A_432 = tpu.memref_slice %arg13[%dma_wait3A_421] : memref<8x!tpu.dma_semaphore, #tpu.memory_space<semaphore_mem>> -> memref<1x!tpu.dma_semaphore, #tpu.memory_space<semaphore_mem>>
        %dma_wait3A_433 = tpu.memref_squeeze %dma_wait3A_432 : memref<1x!tpu.dma_semaphore, #tpu.memory_space<semaphore_mem>> -> memref<!tpu.dma_semaphore, #tpu.memory_space<semaphore_mem>>
        tpu.wait_indirect_dma semaphore(%dma_wait3A_433 : memref<!tpu.dma_semaphore, #tpu.memory_space<semaphore_mem>>) src(%dma_wait3A_431 : memref<10240x32xf32, #tpu.memory_space<vmem_shared>>) dst(%dma_wait3A_425 : memref<128x32xf32, #tpu.memory_space<vmem>>)
        %run_scoped3A = arith.constant 2 : i32
        "tpu.region"() ({
          %run_scoped3A_434 = tpu.sem_alloc : memref<!tpu.dma_semaphore, #tpu.memory_space<semaphore_mem>>
          %dma_start3A_435 = arith.constant 0 : i32
          %dma_start3A_436 = arith.constant 0 : i32
          %dma_start3A_437 = tpu.memref_slice %arg10[%run_scoped3A, %dma_start3A_435, %dma_start3A_436] : memref<8x128x32xf32, #tpu.memory_space<vmem>> -> memref<1x128x32xf32, #tpu.memory_space<vmem>>
          %dma_start3A_438 = tpu.memref_squeeze %dma_start3A_437 : memref<1x128x32xf32, #tpu.memory_space<vmem>> -> memref<128x32xf32, #tpu.memory_space<vmem>>
          %dma_start3A_439 = arith.constant 0 : i32
          %dma_start3A_440 = tpu.memref_slice %arg9[%add3A_350, %dma_start3A_439] : memref<157x128xi32, #tpu.memory_space<vmem>> -> memref<1x128xi32, #tpu.memory_space<vmem>>
          %dma_start3A_441 = tpu.memref_squeeze %dma_start3A_440 : memref<1x128xi32, #tpu.memory_space<vmem>> -> memref<128xi32, #tpu.memory_space<vmem>>
          %dma_start3A_442 = arith.constant 0 : i32
          %dma_start3A_443 = arith.constant 0 : i32
          %dma_start3A_444 = tpu.memref_slice %arg12[%dma_start3A_442, %dma_start3A_443] : memref<10240x32xf32, #tpu.memory_space<vmem_shared>> -> memref<10240x32xf32, #tpu.memory_space<vmem_shared>>
          tpu.enqueue_indirect_dma source(%dma_start3A_438 : memref<128x32xf32, #tpu.memory_space<vmem>>) target(%dma_start3A_444 : memref<10240x32xf32, #tpu.memory_space<vmem_shared>>) offsets(%dma_start3A_441 : memref<128xi32, #tpu.memory_space<vmem>>) semaphore(%run_scoped3A_434 : memref<!tpu.dma_semaphore, #tpu.memory_space<semaphore_mem>>) {add = true}
          %dma_wait3A_445 = arith.constant 0 : i32
          %dma_wait3A_446 = arith.constant 0 : i32
          %dma_wait3A_447 = tpu.memref_slice %arg10[%run_scoped3A, %dma_wait3A_445, %dma_wait3A_446] : memref<8x128x32xf32, #tpu.memory_space<vmem>> -> memref<1x128x32xf32, #tpu.memory_space<vmem>>
          %dma_wait3A_448 = tpu.memref_squeeze %dma_wait3A_447 : memref<1x128x32xf32, #tpu.memory_space<vmem>> -> memref<128x32xf32, #tpu.memory_space<vmem>>
          %dma_wait3A_449 = arith.constant 0 : i32
          %dma_wait3A_450 = tpu.memref_slice %arg9[%add3A_350, %dma_wait3A_449] : memref<157x128xi32, #tpu.memory_space<vmem>> -> memref<1x128xi32, #tpu.memory_space<vmem>>
          %dma_wait3A_451 = tpu.memref_squeeze %dma_wait3A_450 : memref<1x128xi32, #tpu.memory_space<vmem>> -> memref<128xi32, #tpu.memory_space<vmem>>
          %dma_wait3A_452 = arith.constant 0 : i32
          %dma_wait3A_453 = arith.constant 0 : i32
          %dma_wait3A_454 = tpu.memref_slice %arg12[%dma_wait3A_452, %dma_wait3A_453] : memref<10240x32xf32, #tpu.memory_space<vmem_shared>> -> memref<10240x32xf32, #tpu.memory_space<vmem_shared>>
          tpu.wait_indirect_dma semaphore(%run_scoped3A_434 : memref<!tpu.dma_semaphore, #tpu.memory_space<semaphore_mem>>) src(%dma_wait3A_448 : memref<128x32xf32, #tpu.memory_space<vmem>>) dst(%dma_wait3A_454 : memref<10240x32xf32, #tpu.memory_space<vmem_shared>>)
          tpu.yield
        }) : () -> ()
      } else {
      }
      %add3A_355 = arith.constant 8 : i32
      %add3A_356 = arith.addi %add3A_350, %add3A_355 : i32
      %lt3A_357 = arith.cmpi slt, %add3A_356, %add3A_2 : i32
      %convert_element_type3A_358 = arith.extui %lt3A_357 : i1 to i32
      %cond3A_359 = arith.constant 0 : i32
      %cond3A_360 = arith.cmpi ne, %convert_element_type3A_358, %cond3A_359 : i32
      scf.if %cond3A_360 {
        %dma_start3A_421 = arith.constant 2 : i32
        %dma_start3A_422 = arith.constant 2 : i32
        %dma_start3A_423 = arith.constant 0 : i32
        %dma_start3A_424 = arith.constant 0 : i32
        %dma_start3A_425 = tpu.memref_slice %arg10[%dma_start3A_421, %dma_start3A_423, %dma_start3A_424] : memref<8x128x32xf32, #tpu.memory_space<vmem>> -> memref<1x128x32xf32, #tpu.memory_space<vmem>>
        %dma_start3A_426 = tpu.memref_squeeze %dma_start3A_425 : memref<1x128x32xf32, #tpu.memory_space<vmem>> -> memref<128x32xf32, #tpu.memory_space<vmem>>
        %dma_start3A_427 = arith.constant 0 : i32
        %dma_start3A_428 = tpu.memref_slice %arg8[%add3A_356, %dma_start3A_427] : memref<157x128xi32, #tpu.memory_space<vmem>> -> memref<1x128xi32, #tpu.memory_space<vmem>>
        %dma_start3A_429 = tpu.memref_squeeze %dma_start3A_428 : memref<1x128xi32, #tpu.memory_space<vmem>> -> memref<128xi32, #tpu.memory_space<vmem>>
        %dma_start3A_430 = arith.constant 0 : i32
        %dma_start3A_431 = arith.constant 0 : i32
        %dma_start3A_432 = tpu.memref_slice %arg11[%dma_start3A_430, %dma_start3A_431] : memref<10240x32xf32, #tpu.memory_space<vmem_shared>> -> memref<10240x32xf32, #tpu.memory_space<vmem_shared>>
        %dma_start3A_433 = tpu.memref_slice %arg13[%dma_start3A_422] : memref<8x!tpu.dma_semaphore, #tpu.memory_space<semaphore_mem>> -> memref<1x!tpu.dma_semaphore, #tpu.memory_space<semaphore_mem>>
        %dma_start3A_434 = tpu.memref_squeeze %dma_start3A_433 : memref<1x!tpu.dma_semaphore, #tpu.memory_space<semaphore_mem>> -> memref<!tpu.dma_semaphore, #tpu.memory_space<semaphore_mem>>
        tpu.enqueue_indirect_dma source(%dma_start3A_432 : memref<10240x32xf32, #tpu.memory_space<vmem_shared>>) target(%dma_start3A_426 : memref<128x32xf32, #tpu.memory_space<vmem>>) offsets(%dma_start3A_429 : memref<128xi32, #tpu.memory_space<vmem>>) semaphore(%dma_start3A_434 : memref<!tpu.dma_semaphore, #tpu.memory_space<semaphore_mem>>)
      } else {
      }
      %add3A_361 = arith.constant 3 : i32
      %add3A_362 = arith.addi %mul3A_324, %add3A_361 : i32
      %lt3A_363 = arith.cmpi slt, %add3A_362, %add3A_2 : i32
      %convert_element_type3A_364 = arith.extui %lt3A_363 : i1 to i32
      %cond3A_365 = arith.constant 0 : i32
      %cond3A_366 = arith.cmpi ne, %convert_element_type3A_364, %cond3A_365 : i32
      scf.if %cond3A_366 {
        %dma_wait3A = arith.constant 3 : i32
        %dma_wait3A_421 = arith.constant 3 : i32
        %dma_wait3A_422 = arith.constant 0 : i32
        %dma_wait3A_423 = arith.constant 0 : i32
        %dma_wait3A_424 = tpu.memref_slice %arg10[%dma_wait3A, %dma_wait3A_422, %dma_wait3A_423] : memref<8x128x32xf32, #tpu.memory_space<vmem>> -> memref<1x128x32xf32, #tpu.memory_space<vmem>>
        %dma_wait3A_425 = tpu.memref_squeeze %dma_wait3A_424 : memref<1x128x32xf32, #tpu.memory_space<vmem>> -> memref<128x32xf32, #tpu.memory_space<vmem>>
        %dma_wait3A_426 = arith.constant 0 : i32
        %dma_wait3A_427 = tpu.memref_slice %arg8[%add3A_362, %dma_wait3A_426] : memref<157x128xi32, #tpu.memory_space<vmem>> -> memref<1x128xi32, #tpu.memory_space<vmem>>
        %dma_wait3A_428 = tpu.memref_squeeze %dma_wait3A_427 : memref<1x128xi32, #tpu.memory_space<vmem>> -> memref<128xi32, #tpu.memory_space<vmem>>
        %dma_wait3A_429 = arith.constant 0 : i32
        %dma_wait3A_430 = arith.constant 0 : i32
        %dma_wait3A_431 = tpu.memref_slice %arg11[%dma_wait3A_429, %dma_wait3A_430] : memref<10240x32xf32, #tpu.memory_space<vmem_shared>> -> memref<10240x32xf32, #tpu.memory_space<vmem_shared>>
        %dma_wait3A_432 = tpu.memref_slice %arg13[%dma_wait3A_421] : memref<8x!tpu.dma_semaphore, #tpu.memory_space<semaphore_mem>> -> memref<1x!tpu.dma_semaphore, #tpu.memory_space<semaphore_mem>>
        %dma_wait3A_433 = tpu.memref_squeeze %dma_wait3A_432 : memref<1x!tpu.dma_semaphore, #tpu.memory_space<semaphore_mem>> -> memref<!tpu.dma_semaphore, #tpu.memory_space<semaphore_mem>>
        tpu.wait_indirect_dma semaphore(%dma_wait3A_433 : memref<!tpu.dma_semaphore, #tpu.memory_space<semaphore_mem>>) src(%dma_wait3A_431 : memref<10240x32xf32, #tpu.memory_space<vmem_shared>>) dst(%dma_wait3A_425 : memref<128x32xf32, #tpu.memory_space<vmem>>)
        %run_scoped3A = arith.constant 3 : i32
        "tpu.region"() ({
          %run_scoped3A_434 = tpu.sem_alloc : memref<!tpu.dma_semaphore, #tpu.memory_space<semaphore_mem>>
          %dma_start3A_435 = arith.constant 0 : i32
          %dma_start3A_436 = arith.constant 0 : i32
          %dma_start3A_437 = tpu.memref_slice %arg10[%run_scoped3A, %dma_start3A_435, %dma_start3A_436] : memref<8x128x32xf32, #tpu.memory_space<vmem>> -> memref<1x128x32xf32, #tpu.memory_space<vmem>>
          %dma_start3A_438 = tpu.memref_squeeze %dma_start3A_437 : memref<1x128x32xf32, #tpu.memory_space<vmem>> -> memref<128x32xf32, #tpu.memory_space<vmem>>
          %dma_start3A_439 = arith.constant 0 : i32
          %dma_start3A_440 = tpu.memref_slice %arg9[%add3A_362, %dma_start3A_439] : memref<157x128xi32, #tpu.memory_space<vmem>> -> memref<1x128xi32, #tpu.memory_space<vmem>>
          %dma_start3A_441 = tpu.memref_squeeze %dma_start3A_440 : memref<1x128xi32, #tpu.memory_space<vmem>> -> memref<128xi32, #tpu.memory_space<vmem>>
          %dma_start3A_442 = arith.constant 0 : i32
          %dma_start3A_443 = arith.constant 0 : i32
          %dma_start3A_444 = tpu.memref_slice %arg12[%dma_start3A_442, %dma_start3A_443] : memref<10240x32xf32, #tpu.memory_space<vmem_shared>> -> memref<10240x32xf32, #tpu.memory_space<vmem_shared>>
          tpu.enqueue_indirect_dma source(%dma_start3A_438 : memref<128x32xf32, #tpu.memory_space<vmem>>) target(%dma_start3A_444 : memref<10240x32xf32, #tpu.memory_space<vmem_shared>>) offsets(%dma_start3A_441 : memref<128xi32, #tpu.memory_space<vmem>>) semaphore(%run_scoped3A_434 : memref<!tpu.dma_semaphore, #tpu.memory_space<semaphore_mem>>) {add = true}
          %dma_wait3A_445 = arith.constant 0 : i32
          %dma_wait3A_446 = arith.constant 0 : i32
          %dma_wait3A_447 = tpu.memref_slice %arg10[%run_scoped3A, %dma_wait3A_445, %dma_wait3A_446] : memref<8x128x32xf32, #tpu.memory_space<vmem>> -> memref<1x128x32xf32, #tpu.memory_space<vmem>>
          %dma_wait3A_448 = tpu.memref_squeeze %dma_wait3A_447 : memref<1x128x32xf32, #tpu.memory_space<vmem>> -> memref<128x32xf32, #tpu.memory_space<vmem>>
          %dma_wait3A_449 = arith.constant 0 : i32
          %dma_wait3A_450 = tpu.memref_slice %arg9[%add3A_362, %dma_wait3A_449] : memref<157x128xi32, #tpu.memory_space<vmem>> -> memref<1x128xi32, #tpu.memory_space<vmem>>
          %dma_wait3A_451 = tpu.memref_squeeze %dma_wait3A_450 : memref<1x128xi32, #tpu.memory_space<vmem>> -> memref<128xi32, #tpu.memory_space<vmem>>
          %dma_wait3A_452 = arith.constant 0 : i32
          %dma_wait3A_453 = arith.constant 0 : i32
          %dma_wait3A_454 = tpu.memref_slice %arg12[%dma_wait3A_452, %dma_wait3A_453] : memref<10240x32xf32, #tpu.memory_space<vmem_shared>> -> memref<10240x32xf32, #tpu.memory_space<vmem_shared>>
          tpu.wait_indirect_dma semaphore(%run_scoped3A_434 : memref<!tpu.dma_semaphore, #tpu.memory_space<semaphore_mem>>) src(%dma_wait3A_448 : memref<128x32xf32, #tpu.memory_space<vmem>>) dst(%dma_wait3A_454 : memref<10240x32xf32, #tpu.memory_space<vmem_shared>>)
          tpu.yield
        }) : () -> ()
      } else {
      }
      %add3A_367 = arith.constant 8 : i32
      %add3A_368 = arith.addi %add3A_362, %add3A_367 : i32
      %lt3A_369 = arith.cmpi slt, %add3A_368, %add3A_2 : i32
      %convert_element_type3A_370 = arith.extui %lt3A_369 : i1 to i32
      %cond3A_371 = arith.constant 0 : i32
      %cond3A_372 = arith.cmpi ne, %convert_element_type3A_370, %cond3A_371 : i32
      scf.if %cond3A_372 {
        %dma_start3A_421 = arith.constant 3 : i32
        %dma_start3A_422 = arith.constant 3 : i32
        %dma_start3A_423 = arith.constant 0 : i32
        %dma_start3A_424 = arith.constant 0 : i32
        %dma_start3A_425 = tpu.memref_slice %arg10[%dma_start3A_421, %dma_start3A_423, %dma_start3A_424] : memref<8x128x32xf32, #tpu.memory_space<vmem>> -> memref<1x128x32xf32, #tpu.memory_space<vmem>>
        %dma_start3A_426 = tpu.memref_squeeze %dma_start3A_425 : memref<1x128x32xf32, #tpu.memory_space<vmem>> -> memref<128x32xf32, #tpu.memory_space<vmem>>
        %dma_start3A_427 = arith.constant 0 : i32
        %dma_start3A_428 = tpu.memref_slice %arg8[%add3A_368, %dma_start3A_427] : memref<157x128xi32, #tpu.memory_space<vmem>> -> memref<1x128xi32, #tpu.memory_space<vmem>>
        %dma_start3A_429 = tpu.memref_squeeze %dma_start3A_428 : memref<1x128xi32, #tpu.memory_space<vmem>> -> memref<128xi32, #tpu.memory_space<vmem>>
        %dma_start3A_430 = arith.constant 0 : i32
        %dma_start3A_431 = arith.constant 0 : i32
        %dma_start3A_432 = tpu.memref_slice %arg11[%dma_start3A_430, %dma_start3A_431] : memref<10240x32xf32, #tpu.memory_space<vmem_shared>> -> memref<10240x32xf32, #tpu.memory_space<vmem_shared>>
        %dma_start3A_433 = tpu.memref_slice %arg13[%dma_start3A_422] : memref<8x!tpu.dma_semaphore, #tpu.memory_space<semaphore_mem>> -> memref<1x!tpu.dma_semaphore, #tpu.memory_space<semaphore_mem>>
        %dma_start3A_434 = tpu.memref_squeeze %dma_start3A_433 : memref<1x!tpu.dma_semaphore, #tpu.memory_space<semaphore_mem>> -> memref<!tpu.dma_semaphore, #tpu.memory_space<semaphore_mem>>
        tpu.enqueue_indirect_dma source(%dma_start3A_432 : memref<10240x32xf32, #tpu.memory_space<vmem_shared>>) target(%dma_start3A_426 : memref<128x32xf32, #tpu.memory_space<vmem>>) offsets(%dma_start3A_429 : memref<128xi32, #tpu.memory_space<vmem>>) semaphore(%dma_start3A_434 : memref<!tpu.dma_semaphore, #tpu.memory_space<semaphore_mem>>)
      } else {
      }
      %add3A_373 = arith.constant 4 : i32
      %add3A_374 = arith.addi %mul3A_324, %add3A_373 : i32
      %lt3A_375 = arith.cmpi slt, %add3A_374, %add3A_2 : i32
      %convert_element_type3A_376 = arith.extui %lt3A_375 : i1 to i32
      %cond3A_377 = arith.constant 0 : i32
      %cond3A_378 = arith.cmpi ne, %convert_element_type3A_376, %cond3A_377 : i32
      scf.if %cond3A_378 {
        %dma_wait3A = arith.constant 4 : i32
        %dma_wait3A_421 = arith.constant 4 : i32
        %dma_wait3A_422 = arith.constant 0 : i32
        %dma_wait3A_423 = arith.constant 0 : i32
        %dma_wait3A_424 = tpu.memref_slice %arg10[%dma_wait3A, %dma_wait3A_422, %dma_wait3A_423] : memref<8x128x32xf32, #tpu.memory_space<vmem>> -> memref<1x128x32xf32, #tpu.memory_space<vmem>>
        %dma_wait3A_425 = tpu.memref_squeeze %dma_wait3A_424 : memref<1x128x32xf32, #tpu.memory_space<vmem>> -> memref<128x32xf32, #tpu.memory_space<vmem>>
        %dma_wait3A_426 = arith.constant 0 : i32
        %dma_wait3A_427 = tpu.memref_slice %arg8[%add3A_374, %dma_wait3A_426] : memref<157x128xi32, #tpu.memory_space<vmem>> -> memref<1x128xi32, #tpu.memory_space<vmem>>
        %dma_wait3A_428 = tpu.memref_squeeze %dma_wait3A_427 : memref<1x128xi32, #tpu.memory_space<vmem>> -> memref<128xi32, #tpu.memory_space<vmem>>
        %dma_wait3A_429 = arith.constant 0 : i32
        %dma_wait3A_430 = arith.constant 0 : i32
        %dma_wait3A_431 = tpu.memref_slice %arg11[%dma_wait3A_429, %dma_wait3A_430] : memref<10240x32xf32, #tpu.memory_space<vmem_shared>> -> memref<10240x32xf32, #tpu.memory_space<vmem_shared>>
        %dma_wait3A_432 = tpu.memref_slice %arg13[%dma_wait3A_421] : memref<8x!tpu.dma_semaphore, #tpu.memory_space<semaphore_mem>> -> memref<1x!tpu.dma_semaphore, #tpu.memory_space<semaphore_mem>>
        %dma_wait3A_433 = tpu.memref_squeeze %dma_wait3A_432 : memref<1x!tpu.dma_semaphore, #tpu.memory_space<semaphore_mem>> -> memref<!tpu.dma_semaphore, #tpu.memory_space<semaphore_mem>>
        tpu.wait_indirect_dma semaphore(%dma_wait3A_433 : memref<!tpu.dma_semaphore, #tpu.memory_space<semaphore_mem>>) src(%dma_wait3A_431 : memref<10240x32xf32, #tpu.memory_space<vmem_shared>>) dst(%dma_wait3A_425 : memref<128x32xf32, #tpu.memory_space<vmem>>)
        %run_scoped3A = arith.constant 4 : i32
        "tpu.region"() ({
          %run_scoped3A_434 = tpu.sem_alloc : memref<!tpu.dma_semaphore, #tpu.memory_space<semaphore_mem>>
          %dma_start3A_435 = arith.constant 0 : i32
          %dma_start3A_436 = arith.constant 0 : i32
          %dma_start3A_437 = tpu.memref_slice %arg10[%run_scoped3A, %dma_start3A_435, %dma_start3A_436] : memref<8x128x32xf32, #tpu.memory_space<vmem>> -> memref<1x128x32xf32, #tpu.memory_space<vmem>>
          %dma_start3A_438 = tpu.memref_squeeze %dma_start3A_437 : memref<1x128x32xf32, #tpu.memory_space<vmem>> -> memref<128x32xf32, #tpu.memory_space<vmem>>
          %dma_start3A_439 = arith.constant 0 : i32
          %dma_start3A_440 = tpu.memref_slice %arg9[%add3A_374, %dma_start3A_439] : memref<157x128xi32, #tpu.memory_space<vmem>> -> memref<1x128xi32, #tpu.memory_space<vmem>>
          %dma_start3A_441 = tpu.memref_squeeze %dma_start3A_440 : memref<1x128xi32, #tpu.memory_space<vmem>> -> memref<128xi32, #tpu.memory_space<vmem>>
          %dma_start3A_442 = arith.constant 0 : i32
          %dma_start3A_443 = arith.constant 0 : i32
          %dma_start3A_444 = tpu.memref_slice %arg12[%dma_start3A_442, %dma_start3A_443] : memref<10240x32xf32, #tpu.memory_space<vmem_shared>> -> memref<10240x32xf32, #tpu.memory_space<vmem_shared>>
          tpu.enqueue_indirect_dma source(%dma_start3A_438 : memref<128x32xf32, #tpu.memory_space<vmem>>) target(%dma_start3A_444 : memref<10240x32xf32, #tpu.memory_space<vmem_shared>>) offsets(%dma_start3A_441 : memref<128xi32, #tpu.memory_space<vmem>>) semaphore(%run_scoped3A_434 : memref<!tpu.dma_semaphore, #tpu.memory_space<semaphore_mem>>) {add = true}
          %dma_wait3A_445 = arith.constant 0 : i32
          %dma_wait3A_446 = arith.constant 0 : i32
          %dma_wait3A_447 = tpu.memref_slice %arg10[%run_scoped3A, %dma_wait3A_445, %dma_wait3A_446] : memref<8x128x32xf32, #tpu.memory_space<vmem>> -> memref<1x128x32xf32, #tpu.memory_space<vmem>>
          %dma_wait3A_448 = tpu.memref_squeeze %dma_wait3A_447 : memref<1x128x32xf32, #tpu.memory_space<vmem>> -> memref<128x32xf32, #tpu.memory_space<vmem>>
          %dma_wait3A_449 = arith.constant 0 : i32
          %dma_wait3A_450 = tpu.memref_slice %arg9[%add3A_374, %dma_wait3A_449] : memref<157x128xi32, #tpu.memory_space<vmem>> -> memref<1x128xi32, #tpu.memory_space<vmem>>
          %dma_wait3A_451 = tpu.memref_squeeze %dma_wait3A_450 : memref<1x128xi32, #tpu.memory_space<vmem>> -> memref<128xi32, #tpu.memory_space<vmem>>
          %dma_wait3A_452 = arith.constant 0 : i32
          %dma_wait3A_453 = arith.constant 0 : i32
          %dma_wait3A_454 = tpu.memref_slice %arg12[%dma_wait3A_452, %dma_wait3A_453] : memref<10240x32xf32, #tpu.memory_space<vmem_shared>> -> memref<10240x32xf32, #tpu.memory_space<vmem_shared>>
          tpu.wait_indirect_dma semaphore(%run_scoped3A_434 : memref<!tpu.dma_semaphore, #tpu.memory_space<semaphore_mem>>) src(%dma_wait3A_448 : memref<128x32xf32, #tpu.memory_space<vmem>>) dst(%dma_wait3A_454 : memref<10240x32xf32, #tpu.memory_space<vmem_shared>>)
          tpu.yield
        }) : () -> ()
      } else {
      }
      %add3A_379 = arith.constant 8 : i32
      %add3A_380 = arith.addi %add3A_374, %add3A_379 : i32
      %lt3A_381 = arith.cmpi slt, %add3A_380, %add3A_2 : i32
      %convert_element_type3A_382 = arith.extui %lt3A_381 : i1 to i32
      %cond3A_383 = arith.constant 0 : i32
      %cond3A_384 = arith.cmpi ne, %convert_element_type3A_382, %cond3A_383 : i32
      scf.if %cond3A_384 {
        %dma_start3A_421 = arith.constant 4 : i32
        %dma_start3A_422 = arith.constant 4 : i32
        %dma_start3A_423 = arith.constant 0 : i32
        %dma_start3A_424 = arith.constant 0 : i32
        %dma_start3A_425 = tpu.memref_slice %arg10[%dma_start3A_421, %dma_start3A_423, %dma_start3A_424] : memref<8x128x32xf32, #tpu.memory_space<vmem>> -> memref<1x128x32xf32, #tpu.memory_space<vmem>>
        %dma_start3A_426 = tpu.memref_squeeze %dma_start3A_425 : memref<1x128x32xf32, #tpu.memory_space<vmem>> -> memref<128x32xf32, #tpu.memory_space<vmem>>
        %dma_start3A_427 = arith.constant 0 : i32
        %dma_start3A_428 = tpu.memref_slice %arg8[%add3A_380, %dma_start3A_427] : memref<157x128xi32, #tpu.memory_space<vmem>> -> memref<1x128xi32, #tpu.memory_space<vmem>>
        %dma_start3A_429 = tpu.memref_squeeze %dma_start3A_428 : memref<1x128xi32, #tpu.memory_space<vmem>> -> memref<128xi32, #tpu.memory_space<vmem>>
        %dma_start3A_430 = arith.constant 0 : i32
        %dma_start3A_431 = arith.constant 0 : i32
        %dma_start3A_432 = tpu.memref_slice %arg11[%dma_start3A_430, %dma_start3A_431] : memref<10240x32xf32, #tpu.memory_space<vmem_shared>> -> memref<10240x32xf32, #tpu.memory_space<vmem_shared>>
        %dma_start3A_433 = tpu.memref_slice %arg13[%dma_start3A_422] : memref<8x!tpu.dma_semaphore, #tpu.memory_space<semaphore_mem>> -> memref<1x!tpu.dma_semaphore, #tpu.memory_space<semaphore_mem>>
        %dma_start3A_434 = tpu.memref_squeeze %dma_start3A_433 : memref<1x!tpu.dma_semaphore, #tpu.memory_space<semaphore_mem>> -> memref<!tpu.dma_semaphore, #tpu.memory_space<semaphore_mem>>
        tpu.enqueue_indirect_dma source(%dma_start3A_432 : memref<10240x32xf32, #tpu.memory_space<vmem_shared>>) target(%dma_start3A_426 : memref<128x32xf32, #tpu.memory_space<vmem>>) offsets(%dma_start3A_429 : memref<128xi32, #tpu.memory_space<vmem>>) semaphore(%dma_start3A_434 : memref<!tpu.dma_semaphore, #tpu.memory_space<semaphore_mem>>)
      } else {
      }
      %add3A_385 = arith.constant 5 : i32
      %add3A_386 = arith.addi %mul3A_324, %add3A_385 : i32
      %lt3A_387 = arith.cmpi slt, %add3A_386, %add3A_2 : i32
      %convert_element_type3A_388 = arith.extui %lt3A_387 : i1 to i32
      %cond3A_389 = arith.constant 0 : i32
      %cond3A_390 = arith.cmpi ne, %convert_element_type3A_388, %cond3A_389 : i32
      scf.if %cond3A_390 {
        %dma_wait3A = arith.constant 5 : i32
        %dma_wait3A_421 = arith.constant 5 : i32
        %dma_wait3A_422 = arith.constant 0 : i32
        %dma_wait3A_423 = arith.constant 0 : i32
        %dma_wait3A_424 = tpu.memref_slice %arg10[%dma_wait3A, %dma_wait3A_422, %dma_wait3A_423] : memref<8x128x32xf32, #tpu.memory_space<vmem>> -> memref<1x128x32xf32, #tpu.memory_space<vmem>>
        %dma_wait3A_425 = tpu.memref_squeeze %dma_wait3A_424 : memref<1x128x32xf32, #tpu.memory_space<vmem>> -> memref<128x32xf32, #tpu.memory_space<vmem>>
        %dma_wait3A_426 = arith.constant 0 : i32
        %dma_wait3A_427 = tpu.memref_slice %arg8[%add3A_386, %dma_wait3A_426] : memref<157x128xi32, #tpu.memory_space<vmem>> -> memref<1x128xi32, #tpu.memory_space<vmem>>
        %dma_wait3A_428 = tpu.memref_squeeze %dma_wait3A_427 : memref<1x128xi32, #tpu.memory_space<vmem>> -> memref<128xi32, #tpu.memory_space<vmem>>
        %dma_wait3A_429 = arith.constant 0 : i32
        %dma_wait3A_430 = arith.constant 0 : i32
        %dma_wait3A_431 = tpu.memref_slice %arg11[%dma_wait3A_429, %dma_wait3A_430] : memref<10240x32xf32, #tpu.memory_space<vmem_shared>> -> memref<10240x32xf32, #tpu.memory_space<vmem_shared>>
        %dma_wait3A_432 = tpu.memref_slice %arg13[%dma_wait3A_421] : memref<8x!tpu.dma_semaphore, #tpu.memory_space<semaphore_mem>> -> memref<1x!tpu.dma_semaphore, #tpu.memory_space<semaphore_mem>>
        %dma_wait3A_433 = tpu.memref_squeeze %dma_wait3A_432 : memref<1x!tpu.dma_semaphore, #tpu.memory_space<semaphore_mem>> -> memref<!tpu.dma_semaphore, #tpu.memory_space<semaphore_mem>>
        tpu.wait_indirect_dma semaphore(%dma_wait3A_433 : memref<!tpu.dma_semaphore, #tpu.memory_space<semaphore_mem>>) src(%dma_wait3A_431 : memref<10240x32xf32, #tpu.memory_space<vmem_shared>>) dst(%dma_wait3A_425 : memref<128x32xf32, #tpu.memory_space<vmem>>)
        %run_scoped3A = arith.constant 5 : i32
        "tpu.region"() ({
          %run_scoped3A_434 = tpu.sem_alloc : memref<!tpu.dma_semaphore, #tpu.memory_space<semaphore_mem>>
          %dma_start3A_435 = arith.constant 0 : i32
          %dma_start3A_436 = arith.constant 0 : i32
          %dma_start3A_437 = tpu.memref_slice %arg10[%run_scoped3A, %dma_start3A_435, %dma_start3A_436] : memref<8x128x32xf32, #tpu.memory_space<vmem>> -> memref<1x128x32xf32, #tpu.memory_space<vmem>>
          %dma_start3A_438 = tpu.memref_squeeze %dma_start3A_437 : memref<1x128x32xf32, #tpu.memory_space<vmem>> -> memref<128x32xf32, #tpu.memory_space<vmem>>
          %dma_start3A_439 = arith.constant 0 : i32
          %dma_start3A_440 = tpu.memref_slice %arg9[%add3A_386, %dma_start3A_439] : memref<157x128xi32, #tpu.memory_space<vmem>> -> memref<1x128xi32, #tpu.memory_space<vmem>>
          %dma_start3A_441 = tpu.memref_squeeze %dma_start3A_440 : memref<1x128xi32, #tpu.memory_space<vmem>> -> memref<128xi32, #tpu.memory_space<vmem>>
          %dma_start3A_442 = arith.constant 0 : i32
          %dma_start3A_443 = arith.constant 0 : i32
          %dma_start3A_444 = tpu.memref_slice %arg12[%dma_start3A_442, %dma_start3A_443] : memref<10240x32xf32, #tpu.memory_space<vmem_shared>> -> memref<10240x32xf32, #tpu.memory_space<vmem_shared>>
          tpu.enqueue_indirect_dma source(%dma_start3A_438 : memref<128x32xf32, #tpu.memory_space<vmem>>) target(%dma_start3A_444 : memref<10240x32xf32, #tpu.memory_space<vmem_shared>>) offsets(%dma_start3A_441 : memref<128xi32, #tpu.memory_space<vmem>>) semaphore(%run_scoped3A_434 : memref<!tpu.dma_semaphore, #tpu.memory_space<semaphore_mem>>) {add = true}
          %dma_wait3A_445 = arith.constant 0 : i32
          %dma_wait3A_446 = arith.constant 0 : i32
          %dma_wait3A_447 = tpu.memref_slice %arg10[%run_scoped3A, %dma_wait3A_445, %dma_wait3A_446] : memref<8x128x32xf32, #tpu.memory_space<vmem>> -> memref<1x128x32xf32, #tpu.memory_space<vmem>>
          %dma_wait3A_448 = tpu.memref_squeeze %dma_wait3A_447 : memref<1x128x32xf32, #tpu.memory_space<vmem>> -> memref<128x32xf32, #tpu.memory_space<vmem>>
          %dma_wait3A_449 = arith.constant 0 : i32
          %dma_wait3A_450 = tpu.memref_slice %arg9[%add3A_386, %dma_wait3A_449] : memref<157x128xi32, #tpu.memory_space<vmem>> -> memref<1x128xi32, #tpu.memory_space<vmem>>
          %dma_wait3A_451 = tpu.memref_squeeze %dma_wait3A_450 : memref<1x128xi32, #tpu.memory_space<vmem>> -> memref<128xi32, #tpu.memory_space<vmem>>
          %dma_wait3A_452 = arith.constant 0 : i32
          %dma_wait3A_453 = arith.constant 0 : i32
          %dma_wait3A_454 = tpu.memref_slice %arg12[%dma_wait3A_452, %dma_wait3A_453] : memref<10240x32xf32, #tpu.memory_space<vmem_shared>> -> memref<10240x32xf32, #tpu.memory_space<vmem_shared>>
          tpu.wait_indirect_dma semaphore(%run_scoped3A_434 : memref<!tpu.dma_semaphore, #tpu.memory_space<semaphore_mem>>) src(%dma_wait3A_448 : memref<128x32xf32, #tpu.memory_space<vmem>>) dst(%dma_wait3A_454 : memref<10240x32xf32, #tpu.memory_space<vmem_shared>>)
          tpu.yield
        }) : () -> ()
      } else {
      }
      %add3A_391 = arith.constant 8 : i32
      %add3A_392 = arith.addi %add3A_386, %add3A_391 : i32
      %lt3A_393 = arith.cmpi slt, %add3A_392, %add3A_2 : i32
      %convert_element_type3A_394 = arith.extui %lt3A_393 : i1 to i32
      %cond3A_395 = arith.constant 0 : i32
      %cond3A_396 = arith.cmpi ne, %convert_element_type3A_394, %cond3A_395 : i32
      scf.if %cond3A_396 {
        %dma_start3A_421 = arith.constant 5 : i32
        %dma_start3A_422 = arith.constant 5 : i32
        %dma_start3A_423 = arith.constant 0 : i32
        %dma_start3A_424 = arith.constant 0 : i32
        %dma_start3A_425 = tpu.memref_slice %arg10[%dma_start3A_421, %dma_start3A_423, %dma_start3A_424] : memref<8x128x32xf32, #tpu.memory_space<vmem>> -> memref<1x128x32xf32, #tpu.memory_space<vmem>>
        %dma_start3A_426 = tpu.memref_squeeze %dma_start3A_425 : memref<1x128x32xf32, #tpu.memory_space<vmem>> -> memref<128x32xf32, #tpu.memory_space<vmem>>
        %dma_start3A_427 = arith.constant 0 : i32
        %dma_start3A_428 = tpu.memref_slice %arg8[%add3A_392, %dma_start3A_427] : memref<157x128xi32, #tpu.memory_space<vmem>> -> memref<1x128xi32, #tpu.memory_space<vmem>>
        %dma_start3A_429 = tpu.memref_squeeze %dma_start3A_428 : memref<1x128xi32, #tpu.memory_space<vmem>> -> memref<128xi32, #tpu.memory_space<vmem>>
        %dma_start3A_430 = arith.constant 0 : i32
        %dma_start3A_431 = arith.constant 0 : i32
        %dma_start3A_432 = tpu.memref_slice %arg11[%dma_start3A_430, %dma_start3A_431] : memref<10240x32xf32, #tpu.memory_space<vmem_shared>> -> memref<10240x32xf32, #tpu.memory_space<vmem_shared>>
        %dma_start3A_433 = tpu.memref_slice %arg13[%dma_start3A_422] : memref<8x!tpu.dma_semaphore, #tpu.memory_space<semaphore_mem>> -> memref<1x!tpu.dma_semaphore, #tpu.memory_space<semaphore_mem>>
        %dma_start3A_434 = tpu.memref_squeeze %dma_start3A_433 : memref<1x!tpu.dma_semaphore, #tpu.memory_space<semaphore_mem>> -> memref<!tpu.dma_semaphore, #tpu.memory_space<semaphore_mem>>
        tpu.enqueue_indirect_dma source(%dma_start3A_432 : memref<10240x32xf32, #tpu.memory_space<vmem_shared>>) target(%dma_start3A_426 : memref<128x32xf32, #tpu.memory_space<vmem>>) offsets(%dma_start3A_429 : memref<128xi32, #tpu.memory_space<vmem>>) semaphore(%dma_start3A_434 : memref<!tpu.dma_semaphore, #tpu.memory_space<semaphore_mem>>)
      } else {
      }
      %add3A_397 = arith.constant 6 : i32
      %add3A_398 = arith.addi %mul3A_324, %add3A_397 : i32
      %lt3A_399 = arith.cmpi slt, %add3A_398, %add3A_2 : i32
      %convert_element_type3A_400 = arith.extui %lt3A_399 : i1 to i32
      %cond3A_401 = arith.constant 0 : i32
      %cond3A_402 = arith.cmpi ne, %convert_element_type3A_400, %cond3A_401 : i32
      scf.if %cond3A_402 {
        %dma_wait3A = arith.constant 6 : i32
        %dma_wait3A_421 = arith.constant 6 : i32
        %dma_wait3A_422 = arith.constant 0 : i32
        %dma_wait3A_423 = arith.constant 0 : i32
        %dma_wait3A_424 = tpu.memref_slice %arg10[%dma_wait3A, %dma_wait3A_422, %dma_wait3A_423] : memref<8x128x32xf32, #tpu.memory_space<vmem>> -> memref<1x128x32xf32, #tpu.memory_space<vmem>>
        %dma_wait3A_425 = tpu.memref_squeeze %dma_wait3A_424 : memref<1x128x32xf32, #tpu.memory_space<vmem>> -> memref<128x32xf32, #tpu.memory_space<vmem>>
        %dma_wait3A_426 = arith.constant 0 : i32
        %dma_wait3A_427 = tpu.memref_slice %arg8[%add3A_398, %dma_wait3A_426] : memref<157x128xi32, #tpu.memory_space<vmem>> -> memref<1x128xi32, #tpu.memory_space<vmem>>
        %dma_wait3A_428 = tpu.memref_squeeze %dma_wait3A_427 : memref<1x128xi32, #tpu.memory_space<vmem>> -> memref<128xi32, #tpu.memory_space<vmem>>
        %dma_wait3A_429 = arith.constant 0 : i32
        %dma_wait3A_430 = arith.constant 0 : i32
        %dma_wait3A_431 = tpu.memref_slice %arg11[%dma_wait3A_429, %dma_wait3A_430] : memref<10240x32xf32, #tpu.memory_space<vmem_shared>> -> memref<10240x32xf32, #tpu.memory_space<vmem_shared>>
        %dma_wait3A_432 = tpu.memref_slice %arg13[%dma_wait3A_421] : memref<8x!tpu.dma_semaphore, #tpu.memory_space<semaphore_mem>> -> memref<1x!tpu.dma_semaphore, #tpu.memory_space<semaphore_mem>>
        %dma_wait3A_433 = tpu.memref_squeeze %dma_wait3A_432 : memref<1x!tpu.dma_semaphore, #tpu.memory_space<semaphore_mem>> -> memref<!tpu.dma_semaphore, #tpu.memory_space<semaphore_mem>>
        tpu.wait_indirect_dma semaphore(%dma_wait3A_433 : memref<!tpu.dma_semaphore, #tpu.memory_space<semaphore_mem>>) src(%dma_wait3A_431 : memref<10240x32xf32, #tpu.memory_space<vmem_shared>>) dst(%dma_wait3A_425 : memref<128x32xf32, #tpu.memory_space<vmem>>)
        %run_scoped3A = arith.constant 6 : i32
        "tpu.region"() ({
          %run_scoped3A_434 = tpu.sem_alloc : memref<!tpu.dma_semaphore, #tpu.memory_space<semaphore_mem>>
          %dma_start3A_435 = arith.constant 0 : i32
          %dma_start3A_436 = arith.constant 0 : i32
          %dma_start3A_437 = tpu.memref_slice %arg10[%run_scoped3A, %dma_start3A_435, %dma_start3A_436] : memref<8x128x32xf32, #tpu.memory_space<vmem>> -> memref<1x128x32xf32, #tpu.memory_space<vmem>>
          %dma_start3A_438 = tpu.memref_squeeze %dma_start3A_437 : memref<1x128x32xf32, #tpu.memory_space<vmem>> -> memref<128x32xf32, #tpu.memory_space<vmem>>
          %dma_start3A_439 = arith.constant 0 : i32
          %dma_start3A_440 = tpu.memref_slice %arg9[%add3A_398, %dma_start3A_439] : memref<157x128xi32, #tpu.memory_space<vmem>> -> memref<1x128xi32, #tpu.memory_space<vmem>>
          %dma_start3A_441 = tpu.memref_squeeze %dma_start3A_440 : memref<1x128xi32, #tpu.memory_space<vmem>> -> memref<128xi32, #tpu.memory_space<vmem>>
          %dma_start3A_442 = arith.constant 0 : i32
          %dma_start3A_443 = arith.constant 0 : i32
          %dma_start3A_444 = tpu.memref_slice %arg12[%dma_start3A_442, %dma_start3A_443] : memref<10240x32xf32, #tpu.memory_space<vmem_shared>> -> memref<10240x32xf32, #tpu.memory_space<vmem_shared>>
          tpu.enqueue_indirect_dma source(%dma_start3A_438 : memref<128x32xf32, #tpu.memory_space<vmem>>) target(%dma_start3A_444 : memref<10240x32xf32, #tpu.memory_space<vmem_shared>>) offsets(%dma_start3A_441 : memref<128xi32, #tpu.memory_space<vmem>>) semaphore(%run_scoped3A_434 : memref<!tpu.dma_semaphore, #tpu.memory_space<semaphore_mem>>) {add = true}
          %dma_wait3A_445 = arith.constant 0 : i32
          %dma_wait3A_446 = arith.constant 0 : i32
          %dma_wait3A_447 = tpu.memref_slice %arg10[%run_scoped3A, %dma_wait3A_445, %dma_wait3A_446] : memref<8x128x32xf32, #tpu.memory_space<vmem>> -> memref<1x128x32xf32, #tpu.memory_space<vmem>>
          %dma_wait3A_448 = tpu.memref_squeeze %dma_wait3A_447 : memref<1x128x32xf32, #tpu.memory_space<vmem>> -> memref<128x32xf32, #tpu.memory_space<vmem>>
          %dma_wait3A_449 = arith.constant 0 : i32
          %dma_wait3A_450 = tpu.memref_slice %arg9[%add3A_398, %dma_wait3A_449] : memref<157x128xi32, #tpu.memory_space<vmem>> -> memref<1x128xi32, #tpu.memory_space<vmem>>
          %dma_wait3A_451 = tpu.memref_squeeze %dma_wait3A_450 : memref<1x128xi32, #tpu.memory_space<vmem>> -> memref<128xi32, #tpu.memory_space<vmem>>
          %dma_wait3A_452 = arith.constant 0 : i32
          %dma_wait3A_453 = arith.constant 0 : i32
          %dma_wait3A_454 = tpu.memref_slice %arg12[%dma_wait3A_452, %dma_wait3A_453] : memref<10240x32xf32, #tpu.memory_space<vmem_shared>> -> memref<10240x32xf32, #tpu.memory_space<vmem_shared>>
          tpu.wait_indirect_dma semaphore(%run_scoped3A_434 : memref<!tpu.dma_semaphore, #tpu.memory_space<semaphore_mem>>) src(%dma_wait3A_448 : memref<128x32xf32, #tpu.memory_space<vmem>>) dst(%dma_wait3A_454 : memref<10240x32xf32, #tpu.memory_space<vmem_shared>>)
          tpu.yield
        }) : () -> ()
      } else {
      }
      %add3A_403 = arith.constant 8 : i32
      %add3A_404 = arith.addi %add3A_398, %add3A_403 : i32
      %lt3A_405 = arith.cmpi slt, %add3A_404, %add3A_2 : i32
      %convert_element_type3A_406 = arith.extui %lt3A_405 : i1 to i32
      %cond3A_407 = arith.constant 0 : i32
      %cond3A_408 = arith.cmpi ne, %convert_element_type3A_406, %cond3A_407 : i32
      scf.if %cond3A_408 {
        %dma_start3A_421 = arith.constant 6 : i32
        %dma_start3A_422 = arith.constant 6 : i32
        %dma_start3A_423 = arith.constant 0 : i32
        %dma_start3A_424 = arith.constant 0 : i32
        %dma_start3A_425 = tpu.memref_slice %arg10[%dma_start3A_421, %dma_start3A_423, %dma_start3A_424] : memref<8x128x32xf32, #tpu.memory_space<vmem>> -> memref<1x128x32xf32, #tpu.memory_space<vmem>>
        %dma_start3A_426 = tpu.memref_squeeze %dma_start3A_425 : memref<1x128x32xf32, #tpu.memory_space<vmem>> -> memref<128x32xf32, #tpu.memory_space<vmem>>
        %dma_start3A_427 = arith.constant 0 : i32
        %dma_start3A_428 = tpu.memref_slice %arg8[%add3A_404, %dma_start3A_427] : memref<157x128xi32, #tpu.memory_space<vmem>> -> memref<1x128xi32, #tpu.memory_space<vmem>>
        %dma_start3A_429 = tpu.memref_squeeze %dma_start3A_428 : memref<1x128xi32, #tpu.memory_space<vmem>> -> memref<128xi32, #tpu.memory_space<vmem>>
        %dma_start3A_430 = arith.constant 0 : i32
        %dma_start3A_431 = arith.constant 0 : i32
        %dma_start3A_432 = tpu.memref_slice %arg11[%dma_start3A_430, %dma_start3A_431] : memref<10240x32xf32, #tpu.memory_space<vmem_shared>> -> memref<10240x32xf32, #tpu.memory_space<vmem_shared>>
        %dma_start3A_433 = tpu.memref_slice %arg13[%dma_start3A_422] : memref<8x!tpu.dma_semaphore, #tpu.memory_space<semaphore_mem>> -> memref<1x!tpu.dma_semaphore, #tpu.memory_space<semaphore_mem>>
        %dma_start3A_434 = tpu.memref_squeeze %dma_start3A_433 : memref<1x!tpu.dma_semaphore, #tpu.memory_space<semaphore_mem>> -> memref<!tpu.dma_semaphore, #tpu.memory_space<semaphore_mem>>
        tpu.enqueue_indirect_dma source(%dma_start3A_432 : memref<10240x32xf32, #tpu.memory_space<vmem_shared>>) target(%dma_start3A_426 : memref<128x32xf32, #tpu.memory_space<vmem>>) offsets(%dma_start3A_429 : memref<128xi32, #tpu.memory_space<vmem>>) semaphore(%dma_start3A_434 : memref<!tpu.dma_semaphore, #tpu.memory_space<semaphore_mem>>)
      } else {
      }
      %add3A_409 = arith.constant 7 : i32
      %add3A_410 = arith.addi %mul3A_324, %add3A_409 : i32
      %lt3A_411 = arith.cmpi slt, %add3A_410, %add3A_2 : i32
      %convert_element_type3A_412 = arith.extui %lt3A_411 : i1 to i32
      %cond3A_413 = arith.constant 0 : i32
      %cond3A_414 = arith.cmpi ne, %convert_element_type3A_412, %cond3A_413 : i32
      scf.if %cond3A_414 {
        %dma_wait3A = arith.constant 7 : i32
        %dma_wait3A_421 = arith.constant 7 : i32
        %dma_wait3A_422 = arith.constant 0 : i32
        %dma_wait3A_423 = arith.constant 0 : i32
        %dma_wait3A_424 = tpu.memref_slice %arg10[%dma_wait3A, %dma_wait3A_422, %dma_wait3A_423] : memref<8x128x32xf32, #tpu.memory_space<vmem>> -> memref<1x128x32xf32, #tpu.memory_space<vmem>>
        %dma_wait3A_425 = tpu.memref_squeeze %dma_wait3A_424 : memref<1x128x32xf32, #tpu.memory_space<vmem>> -> memref<128x32xf32, #tpu.memory_space<vmem>>
        %dma_wait3A_426 = arith.constant 0 : i32
        %dma_wait3A_427 = tpu.memref_slice %arg8[%add3A_410, %dma_wait3A_426] : memref<157x128xi32, #tpu.memory_space<vmem>> -> memref<1x128xi32, #tpu.memory_space<vmem>>
        %dma_wait3A_428 = tpu.memref_squeeze %dma_wait3A_427 : memref<1x128xi32, #tpu.memory_space<vmem>> -> memref<128xi32, #tpu.memory_space<vmem>>
        %dma_wait3A_429 = arith.constant 0 : i32
        %dma_wait3A_430 = arith.constant 0 : i32
        %dma_wait3A_431 = tpu.memref_slice %arg11[%dma_wait3A_429, %dma_wait3A_430] : memref<10240x32xf32, #tpu.memory_space<vmem_shared>> -> memref<10240x32xf32, #tpu.memory_space<vmem_shared>>
        %dma_wait3A_432 = tpu.memref_slice %arg13[%dma_wait3A_421] : memref<8x!tpu.dma_semaphore, #tpu.memory_space<semaphore_mem>> -> memref<1x!tpu.dma_semaphore, #tpu.memory_space<semaphore_mem>>
        %dma_wait3A_433 = tpu.memref_squeeze %dma_wait3A_432 : memref<1x!tpu.dma_semaphore, #tpu.memory_space<semaphore_mem>> -> memref<!tpu.dma_semaphore, #tpu.memory_space<semaphore_mem>>
        tpu.wait_indirect_dma semaphore(%dma_wait3A_433 : memref<!tpu.dma_semaphore, #tpu.memory_space<semaphore_mem>>) src(%dma_wait3A_431 : memref<10240x32xf32, #tpu.memory_space<vmem_shared>>) dst(%dma_wait3A_425 : memref<128x32xf32, #tpu.memory_space<vmem>>)
        %run_scoped3A = arith.constant 7 : i32
        "tpu.region"() ({
          %run_scoped3A_434 = tpu.sem_alloc : memref<!tpu.dma_semaphore, #tpu.memory_space<semaphore_mem>>
          %dma_start3A_435 = arith.constant 0 : i32
          %dma_start3A_436 = arith.constant 0 : i32
          %dma_start3A_437 = tpu.memref_slice %arg10[%run_scoped3A, %dma_start3A_435, %dma_start3A_436] : memref<8x128x32xf32, #tpu.memory_space<vmem>> -> memref<1x128x32xf32, #tpu.memory_space<vmem>>
          %dma_start3A_438 = tpu.memref_squeeze %dma_start3A_437 : memref<1x128x32xf32, #tpu.memory_space<vmem>> -> memref<128x32xf32, #tpu.memory_space<vmem>>
          %dma_start3A_439 = arith.constant 0 : i32
          %dma_start3A_440 = tpu.memref_slice %arg9[%add3A_410, %dma_start3A_439] : memref<157x128xi32, #tpu.memory_space<vmem>> -> memref<1x128xi32, #tpu.memory_space<vmem>>
          %dma_start3A_441 = tpu.memref_squeeze %dma_start3A_440 : memref<1x128xi32, #tpu.memory_space<vmem>> -> memref<128xi32, #tpu.memory_space<vmem>>
          %dma_start3A_442 = arith.constant 0 : i32
          %dma_start3A_443 = arith.constant 0 : i32
          %dma_start3A_444 = tpu.memref_slice %arg12[%dma_start3A_442, %dma_start3A_443] : memref<10240x32xf32, #tpu.memory_space<vmem_shared>> -> memref<10240x32xf32, #tpu.memory_space<vmem_shared>>
          tpu.enqueue_indirect_dma source(%dma_start3A_438 : memref<128x32xf32, #tpu.memory_space<vmem>>) target(%dma_start3A_444 : memref<10240x32xf32, #tpu.memory_space<vmem_shared>>) offsets(%dma_start3A_441 : memref<128xi32, #tpu.memory_space<vmem>>) semaphore(%run_scoped3A_434 : memref<!tpu.dma_semaphore, #tpu.memory_space<semaphore_mem>>) {add = true}
          %dma_wait3A_445 = arith.constant 0 : i32
          %dma_wait3A_446 = arith.constant 0 : i32
          %dma_wait3A_447 = tpu.memref_slice %arg10[%run_scoped3A, %dma_wait3A_445, %dma_wait3A_446] : memref<8x128x32xf32, #tpu.memory_space<vmem>> -> memref<1x128x32xf32, #tpu.memory_space<vmem>>
          %dma_wait3A_448 = tpu.memref_squeeze %dma_wait3A_447 : memref<1x128x32xf32, #tpu.memory_space<vmem>> -> memref<128x32xf32, #tpu.memory_space<vmem>>
          %dma_wait3A_449 = arith.constant 0 : i32
          %dma_wait3A_450 = tpu.memref_slice %arg9[%add3A_410, %dma_wait3A_449] : memref<157x128xi32, #tpu.memory_space<vmem>> -> memref<1x128xi32, #tpu.memory_space<vmem>>
          %dma_wait3A_451 = tpu.memref_squeeze %dma_wait3A_450 : memref<1x128xi32, #tpu.memory_space<vmem>> -> memref<128xi32, #tpu.memory_space<vmem>>
          %dma_wait3A_452 = arith.constant 0 : i32
          %dma_wait3A_453 = arith.constant 0 : i32
          %dma_wait3A_454 = tpu.memref_slice %arg12[%dma_wait3A_452, %dma_wait3A_453] : memref<10240x32xf32, #tpu.memory_space<vmem_shared>> -> memref<10240x32xf32, #tpu.memory_space<vmem_shared>>
          tpu.wait_indirect_dma semaphore(%run_scoped3A_434 : memref<!tpu.dma_semaphore, #tpu.memory_space<semaphore_mem>>) src(%dma_wait3A_448 : memref<128x32xf32, #tpu.memory_space<vmem>>) dst(%dma_wait3A_454 : memref<10240x32xf32, #tpu.memory_space<vmem_shared>>)
          tpu.yield
        }) : () -> ()
      } else {
      }
      %add3A_415 = arith.constant 8 : i32
      %add3A_416 = arith.addi %add3A_410, %add3A_415 : i32
      %lt3A_417 = arith.cmpi slt, %add3A_416, %add3A_2 : i32
      %convert_element_type3A_418 = arith.extui %lt3A_417 : i1 to i32
      %cond3A_419 = arith.constant 0 : i32
      %cond3A_420 = arith.cmpi ne, %convert_element_type3A_418, %cond3A_419 : i32
      scf.if %cond3A_420 {
        %dma_start3A_421 = arith.constant 7 : i32
        %dma_start3A_422 = arith.constant 7 : i32
        %dma_start3A_423 = arith.constant 0 : i32
        %dma_start3A_424 = arith.constant 0 : i32
        %dma_start3A_425 = tpu.memref_slice %arg10[%dma_start3A_421, %dma_start3A_423, %dma_start3A_424] : memref<8x128x32xf32, #tpu.memory_space<vmem>> -> memref<1x128x32xf32, #tpu.memory_space<vmem>>
        %dma_start3A_426 = tpu.memref_squeeze %dma_start3A_425 : memref<1x128x32xf32, #tpu.memory_space<vmem>> -> memref<128x32xf32, #tpu.memory_space<vmem>>
        %dma_start3A_427 = arith.constant 0 : i32
        %dma_start3A_428 = tpu.memref_slice %arg8[%add3A_416, %dma_start3A_427] : memref<157x128xi32, #tpu.memory_space<vmem>> -> memref<1x128xi32, #tpu.memory_space<vmem>>
        %dma_start3A_429 = tpu.memref_squeeze %dma_start3A_428 : memref<1x128xi32, #tpu.memory_space<vmem>> -> memref<128xi32, #tpu.memory_space<vmem>>
        %dma_start3A_430 = arith.constant 0 : i32
        %dma_start3A_431 = arith.constant 0 : i32
        %dma_start3A_432 = tpu.memref_slice %arg11[%dma_start3A_430, %dma_start3A_431] : memref<10240x32xf32, #tpu.memory_space<vmem_shared>> -> memref<10240x32xf32, #tpu.memory_space<vmem_shared>>
        %dma_start3A_433 = tpu.memref_slice %arg13[%dma_start3A_422] : memref<8x!tpu.dma_semaphore, #tpu.memory_space<semaphore_mem>> -> memref<1x!tpu.dma_semaphore, #tpu.memory_space<semaphore_mem>>
        %dma_start3A_434 = tpu.memref_squeeze %dma_start3A_433 : memref<1x!tpu.dma_semaphore, #tpu.memory_space<semaphore_mem>> -> memref<!tpu.dma_semaphore, #tpu.memory_space<semaphore_mem>>
        tpu.enqueue_indirect_dma source(%dma_start3A_432 : memref<10240x32xf32, #tpu.memory_space<vmem_shared>>) target(%dma_start3A_426 : memref<128x32xf32, #tpu.memory_space<vmem>>) offsets(%dma_start3A_429 : memref<128xi32, #tpu.memory_space<vmem>>) semaphore(%dma_start3A_434 : memref<!tpu.dma_semaphore, #tpu.memory_space<semaphore_mem>>)
      } else {
      }
    }
    %scan3A_245 = arith.constant 20 : i32
    %barrier3A_246 = arith.constant 0 : index
    tpu.barrier barrier_id(%barrier3A_246)
    %mul3A_247 = arith.constant 640 : i32
    %mul3A_248 = arith.muli %arg1, %mul3A_247 : i32
    %add3A_249 = arith.constant 0 : i32
    %add3A_250 = arith.addi %mul3A_248, %add3A_249 : i32
    "tpu.region"() ({
      %run_scoped3A = tpu.sem_alloc : memref<!tpu.dma_semaphore, #tpu.memory_space<semaphore_mem>>
      %dma_start3A_322 = arith.constant 0 : i32
      %dma_start3A_323 = tpu.memref_slice %arg11[%add3A_250, %dma_start3A_322] : memref<10240x32xf32, #tpu.memory_space<vmem_shared>> -> memref<160x32xf32, #tpu.memory_space<vmem_shared>>
      %dma_start3A_324 = arith.constant 0 : i32
      %dma_start3A_325 = tpu.memref_slice %arg11[%add3A_250, %dma_start3A_324] : memref<10240x32xf32, #tpu.memory_space<vmem_shared>> -> memref<160x32xf32, #tpu.memory_space<vmem_shared>>
      tpu.enqueue_dma source(%dma_start3A_325 : memref<160x32xf32, #tpu.memory_space<vmem_shared>>) target(%arg16 : memref<160x32xf32, #tpu.memory_space<vmem>>) target_semaphore(%run_scoped3A : memref<!tpu.dma_semaphore, #tpu.memory_space<semaphore_mem>>)
      %dma_wait3A = arith.constant 0 : i32
      %dma_wait3A_326 = tpu.memref_slice %arg11[%add3A_250, %dma_wait3A] : memref<10240x32xf32, #tpu.memory_space<vmem_shared>> -> memref<160x32xf32, #tpu.memory_space<vmem_shared>>
      %dma_wait3A_327 = arith.constant 0 : i32
      %dma_wait3A_328 = tpu.memref_slice %arg11[%add3A_250, %dma_wait3A_327] : memref<10240x32xf32, #tpu.memory_space<vmem_shared>> -> memref<160x32xf32, #tpu.memory_space<vmem_shared>>
      tpu.wait_dma2 semaphore(%run_scoped3A : memref<!tpu.dma_semaphore, #tpu.memory_space<semaphore_mem>>) src(%dma_wait3A_328 : memref<160x32xf32, #tpu.memory_space<vmem_shared>>) dst(%arg16 : memref<160x32xf32, #tpu.memory_space<vmem>>)
      tpu.yield
    }) : () -> ()
    "tpu.region"() ({
      %run_scoped3A = tpu.sem_alloc : memref<!tpu.dma_semaphore, #tpu.memory_space<semaphore_mem>>
      %dma_start3A_322 = arith.constant 0 : i32
      %dma_start3A_323 = tpu.memref_slice %arg12[%add3A_250, %dma_start3A_322] : memref<10240x32xf32, #tpu.memory_space<vmem_shared>> -> memref<160x32xf32, #tpu.memory_space<vmem_shared>>
      %dma_start3A_324 = arith.constant 0 : i32
      %dma_start3A_325 = tpu.memref_slice %arg12[%add3A_250, %dma_start3A_324] : memref<10240x32xf32, #tpu.memory_space<vmem_shared>> -> memref<160x32xf32, #tpu.memory_space<vmem_shared>>
      tpu.enqueue_dma source(%dma_start3A_325 : memref<160x32xf32, #tpu.memory_space<vmem_shared>>) target(%arg17 : memref<160x32xf32, #tpu.memory_space<vmem>>) target_semaphore(%run_scoped3A : memref<!tpu.dma_semaphore, #tpu.memory_space<semaphore_mem>>)
      %dma_wait3A = arith.constant 0 : i32
      %dma_wait3A_326 = tpu.memref_slice %arg12[%add3A_250, %dma_wait3A] : memref<10240x32xf32, #tpu.memory_space<vmem_shared>> -> memref<160x32xf32, #tpu.memory_space<vmem_shared>>
      %dma_wait3A_327 = arith.constant 0 : i32
      %dma_wait3A_328 = tpu.memref_slice %arg12[%add3A_250, %dma_wait3A_327] : memref<10240x32xf32, #tpu.memory_space<vmem_shared>> -> memref<160x32xf32, #tpu.memory_space<vmem_shared>>
      tpu.wait_dma2 semaphore(%run_scoped3A : memref<!tpu.dma_semaphore, #tpu.memory_space<semaphore_mem>>) src(%dma_wait3A_328 : memref<160x32xf32, #tpu.memory_space<vmem_shared>>) dst(%arg17 : memref<160x32xf32, #tpu.memory_space<vmem>>)
      tpu.yield
    }) : () -> ()
    %scan3A_251 = arith.constant 0 : i32
    %scan3A_252 = arith.constant 0 : i32
    %scan3A_253 = arith.constant 160 : i32
    %scan3A_254 = arith.addi %scan3A_252, %scan3A_253 : i32
    %scan3A_255 = arith.constant 1 : i32
    scf.for %scan3A_322 = %scan3A_252 to %scan3A_254 step %scan3A_255  : i32 {
      %broadcast_in_dim3A = arith.constant 0 : i32
      %broadcast_in_dim3A_323 = vector.broadcast %broadcast_in_dim3A : i32 to vector<16xi32>
      %add3A_324 = vector.broadcast %scan3A_322 : i32 to vector<16xi32>
      %add3A_325 = arith.addi %broadcast_in_dim3A_323, %add3A_324 : vector<16xi32>
      %gather3A = tpu.vector_load_idx %arg14[%add3A_325] : memref<640xf32, #tpu.memory_space<vmem>>[vector<16xi32>], vector<16xf32>,
      %get3A = arith.index_cast %scan3A_322 : i32 to index
      %get3A_326 = arith.constant 0 : index
      %get3A_327 = tpu.vector_load %arg16[%get3A, %get3A_326] {strides = array<i32>} : memref<160x32xf32, #tpu.memory_space<vmem>>, vector<16xf32>,
      %get3A_328 = arith.index_cast %scan3A_322 : i32 to index
      %get3A_329 = arith.constant 0 : index
      %get3A_330 = tpu.vector_load %arg17[%get3A_328, %get3A_329] {strides = array<i32>} : memref<160x32xf32, #tpu.memory_space<vmem>>, vector<16xf32>,
      %add3A_331 = arith.addf %get3A_327, %get3A_330 : vector<16xf32>
      %mul3A_332 = arith.mulf %add3A_331, %gather3A : vector<16xf32>
      %swap3A = arith.index_cast %scan3A_322 : i32 to index
      %swap3A_333 = arith.constant 0 : index
      %swap3A_334 = tpu.vector_load %arg16[%swap3A, %swap3A_333] {strides = array<i32>} : memref<160x32xf32, #tpu.memory_space<vmem>>, vector<16xf32>,
      tpu.vector_store %arg16[%swap3A, %swap3A_333], %mul3A_332 {strides = array<i32>} : memref<160x32xf32, #tpu.memory_space<vmem>>, vector<16xf32>,
      %get3A_335 = arith.index_cast %scan3A_322 : i32 to index
      %get3A_336 = arith.constant 16 : index
      %get3A_337 = tpu.vector_load %arg16[%get3A_335, %get3A_336] {strides = array<i32>} : memref<160x32xf32, #tpu.memory_space<vmem>>, vector<16xf32>,
      %get3A_338 = arith.index_cast %scan3A_322 : i32 to index
      %get3A_339 = arith.constant 16 : index
      %get3A_340 = tpu.vector_load %arg17[%get3A_338, %get3A_339] {strides = array<i32>} : memref<160x32xf32, #tpu.memory_space<vmem>>, vector<16xf32>,
      %add3A_341 = arith.addf %get3A_337, %get3A_340 : vector<16xf32>
      %mul3A_342 = arith.mulf %add3A_341, %gather3A : vector<16xf32>
      %swap3A_343 = arith.index_cast %scan3A_322 : i32 to index
      %swap3A_344 = arith.constant 16 : index
      %swap3A_345 = tpu.vector_load %arg16[%swap3A_343, %swap3A_344] {strides = array<i32>} : memref<160x32xf32, #tpu.memory_space<vmem>>, vector<16xf32>,
      tpu.vector_store %arg16[%swap3A_343, %swap3A_344], %mul3A_342 {strides = array<i32>} : memref<160x32xf32, #tpu.memory_space<vmem>>, vector<16xf32>,
    }
    %scan3A_256 = arith.constant 160 : i32
    %lt3A_257 = arith.constant 15 : i32
    %lt3A_258 = arith.cmpi slt, %arg1, %lt3A_257 : i32
    %convert_element_type3A_259 = arith.extui %lt3A_258 : i1 to i32
    %cond3A_260 = arith.constant 0 : i32
    %cond3A_261 = arith.cmpi ne, %convert_element_type3A_259, %cond3A_260 : i32
    scf.if %cond3A_261 {
      %mul3A_322 = arith.constant 32 : i32
      %mul3A_323 = arith.muli %arg0, %mul3A_322 : i32
      "tpu.region"() ({
        %run_scoped3A = tpu.sem_alloc : memref<!tpu.dma_semaphore, #tpu.memory_space<semaphore_mem>>
        %dma_start3A_324 = tpu.memref_slice %arg7[%add3A_250, %mul3A_323] : memref<10000x64xf32, #tpu.memory_space<hbm>> -> memref<160x32xf32, #tpu.memory_space<hbm>>
        %dma_start3A_325 = tpu.memref_slice %arg7[%add3A_250, %mul3A_323] : memref<10000x64xf32, #tpu.memory_space<hbm>> -> memref<160x32xf32, #tpu.memory_space<hbm>>
        tpu.enqueue_dma source(%arg16 : memref<160x32xf32, #tpu.memory_space<vmem>>) target(%dma_start3A_325 : memref<160x32xf32, #tpu.memory_space<hbm>>) target_semaphore(%run_scoped3A : memref<!tpu.dma_semaphore, #tpu.memory_space<semaphore_mem>>)
        %dma_wait3A = tpu.memref_slice %arg7[%add3A_250, %mul3A_323] : memref<10000x64xf32, #tpu.memory_space<hbm>> -> memref<160x32xf32, #tpu.memory_space<hbm>>
        %dma_wait3A_326 = tpu.memref_slice %arg7[%add3A_250, %mul3A_323] : memref<10000x64xf32, #tpu.memory_space<hbm>> -> memref<160x32xf32, #tpu.memory_space<hbm>>
        tpu.wait_dma2 semaphore(%run_scoped3A : memref<!tpu.dma_semaphore, #tpu.memory_space<semaphore_mem>>) src(%arg16 : memref<160x32xf32, #tpu.memory_space<vmem>>) dst(%dma_wait3A_326 : memref<160x32xf32, #tpu.memory_space<hbm>>)
        tpu.yield
      }) : () -> ()
    } else {
    }
    %eq3A_262 = arith.constant 15 : i32
    %eq3A_263 = arith.cmpi eq, %arg1, %eq3A_262 : i32
    %convert_element_type3A_264 = arith.extui %eq3A_263 : i1 to i32
    %cond3A_265 = arith.constant 0 : i32
    %cond3A_266 = arith.cmpi ne, %convert_element_type3A_264, %cond3A_265 : i32
    scf.if %cond3A_266 {
      %mul3A_322 = arith.constant 32 : i32
      %mul3A_323 = arith.muli %arg0, %mul3A_322 : i32
      "tpu.region"() ({
        %run_scoped3A = tpu.sem_alloc : memref<!tpu.dma_semaphore, #tpu.memory_space<semaphore_mem>>
        %dma_start3A_324 = arith.constant 0 : i32
        %dma_start3A_325 = arith.constant 0 : i32
        %dma_start3A_326 = tpu.memref_slice %arg16[%dma_start3A_324, %dma_start3A_325] : memref<160x32xf32, #tpu.memory_space<vmem>> -> memref<160x32xf32, #tpu.memory_space<vmem>>
        %dma_start3A_327 = tpu.memref_slice %arg7[%add3A_250, %mul3A_323] : memref<10000x64xf32, #tpu.memory_space<hbm>> -> memref<160x32xf32, #tpu.memory_space<hbm>>
        %dma_start3A_328 = tpu.memref_slice %arg7[%add3A_250, %mul3A_323] : memref<10000x64xf32, #tpu.memory_space<hbm>> -> memref<160x32xf32, #tpu.memory_space<hbm>>
        %dma_start3A_329 = arith.constant 0 : i32
        %dma_start3A_330 = arith.constant 0 : i32
        %dma_start3A_331 = tpu.memref_slice %arg16[%dma_start3A_329, %dma_start3A_330] : memref<160x32xf32, #tpu.memory_space<vmem>> -> memref<160x32xf32, #tpu.memory_space<vmem>>
        tpu.enqueue_dma source(%dma_start3A_331 : memref<160x32xf32, #tpu.memory_space<vmem>>) target(%dma_start3A_328 : memref<160x32xf32, #tpu.memory_space<hbm>>) target_semaphore(%run_scoped3A : memref<!tpu.dma_semaphore, #tpu.memory_space<semaphore_mem>>)
        %dma_wait3A = arith.constant 0 : i32
        %dma_wait3A_332 = arith.constant 0 : i32
        %dma_wait3A_333 = tpu.memref_slice %arg16[%dma_wait3A, %dma_wait3A_332] : memref<160x32xf32, #tpu.memory_space<vmem>> -> memref<160x32xf32, #tpu.memory_space<vmem>>
        %dma_wait3A_334 = tpu.memref_slice %arg7[%add3A_250, %mul3A_323] : memref<10000x64xf32, #tpu.memory_space<hbm>> -> memref<160x32xf32, #tpu.memory_space<hbm>>
        %dma_wait3A_335 = tpu.memref_slice %arg7[%add3A_250, %mul3A_323] : memref<10000x64xf32, #tpu.memory_space<hbm>> -> memref<160x32xf32, #tpu.memory_space<hbm>>
        %dma_wait3A_336 = arith.constant 0 : i32
        %dma_wait3A_337 = arith.constant 0 : i32
        %dma_wait3A_338 = tpu.memref_slice %arg16[%dma_wait3A_336, %dma_wait3A_337] : memref<160x32xf32, #tpu.memory_space<vmem>> -> memref<160x32xf32, #tpu.memory_space<vmem>>
        tpu.wait_dma2 semaphore(%run_scoped3A : memref<!tpu.dma_semaphore, #tpu.memory_space<semaphore_mem>>) src(%dma_wait3A_338 : memref<160x32xf32, #tpu.memory_space<vmem>>) dst(%dma_wait3A_335 : memref<160x32xf32, #tpu.memory_space<hbm>>)
        tpu.yield
      }) : () -> ()
    } else {
    }
    %mul3A_267 = arith.constant 640 : i32
    %mul3A_268 = arith.muli %arg1, %mul3A_267 : i32
    %add3A_269 = arith.constant 160 : i32
    %add3A_270 = arith.addi %mul3A_268, %add3A_269 : i32
    "tpu.region"() ({
      %run_scoped3A = tpu.sem_alloc : memref<!tpu.dma_semaphore, #tpu.memory_space<semaphore_mem>>
      %dma_start3A_322 = arith.constant 0 : i32
      %dma_start3A_323 = tpu.memref_slice %arg11[%add3A_270, %dma_start3A_322] : memref<10240x32xf32, #tpu.memory_space<vmem_shared>> -> memref<160x32xf32, #tpu.memory_space<vmem_shared>>
      %dma_start3A_324 = arith.constant 0 : i32
      %dma_start3A_325 = tpu.memref_slice %arg11[%add3A_270, %dma_start3A_324] : memref<10240x32xf32, #tpu.memory_space<vmem_shared>> -> memref<160x32xf32, #tpu.memory_space<vmem_shared>>
      tpu.enqueue_dma source(%dma_start3A_325 : memref<160x32xf32, #tpu.memory_space<vmem_shared>>) target(%arg16 : memref<160x32xf32, #tpu.memory_space<vmem>>) target_semaphore(%run_scoped3A : memref<!tpu.dma_semaphore, #tpu.memory_space<semaphore_mem>>)
      %dma_wait3A = arith.constant 0 : i32
      %dma_wait3A_326 = tpu.memref_slice %arg11[%add3A_270, %dma_wait3A] : memref<10240x32xf32, #tpu.memory_space<vmem_shared>> -> memref<160x32xf32, #tpu.memory_space<vmem_shared>>
      %dma_wait3A_327 = arith.constant 0 : i32
      %dma_wait3A_328 = tpu.memref_slice %arg11[%add3A_270, %dma_wait3A_327] : memref<10240x32xf32, #tpu.memory_space<vmem_shared>> -> memref<160x32xf32, #tpu.memory_space<vmem_shared>>
      tpu.wait_dma2 semaphore(%run_scoped3A : memref<!tpu.dma_semaphore, #tpu.memory_space<semaphore_mem>>) src(%dma_wait3A_328 : memref<160x32xf32, #tpu.memory_space<vmem_shared>>) dst(%arg16 : memref<160x32xf32, #tpu.memory_space<vmem>>)
      tpu.yield
    }) : () -> ()
    "tpu.region"() ({
      %run_scoped3A = tpu.sem_alloc : memref<!tpu.dma_semaphore, #tpu.memory_space<semaphore_mem>>
      %dma_start3A_322 = arith.constant 0 : i32
      %dma_start3A_323 = tpu.memref_slice %arg12[%add3A_270, %dma_start3A_322] : memref<10240x32xf32, #tpu.memory_space<vmem_shared>> -> memref<160x32xf32, #tpu.memory_space<vmem_shared>>
      %dma_start3A_324 = arith.constant 0 : i32
      %dma_start3A_325 = tpu.memref_slice %arg12[%add3A_270, %dma_start3A_324] : memref<10240x32xf32, #tpu.memory_space<vmem_shared>> -> memref<160x32xf32, #tpu.memory_space<vmem_shared>>
      tpu.enqueue_dma source(%dma_start3A_325 : memref<160x32xf32, #tpu.memory_space<vmem_shared>>) target(%arg17 : memref<160x32xf32, #tpu.memory_space<vmem>>) target_semaphore(%run_scoped3A : memref<!tpu.dma_semaphore, #tpu.memory_space<semaphore_mem>>)
      %dma_wait3A = arith.constant 0 : i32
      %dma_wait3A_326 = tpu.memref_slice %arg12[%add3A_270, %dma_wait3A] : memref<10240x32xf32, #tpu.memory_space<vmem_shared>> -> memref<160x32xf32, #tpu.memory_space<vmem_shared>>
      %dma_wait3A_327 = arith.constant 0 : i32
      %dma_wait3A_328 = tpu.memref_slice %arg12[%add3A_270, %dma_wait3A_327] : memref<10240x32xf32, #tpu.memory_space<vmem_shared>> -> memref<160x32xf32, #tpu.memory_space<vmem_shared>>
      tpu.wait_dma2 semaphore(%run_scoped3A : memref<!tpu.dma_semaphore, #tpu.memory_space<semaphore_mem>>) src(%dma_wait3A_328 : memref<160x32xf32, #tpu.memory_space<vmem_shared>>) dst(%arg17 : memref<160x32xf32, #tpu.memory_space<vmem>>)
      tpu.yield
    }) : () -> ()
    %scan3A_271 = arith.constant 0 : i32
    %scan3A_272 = arith.constant 0 : i32
    %scan3A_273 = arith.constant 160 : i32
    %scan3A_274 = arith.addi %scan3A_272, %scan3A_273 : i32
    %scan3A_275 = arith.constant 1 : i32
    scf.for %scan3A_322 = %scan3A_272 to %scan3A_274 step %scan3A_275  : i32 {
      %broadcast_in_dim3A = arith.constant 160 : i32
      %broadcast_in_dim3A_323 = vector.broadcast %broadcast_in_dim3A : i32 to vector<16xi32>
      %add3A_324 = vector.broadcast %scan3A_322 : i32 to vector<16xi32>
      %add3A_325 = arith.addi %broadcast_in_dim3A_323, %add3A_324 : vector<16xi32>
      %gather3A = tpu.vector_load_idx %arg14[%add3A_325] : memref<640xf32, #tpu.memory_space<vmem>>[vector<16xi32>], vector<16xf32>,
      %get3A = arith.index_cast %scan3A_322 : i32 to index
      %get3A_326 = arith.constant 0 : index
      %get3A_327 = tpu.vector_load %arg16[%get3A, %get3A_326] {strides = array<i32>} : memref<160x32xf32, #tpu.memory_space<vmem>>, vector<16xf32>,
      %get3A_328 = arith.index_cast %scan3A_322 : i32 to index
      %get3A_329 = arith.constant 0 : index
      %get3A_330 = tpu.vector_load %arg17[%get3A_328, %get3A_329] {strides = array<i32>} : memref<160x32xf32, #tpu.memory_space<vmem>>, vector<16xf32>,
      %add3A_331 = arith.addf %get3A_327, %get3A_330 : vector<16xf32>
      %mul3A_332 = arith.mulf %add3A_331, %gather3A : vector<16xf32>
      %swap3A = arith.index_cast %scan3A_322 : i32 to index
      %swap3A_333 = arith.constant 0 : index
      %swap3A_334 = tpu.vector_load %arg16[%swap3A, %swap3A_333] {strides = array<i32>} : memref<160x32xf32, #tpu.memory_space<vmem>>, vector<16xf32>,
      tpu.vector_store %arg16[%swap3A, %swap3A_333], %mul3A_332 {strides = array<i32>} : memref<160x32xf32, #tpu.memory_space<vmem>>, vector<16xf32>,
      %get3A_335 = arith.index_cast %scan3A_322 : i32 to index
      %get3A_336 = arith.constant 16 : index
      %get3A_337 = tpu.vector_load %arg16[%get3A_335, %get3A_336] {strides = array<i32>} : memref<160x32xf32, #tpu.memory_space<vmem>>, vector<16xf32>,
      %get3A_338 = arith.index_cast %scan3A_322 : i32 to index
      %get3A_339 = arith.constant 16 : index
      %get3A_340 = tpu.vector_load %arg17[%get3A_338, %get3A_339] {strides = array<i32>} : memref<160x32xf32, #tpu.memory_space<vmem>>, vector<16xf32>,
      %add3A_341 = arith.addf %get3A_337, %get3A_340 : vector<16xf32>
      %mul3A_342 = arith.mulf %add3A_341, %gather3A : vector<16xf32>
      %swap3A_343 = arith.index_cast %scan3A_322 : i32 to index
      %swap3A_344 = arith.constant 16 : index
      %swap3A_345 = tpu.vector_load %arg16[%swap3A_343, %swap3A_344] {strides = array<i32>} : memref<160x32xf32, #tpu.memory_space<vmem>>, vector<16xf32>,
      tpu.vector_store %arg16[%swap3A_343, %swap3A_344], %mul3A_342 {strides = array<i32>} : memref<160x32xf32, #tpu.memory_space<vmem>>, vector<16xf32>,
    }
    %scan3A_276 = arith.constant 160 : i32
    %lt3A_277 = arith.constant 15 : i32
    %lt3A_278 = arith.cmpi slt, %arg1, %lt3A_277 : i32
    %convert_element_type3A_279 = arith.extui %lt3A_278 : i1 to i32
    %cond3A_280 = arith.constant 0 : i32
    %cond3A_281 = arith.cmpi ne, %convert_element_type3A_279, %cond3A_280 : i32
    scf.if %cond3A_281 {
      %mul3A_322 = arith.constant 32 : i32
      %mul3A_323 = arith.muli %arg0, %mul3A_322 : i32
      "tpu.region"() ({
        %run_scoped3A = tpu.sem_alloc : memref<!tpu.dma_semaphore, #tpu.memory_space<semaphore_mem>>
        %dma_start3A_324 = tpu.memref_slice %arg7[%add3A_270, %mul3A_323] : memref<10000x64xf32, #tpu.memory_space<hbm>> -> memref<160x32xf32, #tpu.memory_space<hbm>>
        %dma_start3A_325 = tpu.memref_slice %arg7[%add3A_270, %mul3A_323] : memref<10000x64xf32, #tpu.memory_space<hbm>> -> memref<160x32xf32, #tpu.memory_space<hbm>>
        tpu.enqueue_dma source(%arg16 : memref<160x32xf32, #tpu.memory_space<vmem>>) target(%dma_start3A_325 : memref<160x32xf32, #tpu.memory_space<hbm>>) target_semaphore(%run_scoped3A : memref<!tpu.dma_semaphore, #tpu.memory_space<semaphore_mem>>)
        %dma_wait3A = tpu.memref_slice %arg7[%add3A_270, %mul3A_323] : memref<10000x64xf32, #tpu.memory_space<hbm>> -> memref<160x32xf32, #tpu.memory_space<hbm>>
        %dma_wait3A_326 = tpu.memref_slice %arg7[%add3A_270, %mul3A_323] : memref<10000x64xf32, #tpu.memory_space<hbm>> -> memref<160x32xf32, #tpu.memory_space<hbm>>
        tpu.wait_dma2 semaphore(%run_scoped3A : memref<!tpu.dma_semaphore, #tpu.memory_space<semaphore_mem>>) src(%arg16 : memref<160x32xf32, #tpu.memory_space<vmem>>) dst(%dma_wait3A_326 : memref<160x32xf32, #tpu.memory_space<hbm>>)
        tpu.yield
      }) : () -> ()
    } else {
    }
    %eq3A_282 = arith.constant 15 : i32
    %eq3A_283 = arith.cmpi eq, %arg1, %eq3A_282 : i32
    %convert_element_type3A_284 = arith.extui %eq3A_283 : i1 to i32
    %cond3A_285 = arith.constant 0 : i32
    %cond3A_286 = arith.cmpi ne, %convert_element_type3A_284, %cond3A_285 : i32
    scf.if %cond3A_286 {
      %mul3A_322 = arith.constant 32 : i32
      %mul3A_323 = arith.muli %arg0, %mul3A_322 : i32
      "tpu.region"() ({
        %run_scoped3A = tpu.sem_alloc : memref<!tpu.dma_semaphore, #tpu.memory_space<semaphore_mem>>
        %dma_start3A_324 = arith.constant 0 : i32
        %dma_start3A_325 = arith.constant 0 : i32
        %dma_start3A_326 = tpu.memref_slice %arg16[%dma_start3A_324, %dma_start3A_325] : memref<160x32xf32, #tpu.memory_space<vmem>> -> memref<160x32xf32, #tpu.memory_space<vmem>>
        %dma_start3A_327 = tpu.memref_slice %arg7[%add3A_270, %mul3A_323] : memref<10000x64xf32, #tpu.memory_space<hbm>> -> memref<160x32xf32, #tpu.memory_space<hbm>>
        %dma_start3A_328 = tpu.memref_slice %arg7[%add3A_270, %mul3A_323] : memref<10000x64xf32, #tpu.memory_space<hbm>> -> memref<160x32xf32, #tpu.memory_space<hbm>>
        %dma_start3A_329 = arith.constant 0 : i32
        %dma_start3A_330 = arith.constant 0 : i32
        %dma_start3A_331 = tpu.memref_slice %arg16[%dma_start3A_329, %dma_start3A_330] : memref<160x32xf32, #tpu.memory_space<vmem>> -> memref<160x32xf32, #tpu.memory_space<vmem>>
        tpu.enqueue_dma source(%dma_start3A_331 : memref<160x32xf32, #tpu.memory_space<vmem>>) target(%dma_start3A_328 : memref<160x32xf32, #tpu.memory_space<hbm>>) target_semaphore(%run_scoped3A : memref<!tpu.dma_semaphore, #tpu.memory_space<semaphore_mem>>)
        %dma_wait3A = arith.constant 0 : i32
        %dma_wait3A_332 = arith.constant 0 : i32
        %dma_wait3A_333 = tpu.memref_slice %arg16[%dma_wait3A, %dma_wait3A_332] : memref<160x32xf32, #tpu.memory_space<vmem>> -> memref<160x32xf32, #tpu.memory_space<vmem>>
        %dma_wait3A_334 = tpu.memref_slice %arg7[%add3A_270, %mul3A_323] : memref<10000x64xf32, #tpu.memory_space<hbm>> -> memref<160x32xf32, #tpu.memory_space<hbm>>
        %dma_wait3A_335 = tpu.memref_slice %arg7[%add3A_270, %mul3A_323] : memref<10000x64xf32, #tpu.memory_space<hbm>> -> memref<160x32xf32, #tpu.memory_space<hbm>>
        %dma_wait3A_336 = arith.constant 0 : i32
        %dma_wait3A_337 = arith.constant 0 : i32
        %dma_wait3A_338 = tpu.memref_slice %arg16[%dma_wait3A_336, %dma_wait3A_337] : memref<160x32xf32, #tpu.memory_space<vmem>> -> memref<160x32xf32, #tpu.memory_space<vmem>>
        tpu.wait_dma2 semaphore(%run_scoped3A : memref<!tpu.dma_semaphore, #tpu.memory_space<semaphore_mem>>) src(%dma_wait3A_338 : memref<160x32xf32, #tpu.memory_space<vmem>>) dst(%dma_wait3A_335 : memref<160x32xf32, #tpu.memory_space<hbm>>)
        tpu.yield
      }) : () -> ()
    } else {
    }
    %mul3A_287 = arith.constant 640 : i32
    %mul3A_288 = arith.muli %arg1, %mul3A_287 : i32
    %add3A_289 = arith.constant 320 : i32
    %add3A_290 = arith.addi %mul3A_288, %add3A_289 : i32
    "tpu.region"() ({
      %run_scoped3A = tpu.sem_alloc : memref<!tpu.dma_semaphore, #tpu.memory_space<semaphore_mem>>
      %dma_start3A_322 = arith.constant 0 : i32
      %dma_start3A_323 = tpu.memref_slice %arg11[%add3A_290, %dma_start3A_322] : memref<10240x32xf32, #tpu.memory_space<vmem_shared>> -> memref<160x32xf32, #tpu.memory_space<vmem_shared>>
      %dma_start3A_324 = arith.constant 0 : i32
      %dma_start3A_325 = tpu.memref_slice %arg11[%add3A_290, %dma_start3A_324] : memref<10240x32xf32, #tpu.memory_space<vmem_shared>> -> memref<160x32xf32, #tpu.memory_space<vmem_shared>>
      tpu.enqueue_dma source(%dma_start3A_325 : memref<160x32xf32, #tpu.memory_space<vmem_shared>>) target(%arg16 : memref<160x32xf32, #tpu.memory_space<vmem>>) target_semaphore(%run_scoped3A : memref<!tpu.dma_semaphore, #tpu.memory_space<semaphore_mem>>)
      %dma_wait3A = arith.constant 0 : i32
      %dma_wait3A_326 = tpu.memref_slice %arg11[%add3A_290, %dma_wait3A] : memref<10240x32xf32, #tpu.memory_space<vmem_shared>> -> memref<160x32xf32, #tpu.memory_space<vmem_shared>>
      %dma_wait3A_327 = arith.constant 0 : i32
      %dma_wait3A_328 = tpu.memref_slice %arg11[%add3A_290, %dma_wait3A_327] : memref<10240x32xf32, #tpu.memory_space<vmem_shared>> -> memref<160x32xf32, #tpu.memory_space<vmem_shared>>
      tpu.wait_dma2 semaphore(%run_scoped3A : memref<!tpu.dma_semaphore, #tpu.memory_space<semaphore_mem>>) src(%dma_wait3A_328 : memref<160x32xf32, #tpu.memory_space<vmem_shared>>) dst(%arg16 : memref<160x32xf32, #tpu.memory_space<vmem>>)
      tpu.yield
    }) : () -> ()
    "tpu.region"() ({
      %run_scoped3A = tpu.sem_alloc : memref<!tpu.dma_semaphore, #tpu.memory_space<semaphore_mem>>
      %dma_start3A_322 = arith.constant 0 : i32
      %dma_start3A_323 = tpu.memref_slice %arg12[%add3A_290, %dma_start3A_322] : memref<10240x32xf32, #tpu.memory_space<vmem_shared>> -> memref<160x32xf32, #tpu.memory_space<vmem_shared>>
      %dma_start3A_324 = arith.constant 0 : i32
      %dma_start3A_325 = tpu.memref_slice %arg12[%add3A_290, %dma_start3A_324] : memref<10240x32xf32, #tpu.memory_space<vmem_shared>> -> memref<160x32xf32, #tpu.memory_space<vmem_shared>>
      tpu.enqueue_dma source(%dma_start3A_325 : memref<160x32xf32, #tpu.memory_space<vmem_shared>>) target(%arg17 : memref<160x32xf32, #tpu.memory_space<vmem>>) target_semaphore(%run_scoped3A : memref<!tpu.dma_semaphore, #tpu.memory_space<semaphore_mem>>)
      %dma_wait3A = arith.constant 0 : i32
      %dma_wait3A_326 = tpu.memref_slice %arg12[%add3A_290, %dma_wait3A] : memref<10240x32xf32, #tpu.memory_space<vmem_shared>> -> memref<160x32xf32, #tpu.memory_space<vmem_shared>>
      %dma_wait3A_327 = arith.constant 0 : i32
      %dma_wait3A_328 = tpu.memref_slice %arg12[%add3A_290, %dma_wait3A_327] : memref<10240x32xf32, #tpu.memory_space<vmem_shared>> -> memref<160x32xf32, #tpu.memory_space<vmem_shared>>
      tpu.wait_dma2 semaphore(%run_scoped3A : memref<!tpu.dma_semaphore, #tpu.memory_space<semaphore_mem>>) src(%dma_wait3A_328 : memref<160x32xf32, #tpu.memory_space<vmem_shared>>) dst(%arg17 : memref<160x32xf32, #tpu.memory_space<vmem>>)
      tpu.yield
    }) : () -> ()
    %scan3A_291 = arith.constant 0 : i32
    %scan3A_292 = arith.constant 0 : i32
    %scan3A_293 = arith.constant 160 : i32
    %scan3A_294 = arith.addi %scan3A_292, %scan3A_293 : i32
    %scan3A_295 = arith.constant 1 : i32
    scf.for %scan3A_322 = %scan3A_292 to %scan3A_294 step %scan3A_295  : i32 {
      %broadcast_in_dim3A = arith.constant 320 : i32
      %broadcast_in_dim3A_323 = vector.broadcast %broadcast_in_dim3A : i32 to vector<16xi32>
      %add3A_324 = vector.broadcast %scan3A_322 : i32 to vector<16xi32>
      %add3A_325 = arith.addi %broadcast_in_dim3A_323, %add3A_324 : vector<16xi32>
      %gather3A = tpu.vector_load_idx %arg14[%add3A_325] : memref<640xf32, #tpu.memory_space<vmem>>[vector<16xi32>], vector<16xf32>,
      %get3A = arith.index_cast %scan3A_322 : i32 to index
      %get3A_326 = arith.constant 0 : index
      %get3A_327 = tpu.vector_load %arg16[%get3A, %get3A_326] {strides = array<i32>} : memref<160x32xf32, #tpu.memory_space<vmem>>, vector<16xf32>,
      %get3A_328 = arith.index_cast %scan3A_322 : i32 to index
      %get3A_329 = arith.constant 0 : index
      %get3A_330 = tpu.vector_load %arg17[%get3A_328, %get3A_329] {strides = array<i32>} : memref<160x32xf32, #tpu.memory_space<vmem>>, vector<16xf32>,
      %add3A_331 = arith.addf %get3A_327, %get3A_330 : vector<16xf32>
      %mul3A_332 = arith.mulf %add3A_331, %gather3A : vector<16xf32>
      %swap3A = arith.index_cast %scan3A_322 : i32 to index
      %swap3A_333 = arith.constant 0 : index
      %swap3A_334 = tpu.vector_load %arg16[%swap3A, %swap3A_333] {strides = array<i32>} : memref<160x32xf32, #tpu.memory_space<vmem>>, vector<16xf32>,
      tpu.vector_store %arg16[%swap3A, %swap3A_333], %mul3A_332 {strides = array<i32>} : memref<160x32xf32, #tpu.memory_space<vmem>>, vector<16xf32>,
      %get3A_335 = arith.index_cast %scan3A_322 : i32 to index
      %get3A_336 = arith.constant 16 : index
      %get3A_337 = tpu.vector_load %arg16[%get3A_335, %get3A_336] {strides = array<i32>} : memref<160x32xf32, #tpu.memory_space<vmem>>, vector<16xf32>,
      %get3A_338 = arith.index_cast %scan3A_322 : i32 to index
      %get3A_339 = arith.constant 16 : index
      %get3A_340 = tpu.vector_load %arg17[%get3A_338, %get3A_339] {strides = array<i32>} : memref<160x32xf32, #tpu.memory_space<vmem>>, vector<16xf32>,
      %add3A_341 = arith.addf %get3A_337, %get3A_340 : vector<16xf32>
      %mul3A_342 = arith.mulf %add3A_341, %gather3A : vector<16xf32>
      %swap3A_343 = arith.index_cast %scan3A_322 : i32 to index
      %swap3A_344 = arith.constant 16 : index
      %swap3A_345 = tpu.vector_load %arg16[%swap3A_343, %swap3A_344] {strides = array<i32>} : memref<160x32xf32, #tpu.memory_space<vmem>>, vector<16xf32>,
      tpu.vector_store %arg16[%swap3A_343, %swap3A_344], %mul3A_342 {strides = array<i32>} : memref<160x32xf32, #tpu.memory_space<vmem>>, vector<16xf32>,
    }
    %scan3A_296 = arith.constant 160 : i32
    %lt3A_297 = arith.constant 15 : i32
    %lt3A_298 = arith.cmpi slt, %arg1, %lt3A_297 : i32
    %convert_element_type3A_299 = arith.extui %lt3A_298 : i1 to i32
    %cond3A_300 = arith.constant 0 : i32
    %cond3A_301 = arith.cmpi ne, %convert_element_type3A_299, %cond3A_300 : i32
    scf.if %cond3A_301 {
      %mul3A_322 = arith.constant 32 : i32
      %mul3A_323 = arith.muli %arg0, %mul3A_322 : i32
      "tpu.region"() ({
        %run_scoped3A = tpu.sem_alloc : memref<!tpu.dma_semaphore, #tpu.memory_space<semaphore_mem>>
        %dma_start3A_324 = tpu.memref_slice %arg7[%add3A_290, %mul3A_323] : memref<10000x64xf32, #tpu.memory_space<hbm>> -> memref<160x32xf32, #tpu.memory_space<hbm>>
        %dma_start3A_325 = tpu.memref_slice %arg7[%add3A_290, %mul3A_323] : memref<10000x64xf32, #tpu.memory_space<hbm>> -> memref<160x32xf32, #tpu.memory_space<hbm>>
        tpu.enqueue_dma source(%arg16 : memref<160x32xf32, #tpu.memory_space<vmem>>) target(%dma_start3A_325 : memref<160x32xf32, #tpu.memory_space<hbm>>) target_semaphore(%run_scoped3A : memref<!tpu.dma_semaphore, #tpu.memory_space<semaphore_mem>>)
        %dma_wait3A = tpu.memref_slice %arg7[%add3A_290, %mul3A_323] : memref<10000x64xf32, #tpu.memory_space<hbm>> -> memref<160x32xf32, #tpu.memory_space<hbm>>
        %dma_wait3A_326 = tpu.memref_slice %arg7[%add3A_290, %mul3A_323] : memref<10000x64xf32, #tpu.memory_space<hbm>> -> memref<160x32xf32, #tpu.memory_space<hbm>>
        tpu.wait_dma2 semaphore(%run_scoped3A : memref<!tpu.dma_semaphore, #tpu.memory_space<semaphore_mem>>) src(%arg16 : memref<160x32xf32, #tpu.memory_space<vmem>>) dst(%dma_wait3A_326 : memref<160x32xf32, #tpu.memory_space<hbm>>)
        tpu.yield
      }) : () -> ()
    } else {
    }
    %eq3A_302 = arith.constant 15 : i32
    %eq3A_303 = arith.cmpi eq, %arg1, %eq3A_302 : i32
    %convert_element_type3A_304 = arith.extui %eq3A_303 : i1 to i32
    %cond3A_305 = arith.constant 0 : i32
    %cond3A_306 = arith.cmpi ne, %convert_element_type3A_304, %cond3A_305 : i32
    scf.if %cond3A_306 {
      %mul3A_322 = arith.constant 32 : i32
      %mul3A_323 = arith.muli %arg0, %mul3A_322 : i32
      "tpu.region"() ({
        %run_scoped3A = tpu.sem_alloc : memref<!tpu.dma_semaphore, #tpu.memory_space<semaphore_mem>>
        %dma_start3A_324 = arith.constant 0 : i32
        %dma_start3A_325 = arith.constant 0 : i32
        %dma_start3A_326 = tpu.memref_slice %arg16[%dma_start3A_324, %dma_start3A_325] : memref<160x32xf32, #tpu.memory_space<vmem>> -> memref<80x32xf32, #tpu.memory_space<vmem>>
        %dma_start3A_327 = tpu.memref_slice %arg7[%add3A_290, %mul3A_323] : memref<10000x64xf32, #tpu.memory_space<hbm>> -> memref<80x32xf32, #tpu.memory_space<hbm>>
        %dma_start3A_328 = tpu.memref_slice %arg7[%add3A_290, %mul3A_323] : memref<10000x64xf32, #tpu.memory_space<hbm>> -> memref<80x32xf32, #tpu.memory_space<hbm>>
        %dma_start3A_329 = arith.constant 0 : i32
        %dma_start3A_330 = arith.constant 0 : i32
        %dma_start3A_331 = tpu.memref_slice %arg16[%dma_start3A_329, %dma_start3A_330] : memref<160x32xf32, #tpu.memory_space<vmem>> -> memref<80x32xf32, #tpu.memory_space<vmem>>
        tpu.enqueue_dma source(%dma_start3A_331 : memref<80x32xf32, #tpu.memory_space<vmem>>) target(%dma_start3A_328 : memref<80x32xf32, #tpu.memory_space<hbm>>) target_semaphore(%run_scoped3A : memref<!tpu.dma_semaphore, #tpu.memory_space<semaphore_mem>>)
        %dma_wait3A = arith.constant 0 : i32
        %dma_wait3A_332 = arith.constant 0 : i32
        %dma_wait3A_333 = tpu.memref_slice %arg16[%dma_wait3A, %dma_wait3A_332] : memref<160x32xf32, #tpu.memory_space<vmem>> -> memref<80x32xf32, #tpu.memory_space<vmem>>
        %dma_wait3A_334 = tpu.memref_slice %arg7[%add3A_290, %mul3A_323] : memref<10000x64xf32, #tpu.memory_space<hbm>> -> memref<80x32xf32, #tpu.memory_space<hbm>>
        %dma_wait3A_335 = tpu.memref_slice %arg7[%add3A_290, %mul3A_323] : memref<10000x64xf32, #tpu.memory_space<hbm>> -> memref<80x32xf32, #tpu.memory_space<hbm>>
        %dma_wait3A_336 = arith.constant 0 : i32
        %dma_wait3A_337 = arith.constant 0 : i32
        %dma_wait3A_338 = tpu.memref_slice %arg16[%dma_wait3A_336, %dma_wait3A_337] : memref<160x32xf32, #tpu.memory_space<vmem>> -> memref<80x32xf32, #tpu.memory_space<vmem>>
        tpu.wait_dma2 semaphore(%run_scoped3A : memref<!tpu.dma_semaphore, #tpu.memory_space<semaphore_mem>>) src(%dma_wait3A_338 : memref<80x32xf32, #tpu.memory_space<vmem>>) dst(%dma_wait3A_335 : memref<80x32xf32, #tpu.memory_space<hbm>>)
        tpu.yield
      }) : () -> ()
    } else {
    }
    %mul3A_307 = arith.constant 640 : i32
    %mul3A_308 = arith.muli %arg1, %mul3A_307 : i32
    %add3A_309 = arith.constant 480 : i32
    %add3A_310 = arith.addi %mul3A_308, %add3A_309 : i32
    "tpu.region"() ({
      %run_scoped3A = tpu.sem_alloc : memref<!tpu.dma_semaphore, #tpu.memory_space<semaphore_mem>>
      %dma_start3A_322 = arith.constant 0 : i32
      %dma_start3A_323 = tpu.memref_slice %arg11[%add3A_310, %dma_start3A_322] : memref<10240x32xf32, #tpu.memory_space<vmem_shared>> -> memref<160x32xf32, #tpu.memory_space<vmem_shared>>
      %dma_start3A_324 = arith.constant 0 : i32
      %dma_start3A_325 = tpu.memref_slice %arg11[%add3A_310, %dma_start3A_324] : memref<10240x32xf32, #tpu.memory_space<vmem_shared>> -> memref<160x32xf32, #tpu.memory_space<vmem_shared>>
      tpu.enqueue_dma source(%dma_start3A_325 : memref<160x32xf32, #tpu.memory_space<vmem_shared>>) target(%arg16 : memref<160x32xf32, #tpu.memory_space<vmem>>) target_semaphore(%run_scoped3A : memref<!tpu.dma_semaphore, #tpu.memory_space<semaphore_mem>>)
      %dma_wait3A = arith.constant 0 : i32
      %dma_wait3A_326 = tpu.memref_slice %arg11[%add3A_310, %dma_wait3A] : memref<10240x32xf32, #tpu.memory_space<vmem_shared>> -> memref<160x32xf32, #tpu.memory_space<vmem_shared>>
      %dma_wait3A_327 = arith.constant 0 : i32
      %dma_wait3A_328 = tpu.memref_slice %arg11[%add3A_310, %dma_wait3A_327] : memref<10240x32xf32, #tpu.memory_space<vmem_shared>> -> memref<160x32xf32, #tpu.memory_space<vmem_shared>>
      tpu.wait_dma2 semaphore(%run_scoped3A : memref<!tpu.dma_semaphore, #tpu.memory_space<semaphore_mem>>) src(%dma_wait3A_328 : memref<160x32xf32, #tpu.memory_space<vmem_shared>>) dst(%arg16 : memref<160x32xf32, #tpu.memory_space<vmem>>)
      tpu.yield
    }) : () -> ()
    "tpu.region"() ({
      %run_scoped3A = tpu.sem_alloc : memref<!tpu.dma_semaphore, #tpu.memory_space<semaphore_mem>>
      %dma_start3A_322 = arith.constant 0 : i32
      %dma_start3A_323 = tpu.memref_slice %arg12[%add3A_310, %dma_start3A_322] : memref<10240x32xf32, #tpu.memory_space<vmem_shared>> -> memref<160x32xf32, #tpu.memory_space<vmem_shared>>
      %dma_start3A_324 = arith.constant 0 : i32
      %dma_start3A_325 = tpu.memref_slice %arg12[%add3A_310, %dma_start3A_324] : memref<10240x32xf32, #tpu.memory_space<vmem_shared>> -> memref<160x32xf32, #tpu.memory_space<vmem_shared>>
      tpu.enqueue_dma source(%dma_start3A_325 : memref<160x32xf32, #tpu.memory_space<vmem_shared>>) target(%arg17 : memref<160x32xf32, #tpu.memory_space<vmem>>) target_semaphore(%run_scoped3A : memref<!tpu.dma_semaphore, #tpu.memory_space<semaphore_mem>>)
      %dma_wait3A = arith.constant 0 : i32
      %dma_wait3A_326 = tpu.memref_slice %arg12[%add3A_310, %dma_wait3A] : memref<10240x32xf32, #tpu.memory_space<vmem_shared>> -> memref<160x32xf32, #tpu.memory_space<vmem_shared>>
      %dma_wait3A_327 = arith.constant 0 : i32
      %dma_wait3A_328 = tpu.memref_slice %arg12[%add3A_310, %dma_wait3A_327] : memref<10240x32xf32, #tpu.memory_space<vmem_shared>> -> memref<160x32xf32, #tpu.memory_space<vmem_shared>>
      tpu.wait_dma2 semaphore(%run_scoped3A : memref<!tpu.dma_semaphore, #tpu.memory_space<semaphore_mem>>) src(%dma_wait3A_328 : memref<160x32xf32, #tpu.memory_space<vmem_shared>>) dst(%arg17 : memref<160x32xf32, #tpu.memory_space<vmem>>)
      tpu.yield
    }) : () -> ()
    %scan3A_311 = arith.constant 0 : i32
    %scan3A_312 = arith.constant 0 : i32
    %scan3A_313 = arith.constant 160 : i32
    %scan3A_314 = arith.addi %scan3A_312, %scan3A_313 : i32
    %scan3A_315 = arith.constant 1 : i32
    scf.for %scan3A_322 = %scan3A_312 to %scan3A_314 step %scan3A_315  : i32 {
      %broadcast_in_dim3A = arith.constant 480 : i32
      %broadcast_in_dim3A_323 = vector.broadcast %broadcast_in_dim3A : i32 to vector<16xi32>
      %add3A_324 = vector.broadcast %scan3A_322 : i32 to vector<16xi32>
      %add3A_325 = arith.addi %broadcast_in_dim3A_323, %add3A_324 : vector<16xi32>
      %gather3A = tpu.vector_load_idx %arg14[%add3A_325] : memref<640xf32, #tpu.memory_space<vmem>>[vector<16xi32>], vector<16xf32>,
      %get3A = arith.index_cast %scan3A_322 : i32 to index
      %get3A_326 = arith.constant 0 : index
      %get3A_327 = tpu.vector_load %arg16[%get3A, %get3A_326] {strides = array<i32>} : memref<160x32xf32, #tpu.memory_space<vmem>>, vector<16xf32>,
      %get3A_328 = arith.index_cast %scan3A_322 : i32 to index
      %get3A_329 = arith.constant 0 : index
      %get3A_330 = tpu.vector_load %arg17[%get3A_328, %get3A_329] {strides = array<i32>} : memref<160x32xf32, #tpu.memory_space<vmem>>, vector<16xf32>,
      %add3A_331 = arith.addf %get3A_327, %get3A_330 : vector<16xf32>
      %mul3A_332 = arith.mulf %add3A_331, %gather3A : vector<16xf32>
      %swap3A = arith.index_cast %scan3A_322 : i32 to index
      %swap3A_333 = arith.constant 0 : index
      %swap3A_334 = tpu.vector_load %arg16[%swap3A, %swap3A_333] {strides = array<i32>} : memref<160x32xf32, #tpu.memory_space<vmem>>, vector<16xf32>,
      tpu.vector_store %arg16[%swap3A, %swap3A_333], %mul3A_332 {strides = array<i32>} : memref<160x32xf32, #tpu.memory_space<vmem>>, vector<16xf32>,
      %get3A_335 = arith.index_cast %scan3A_322 : i32 to index
      %get3A_336 = arith.constant 16 : index
      %get3A_337 = tpu.vector_load %arg16[%get3A_335, %get3A_336] {strides = array<i32>} : memref<160x32xf32, #tpu.memory_space<vmem>>, vector<16xf32>,
      %get3A_338 = arith.index_cast %scan3A_322 : i32 to index
      %get3A_339 = arith.constant 16 : index
      %get3A_340 = tpu.vector_load %arg17[%get3A_338, %get3A_339] {strides = array<i32>} : memref<160x32xf32, #tpu.memory_space<vmem>>, vector<16xf32>,
      %add3A_341 = arith.addf %get3A_337, %get3A_340 : vector<16xf32>
      %mul3A_342 = arith.mulf %add3A_341, %gather3A : vector<16xf32>
      %swap3A_343 = arith.index_cast %scan3A_322 : i32 to index
      %swap3A_344 = arith.constant 16 : index
      %swap3A_345 = tpu.vector_load %arg16[%swap3A_343, %swap3A_344] {strides = array<i32>} : memref<160x32xf32, #tpu.memory_space<vmem>>, vector<16xf32>,
      tpu.vector_store %arg16[%swap3A_343, %swap3A_344], %mul3A_342 {strides = array<i32>} : memref<160x32xf32, #tpu.memory_space<vmem>>, vector<16xf32>,
    }
    %scan3A_316 = arith.constant 160 : i32
    %lt3A_317 = arith.constant 15 : i32
    %lt3A_318 = arith.cmpi slt, %arg1, %lt3A_317 : i32
    %convert_element_type3A_319 = arith.extui %lt3A_318 : i1 to i32
    %cond3A_320 = arith.constant 0 : i32
    %cond3A_321 = arith.cmpi ne, %convert_element_type3A_319, %cond3A_320 : i32
    scf.if %cond3A_321 {
      %mul3A_322 = arith.constant 32 : i32
      %mul3A_323 = arith.muli %arg0, %mul3A_322 : i32
      "tpu.region"() ({
        %run_scoped3A = tpu.sem_alloc : memref<!tpu.dma_semaphore, #tpu.memory_space<semaphore_mem>>
        %dma_start3A_324 = tpu.memref_slice %arg7[%add3A_310, %mul3A_323] : memref<10000x64xf32, #tpu.memory_space<hbm>> -> memref<160x32xf32, #tpu.memory_space<hbm>>
        %dma_start3A_325 = tpu.memref_slice %arg7[%add3A_310, %mul3A_323] : memref<10000x64xf32, #tpu.memory_space<hbm>> -> memref<160x32xf32, #tpu.memory_space<hbm>>
        tpu.enqueue_dma source(%arg16 : memref<160x32xf32, #tpu.memory_space<vmem>>) target(%dma_start3A_325 : memref<160x32xf32, #tpu.memory_space<hbm>>) target_semaphore(%run_scoped3A : memref<!tpu.dma_semaphore, #tpu.memory_space<semaphore_mem>>)
        %dma_wait3A = tpu.memref_slice %arg7[%add3A_310, %mul3A_323] : memref<10000x64xf32, #tpu.memory_space<hbm>> -> memref<160x32xf32, #tpu.memory_space<hbm>>
        %dma_wait3A_326 = tpu.memref_slice %arg7[%add3A_310, %mul3A_323] : memref<10000x64xf32, #tpu.memory_space<hbm>> -> memref<160x32xf32, #tpu.memory_space<hbm>>
        tpu.wait_dma2 semaphore(%run_scoped3A : memref<!tpu.dma_semaphore, #tpu.memory_space<semaphore_mem>>) src(%arg16 : memref<160x32xf32, #tpu.memory_space<vmem>>) dst(%dma_wait3A_326 : memref<160x32xf32, #tpu.memory_space<hbm>>)
        tpu.yield
      }) : () -> ()
    } else {
    }
    return
  }
}

module attributes {stable_mosaic.version = 14 : i64} {
  func.func @_proj_body(%arg0: memref<10000x128xf32, #tpu.memory_space<vmem>>, %arg1: memref<64x128xf32, #tpu.memory_space<vmem>>, %arg2: memref<1x64xf32, #tpu.memory_space<vmem>>, %arg3: memref<10240x32xf32, #tpu.memory_space<vmem>>, %arg4: memref<10240x32xf32, #tpu.memory_space<vmem>>) attributes {dimension_semantics = [], scalar_prefetch = 0 : i64, scratch_operands = 0 : i64, tpu.core_type = #tpu.core_type<tc>} {
    %get3A = arith.constant 0 : index
    %get3A_0 = arith.constant 0 : index
    %get3A_1 = vector.load %arg0[%get3A, %get3A_0] : memref<10000x128xf32, #tpu.memory_space<vmem>>, vector<10000x128xf32>
    %get3A_2 = arith.constant 0 : index
    %get3A_3 = arith.constant 0 : index
    %get3A_4 = vector.load %arg1[%get3A_2, %get3A_3] : memref<64x128xf32, #tpu.memory_space<vmem>>, vector<64x128xf32>
    %dot_general3A = arith.constant dense<0.000000e+00> : vector<10000x64xf32>
    %dot_general3A_5 = tpu.matmul %get3A_1, %get3A_4, %dot_general3A {dimension_numbers = #tpu.dot_dimension_numbers<[1], [1], [0], [0], [0, 0, 1, 0], [], []>, transpose_lhs_hint = false} : vector<10000x128xf32>, vector<64x128xf32>, vector<10000x64xf32> -> vector<10000x64xf32>
    %get3A_6 = arith.constant 0 : index
    %get3A_7 = arith.constant 0 : index
    %get3A_8 = vector.load %arg2[%get3A_6, %get3A_7] : memref<1x64xf32, #tpu.memory_space<vmem>>, vector<1x64xf32>
    %add3A = vector.broadcast %get3A_8 : vector<1x64xf32> to vector<10000x64xf32>
    %add3A_9 = arith.addf %dot_general3A_5, %add3A : vector<10000x64xf32>
    %mul3A = arith.mulf %add3A_9, %add3A_9 : vector<10000x64xf32>
    %reduce_sum3A = arith.constant dense<0.000000e+00> : vector<10000xf32>
    %reduce_sum3A_10 = vector.multi_reduction <add>, %mul3A, %reduce_sum3A [1] : vector<10000x64xf32> to vector<10000xf32>
    %broadcast_in_dim3A = vector.shape_cast %reduce_sum3A_10 : vector<10000xf32> to vector<10000x1xf32>
    %sqrt3A = math.sqrt %broadcast_in_dim3A : vector<10000x1xf32>
    %max3A = arith.constant 9.99999996E-13 : f32
    %max3A_11 = vector.broadcast %max3A : f32 to vector<10000x1xf32>
    %max3A_12 = arith.maximumf %sqrt3A, %max3A_11 : vector<10000x1xf32>
    %div3A = vector.broadcast %max3A_12 : vector<10000x1xf32> to vector<10000x64xf32>
    %div3A_13 = arith.divf %add3A_9, %div3A : vector<10000x64xf32>
    %mul3A_14 = arith.constant 1.800000e+00 : f32
    %mul3A_15 = vector.broadcast %mul3A_14 : f32 to vector<10000x64xf32>
    %mul3A_16 = arith.mulf %div3A_13, %mul3A_15 : vector<10000x64xf32>
    %slice3A = vector.extract_strided_slice %mul3A_16 {offsets = [0, 0], sizes = [10000, 32], strides = [1, 1]} : vector<10000x64xf32> to vector<10000x32xf32>
    %swap3A = arith.constant 0 : index
    %swap3A_17 = arith.constant 0 : index
    %swap3A_18 = vector.load %arg3[%swap3A, %swap3A_17] : memref<10240x32xf32, #tpu.memory_space<vmem>>, vector<10000x32xf32>
    tpu.vector_store %arg3[%swap3A, %swap3A_17], %slice3A {strides = array<i32>} : memref<10240x32xf32, #tpu.memory_space<vmem>>, vector<10000x32xf32>,
    %slice3A_19 = vector.extract_strided_slice %mul3A_16 {offsets = [0, 32], sizes = [10000, 32], strides = [1, 1]} : vector<10000x64xf32> to vector<10000x32xf32>
    %swap3A_20 = arith.constant 0 : index
    %swap3A_21 = arith.constant 0 : index
    %swap3A_22 = vector.load %arg4[%swap3A_20, %swap3A_21] : memref<10240x32xf32, #tpu.memory_space<vmem>>, vector<10000x32xf32>
    tpu.vector_store %arg4[%swap3A_20, %swap3A_21], %slice3A_19 {strides = array<i32>} : memref<10240x32xf32, #tpu.memory_space<vmem>>, vector<10000x32xf32>,
    %broadcast_in_dim3A_23 = arith.constant 0.000000e+00 : f32
    %broadcast_in_dim3A_24 = vector.broadcast %broadcast_in_dim3A_23 : f32 to vector<240x32xf32>
    %swap3A_25 = arith.constant 10000 : index
    %swap3A_26 = arith.constant 0 : index
    %swap3A_27 = vector.load %arg3[%swap3A_25, %swap3A_26] : memref<10240x32xf32, #tpu.memory_space<vmem>>, vector<240x32xf32>
    tpu.vector_store %arg3[%swap3A_25, %swap3A_26], %broadcast_in_dim3A_24 {strides = array<i32>} : memref<10240x32xf32, #tpu.memory_space<vmem>>, vector<240x32xf32>,
    %swap3A_28 = arith.constant 10000 : index
    %swap3A_29 = arith.constant 0 : index
    %swap3A_30 = vector.load %arg4[%swap3A_28, %swap3A_29] : memref<10240x32xf32, #tpu.memory_space<vmem>>, vector<240x32xf32>
    tpu.vector_store %arg4[%swap3A_28, %swap3A_29], %broadcast_in_dim3A_24 {strides = array<i32>} : memref<10240x32xf32, #tpu.memory_space<vmem>>, vector<240x32xf32>,
    return
  }
}

</mosaic_0001>

<sc_bundles>
// kernel: kernel.5.cloned.1.call-start
scs
__scs_entry_jumppad:
0x0: {  	(pc) =	sbr.rel $0x88, $3  }
0x1: {  	(tag) =	ssettag $0x0;
	lr =	simm.s32 $0x1  }
0x2: {  	[smem:$0x3F9D] =	sst lr;
	_ =	strace $0xD0000000  }
0x3: {  	_ = 	snop  }
0x4: {  	_ = 	snop  }
0x5: {  	_ = 	snop  }
0x6: {  	_ = 	snop  }
0x7: {  	_ = 	snop  }
__scs_overlays_trampoline_lowered:
0x8: {  	[smem:$0x3FAC] =	sst s0  }
0x9: {  	[smem:$0x3FAD] =	sst s1  }
0xa: {  	[smem:$0x3FAE] =	sst s2  }
0xb: {  	[smem:$0x3FAF] =	sst s3  }
0xc: {  	[smem:$0x3FB0] =	sst s4  }
0xd: {  	[smem:$0x3FB1] =	sst s5  }
0xe: {  	[smem:$0x3FB2] =	sst s6  }
0xf: {  	[smem:$0x3FB3] =	sst s7  }
0x10: {  	[smem:$0x3FB4] =	sst s8  }
0x11: {  	[smem:$0x3FB5] =	sst s9;
	s0 =	simm.s32 @!p0 $0x0  }
0x12: {  	s1 =	sld [smem:$0x3F9B];
	s0 =	simm.s32 @p0 $0x1  }
0x13: {  	[smem:$0x3FB6] =	sst s0;
	s0 =	simm.s32 @!p1 $0x0  }
0x14: {  	s2 =	sld [smem:$0x3F9A];
	s0 =	simm.s32 @p1 $0x1  }
0x15: {  	[smem:$0x3FB7] =	sst s0;
	s0 =	simm.s32 @!p2 $0x0  }
0x16: {  	s3 =	sld [smem:$0x3FDB];
	s0 =	simm.s32 @p2 $0x1  }
0x17: {  	s4 =	simm.s32 $0x1BF5;
	[smem:$0x3FB9] =	sst s0  }
0x18: {  	s0 =	sld [smem:$0x3F9C];
	_ =	swait.ge [sflag:s4], $0x0  }
0x19: {  	s7 =	sld [smem:$0x3F9D]  }
0x1a: {  	s8 =	sadd.s32 $0xFFFFE003, lr  }
0x1b: {  	s9 =	sadd.s32 $0xFFFFFEF7, lr;
	s5 =	simm.s32 $0xFFFFFFFF;
	p2 =	slt.u32 s8, $0xFFFFF086  }
0x1c: {  	p1 =	slt.u32 s9, $0xF7A;
	s5 =	simm.s32 @!p2 $0x0  }
0x1d: {  	s5 =	simm.s32 @p1 $0x1;
	p0 =	seq.s32 s7, s2  }
0x1e: {  	s7 =	smul.u32 @!p0 $0xF7A, s2;
	p2 =	seq.s32 @!p0 s5, $0x0  }
0x1f: {  	s9 =	smul.u32 $0xF7A, s1;
	s8 =	simm.s32 @!p0 $0x1BF5;
	p2 =	por !p2, p0  }
0x20: {  	[sflag:s8] =	ssyncset.s32 @!p0 $0xFFFFF086;
	s6 =	sadd.s32 @!p0 s3, s7;
	s7 =	simm.s32 @!p0 $0x108  }
0x21: {  	s3 =	sadd.s32 s3, s9;
	s6 =	sadd.s32 @!p0 $0x88, s6;
	s7 =	simm.s32 @p2 $0x1082  }
0x22: {  	[simem:s7], [sflag:s8] =	dma.local @!p0 [hbm:s6], $0xF7A  }
0x23: {  	s9 =	sor.u32 $0xD0000000, s2;
	s6 =	simm.s32 $0x108;
	_ =	swait.ge @!p0 [sflag:s8], $0x0  }
0x24: {  	s3 =	sadd.s32 $0x88, s3;
	s6 =	simm.s32 @!p1 $0x1082;
	[sflag:s4] =	ssyncset.s32 $0xFFFFF086  }
0x25: {  	[simem:s6], [sflag:s4] =	dma.local [hbm:s3], $0xF7A  }
0x26: {  	[smem:$0x3F9D] =	sst s1;
	(tag) =	ssettag s2;
	_ =	strace s9  }
0x27: {  	s1 =	sld [smem:$0x3FAD]  }
0x28: {  	s2 =	sld [smem:$0x3FAE]  }
0x29: {  	s4 =	sld [smem:$0x3FB0]  }
0x2a: {  	p0 =	seq.s32 s5, $0x0;
	s5 =	sld [smem:$0x3FB1]  }
0x2b: {  	s6 =	sld [smem:$0x3FB2]  }
0x2c: {  	s7 =	sld [smem:$0x3FB3]  }
0x2d: {  	s3 =	simm.s32 $0x108;
	s8 =	sld [smem:$0x3FB4]  }
0x2e: {  	s3 =	simm.s32 @!p0 $0x1082;
	s9 =	sld [smem:$0x3FB5]  }
0x2f: {  	lr =	sadd.s32 s0, s3;
	s0 =	sld [smem:$0x3FAC]  }
0x30: {  	s3 =	sld [smem:$0x3FAF]  }
0x31: {  	[smem:$0x3FB8] =	sst s10  }
0x32: {  	s10 =	sld [smem:$0x3FB6];
	_ =	sdelay $0x3  }
0x33: {  	p0 =	seq.s32 s10, $0x1;
	s10 =	sld [smem:$0x3FB8];
	_ =	sdelay $0x3  }
0x34: {  	[smem:$0x3FB8] =	sst s10  }
0x35: {  	s10 =	sld [smem:$0x3FB7];
	_ =	sdelay $0x3  }
0x36: {  	p1 =	seq.s32 s10, $0x1;
	s10 =	sld [smem:$0x3FB8];
	_ =	sdelay $0x3  }
0x37: {  	[smem:$0x3FB8] =	sst s10  }
0x38: {  	s10 =	sld [smem:$0x3FB9]  }
0x39: {  	_ = 	snop;
	(pc) =	sbr.ind lr, $3  }
0x3a: {  	_ = 	snop  }
0x3b: {  	_ = 	snop  }
0x3c: {  	p2 =	seq.s32 s10, $0x1;
	s10 =	sld [smem:$0x3FB8]  }
0x3d: {  	_ =	shalt  }
0x3e: {  	_ =	shalt  }
0x3f: {  	_ =	shalt  }
0x40: {  	_ =	shalt  }
0x41: {  	_ =	shalt  }
0x42: {  	_ =	shalt  }
0x43: {  	_ =	shalt  }
0x44: {  	_ =	shalt  }
0x45: {  	_ =	shalt  }
0x46: {  	_ =	shalt  }
0x47: {  	_ =	shalt  }
0x48: {  	_ =	shalt  }
0x49: {  	_ =	shalt  }
0x4a: {  	_ =	shalt  }
0x4b: {  	_ =	shalt  }
0x4c: {  	_ =	shalt  }
0x4d: {  	_ =	shalt  }
0x4e: {  	_ =	shalt  }
0x4f: {  	_ =	shalt  }
0x50: {  	_ =	shalt  }
0x51: {  	_ =	shalt  }
0x52: {  	_ =	shalt  }
0x53: {  	_ =	shalt  }
0x54: {  	_ =	shalt  }
0x55: {  	_ =	shalt  }
0x56: {  	_ =	shalt  }
0x57: {  	_ =	shalt  }
0x58: {  	_ =	shalt  }
0x59: {  	_ =	shalt  }
0x5a: {  	_ =	shalt  }
0x5b: {  	_ =	shalt  }
0x5c: {  	_ =	shalt  }
0x5d: {  	_ =	shalt  }
0x5e: {  	_ =	shalt  }
0x5f: {  	_ =	shalt  }
0x60: {  	_ =	shalt  }
0x61: {  	_ =	shalt  }
0x62: {  	_ =	shalt  }
0x63: {  	_ =	shalt  }
0x64: {  	_ =	shalt  }
0x65: {  	_ =	shalt  }
0x66: {  	_ =	shalt  }
0x67: {  	_ =	shalt  }
0x68: {  	_ =	shalt  }
0x69: {  	_ =	shalt  }
0x6a: {  	_ =	shalt  }
0x6b: {  	_ =	shalt  }
0x6c: {  	_ =	shalt  }
0x6d: {  	_ =	shalt  }
0x6e: {  	_ =	shalt  }
0x6f: {  	_ =	shalt  }
0x70: {  	_ =	shalt  }
0x71: {  	_ =	shalt  }
0x72: {  	_ =	shalt  }
0x73: {  	_ =	shalt  }
0x74: {  	_ =	shalt  }
0x75: {  	_ =	shalt  }
0x76: {  	_ =	shalt  }
0x77: {  	_ =	shalt  }
0x78: {  	_ =	shalt  }
0x79: {  	_ =	shalt  }
0x7a: {  	_ =	shalt  }
0x7b: {  	_ =	shalt  }
0x7c: {  	_ =	shalt  }
0x7d: {  	_ =	shalt  }
0x7e: {  	_ =	shalt  }
0x7f: {  	_ =	shalt  }
0x80: {  	_ =	shalt  }
0x81: {  	_ =	shalt  }
0x82: {  	_ =	shalt  }
0x83: {  	_ =	shalt  }
0x84: {  	_ =	shalt  }
0x85: {  	_ =	shalt  }
0x86: {  	_ =	shalt  }
0x87: {  	_ =	shalt  }
.Lfunc_end0:
.L_simem_size_0:
called_computation_lowered:
.L_overlay_start_0:
0x88: {  	s2 =	sld [smem:$0x3FD9]  }
0x89: {  	s3 =	sld [smem:$0x3FFE];
	_ =	sdelay $0x1  }
0x8a: {  	s1 =	srdreg.scid  }
0x8b: {  	s0 =	sand.u32 $0x1, s1  }
0x8c: {  	s17 =	sshll.u32 s0, $0xA;
	s2 =	sadd.s32 s3, s2  }
0x8d: {  	s2 =	sadd.s32 s2, s17  }
0x8e: {  	[smem:$0x3FC4] =	sst s2  }
0x8f: {  	_ = 	snop  }
0x90: {  	s2 =	sld [smem:$0x3FD0];
	(tm) =	ssettm $0x1  }
0x91: {  	s18 =	sld [smem:$0x3FFB];
	_ =	sdelay $0x3  }
0x92: {  	_ =	strace s18  }
0x93: {  	s3 =	sld [smem:$0x3FFC];
	_ =	sdelay $0x3  }
0x94: {  	_ =	strace s3  }
0x95: {  	s3 =	sld [smem:$0x3FFD];
	_ =	sdelay $0x3  }
0x96: {  	_ =	strace s3  }
0x97: {  	_ =	strace $0x8FFFFFFF  }
0x98: {  	s19 =	sld [smem:$0x3FDB];
	_ =	sdelay $0x1  }
0x99: {  	s4 =	simm.s32 $_scs_section_size  }
0x9a: {  	s5 =	simm.s32 $_size__tile_overlayer_lowered;
	s6 =	simm.s32 $_tile_overlayer_lowered  }
0x9b: {  	s22 =	simm.s32 $0x1BFF;
	s21 =	sshll.u32 s6, $0x1;
	s3 =	sadd.s32 s4, s19  }
0x9c: {  	s7 =	simm.s32 $0x0;
	s20 =	sshll.u32 s5, $0x1;
	s5 =	sadd.s32 s21, s3  }
0x9d: {  	[timem:s7], [sflag:s22] =	dma.local [hbm:s5], s20  }
0x9e: {  	_ =	swait.ge [sflag:s22], s20  }
0x9f: {  	s4 =	ssub.s32 $0x0, s20;
	[sflag:s22] =	ssyncset.done $0x0  }
0xa0: {  	[sflag:s22] =	ssyncadd.s32 s4;
	_ =	sdelay $0x1  }
0xa1: {  	s23 =	simm.s32 $0x1B8B  }
0xa2: {  	_ =	swait.ge [sflag:s23], $0x1  }
0xa3: {  	[sflag:s23] =	ssyncset.done $0x0  }
0xa4: {  	s25 =	simm.s32 $0x1B8E;
	s24 =	sld [smem:$0x3FFE];
	[sflag:s23] =	ssyncadd.s32 $0xFFFFFFFF  }
0xa5: {  	s26 =	simm.s32 $execute0_lowered;
	[smem:$0x3FD2] =	sst s25  }
0xa6: {  	s5 =	sshll.u32 s26, $0x1;
	_ =	strace $0x80000046;
	[dreg:$0x1] =	wrdreg $0xFFFFFFFF  }
0xa7: {  	s28 =	simm.s32 $_size_execute0_lowered;
	s3 =	sadd.s32 s3, s5;
	[dreg:$0x0] =	wrdreg $0x0  }
0xa8: {  	s5 =	sshll.u32 s28, $0x1;
	[dreg:$0x2] =	wrdreg s3  }
0xa9: {  	[dreg:$0x3] =	wrdreg s5  }
0xaa: {  	[dreg:$0x4] =	wrdreg $0xC0  }
0xab: {  	_ =	task [dreg:s7], $0x5FFFF  }
0xac: {  	[dreg:$0x1] =	wrdreg $0xFFFFFFFF  }
0xad: {  	[dreg:$0x0] =	wrdreg $0x60  }
0xae: {  	[dreg:$0x2] =	wrdreg s2  }
0xaf: {  	[dreg:$0x3] =	wrdreg s24  }
0xb0: {  	[dreg:$0x4] =	wrdreg $0x28000  }
0xb1: {  	[dreg:$0x5] =	wrdreg $0x9  }
0xb2: {  	_ =	task.clear_ibuf [dreg:s7], $0x6FFFF;
	_ =	strace $0x90000046  }
0xb3: {  	s29 =	simm.s32 $0x9;
	_ =	strace $0x80000048  }
0xb4: {  	_ =	swait.ge [sflag:s29], $0x1  }
0xb5: {  	[sflag:s29] =	ssyncadd.s32 $0xFFFFFFFF  }
0xb6: {  	_ =	strace $0x90000048  }
0xb7: {  	_ =	sfence  }
0xb8: {  	s30 =	sld [smem:$0x0];
	_ =	sdelay $0x2  }
0xb9: {  	s31 =	sshll.u32 s1, $0xD;
	s1 =	sshrl.u32 s1, $0x2  }
0xba: {  	s3 =	sand.u32 $0x4000, s31;
	s1 =	sadd.s32 s1, s30  }
0xbb: {  	s0 =	sor.u32 s3, s0;
	s1 =	sshll.u32 s1, $0x11  }
0xbc: {  	s0 =	sor.u32 s1, s0  }
0xbd: {  	s0 =	sadd.s32 $0x8F2B, s0  }
0xbe: {  	[sflag:s0] =	ssyncadd.remote.s32 $0x1  }
0xbf: {  	_ =	sfence.sel $0xFFFF  }
0xc0: {  	[dreg:$0x0] =	wrdreg $0xFFFFFFFF;
	(pc) =	sbr.abs _section_cstart, $3  }
0xc1: {  	[dreg:$0x1] =	wrdreg $0xFFFFFFFF  }
0xc2: {  	_ =	task.clear_ibuf [dreg:s7], $0x2FFFF;
	_ =	strace $0x9FFFFFFF  }
0xc3: {  	(tm) =	ssettm $0x7FFFFFFF  }
tec
execute0_lowered:
.L_overlay_start_1:
0x0: {  	(tag) =	ssettag $0x1  }
0x1: {  	s7 =	rddreg [dreg:$0x0]  }
0x2: {  	s6 =	rddreg [dreg:$0x1]  }
0x3: {  	s2 =	rddreg [dreg:$0x2]  }
0x4: {  	s0 =	rddreg [dreg:$0x3]  }
0x5: {  	s4 =	srdreg.scid;
	s1 =	stileid.u32  }
0x6: {  	s3 =	simm.s32 $0x0;
	s19 =	simm.s32 $0x80;
	s20 =	simm.s32 $0x1  }
0x7: {  	s21 =	simm.s32 $0x0;
	s8 =	sand.u32 $0x1, s4;
	s9 =	smul.u32 $0x280, s1  }
0x8: {  	[smem:$0x7FF] =	sst s3;
	s4 =	sadd.s32 $0x1800, s6;
	s31 =	sshll.u32 s1, $0x6  }
0x9: {  	s10 =	smul.u32 $0x2800, s8;
	s5 =	sshll.u32 s8, $0x4;
	_ =	strace $0x80000047  }
0xa: {  	s8 =	ssub.s32 $0x2, s8;
	s11 =	sor.u32 s1, s5;
	s5 =	sadd.s32 $0x1600, s6  }
0xb: {  	s14 =	sshrl.u32 s8, $0x1;
	s30 =	sadd.s32 s9, s2;
	s10 =	sadd.s32 s9, s10  }
0xc: {  	s12 =	smul.u32 $0x4E, s11;
	s13 =	smin.u32 s11, $0x4;
	p0 =	slt.u32 s11, $0x4  }
0xd: {  	s28 =	ssub.s32 s8, s14;
	s15 =	sadd.s32 $0x80, s30;
	s16 =	sadd.s32 $0x100, s30  }
0xe: {  	s17 =	sadd.s32 $0x180, s30;
	s18 =	sadd.s32 $0x200, s30;
	s14 =	sshrl.u32 s30, $0x3  }
0xf: {  	s10 =	sshrl.u32 s10, $0x3;
	s15 =	sshrl.u32 s15, $0x3;
	s16 =	sshrl.u32 s16, $0x3  }
0x10: {  	s17 =	sshrl.u32 s17, $0x3;
	s18 =	sshrl.u32 s18, $0x3;
	s10 =	sadd.s32 s10, s6  }
0x11: {  	s12 =	sadd.s32 s13, s12;
	s6 =	simm.s32 $0x7;
	s13 =	sor.u32 $0x1C02, s31  }
0x12: {  	s12 =	sshll.u32 s12, $0x4;
	s6 =	simm.s32 @!p0 $0x6;
	s9 =	sadd.s32 $0x1A00, s10  }
0x13: {  	s10 =	smax.u32 s28, $0x1;
	p0 =	sgt.u32 s11, $0x3;
	s29 =	sadd.s32 $0x9C40, s12  }
0x14: {  	s11 =	simm.s32 $0x2;
	s12 =	sand.u32 $0x1FFFFFF0, s29;
	s8 =	sadd.s32 s29, s7  }
0x15: {  	s7 =	sadd.s32 s7, s12;
	s8 =	sadd.s32 $0x4E0, s8;
	s12 =	simm.s32 $0x2780  }
.LBB2_1:
0x16: {  	[tilespmem:s3], [sflag:$0x2] =	stream.linear.gather [hbm4b:s7+s3], $0x2700, $0x38;
	[tilespmem:$0x2A80] =	vst v63  }
0x17: {  	_ =	swait.ge [sflag:s11], $0x2700  }
0x18: {  	[sflag:s11] =	ssyncset.done $0x0  }
0x19: {  	s22 =	simm.s32 @!p0 $0x0;
	s23 =	simm.s32 @!p0 $0x2700;
	[sflag:s11] =	ssyncadd.s32 $0xFFFFD900  }
0x1a: {  	[tilespmem:s23], [sflag:$0x2] =	stream.linear.gather @!p0 [hbm4b:s8+s22], $0x80, $0x38;
	[tilespmem:$0x2A80] =	vst v63  }
0x1b: {  	s22 =	simm.s32 @!p0 $0x2  }
0x1c: {  	_ =	swait.ge @!p0 [sflag:s22], $0x80  }
0x1d: {  	[sflag:s22] =	ssyncset.done @!p0 $0x0  }
0x1e: {  	[sflag:s22] =	ssyncadd.s32 @!p0 $0xFFFFFF80  }
0x1f: {  	[tilespmem:s12], [sflag:$0x2] =	stream.linear.gather [hbm4b:s4+s3], $0x80, $0x38;
	[tilespmem:$0x2A80] =	vst v63  }
0x20: {  	_ =	swait.ge [sflag:s11], $0x80  }
0x21: {  	[sflag:s11] =	ssyncset.done $0x0  }
0x22: {  	[sflag:s11] =	ssyncadd.s32 $0xFFFFFF80  }
0x23: {  	[spmem:s14], [sflag:s13] =	dma.local [hbm:s5], $0x10  }
0x24: {  	_ =	swait.ge [sflag:s11], $0x10  }
0x25: {  	[sflag:s11] =	ssyncset.done $0x0  }
0x26: {  	[sflag:s11] =	ssyncadd.s32 $0xFFFFFFF0  }
0x27: {  	[spmem:s15], [sflag:s13] =	dma.local [hbm:s5], $0x10  }
0x28: {  	_ =	swait.ge [sflag:s11], $0x10  }
0x29: {  	[sflag:s11] =	ssyncset.done $0x0  }
0x2a: {  	[sflag:s11] =	ssyncadd.s32 $0xFFFFFFF0  }
0x2b: {  	[spmem:s16], [sflag:s13] =	dma.local [hbm:s5], $0x10  }
0x2c: {  	_ =	swait.ge [sflag:s11], $0x10  }
0x2d: {  	[sflag:s11] =	ssyncset.done $0x0  }
0x2e: {  	[sflag:s11] =	ssyncadd.s32 $0xFFFFFFF0  }
0x2f: {  	[spmem:s17], [sflag:s13] =	dma.local [hbm:s5], $0x10  }
0x30: {  	_ =	swait.ge [sflag:s11], $0x10  }
0x31: {  	[sflag:s11] =	ssyncset.done $0x0  }
0x32: {  	[sflag:s11] =	ssyncadd.s32 $0xFFFFFFF0  }
0x33: {  	[spmem:s18], [sflag:s13] =	dma.local [hbm:s5], $0x10  }
0x34: {  	_ =	swait.ge [sflag:s11], $0x10  }
0x35: {  	[sflag:s11] =	ssyncset.done $0x0  }
0x36: {  	[sflag:s11] =	ssyncadd.s32 $0xFFFFFFF0  }
0x37: {  	s23 =	simm.s32 $0x0;
	[bflag:$0x0] =	sbarrier.arrive $0xFFFF  }
0x38: {  	[spmem:s2] =	stream.indirect.scatter.add.f32 [tilespmem:s12], [sflag:$0x1], $0x1, s23, s19, $0xb8;
	[tilespmem:$0x2A80] =	vst v63  }
0x39: {  	s24 =	simm.s32 $0x80  }
0x3a: {  	[spmem:s2] =	stream.indirect.scatter.add.f32 [tilespmem:s12], [sflag:$0x1], $0x1, s24, s19, $0xb8;
	[tilespmem:$0x2A80] =	vst v63  }
0x3b: {  	s25 =	simm.s32 $0x100  }
0x3c: {  	[spmem:s2] =	stream.indirect.scatter.add.f32 [tilespmem:s12], [sflag:$0x1], $0x1, s25, s19, $0xb8;
	[tilespmem:$0x2A80] =	vst v63  }
0x3d: {  	s26 =	simm.s32 $0x180  }
0x3e: {  	[spmem:s2] =	stream.indirect.scatter.add.f32 [tilespmem:s12], [sflag:$0x1], $0x1, s26, s19, $0xb8;
	[tilespmem:$0x2A80] =	vst v63  }
0x3f: {  	s28 =	simm.s32 $0x200  }
0x40: {  	[spmem:s2] =	stream.indirect.scatter.add.f32 [tilespmem:s12], [sflag:$0x1], $0x1, s28, s19, $0xb8;
	[tilespmem:$0x2A80] =	vst v63  }
0x41: {  	s29 =	simm.s32 $0x280  }
0x42: {  	[spmem:s2] =	stream.indirect.scatter.add.f32 [tilespmem:s12], [sflag:$0x1], $0x1, s29, s19, $0xb8;
	[tilespmem:$0x2A80] =	vst v63  }
0x43: {  	s30 =	simm.s32 $0x300  }
0x44: {  	[spmem:s2] =	stream.indirect.scatter.add.f32 [tilespmem:s12], [sflag:$0x1], $0x1, s30, s19, $0xb8;
	[tilespmem:$0x2A80] =	vst v63  }
0x45: {  	s31 =	simm.s32 $0x380  }
0x46: {  	[spmem:s2] =	stream.indirect.scatter.add.f32 [tilespmem:s12], [sflag:$0x1], $0x1, s31, s19, $0xb8;
	[tilespmem:$0x2A80] =	vst v63  }
0x47: {  	_ =	swait.ge [sflag:s20], $0x80  }
0x48: {  	[sflag:s20] =	ssyncset.done $0x0  }
0x49: {  	[sflag:s20] =	ssyncadd.s32 $0xFFFFFF80  }
0x4a: {  	_ =	swait.ge [sflag:s20], $0x80  }
0x4b: {  	[sflag:s20] =	ssyncset.done $0x0  }
0x4c: {  	[sflag:s20] =	ssyncadd.s32 $0xFFFFFF80  }
0x4d: {  	_ =	swait.ge [sflag:s20], $0x80  }
0x4e: {  	[sflag:s20] =	ssyncset.done $0x0  }
0x4f: {  	[sflag:s20] =	ssyncadd.s32 $0xFFFFFF80  }
0x50: {  	_ =	swait.ge [sflag:s20], $0x80  }
0x51: {  	[sflag:s20] =	ssyncset.done $0x0  }
0x52: {  	[sflag:s20] =	ssyncadd.s32 $0xFFFFFF80  }
0x53: {  	_ =	swait.ge [sflag:s20], $0x80  }
0x54: {  	[sflag:s20] =	ssyncset.done $0x0  }
0x55: {  	[sflag:s20] =	ssyncadd.s32 $0xFFFFFF80  }
0x56: {  	_ =	swait.ge [sflag:s20], $0x80  }
0x57: {  	[sflag:s20] =	ssyncset.done $0x0  }
0x58: {  	[sflag:s20] =	ssyncadd.s32 $0xFFFFFF80  }
0x59: {  	_ =	swait.ge [sflag:s20], $0x80  }
0x5a: {  	[sflag:s20] =	ssyncset.done $0x0  }
0x5b: {  	[sflag:s20] =	ssyncadd.s32 $0xFFFFFF80  }
0x5c: {  	_ =	swait.ge [sflag:s20], $0x80  }
0x5d: {  	s22 =	simm.s32 $0x1000;
	s24 =	simm.s32 $0x2000;
	[sflag:s20] =	ssyncset.done $0x0  }
.LBB2_2:
0x5e: {  	s25 =	sshra.s32 s22, $0x2  }
0x5f: {  	[sflag:s20] =	ssyncadd.s32 $0xFFFFFF80;
	s22 =	smov.u32 s24;
	s23 =	sadd.s32 $0x1000, s24  }
0x60: {  	[spmem:s2] =	stream.indirect.scatter.add.f32 [tilespmem:s12], [sflag:$0x1], $0x1, s25, s19, $0xb8;
	[tilespmem:$0x2A80] =	vst v63  }
0x61: {  	p1 =	sne.s32 s24, $0x8000;
	s24 =	sadd.s32 $0x80, s25  }
0x62: {  	[spmem:s2] =	stream.indirect.scatter.add.f32 [tilespmem:s12], [sflag:$0x1], $0x1, s24, s19, $0xb8;
	[tilespmem:$0x2A80] =	vst v63  }
0x63: {  	s24 =	sadd.s32 $0x100, s25  }
0x64: {  	[spmem:s2] =	stream.indirect.scatter.add.f32 [tilespmem:s12], [sflag:$0x1], $0x1, s24, s19, $0xb8;
	[tilespmem:$0x2A80] =	vst v63  }
0x65: {  	s24 =	sadd.s32 $0x180, s25  }
0x66: {  	[spmem:s2] =	stream.indirect.scatter.add.f32 [tilespmem:s12], [sflag:$0x1], $0x1, s24, s19, $0xb8;
	[tilespmem:$0x2A80] =	vst v63  }
0x67: {  	s24 =	sadd.s32 $0x200, s25  }
0x68: {  	[spmem:s2] =	stream.indirect.scatter.add.f32 [tilespmem:s12], [sflag:$0x1], $0x1, s24, s19, $0xb8;
	[tilespmem:$0x2A80] =	vst v63  }
0x69: {  	s24 =	sadd.s32 $0x280, s25  }
0x6a: {  	[spmem:s2] =	stream.indirect.scatter.add.f32 [tilespmem:s12], [sflag:$0x1], $0x1, s24, s19, $0xb8;
	[tilespmem:$0x2A80] =	vst v63  }
0x6b: {  	s24 =	sadd.s32 $0x300, s25  }
0x6c: {  	[spmem:s2] =	stream.indirect.scatter.add.f32 [tilespmem:s12], [sflag:$0x1], $0x1, s24, s19, $0xb8;
	[tilespmem:$0x2A80] =	vst v63  }
0x6d: {  	s24 =	sadd.s32 $0x380, s25  }
0x6e: {  	[spmem:s2] =	stream.indirect.scatter.add.f32 [tilespmem:s12], [sflag:$0x1], $0x1, s24, s19, $0xb8;
	[tilespmem:$0x2A80] =	vst v63  }
0x6f: {  	_ =	swait.ge [sflag:s20], $0x80  }
0x70: {  	[sflag:s20] =	ssyncset.done $0x0  }
0x71: {  	[sflag:s20] =	ssyncadd.s32 $0xFFFFFF80  }
0x72: {  	_ =	swait.ge [sflag:s20], $0x80  }
0x73: {  	[sflag:s20] =	ssyncset.done $0x0  }
0x74: {  	[sflag:s20] =	ssyncadd.s32 $0xFFFFFF80  }
0x75: {  	_ =	swait.ge [sflag:s20], $0x80  }
0x76: {  	[sflag:s20] =	ssyncset.done $0x0  }
0x77: {  	[sflag:s20] =	ssyncadd.s32 $0xFFFFFF80  }
0x78: {  	_ =	swait.ge [sflag:s20], $0x80  }
0x79: {  	[sflag:s20] =	ssyncset.done $0x0  }
0x7a: {  	[sflag:s20] =	ssyncadd.s32 $0xFFFFFF80  }
0x7b: {  	_ =	swait.ge [sflag:s20], $0x80  }
0x7c: {  	[sflag:s20] =	ssyncset.done $0x0  }
0x7d: {  	[sflag:s20] =	ssyncadd.s32 $0xFFFFFF80  }
0x7e: {  	_ =	swait.ge [sflag:s20], $0x80  }
0x7f: {  	[sflag:s20] =	ssyncset.done $0x0  }
0x80: {  	[sflag:s20] =	ssyncadd.s32 $0xFFFFFF80  }
.Ltmp0:
0x81: {  	_ =	swait.ge [sflag:s20], $0x80;
	(pc) =	sbr.rel @p1 .LBB2_2-.Ltmp0, $4  }
0x82: {  	[sflag:s20] =	ssyncset.done $0x0  }
0x83: {  	[sflag:s20] =	ssyncadd.s32 $0xFFFFFF80  }
0x84: {  	_ =	swait.ge [sflag:s20], $0x80  }
0x85: {  	s24 =	smov.u32 s23;
	[sflag:s20] =	ssyncset.done $0x0  }
0x86: {  	s22 =	sshra.s32 s22, $0x2;
	[sflag:s20] =	ssyncadd.s32 $0xFFFFFF80  }
0x87: {  	[spmem:s2] =	stream.indirect.scatter.add.f32 [tilespmem:s12], [sflag:$0x1], $0x1, s22, s19, $0xb8;
	[tilespmem:$0x2A80] =	vst v63  }
0x88: {  	s23 =	sadd.s32 $0x80, s22  }
0x89: {  	[spmem:s2] =	stream.indirect.scatter.add.f32 [tilespmem:s12], [sflag:$0x1], $0x1, s23, s19, $0xb8;
	[tilespmem:$0x2A80] =	vst v63  }
0x8a: {  	s26 =	sadd.s32 $0x100, s22  }
0x8b: {  	[spmem:s2] =	stream.indirect.scatter.add.f32 [tilespmem:s12], [sflag:$0x1], $0x1, s26, s19, $0xb8;
	[tilespmem:$0x2A80] =	vst v63  }
0x8c: {  	s28 =	sadd.s32 $0x180, s22  }
0x8d: {  	[spmem:s2] =	stream.indirect.scatter.add.f32 [tilespmem:s12], [sflag:$0x1], $0x1, s28, s19, $0xb8;
	[tilespmem:$0x2A80] =	vst v63  }
0x8e: {  	s29 =	sadd.s32 $0x200, s22  }
0x8f: {  	[spmem:s2] =	stream.indirect.scatter.add.f32 [tilespmem:s12], [sflag:$0x1], $0x1, s29, s19, $0xb8;
	[tilespmem:$0x2A80] =	vst v63  }
0x90: {  	s30 =	sadd.s32 $0x280, s22  }
0x91: {  	[spmem:s2] =	stream.indirect.scatter.add.f32 [tilespmem:s12], [sflag:$0x1], $0x1, s30, s19, $0xb8;
	[tilespmem:$0x2A80] =	vst v63  }
0x92: {  	s31 =	sadd.s32 $0x300, s22  }
0x93: {  	[spmem:s2] =	stream.indirect.scatter.add.f32 [tilespmem:s12], [sflag:$0x1], $0x1, s31, s19, $0xb8;
	[tilespmem:$0x2A80] =	vst v63  }
0x94: {  	s22 =	sadd.s32 $0x380, s22  }
0x95: {  	[spmem:s2] =	stream.indirect.scatter.add.f32 [tilespmem:s12], [sflag:$0x1], $0x1, s22, s19, $0xb8;
	[tilespmem:$0x2A80] =	vst v63  }
0x96: {  	_ =	swait.ge [sflag:s20], $0x80  }
0x97: {  	[sflag:s20] =	ssyncset.done $0x0  }
0x98: {  	[sflag:s20] =	ssyncadd.s32 $0xFFFFFF80  }
0x99: {  	_ =	swait.ge [sflag:s20], $0x80  }
0x9a: {  	[sflag:s20] =	ssyncset.done $0x0  }
0x9b: {  	[sflag:s20] =	ssyncadd.s32 $0xFFFFFF80  }
0x9c: {  	_ =	swait.ge [sflag:s20], $0x80  }
0x9d: {  	[sflag:s20] =	ssyncset.done $0x0  }
0x9e: {  	[sflag:s20] =	ssyncadd.s32 $0xFFFFFF80  }
0x9f: {  	_ =	swait.ge [sflag:s20], $0x80  }
0xa0: {  	[sflag:s20] =	ssyncset.done $0x0  }
0xa1: {  	[sflag:s20] =	ssyncadd.s32 $0xFFFFFF80  }
0xa2: {  	_ =	swait.ge [sflag:s20], $0x80  }
0xa3: {  	[sflag:s20] =	ssyncset.done $0x0  }
0xa4: {  	[sflag:s20] =	ssyncadd.s32 $0xFFFFFF80  }
0xa5: {  	_ =	swait.ge [sflag:s20], $0x80  }
0xa6: {  	[sflag:s20] =	ssyncset.done $0x0  }
0xa7: {  	[sflag:s20] =	ssyncadd.s32 $0xFFFFFF80  }
0xa8: {  	_ =	swait.ge [sflag:s20], $0x80  }
0xa9: {  	[sflag:s20] =	ssyncset.done $0x0  }
0xaa: {  	[sflag:s20] =	ssyncadd.s32 $0xFFFFFF80  }
0xab: {  	p1 =	sne.s32 s6, $0x1;
	_ =	swait.ge [sflag:s20], $0x80  }
.Ltmp1:
0xac: {  	[sflag:s20] =	ssyncset.done $0x0;
	(pc) =	sbr.rel @!p1 .LBB2_5-.Ltmp1, $4  }
0xad: {  	s22 =	simm.s32 $0x2400;
	[sflag:s20] =	ssyncadd.s32 $0xFFFFFF80  }
0xae: {  	[spmem:s2] =	stream.indirect.scatter.add.f32 [tilespmem:s12], [sflag:$0x2], $0x1, s22, s19, $0xb8;
	[tilespmem:$0x2A80] =	vst v63  }
0xaf: {  	_ =	swait.ge [sflag:s11], $0x80  }
0xb0: {  	s23 =	sadd.s32 $0xFFFFFFFF, s6;
	[sflag:s11] =	ssyncset.done $0x0  }
.LBB2_4:
0xb1: {  	p1 =	sne.s32 s23, $0x1;
	[sflag:s11] =	ssyncadd.s32 $0xFFFFFF80;
	s22 =	sadd.s32 $0x80, s22  }
.Ltmp2:
0xb2: {  	s23 =	sadd.s32 $0xFFFFFFFF, s23;
	(pc) =	sbr.rel @p1 .LBB2_4-.Ltmp2, $4  }
0xb3: {  	_ = 	snop  }
0xb4: {  	[spmem:s2] =	stream.indirect.scatter.add.f32 [tilespmem:s12], [sflag:$0x2], $0x1, s22, s19, $0xb8;
	[tilespmem:$0x2A80] =	vst v63  }
0xb5: {  	_ =	swait.ge [sflag:s11], $0x80  }
0xb6: {  	[sflag:s11] =	ssyncset.done $0x0  }
.LBB2_5:
0xb7: {  	s21 =	sadd.s32 $0x1, s21  }
0xb8: {  	[sflag:s11] =	ssyncadd.s32 $0xFFFFFF80;
	p1 =	sne.s32 s21, s10  }
.Ltmp3:
0xb9: {  	[bflag:$0x0] =	sbarrier.arrive $0xFFFF;
	(pc) =	sbr.rel @p1 .LBB2_1-.Ltmp3, $4  }
0xba: {  	[hbm:s9], [sflag:s13] =	dma.local [spmem:s14], $0x50  }
0xbb: {  	_ =	swait.ge [sflag:s11], $0x50  }
0xbc: {  	[sflag:s11] =	ssyncset.done $0x0  }
0xbd: {  	[sflag:s11] =	ssyncadd.s32 $0xFFFFFFB0  }
0xbe: {  	_ =	sfence.sel $0x180000  }
0xbf: {  	[bflag:$0x0] =	sbarrier.arrive $0xFFFF  }
0xc0: {  	p0 =	sne.s32 s1, $0x0;
	_ =	strace $0x90000047  }
0xc1: {  	s0 =	sadd.s32 @!p0 $0x100000, s0;
	[bflag:$0x2] =	sbarrier.arrive $0xFFFF  }
0xc2: {  	[sflag:s0] =	ssyncadd.tile.s32 @!p0 $0x1;
	_ =	shalt  }
.Lfunc_end2:
_tile_overlayer_lowered:
.L_overlay_start_2:
0xc3: {  	(tag) =	ssettag $0x2  }
0xc4: {  	s0 =	rddreg [dreg:$0x0];
	s2 =	stileid.u32  }
0xc5: {  	s1 =	rddreg [dreg:$0x1];
	p0 =	sne.s32 s2, $0x0  }
0xc6: {  	s3 =	rddreg [dreg:$0x2];
	[bflag:$0x3] =	sbarrier.arrive $0xFFFF;
	s2 =	simm.s32 @!p0 $0x1C02  }
0xc7: {  	[timem:s3], [sflag:s2] =	dma.local @!p0 [hbm:s0], s1  }
0xc8: {  	s0 =	simm.s32 @!p0 $0x2  }
0xc9: {  	_ =	swait.ge @!p0 [sflag:s0], s1  }
0xca: {  	s1 =	ssub.s32 @!p0 $0x0, s1;
	[sflag:s0] =	ssyncset.done @!p0 $0x0  }
0xcb: {  	[sflag:s0] =	ssyncadd.s32 @!p0 s1  }
0xcc: {  	[bflag:$0x3] =	sbarrier.arrive $0xFFFF  }
0xcd: {  	_ =	shalt  }

// kernel: kernel.8.cloned.1.call-start
scs
__scs_entry_jumppad:
0x0: {  	(pc) =	sbr.rel $0x88, $3  }
0x1: {  	(tag) =	ssettag $0x0;
	lr =	simm.s32 $0x1  }
0x2: {  	[smem:$0x3F9D] =	sst lr;
	_ =	strace $0xD0000000  }
0x3: {  	_ = 	snop  }
0x4: {  	_ = 	snop  }
0x5: {  	_ = 	snop  }
0x6: {  	_ = 	snop  }
0x7: {  	_ = 	snop  }
__scs_overlays_trampoline_lowered:
0x8: {  	[smem:$0x3FAC] =	sst s0  }
0x9: {  	[smem:$0x3FAD] =	sst s1  }
0xa: {  	[smem:$0x3FAE] =	sst s2  }
0xb: {  	[smem:$0x3FAF] =	sst s3  }
0xc: {  	[smem:$0x3FB0] =	sst s4  }
0xd: {  	[smem:$0x3FB1] =	sst s5  }
0xe: {  	[smem:$0x3FB2] =	sst s6  }
0xf: {  	[smem:$0x3FB3] =	sst s7  }
0x10: {  	[smem:$0x3FB4] =	sst s8  }
0x11: {  	[smem:$0x3FB5] =	sst s9;
	s0 =	simm.s32 @!p0 $0x0  }
0x12: {  	s1 =	sld [smem:$0x3F9B];
	s0 =	simm.s32 @p0 $0x1  }
0x13: {  	[smem:$0x3FB6] =	sst s0;
	s0 =	simm.s32 @!p1 $0x0  }
0x14: {  	s2 =	sld [smem:$0x3F9A];
	s0 =	simm.s32 @p1 $0x1  }
0x15: {  	[smem:$0x3FB7] =	sst s0;
	s0 =	simm.s32 @!p2 $0x0  }
0x16: {  	s3 =	sld [smem:$0x3FDB];
	s0 =	simm.s32 @p2 $0x1  }
0x17: {  	s4 =	simm.s32 $0x1BF5;
	[smem:$0x3FB9] =	sst s0  }
0x18: {  	s0 =	sld [smem:$0x3F9C];
	_ =	swait.ge [sflag:s4], $0x0  }
0x19: {  	s7 =	sld [smem:$0x3F9D]  }
0x1a: {  	s8 =	sadd.s32 $0xFFFFE003, lr  }
0x1b: {  	s9 =	sadd.s32 $0xFFFFFEF7, lr;
	s5 =	simm.s32 $0xFFFFFFFF;
	p2 =	slt.u32 s8, $0xFFFFF086  }
0x1c: {  	p1 =	slt.u32 s9, $0xF7A;
	s5 =	simm.s32 @!p2 $0x0  }
0x1d: {  	s5 =	simm.s32 @p1 $0x1;
	p0 =	seq.s32 s7, s2  }
0x1e: {  	s7 =	smul.u32 @!p0 $0xF7A, s2;
	p2 =	seq.s32 @!p0 s5, $0x0  }
0x1f: {  	s9 =	smul.u32 $0xF7A, s1;
	s8 =	simm.s32 @!p0 $0x1BF5;
	p2 =	por !p2, p0  }
0x20: {  	[sflag:s8] =	ssyncset.s32 @!p0 $0xFFFFF086;
	s6 =	sadd.s32 @!p0 s3, s7;
	s7 =	simm.s32 @!p0 $0x108  }
0x21: {  	s3 =	sadd.s32 s3, s9;
	s6 =	sadd.s32 @!p0 $0x88, s6;
	s7 =	simm.s32 @p2 $0x1082  }
0x22: {  	[simem:s7], [sflag:s8] =	dma.local @!p0 [hbm:s6], $0xF7A  }
0x23: {  	s9 =	sor.u32 $0xD0000000, s2;
	s6 =	simm.s32 $0x108;
	_ =	swait.ge @!p0 [sflag:s8], $0x0  }
0x24: {  	s3 =	sadd.s32 $0x88, s3;
	s6 =	simm.s32 @!p1 $0x1082;
	[sflag:s4] =	ssyncset.s32 $0xFFFFF086  }
0x25: {  	[simem:s6], [sflag:s4] =	dma.local [hbm:s3], $0xF7A  }
0x26: {  	[smem:$0x3F9D] =	sst s1;
	(tag) =	ssettag s2;
	_ =	strace s9  }
0x27: {  	s1 =	sld [smem:$0x3FAD]  }
0x28: {  	s2 =	sld [smem:$0x3FAE]  }
0x29: {  	s4 =	sld [smem:$0x3FB0]  }
0x2a: {  	p0 =	seq.s32 s5, $0x0;
	s5 =	sld [smem:$0x3FB1]  }
0x2b: {  	s6 =	sld [smem:$0x3FB2]  }
0x2c: {  	s7 =	sld [smem:$0x3FB3]  }
0x2d: {  	s3 =	simm.s32 $0x108;
	s8 =	sld [smem:$0x3FB4]  }
0x2e: {  	s3 =	simm.s32 @!p0 $0x1082;
	s9 =	sld [smem:$0x3FB5]  }
0x2f: {  	lr =	sadd.s32 s0, s3;
	s0 =	sld [smem:$0x3FAC]  }
0x30: {  	s3 =	sld [smem:$0x3FAF]  }
0x31: {  	[smem:$0x3FB8] =	sst s10  }
0x32: {  	s10 =	sld [smem:$0x3FB6];
	_ =	sdelay $0x3  }
0x33: {  	p0 =	seq.s32 s10, $0x1;
	s10 =	sld [smem:$0x3FB8];
	_ =	sdelay $0x3  }
0x34: {  	[smem:$0x3FB8] =	sst s10  }
0x35: {  	s10 =	sld [smem:$0x3FB7];
	_ =	sdelay $0x3  }
0x36: {  	p1 =	seq.s32 s10, $0x1;
	s10 =	sld [smem:$0x3FB8];
	_ =	sdelay $0x3  }
0x37: {  	[smem:$0x3FB8] =	sst s10  }
0x38: {  	s10 =	sld [smem:$0x3FB9]  }
0x39: {  	_ = 	snop;
	(pc) =	sbr.ind lr, $3  }
0x3a: {  	_ = 	snop  }
0x3b: {  	_ = 	snop  }
0x3c: {  	p2 =	seq.s32 s10, $0x1;
	s10 =	sld [smem:$0x3FB8]  }
0x3d: {  	_ =	shalt  }
0x3e: {  	_ =	shalt  }
0x3f: {  	_ =	shalt  }
0x40: {  	_ =	shalt  }
0x41: {  	_ =	shalt  }
0x42: {  	_ =	shalt  }
0x43: {  	_ =	shalt  }
0x44: {  	_ =	shalt  }
0x45: {  	_ =	shalt  }
0x46: {  	_ =	shalt  }
0x47: {  	_ =	shalt  }
0x48: {  	_ =	shalt  }
0x49: {  	_ =	shalt  }
0x4a: {  	_ =	shalt  }
0x4b: {  	_ =	shalt  }
0x4c: {  	_ =	shalt  }
0x4d: {  	_ =	shalt  }
0x4e: {  	_ =	shalt  }
0x4f: {  	_ =	shalt  }
0x50: {  	_ =	shalt  }
0x51: {  	_ =	shalt  }
0x52: {  	_ =	shalt  }
0x53: {  	_ =	shalt  }
0x54: {  	_ =	shalt  }
0x55: {  	_ =	shalt  }
0x56: {  	_ =	shalt  }
0x57: {  	_ =	shalt  }
0x58: {  	_ =	shalt  }
0x59: {  	_ =	shalt  }
0x5a: {  	_ =	shalt  }
0x5b: {  	_ =	shalt  }
0x5c: {  	_ =	shalt  }
0x5d: {  	_ =	shalt  }
0x5e: {  	_ =	shalt  }
0x5f: {  	_ =	shalt  }
0x60: {  	_ =	shalt  }
0x61: {  	_ =	shalt  }
0x62: {  	_ =	shalt  }
0x63: {  	_ =	shalt  }
0x64: {  	_ =	shalt  }
0x65: {  	_ =	shalt  }
0x66: {  	_ =	shalt  }
0x67: {  	_ =	shalt  }
0x68: {  	_ =	shalt  }
0x69: {  	_ =	shalt  }
0x6a: {  	_ =	shalt  }
0x6b: {  	_ =	shalt  }
0x6c: {  	_ =	shalt  }
0x6d: {  	_ =	shalt  }
0x6e: {  	_ =	shalt  }
0x6f: {  	_ =	shalt  }
0x70: {  	_ =	shalt  }
0x71: {  	_ =	shalt  }
0x72: {  	_ =	shalt  }
0x73: {  	_ =	shalt  }
0x74: {  	_ =	shalt  }
0x75: {  	_ =	shalt  }
0x76: {  	_ =	shalt  }
0x77: {  	_ =	shalt  }
0x78: {  	_ =	shalt  }
0x79: {  	_ =	shalt  }
0x7a: {  	_ =	shalt  }
0x7b: {  	_ =	shalt  }
0x7c: {  	_ =	shalt  }
0x7d: {  	_ =	shalt  }
0x7e: {  	_ =	shalt  }
0x7f: {  	_ =	shalt  }
0x80: {  	_ =	shalt  }
0x81: {  	_ =	shalt  }
0x82: {  	_ =	shalt  }
0x83: {  	_ =	shalt  }
0x84: {  	_ =	shalt  }
0x85: {  	_ =	shalt  }
0x86: {  	_ =	shalt  }
0x87: {  	_ =	shalt  }
.Lfunc_end0:
.L_simem_size_0:
called_computation.1_lowered:
.L_overlay_start_0:
0x88: {  	s2 =	sld [smem:$0x3FD9]  }
0x89: {  	s3 =	sld [smem:$0x3FFE];
	_ =	sdelay $0x1  }
0x8a: {  	s1 =	srdreg.scid  }
0x8b: {  	s0 =	sand.u32 $0x1, s1  }
0x8c: {  	s17 =	sshll.u32 s0, $0xA;
	s2 =	sadd.s32 s3, s2  }
0x8d: {  	s2 =	sadd.s32 s2, s17  }
0x8e: {  	[smem:$0x3FC4] =	sst s2  }
0x8f: {  	_ = 	snop  }
0x90: {  	s2 =	sld [smem:$0x3FD0];
	(tm) =	ssettm $0x1  }
0x91: {  	s18 =	sld [smem:$0x3FFB];
	_ =	sdelay $0x3  }
0x92: {  	_ =	strace s18  }
0x93: {  	s3 =	sld [smem:$0x3FFC];
	_ =	sdelay $0x3  }
0x94: {  	_ =	strace s3  }
0x95: {  	s3 =	sld [smem:$0x3FFD];
	_ =	sdelay $0x3  }
0x96: {  	_ =	strace s3  }
0x97: {  	_ =	strace $0x8FFFFFFF  }
0x98: {  	s19 =	sld [smem:$0x3FDB];
	_ =	sdelay $0x1  }
0x99: {  	s4 =	simm.s32 $_scs_section_size  }
0x9a: {  	s5 =	simm.s32 $_size__tile_overlayer_lowered;
	s6 =	simm.s32 $_tile_overlayer_lowered  }
0x9b: {  	s22 =	simm.s32 $0x1BFF;
	s21 =	sshll.u32 s6, $0x1;
	s3 =	sadd.s32 s4, s19  }
0x9c: {  	s7 =	simm.s32 $0x0;
	s20 =	sshll.u32 s5, $0x1;
	s5 =	sadd.s32 s21, s3  }
0x9d: {  	[timem:s7], [sflag:s22] =	dma.local [hbm:s5], s20  }
0x9e: {  	_ =	swait.ge [sflag:s22], s20  }
0x9f: {  	s4 =	ssub.s32 $0x0, s20;
	[sflag:s22] =	ssyncset.done $0x0  }
0xa0: {  	[sflag:s22] =	ssyncadd.s32 s4;
	_ =	sdelay $0x1  }
0xa1: {  	s23 =	simm.s32 $0x1B8B  }
0xa2: {  	_ =	swait.ge [sflag:s23], $0x1  }
0xa3: {  	[sflag:s23] =	ssyncset.done $0x0  }
0xa4: {  	s25 =	simm.s32 $0x1B8E;
	s24 =	sld [smem:$0x3FFE];
	[sflag:s23] =	ssyncadd.s32 $0xFFFFFFFF  }
0xa5: {  	s26 =	simm.s32 $execute0_lowered;
	[smem:$0x3FD2] =	sst s25  }
0xa6: {  	s5 =	sshll.u32 s26, $0x1;
	_ =	strace $0x80000049;
	[dreg:$0x1] =	wrdreg $0xFFFFFFFF  }
0xa7: {  	s28 =	simm.s32 $_size_execute0_lowered;
	s3 =	sadd.s32 s3, s5;
	[dreg:$0x0] =	wrdreg $0x0  }
0xa8: {  	s5 =	sshll.u32 s28, $0x1;
	[dreg:$0x2] =	wrdreg s3  }
0xa9: {  	[dreg:$0x3] =	wrdreg s5  }
0xaa: {  	[dreg:$0x4] =	wrdreg $0xC0  }
0xab: {  	_ =	task [dreg:s7], $0x5FFFF  }
0xac: {  	[dreg:$0x1] =	wrdreg $0xFFFFFFFF  }
0xad: {  	[dreg:$0x0] =	wrdreg $0x60  }
0xae: {  	[dreg:$0x2] =	wrdreg s2  }
0xaf: {  	[dreg:$0x3] =	wrdreg s24  }
0xb0: {  	[dreg:$0x4] =	wrdreg $0x16D000  }
0xb1: {  	[dreg:$0x5] =	wrdreg $0x11D000  }
0xb2: {  	[dreg:$0x6] =	wrdreg $0x9  }
0xb3: {  	_ =	task.clear_ibuf [dreg:s7], $0x7FFFF;
	_ =	strace $0x90000049  }
0xb4: {  	s29 =	simm.s32 $0x9;
	_ =	strace $0x8000004B  }
0xb5: {  	_ =	swait.ge [sflag:s29], $0x1  }
0xb6: {  	[sflag:s29] =	ssyncadd.s32 $0xFFFFFFFF  }
0xb7: {  	_ =	strace $0x9000004B  }
0xb8: {  	_ =	sfence  }
0xb9: {  	s30 =	sld [smem:$0x0];
	_ =	sdelay $0x2  }
0xba: {  	s31 =	sshll.u32 s1, $0xD;
	s1 =	sshrl.u32 s1, $0x2  }
0xbb: {  	s3 =	sand.u32 $0x4000, s31;
	s1 =	sadd.s32 s1, s30  }
0xbc: {  	s0 =	sor.u32 s3, s0;
	s1 =	sshll.u32 s1, $0x11  }
0xbd: {  	s0 =	sor.u32 s1, s0  }
0xbe: {  	s0 =	sadd.s32 $0x8F2B, s0  }
0xbf: {  	[sflag:s0] =	ssyncadd.remote.s32 $0x1  }
0xc0: {  	_ =	sfence.sel $0xFFFF  }
0xc1: {  	[dreg:$0x0] =	wrdreg $0xFFFFFFFF;
	(pc) =	sbr.abs _section_cstart, $3  }
0xc2: {  	[dreg:$0x1] =	wrdreg $0xFFFFFFFF  }
0xc3: {  	_ =	task.clear_ibuf [dreg:s7], $0x2FFFF;
	_ =	strace $0x9FFFFFFF  }
0xc4: {  	(tm) =	ssettm $0x7FFFFFFF  }
0xc5: {  	_ =	shalt  }
tec
execute0_lowered:
.L_overlay_start_1:
0x0: {  	(tag) =	ssettag $0x1  }
0x1: {  	s0 =	rddreg [dreg:$0x0]  }
0x2: {  	s1 =	rddreg [dreg:$0x1]  }
0x3: {  	s2 =	rddreg [dreg:$0x2]  }
0x4: {  	s3 =	rddreg [dreg:$0x3];
	s5 =	stileid.u32  }
0x5: {  	s4 =	simm.s32 $0x0;
	s6 =	srdreg.scid;
	s25 =	smul.u32 $0x280, s5  }
0x6: {  	[smem:$0x7FF] =	sst s4;
	s7 =	sadd.s32 $0x1600, s1;
	s9 =	smul.u32 $0x9C, s5  }
0x7: {  	s8 =	sand.u32 $0x1, s6;
	s10 =	sadd.s32 $0x16400, s1;
	s12 =	smul.u32 $0x14000, s5  }
0x8: {  	p0 =	slt.u32 s5, $0x4;
	s13 =	smin.u32 s5, $0x4;
	s30 =	smul.u32 $0x5000, s5  }
0x9: {  	s17 =	smul.u32 $0xA000, s5;
	_ =	strace $0x8000004A;
	[dreg:$0x5] =	wrdreg s7  }
0xa: {  	s6 =	ssub.s32 $0x2, s8;
	s20 =	sshll.u32 s8, $0x5;
	s26 =	sshrl.u32 s25, $0x3  }
0xb: {  	s11 =	sshrl.u32 s6, $0x1;
	s9 =	sadd.s32 s13, s9;
	s12 =	sshrl.u32 s12, $0x2  }
0xc: {  	s15 =	sshrl.u32 s30, $0x3;
	s16 =	sadd.s32 $0xA0, s25;
	s19 =	sadd.s32 $0x140, s25  }
0xd: {  	s4 =	sadd.s32 $0x1E0, s25;
	s17 =	sor.u32 s20, s17;
	s20 =	simm.s32 $0xC400  }
0xe: {  	s7 =	sadd.s32 s26, s1;
	s11 =	ssub.s32 s6, s11;
	s6 =	simm.s32 $0x9D  }
0xf: {  	s9 =	sshll.u32 s9, $0x4;
	s12 =	sadd.s32 s12, s2;
	s18 =	sshll.u32 s16, $0x2  }
0x10: {  	s21 =	sshll.u32 s19, $0x2;
	s17 =	sshrl.u32 s17, $0x3;
	s31 =	sshll.u32 s4, $0x2  }
0x11: {  	s25 =	sshll.u32 s16, $0x5;
	s26 =	sshll.u32 s19, $0x5;
	s6 =	simm.s32 @!p0 $0x9C  }
0x12: {  	s22 =	sadd.s32 s0, s9;
	s9 =	sadd.s32 $0x1000, s12;
	p0 =	seq.s32 s8, $0x0  }
0x13: {  	s8 =	sshll.u32 s8, $0x2;
	s23 =	sadd.s32 s10, s17;
	s24 =	sadd.s32 $0x1F00, s7  }
0x14: {  	s0 =	sadd.s32 s26, s2;
	s8 =	sadd.s32 s10, s8;
	[dreg:$0xe] =	wrdreg s24  }
0x15: {  	s20 =	simm.s32 @!p0 $0x2400;
	s10 =	sadd.s32 $0x4000, s12;
	[dreg:$0x14] =	wrdreg s0  }
0x16: {  	[dreg:$0x6] =	wrdreg s22;
	s1 =	sadd.s32 s20, s1;
	s24 =	sshrl.u32 s10, $0x3  }
0x17: {  	p0 =	seq.s32 s5, $0xF;
	s15 =	sadd.s32 s1, s15;
	[dreg:$0x1e] =	wrdreg s24  }
0x18: {  	s17 =	sadd.s32 $0x12C00, s8;
	s18 =	sadd.s32 s1, s18;
	[dreg:$0x8] =	wrdreg s15  }
0x19: {  	s20 =	sadd.s32 s1, s21;
	s1 =	sadd.s32 s1, s31;
	[dreg:$0x9] =	wrdreg s18  }
0x1a: {  	s21 =	sshll.u32 s16, $0x3;
	s23 =	smov.u32 @p0 s17;
	[dreg:$0xa] =	wrdreg s20  }
0x1b: {  	s16 =	sadd.s32 s30, s2;
	s17 =	sadd.s32 s30, s3;
	[dreg:$0xb] =	wrdreg s1  }
0x1c: {  	s30 =	sshll.u32 s19, $0x3;
	s19 =	sshrl.u32 s9, $0x3;
	[dreg:$0x7] =	wrdreg s23  }
0x1d: {  	[dreg:$0x1b] =	wrdreg s19  }
0x1e: {  	s28 =	simm.s32 $0x3;
	s13 =	sadd.s32 $0x2000, s12;
	[dreg:$0xf] =	wrdreg s16  }
0x1f: {  	s31 =	sshll.u32 s4, $0x5;
	s23 =	sadd.s32 $0x1A00, s7;
	[dreg:$0x10] =	wrdreg s17  }
0x20: {  	s4 =	sshll.u32 s4, $0x3;
	s0 =	sadd.s32 s30, s8;
	[dreg:$0xd] =	wrdreg s23  }
0x21: {  	s15 =	sadd.s32 s21, s8;
	s7 =	sadd.s32 s4, s8;
	[dreg:$0x15] =	wrdreg s0  }
0x22: {  	s1 =	sadd.s32 $0x13100, s8;
	s8 =	sadd.s32 $0x13600, s8;
	[dreg:$0x16] =	wrdreg s7  }
0x23: {  	s14 =	sadd.s32 $0x3000, s12;
	s12 =	sadd.s32 s31, s2;
	[dreg:$0x17] =	wrdreg s8  }
0x24: {  	s29 =	simm.s32 $0x4;
	s21 =	sshrl.u32 s13, $0x3;
	[dreg:$0x19] =	wrdreg s12  }
0x25: {  	s20 =	sadd.s32 s26, s3;
	s26 =	sadd.s32 $0x9C40, s22;
	[dreg:$0x1c] =	wrdreg s21  }
0x26: {  	p1 =	sgt.u32 s5, $0x3;
	s30 =	sadd.s32 $0x9C0, s22;
	[dreg:$0x1f] =	wrdreg s26  }
0x27: {  	s9 =	simm.s32 $0x1C200;
	s18 =	sadd.s32 s25, s3;
	[smem:$0x7FC] =	sst s30  }
0x28: {  	s24 =	simm.s32 $0x1;
	s19 =	simm.s32 $0x9D00;
	[dreg:$0x11] =	wrdreg s18  }
0x29: {  	s15 =	smov.u32 @p0 s1;
	s1 =	sadd.s32 s25, s2;
	[dreg:$0x13] =	wrdreg s20  }
0x2a: {  	s25 =	sadd.s32 s31, s3;
	s23 =	sshrl.u32 s14, $0x3;
	[dreg:$0xc] =	wrdreg s15  }
0x2b: {  	s31 =	sadd.s32 $0xA600, s22;
	s12 =	simm.s32 $0x1BD00;
	[dreg:$0x12] =	wrdreg s1  }
0x2c: {  	s21 =	simm.s32 $0xAD00;
	s22 =	simm.s32 $0xBD00;
	[dreg:$0x1d] =	wrdreg s23  }
0x2d: {  	s26 =	simm.s32 $0x2;
	s15 =	smax.u32 s11, $0x1;
	[smem:$0x7FD] =	sst s31  }
0x2e: {  	s11 =	simm.s32 $0x9;
	s23 =	simm.s32 $0xCD00;
	[dreg:$0x18] =	wrdreg s25  }
0x2f: {  	s1 =	simm.s32 $0x0;
	[dreg:$0x1a] =	wrdreg s15;
	s15 =	simm.s32 $0x80  }
.LBB2_1:
0x30: {  	s5 =	simm.s32 $0x0;
	s0 =	rddreg [dreg:$0x6]  }
0x31: {  	[tilespmem:s5], [sflag:$0x9] =	stream.linear.gather [hbm4b:s0+s5], $0x4E00, $0x38;
	[tilespmem:$0x1EA00] =	vst v63  }
0x32: {  	_ =	swait.ge [sflag:s11], $0x4E00  }
0x33: {  	[sflag:s11] =	ssyncset.done $0x0  }
0x34: {  	s4 =	simm.s32 $0x4E80;
	s13 =	rddreg [dreg:$0x1f];
	[sflag:s11] =	ssyncadd.s32 $0xFFFFB200  }
0x35: {  	[tilespmem:s4], [sflag:$0x9] =	stream.linear.gather [hbm4b:s13+s5], $0x4E00, $0x38;
	[tilespmem:$0x1EA00] =	vst v63  }
0x36: {  	_ =	swait.ge [sflag:s11], $0x4E00  }
0x37: {  	s7 =	sld [smem:$0x7FC]  }
0x38: {  	[sflag:s11] =	ssyncset.done $0x0  }
0x39: {  	s0 =	simm.s32 @!p1 $0x0;
	s4 =	simm.s32 @!p1 $0x4E00;
	[sflag:s11] =	ssyncadd.s32 $0xFFFFB200  }
0x3a: {  	[tilespmem:s4], [sflag:$0x9] =	stream.linear.gather @!p1 [hbm4b:s7+s0], $0x80, $0x38;
	[tilespmem:$0x1EA00] =	vst v63  }
0x3b: {  	s4 =	simm.s32 @!p1 $0x9  }
0x3c: {  	_ =	swait.ge @!p1 [sflag:s4], $0x80  }
0x3d: {  	s8 =	sld [smem:$0x7FD]  }
0x3e: {  	[sflag:s4] =	ssyncset.done @!p1 $0x0  }
0x3f: {  	s7 =	simm.s32 @!p1 $0x9C80;
	[sflag:s4] =	ssyncadd.s32 @!p1 $0xFFFFFF80  }
0x40: {  	[tilespmem:s7], [sflag:$0x9] =	stream.linear.gather @!p1 [hbm4b:s8+s0], $0x80, $0x38;
	[tilespmem:$0x1EA00] =	vst v63  }
0x41: {  	s14 =	stileid.u32;
	_ =	swait.ge @!p1 [sflag:s4], $0x80  }
0x42: {  	s30 =	sshrl.u32 s16, $0x3;
	s0 =	sshll.u32 s14, $0x6;
	[sflag:s4] =	ssyncset.done @!p1 $0x0  }
0x43: {  	s0 =	sor.u32 $0x1C09, s0;
	s31 =	rddreg [dreg:$0x5];
	[sflag:s4] =	ssyncadd.s32 @!p1 $0xFFFFFF80  }
0x44: {  	[spmem:s30], [sflag:s0] =	dma.local [hbm:s31], $0x200  }
0x45: {  	_ =	swait.ge [sflag:s11], $0x200  }
0x46: {  	[sflag:s11] =	ssyncset.done $0x0  }
0x47: {  	s8 =	rddreg [dreg:$0x1b];
	[sflag:s11] =	ssyncadd.s32 $0xFFFFFE00  }
0x48: {  	[spmem:s8], [sflag:s0] =	dma.local [hbm:s31], $0x200  }
0x49: {  	_ =	swait.ge [sflag:s11], $0x200  }
0x4a: {  	[sflag:s11] =	ssyncset.done $0x0  }
0x4b: {  	s10 =	rddreg [dreg:$0x1c];
	[sflag:s11] =	ssyncadd.s32 $0xFFFFFE00  }
0x4c: {  	[spmem:s10], [sflag:s0] =	dma.local [hbm:s31], $0x200  }
0x4d: {  	_ =	swait.ge [sflag:s11], $0x200  }
0x4e: {  	[sflag:s11] =	ssyncset.done $0x0  }
0x4f: {  	s13 =	rddreg [dreg:$0x1d];
	[sflag:s11] =	ssyncadd.s32 $0xFFFFFE00  }
0x50: {  	[spmem:s13], [sflag:s0] =	dma.local [hbm:s31], $0x200  }
0x51: {  	_ =	swait.ge [sflag:s11], $0x200  }
0x52: {  	[sflag:s11] =	ssyncset.done $0x0  }
0x53: {  	s14 =	rddreg [dreg:$0x1e];
	[sflag:s11] =	ssyncadd.s32 $0xFFFFFE00  }
0x54: {  	[spmem:s14], [sflag:s0] =	dma.local [hbm:s31], $0x200  }
0x55: {  	_ =	swait.ge [sflag:s11], $0x200  }
0x56: {  	[sflag:s11] =	ssyncset.done $0x0  }
0x57: {  	s16 =	rddreg [dreg:$0xd];
	[sflag:s11] =	ssyncadd.s32 $0xFFFFFE00  }
0x58: {  	[tilespmem:s12], [sflag:$0x9] =	stream.linear.gather [hbm4b:s16+s5], $0x280, $0x38;
	[tilespmem:$0x1EA00] =	vst v63  }
0x59: {  	_ =	swait.ge [sflag:s11], $0x280  }
0x5a: {  	[sflag:s11] =	ssyncset.done $0x0  }
0x5b: {  	s31 =	simm.s32 $0x1BF80;
	s30 =	rddreg [dreg:$0xe];
	[sflag:s11] =	ssyncadd.s32 $0xFFFFFD80  }
0x5c: {  	[tilespmem:s31], [sflag:$0x9] =	stream.linear.gather [hbm4b:s30+s5], $0x280, $0x38;
	[tilespmem:$0x1EA00] =	vst v63  }
0x5d: {  	_ =	swait.ge [sflag:s11], $0x280  }
0x5e: {  	[sflag:s11] =	ssyncset.done $0x0  }
0x5f: {  	s0 =	simm.s32 $0x0;
	[sflag:s11] =	ssyncadd.s32 $0xFFFFFD80  }
0x60: {  	s4 =	simm.s32 $0x40;
	v0 =	vld [tilespmem:s0+$0x1BF80]  }
.LBB2_2:
0x61: {  	p2 =	sne.s32 s4, $0x9C0;
	v1 =	vld [tilespmem:s0+$0x1BD00];
	_ =	sdelay $0x4  }
0x62: {  	v0 =	vadd.f32 v0, v1;
	_ =	sdelay $0x1  }
0x63: {  	v0 =	vadd.f32 $1.000000000e+00, v0;
	_ =	sdelay $0x1  }
0x64: {  	v1 =	vshra.s32 v0, $0x1;
	v0 =	vmul.f32 $5.000000000e-01, v0  }
0x65: {  	v1 =	vsub.s32 $0x5F3759DF, v1  }
0x66: {  	v2 =	vmul.f32 v1, v0;
	_ =	sdelay $0x1  }
0x67: {  	v2 =	vmul.f32 v1, v2;
	_ =	sdelay $0x1  }
0x68: {  	v2 =	vsub.f32 $1.500000000e+00, v2;
	_ =	sdelay $0x1  }
0x69: {  	v1 =	vmul.f32 v1, v2;
	_ =	sdelay $0x1  }
0x6a: {  	v2 =	vmul.f32 v1, v0;
	_ =	sdelay $0x1  }
0x6b: {  	v2 =	vmul.f32 v2, v1;
	_ =	sdelay $0x1  }
0x6c: {  	v2 =	vsub.f32 $1.500000000e+00, v2;
	_ =	sdelay $0x1  }
0x6d: {  	v1 =	vmul.f32 v2, v1;
	_ =	sdelay $0x1  }
0x6e: {  	v0 =	vmul.f32 v1, v0;
	_ =	sdelay $0x1  }
0x6f: {  	v0 =	vmul.f32 v0, v1;
	_ =	sdelay $0x1  }
.Ltmp0:
0x70: {  	v0 =	vsub.f32 $1.500000000e+00, v0;
	(pc) =	sbr.rel @p2 .LBB2_2-.Ltmp0, $4  }
0x71: {  	_ = 	snop  }
0x72: {  	v1 =	vmul.f32 v0, v1  }
0x73: {  	s7 =	sshra.s32 s4, $0x2  }
0x74: {  	s4 =	sadd.s32 $0x40, s4;
	v0 =	vld [tilespmem:s7+$0x1BF80];
	[tilespmem:s0+$0x1BD00] =	vst v1;
	s0 =	smov.u32 s7  }
0x75: {  	v1 =	vld [tilespmem:s0+$0x1BD00];
	_ =	sdelay $0x4  }
0x76: {  	v0 =	vadd.f32 v0, v1;
	_ =	sdelay $0x1  }
0x77: {  	v0 =	vadd.f32 $1.000000000e+00, v0;
	_ =	sdelay $0x1  }
0x78: {  	v1 =	vshra.s32 v0, $0x1;
	v0 =	vmul.f32 $5.000000000e-01, v0  }
0x79: {  	v1 =	vsub.s32 $0x5F3759DF, v1  }
0x7a: {  	v2 =	vmul.f32 v1, v0;
	_ =	sdelay $0x1  }
0x7b: {  	v2 =	vmul.f32 v1, v2;
	_ =	sdelay $0x1  }
0x7c: {  	v2 =	vsub.f32 $1.500000000e+00, v2;
	_ =	sdelay $0x1  }
0x7d: {  	v1 =	vmul.f32 v1, v2;
	_ =	sdelay $0x1  }
0x7e: {  	v2 =	vmul.f32 v1, v0;
	_ =	sdelay $0x1  }
0x7f: {  	v2 =	vmul.f32 v2, v1;
	_ =	sdelay $0x1  }
0x80: {  	v2 =	vsub.f32 $1.500000000e+00, v2;
	_ =	sdelay $0x1  }
0x81: {  	v1 =	vmul.f32 v2, v1;
	_ =	sdelay $0x1  }
0x82: {  	v0 =	vmul.f32 v1, v0;
	_ =	sdelay $0x1  }
0x83: {  	v0 =	vmul.f32 v0, v1;
	_ =	sdelay $0x1  }
0x84: {  	v0 =	vsub.f32 $1.500000000e+00, v0;
	_ =	sdelay $0x1  }
0x85: {  	v0 =	vmul.f32 v0, v1;
	_ =	sdelay $0x1  }
0x86: {  	s30 =	simm.s32 $0x0;
	s4 =	rddreg [dreg:$0x8];
	[tilespmem:s0+$0x1BD00] =	vst v0  }
0x87: {  	v0 =	vmov s30;
	[tilespmem:s9], [sflag:$0x9] =	stream.linear.gather [hbm4b:s4+s30], $0x1400, $0x38;
	[tilespmem:$0x1EA00] =	vst v63  }
0x88: {  	_ =	swait.ge [sflag:s11], $0x1400  }
0x89: {  	[sflag:s11] =	ssyncset.done $0x0  }
0x8a: {  	s0 =	simm.s32 $0x1C210;
	[sflag:s11] =	ssyncadd.s32 $0xFFFFEC00  }
0x8b: {  	v1 =	vld [tilespmem:s0+$0xFFFFFFF0]  }
0x8c: {  	v2 =	vld.idx.msk [tilespmem:v0+s12+$0x0], $0xffff  }
0x8d: {  	v3 =	vld [tilespmem:s0+$0x0];
	_ =	sdelay $0x2  }
0x8e: {  	s31 =	simm.s32 $0x1  }
0x8f: {  	s7 =	simm.s32 $0x2;
	s4 =	simm.s32 $0x1C210;
	v0 =	vmov s31  }
.LBB2_4:
0x90: {  	p2 =	sne.s32 s7, $0x9F;
	v1 =	vmul.f32 v1, v2;
	v2 =	vmul.f32 v3, v2;
	_ =	sdelay $0x1  }
0x91: {  	s4 =	sadd.s32 $0x20, s4;
	[tilespmem:s0+$0xFFFFFFF0] =	vst v1  }
0x92: {  	v1 =	vld [tilespmem:s4+$0xFFFFFFF0];
	[tilespmem:s0+$0x0] =	vst v2;
	s0 =	smov.u32 s4  }
0x93: {  	v2 =	vld.idx.msk [tilespmem:v0+s12+$0x0], $0xffff  }
.Ltmp1:
0x94: {  	v3 =	vld [tilespmem:s4+$0x0];
	(pc) =	sbr.rel @p2 .LBB2_4-.Ltmp1, $2  }
0x95: {  	_ =	sdelay $0x2  }
0x96: {  	v0 =	vmov s7;
	s7 =	sadd.s32 $0x1, s7  }
0x97: {  	v1 =	vmul.f32 v1, v2  }
0x98: {  	v2 =	vmul.f32 v3, v2  }
0x99: {  	s4 =	sadd.s32 $0x20, s4;
	[tilespmem:s0+$0xFFFFFFF0] =	vst v1  }
0x9a: {  	v1 =	vld [tilespmem:s4+$0xFFFFFFF0];
	[tilespmem:s0+$0x0] =	vst v2  }
0x9b: {  	v0 =	vld.idx.msk [tilespmem:v0+s12+$0x0], $0xffff  }
0x9c: {  	v2 =	vld [tilespmem:s4+$0x0];
	_ =	sdelay $0x3  }
0x9d: {  	v1 =	vmul.f32 v1, v0  }
0x9e: {  	v0 =	vmul.f32 v2, v0  }
0x9f: {  	[tilespmem:s4+$0xFFFFFFF0] =	vst v1  }
0xa0: {  	[tilespmem:s4+$0x0] =	vst v0  }
0xa1: {  	[spmem:s17] =	stream.linear.scatter [tilespmem:s9], [sflag:$0x9], $0x1400, $0x38;
	[tilespmem:$0x1EA00] =	vst v63  }
0xa2: {  	s17 =	simm.s32 $0x0;
	_ =	swait.ge [sflag:s11], $0x1400  }
0xa3: {  	v0 =	vmov s17;
	[sflag:s11] =	ssyncset.done $0x0  }
0xa4: {  	v0 =	vadd.s32 $0xA0, v0;
	s30 =	rddreg [dreg:$0x9];
	[sflag:s11] =	ssyncadd.s32 $0xFFFFEC00  }
0xa5: {  	v1 =	vbroadcast v0, $0x0;
	[tilespmem:s9], [sflag:$0x9] =	stream.linear.gather [hbm4b:s30+s17], $0x1400, $0x38;
	[tilespmem:$0x1EA00] =	vst v63  }
0xa6: {  	_ =	swait.ge [sflag:s11], $0x1400  }
0xa7: {  	[sflag:s11] =	ssyncset.done $0x0  }
0xa8: {  	s0 =	simm.s32 $0x1C210;
	[sflag:s11] =	ssyncadd.s32 $0xFFFFEC00  }
0xa9: {  	v0 =	vld [tilespmem:s0+$0xFFFFFFF0]  }
0xaa: {  	v2 =	vld [tilespmem:s0+$0x0]  }
0xab: {  	s31 =	simm.s32 $0x1;
	v1 =	vld.idx.msk [tilespmem:v1+s12+$0x0], $0xffff  }
0xac: {  	s7 =	simm.s32 $0x2;
	v3 =	vmov s31;
	s4 =	simm.s32 $0x1C210  }
.LBB2_6:
0xad: {  	p2 =	sne.s32 s7, $0x9F;
	v3 =	vadd.s32 $0xA0, v3  }
0xae: {  	v3 =	vbroadcast v3, $0x0;
	_ =	sdelay $0x1  }
0xaf: {  	v0 =	vmul.f32 v0, v1;
	v1 =	vmul.f32 v2, v1;
	_ =	sdelay $0x1  }
.Ltmp2:
0xb0: {  	s4 =	sadd.s32 $0x20, s4;
	[tilespmem:s0+$0xFFFFFFF0] =	vst v0;
	(pc) =	sbr.rel @p2 .LBB2_6-.Ltmp2, $4  }
0xb1: {  	v0 =	vld [tilespmem:s4+$0xFFFFFFF0];
	[tilespmem:s0+$0x0] =	vst v1;
	s0 =	smov.u32 s4  }
0xb2: {  	v1 =	vld.idx.msk [tilespmem:v3+s12+$0x0], $0xffff  }
0xb3: {  	v2 =	vld [tilespmem:s4+$0x0]  }
0xb4: {  	v3 =	vmov s7;
	s7 =	sadd.s32 $0x1, s7  }
0xb5: {  	v3 =	vadd.s32 $0xA0, v3  }
0xb6: {  	v3 =	vbroadcast v3, $0x0;
	_ =	sdelay $0x1  }
0xb7: {  	v0 =	vmul.f32 v0, v1  }
0xb8: {  	v1 =	vmul.f32 v2, v1  }
0xb9: {  	s4 =	sadd.s32 $0x20, s4;
	[tilespmem:s0+$0xFFFFFFF0] =	vst v0  }
0xba: {  	v0 =	vld [tilespmem:s4+$0xFFFFFFF0];
	[tilespmem:s0+$0x0] =	vst v1  }
0xbb: {  	v1 =	vld.idx.msk [tilespmem:v3+s12+$0x0], $0xffff  }
0xbc: {  	v2 =	vld [tilespmem:s4+$0x0];
	_ =	sdelay $0x3  }
0xbd: {  	v0 =	vmul.f32 v0, v1  }
0xbe: {  	v1 =	vmul.f32 v2, v1  }
0xbf: {  	[tilespmem:s4+$0xFFFFFFF0] =	vst v0  }
0xc0: {  	[tilespmem:s4+$0x0] =	vst v1  }
0xc1: {  	[spmem:s18] =	stream.linear.scatter [tilespmem:s9], [sflag:$0x9], $0x1400, $0x38;
	[tilespmem:$0x1EA00] =	vst v63  }
0xc2: {  	s18 =	simm.s32 $0x0;
	_ =	swait.ge [sflag:s11], $0x1400  }
0xc3: {  	v0 =	vmov s18;
	[sflag:s11] =	ssyncset.done $0x0  }
0xc4: {  	v0 =	vadd.s32 $0x140, v0;
	s30 =	rddreg [dreg:$0xa];
	[sflag:s11] =	ssyncadd.s32 $0xFFFFEC00  }
0xc5: {  	v1 =	vbroadcast v0, $0x0;
	[tilespmem:s9], [sflag:$0x9] =	stream.linear.gather [hbm4b:s30+s18], $0x1400, $0x38;
	[tilespmem:$0x1EA00] =	vst v63  }
0xc6: {  	_ =	swait.ge [sflag:s11], $0x1400  }
0xc7: {  	[sflag:s11] =	ssyncset.done $0x0  }
0xc8: {  	s0 =	simm.s32 $0x1C210;
	[sflag:s11] =	ssyncadd.s32 $0xFFFFEC00  }
0xc9: {  	v0 =	vld [tilespmem:s0+$0xFFFFFFF0]  }
0xca: {  	v2 =	vld [tilespmem:s0+$0x0]  }
0xcb: {  	s31 =	simm.s32 $0x1;
	v1 =	vld.idx.msk [tilespmem:v1+s12+$0x0], $0xffff  }
0xcc: {  	s7 =	simm.s32 $0x2;
	v3 =	vmov s31;
	s4 =	simm.s32 $0x1C210  }
.LBB2_8:
0xcd: {  	p2 =	sne.s32 s7, $0x9F;
	v3 =	vadd.s32 $0x140, v3  }
0xce: {  	v3 =	vbroadcast v3, $0x0;
	_ =	sdelay $0x1  }
0xcf: {  	v0 =	vmul.f32 v0, v1;
	v1 =	vmul.f32 v2, v1;
	_ =	sdelay $0x1  }
.Ltmp3:
0xd0: {  	s4 =	sadd.s32 $0x20, s4;
	[tilespmem:s0+$0xFFFFFFF0] =	vst v0;
	(pc) =	sbr.rel @p2 .LBB2_8-.Ltmp3, $4  }
0xd1: {  	v0 =	vld [tilespmem:s4+$0xFFFFFFF0];
	[tilespmem:s0+$0x0] =	vst v1;
	s0 =	smov.u32 s4  }
0xd2: {  	v1 =	vld.idx.msk [tilespmem:v3+s12+$0x0], $0xffff  }
0xd3: {  	v2 =	vld [tilespmem:s4+$0x0]  }
0xd4: {  	v3 =	vmov s7;
	s7 =	sadd.s32 $0x1, s7  }
0xd5: {  	v3 =	vadd.s32 $0x140, v3  }
0xd6: {  	v3 =	vbroadcast v3, $0x0;
	_ =	sdelay $0x1  }
0xd7: {  	v0 =	vmul.f32 v0, v1  }
0xd8: {  	v1 =	vmul.f32 v2, v1  }
0xd9: {  	s4 =	sadd.s32 $0x20, s4;
	[tilespmem:s0+$0xFFFFFFF0] =	vst v0  }
0xda: {  	v0 =	vld [tilespmem:s4+$0xFFFFFFF0];
	[tilespmem:s0+$0x0] =	vst v1  }
0xdb: {  	v1 =	vld.idx.msk [tilespmem:v3+s12+$0x0], $0xffff  }
0xdc: {  	v2 =	vld [tilespmem:s4+$0x0];
	_ =	sdelay $0x3  }
0xdd: {  	v0 =	vmul.f32 v0, v1  }
0xde: {  	v1 =	vmul.f32 v2, v1  }
0xdf: {  	[tilespmem:s4+$0xFFFFFFF0] =	vst v0  }
0xe0: {  	[tilespmem:s4+$0x0] =	vst v1  }
0xe1: {  	[spmem:s20] =	stream.linear.scatter [tilespmem:s9], [sflag:$0x9], $0x1400, $0x38;
	[tilespmem:$0x1EA00] =	vst v63  }
0xe2: {  	s20 =	simm.s32 $0x0;
	_ =	swait.ge [sflag:s11], $0x1400  }
0xe3: {  	v0 =	vmov s20;
	[sflag:s11] =	ssyncset.done $0x0  }
0xe4: {  	v0 =	vadd.s32 $0x1E0, v0;
	s30 =	rddreg [dreg:$0xb];
	[sflag:s11] =	ssyncadd.s32 $0xFFFFEC00  }
0xe5: {  	v1 =	vbroadcast v0, $0x0;
	[tilespmem:s9], [sflag:$0x9] =	stream.linear.gather [hbm4b:s30+s20], $0x1400, $0x38;
	[tilespmem:$0x1EA00] =	vst v63  }
0xe6: {  	_ =	swait.ge [sflag:s11], $0x1400  }
0xe7: {  	[sflag:s11] =	ssyncset.done $0x0  }
0xe8: {  	s0 =	simm.s32 $0x1C210;
	[sflag:s11] =	ssyncadd.s32 $0xFFFFEC00  }
0xe9: {  	v0 =	vld [tilespmem:s0+$0xFFFFFFF0]  }
0xea: {  	v2 =	vld [tilespmem:s0+$0x0]  }
0xeb: {  	s31 =	simm.s32 $0x1;
	v1 =	vld.idx.msk [tilespmem:v1+s12+$0x0], $0xffff  }
0xec: {  	s7 =	simm.s32 $0x2;
	v3 =	vmov s31;
	s4 =	simm.s32 $0x1C210  }
.LBB2_10:
0xed: {  	p2 =	sne.s32 s7, $0x9F;
	v3 =	vadd.s32 $0x1E0, v3  }
0xee: {  	v3 =	vbroadcast v3, $0x0;
	_ =	sdelay $0x1  }
0xef: {  	v0 =	vmul.f32 v0, v1;
	v1 =	vmul.f32 v2, v1;
	_ =	sdelay $0x1  }
.Ltmp4:
0xf0: {  	s4 =	sadd.s32 $0x20, s4;
	[tilespmem:s0+$0xFFFFFFF0] =	vst v0;
	(pc) =	sbr.rel @p2 .LBB2_10-.Ltmp4, $4  }
0xf1: {  	v0 =	vld [tilespmem:s4+$0xFFFFFFF0];
	[tilespmem:s0+$0x0] =	vst v1;
	s0 =	smov.u32 s4  }
0xf2: {  	v1 =	vld.idx.msk [tilespmem:v3+s12+$0x0], $0xffff  }
0xf3: {  	v2 =	vld [tilespmem:s4+$0x0]  }
0xf4: {  	v3 =	vmov s7;
	s7 =	sadd.s32 $0x1, s7  }
0xf5: {  	v3 =	vadd.s32 $0x1E0, v3  }
0xf6: {  	v3 =	vbroadcast v3, $0x0;
	_ =	sdelay $0x1  }
0xf7: {  	v0 =	vmul.f32 v0, v1  }
0xf8: {  	v62 =	vmul.f32 v2, v1  }
0xf9: {  	s4 =	sadd.s32 $0x20, s4;
	[tilespmem:s0+$0xFFFFFFF0] =	vst v0  }
0xfa: {  	v0 =	vld [tilespmem:s4+$0xFFFFFFF0];
	[tilespmem:s0+$0x0] =	vst v62  }
0xfb: {  	v1 =	vld.idx.msk [tilespmem:v3+s12+$0x0], $0xffff  }
0xfc: {  	v63 =	vld [tilespmem:s4+$0x0];
	_ =	sdelay $0x3  }
0xfd: {  	v0 =	vmul.f32 v0, v1  }
0xfe: {  	v1 =	vmul.f32 v63, v1  }
0xff: {  	[tilespmem:s4+$0xFFFFFFF0] =	vst v0  }
0x100: {  	[tilespmem:s4+$0x0] =	vst v1  }
0x101: {  	[spmem:s25] =	stream.linear.scatter [tilespmem:s9], [sflag:$0x9], $0x1400, $0x38;
	[tilespmem:$0x1EA00] =	vst v63  }
0x102: {  	_ =	swait.ge [sflag:s11], $0x1400  }
0x103: {  	[sflag:s11] =	ssyncset.done $0x0  }
0x104: {  	[sflag:s11] =	ssyncadd.s32 $0xFFFFEC00  }
0x105: {  	s9 =	simm.s32 $0x0;
	[bflag:$0x0] =	sbarrier.arrive $0xFFFF  }
0x106: {  	[tilespmem:s19], [sflag:$0x1] =	stream.indirect.gather [spmem:s3], $0x20, s9, s15, $0xb8;
	[tilespmem:$0x1EA00] =	vst v63  }
0x107: {  	_ = 	snop  }
0x108: {  	[tilespmem:s21], [sflag:$0x2] =	stream.indirect.gather [spmem:s3], $0x20, s15, s15, $0xb8;
	[tilespmem:$0x1EA00] =	vst v63  }
0x109: {  	s30 =	simm.s32 $0x100  }
0x10a: {  	[tilespmem:s22], [sflag:$0x3] =	stream.indirect.gather [spmem:s3], $0x20, s30, s15, $0xb8;
	[tilespmem:$0x1EA00] =	vst v63  }
0x10b: {  	s4 =	simm.s32 $0x180  }
0x10c: {  	[tilespmem:s23], [sflag:$0x4] =	stream.indirect.gather [spmem:s3], $0x20, s4, s15, $0xb8;
	[tilespmem:$0x1EA00] =	vst v63  }
0x10d: {  	s5 =	simm.s32 $0x200;
	s7 =	simm.s32 $0xDD00  }
0x10e: {  	[tilespmem:s7], [sflag:$0x5] =	stream.indirect.gather [spmem:s3], $0x20, s5, s15, $0xb8;
	[tilespmem:$0x1EA00] =	vst v63  }
0x10f: {  	s8 =	simm.s32 $0x280;
	s10 =	simm.s32 $0xED00  }
0x110: {  	[tilespmem:s10], [sflag:$0x6] =	stream.indirect.gather [spmem:s3], $0x20, s8, s15, $0xb8;
	[tilespmem:$0x1EA00] =	vst v63  }
0x111: {  	s13 =	simm.s32 $0x300;
	s14 =	simm.s32 $0xFD00  }
0x112: {  	[tilespmem:s14], [sflag:$0x7] =	stream.indirect.gather [spmem:s3], $0x20, s13, s15, $0xb8;
	[tilespmem:$0x1EA00] =	vst v63  }
0x113: {  	s16 =	simm.s32 $0x380;
	s17 =	simm.s32 $0x10D00  }
0x114: {  	[tilespmem:s17], [sflag:$0x8] =	stream.indirect.gather [spmem:s3], $0x20, s16, s15, $0xb8;
	[tilespmem:$0x1EA00] =	vst v63  }
0x115: {  	_ =	swait.ge [sflag:s24], $0x1000  }
0x116: {  	[sflag:s24] =	ssyncset.done $0x0  }
0x117: {  	s18 =	simm.s32 $0x4E80;
	[sflag:s24] =	ssyncadd.s32 $0xFFFFF000  }
0x118: {  	[spmem:s2] =	stream.indirect.scatter.add.f32 [tilespmem:s19], [sflag:$0x9], $0x20, s18, s15, $0xb8;
	[tilespmem:$0x1EA00] =	vst v63  }
0x119: {  	p2 =	sle.u32 s6, $0x8;
	_ =	swait.ge [sflag:s11], $0x1000  }
0x11a: {  	s0 =	simm.s32 @!p2 $0x400;
	[sflag:s11] =	ssyncset.done $0x0  }
0x11b: {  	s4 =	simm.s32 @!p2 $0x80;
	s7 =	simm.s32 @!p2 $0x9D00;
	[sflag:s11] =	ssyncadd.s32 $0xFFFFF000  }
0x11c: {  	[tilespmem:s7], [sflag:$0x1] =	stream.indirect.gather @!p2 [spmem:s3], $0x20, s0, s4, $0xb8;
	[tilespmem:$0x1EA00] =	vst v63  }
0x11d: {  	_ =	swait.ge [sflag:s26], $0x1000  }
0x11e: {  	[sflag:s26] =	ssyncset.done $0x0  }
0x11f: {  	s20 =	simm.s32 $0x4F00;
	[sflag:s26] =	ssyncadd.s32 $0xFFFFF000  }
0x120: {  	[spmem:s2] =	stream.indirect.scatter.add.f32 [tilespmem:s21], [sflag:$0x9], $0x20, s20, s15, $0xb8;
	[tilespmem:$0x1EA00] =	vst v63  }
0x121: {  	p2 =	sle.u32 s6, $0x9;
	_ =	swait.ge [sflag:s11], $0x1000  }
0x122: {  	s0 =	simm.s32 @!p2 $0x480;
	[sflag:s11] =	ssyncset.done $0x0  }
0x123: {  	s4 =	simm.s32 @!p2 $0x80;
	s7 =	simm.s32 @!p2 $0xAD00;
	[sflag:s11] =	ssyncadd.s32 $0xFFFFF000  }
0x124: {  	[tilespmem:s7], [sflag:$0x2] =	stream.indirect.gather @!p2 [spmem:s3], $0x20, s0, s4, $0xb8;
	[tilespmem:$0x1EA00] =	vst v63  }
0x125: {  	_ =	swait.ge [sflag:s28], $0x1000  }
0x126: {  	[sflag:s28] =	ssyncset.done $0x0  }
0x127: {  	s25 =	simm.s32 $0x4F80;
	[sflag:s28] =	ssyncadd.s32 $0xFFFFF000  }
0x128: {  	[spmem:s2] =	stream.indirect.scatter.add.f32 [tilespmem:s22], [sflag:$0x9], $0x20, s25, s15, $0xb8;
	[tilespmem:$0x1EA00] =	vst v63  }
0x129: {  	p2 =	sle.u32 s6, $0xA;
	_ =	swait.ge [sflag:s11], $0x1000  }
0x12a: {  	s0 =	simm.s32 @!p2 $0x500;
	[sflag:s11] =	ssyncset.done $0x0  }
0x12b: {  	s4 =	simm.s32 @!p2 $0x80;
	s7 =	simm.s32 @!p2 $0xBD00;
	[sflag:s11] =	ssyncadd.s32 $0xFFFFF000  }
0x12c: {  	[tilespmem:s7], [sflag:$0x3] =	stream.indirect.gather @!p2 [spmem:s3], $0x20, s0, s4, $0xb8;
	[tilespmem:$0x1EA00] =	vst v63  }
0x12d: {  	_ =	swait.ge [sflag:s29], $0x1000  }
0x12e: {  	[sflag:s29] =	ssyncset.done $0x0  }
0x12f: {  	p3 =	sle.u32 s6, $0x4;
	s30 =	simm.s32 $0x5000;
	[sflag:s29] =	ssyncadd.s32 $0xFFFFF000  }
0x130: {  	[spmem:s2] =	stream.indirect.scatter.add.f32 [tilespmem:s23], [sflag:$0x9], $0x20, s30, s15, $0xb8;
	[tilespmem:$0x1EA00] =	vst v63  }
0x131: {  	p4 =	sle.u32 s6, $0xC;
	p2 =	sle.u32 s6, $0xB;
	_ =	swait.ge [sflag:s11], $0x1000  }
0x132: {  	s4 =	simm.s32 @!p3 $0x5;
	s0 =	simm.s32 @!p2 $0x580;
	[sflag:s11] =	ssyncset.done $0x0  }
0x133: {  	s7 =	simm.s32 @!p2 $0x80;
	s8 =	simm.s32 @!p2 $0xCD00;
	[sflag:s11] =	ssyncadd.s32 $0xFFFFF000  }
0x134: {  	[tilespmem:s8], [sflag:$0x4] =	stream.indirect.gather @!p2 [spmem:s3], $0x20, s0, s7, $0xb8;
	[tilespmem:$0x1EA00] =	vst v63  }
0x135: {  	s31 =	simm.s32 $0x17;
	s10 =	simm.s32 @!p3 $0x9;
	_ =	swait.ge @!p3 [sflag:s4], $0x1000  }
0x136: {  	s0 =	simm.s32 @!p3 $0x5080;
	s7 =	simm.s32 @!p3 $0x80;
	[sflag:s4] =	ssyncset.done @!p3 $0x0  }
0x137: {  	s8 =	simm.s32 @!p3 $0xDD00;
	p2 =	sle.u32 s6, $0x5;
	[sflag:s4] =	ssyncadd.s32 @!p3 $0xFFFFF000  }
0x138: {  	[spmem:s2] =	stream.indirect.scatter.add.f32 @!p3 [tilespmem:s8], [sflag:$0x9], $0x20, s0, s7, $0xb8;
	[tilespmem:$0x1EA00] =	vst v63  }
0x139: {  	p5 =	sle.u32 s6, $0xE;
	s13 =	simm.s32 @!p2 $0x80;
	_ =	swait.ge @!p3 [sflag:s10], $0x1000  }
0x13a: {  	s4 =	simm.s32 @!p4 $0x80;
	s0 =	simm.s32 @!p4 $0x600;
	[sflag:s10] =	ssyncset.done @!p3 $0x0  }
0x13b: {  	s7 =	simm.s32 @!p4 $0xDD00;
	s8 =	simm.s32 @!p2 $0x6;
	[sflag:s10] =	ssyncadd.s32 @!p3 $0xFFFFF000  }
0x13c: {  	[tilespmem:s7], [sflag:$0x5] =	stream.indirect.gather @!p4 [spmem:s3], $0x20, s0, s4, $0xb8;
	[tilespmem:$0x1EA00] =	vst v63  }
0x13d: {  	s10 =	simm.s32 $0x1000;
	p3 =	sle.u32 s6, $0xD;
	_ =	swait.ge @!p2 [sflag:s8], $0x1000  }
0x13e: {  	s0 =	simm.s32 @!p2 $0x5100;
	s4 =	simm.s32 @!p2 $0x9;
	[sflag:s8] =	ssyncset.done @!p2 $0x0  }
0x13f: {  	s7 =	simm.s32 @!p2 $0xED00;
	p4 =	sle.u32 s6, $0x6;
	[sflag:s8] =	ssyncadd.s32 @!p2 $0xFFFFF000  }
0x140: {  	[spmem:s2] =	stream.indirect.scatter.add.f32 @!p2 [tilespmem:s7], [sflag:$0x9], $0x20, s0, s13, $0xb8;
	[tilespmem:$0x1EA00] =	vst v63  }
0x141: {  	s16 =	simm.s32 @!p4 $0xFD00;
	s17 =	simm.s32 @!p4 $0x9;
	_ =	swait.ge @!p2 [sflag:s4], $0x1000  }
0x142: {  	s8 =	simm.s32 @!p4 $0x7;
	s0 =	simm.s32 @!p3 $0x680;
	[sflag:s4] =	ssyncset.done @!p2 $0x0  }
0x143: {  	s7 =	simm.s32 @!p3 $0x80;
	s13 =	simm.s32 @!p3 $0xED00;
	[sflag:s4] =	ssyncadd.s32 @!p2 $0xFFFFF000  }
0x144: {  	[tilespmem:s13], [sflag:$0x6] =	stream.indirect.gather @!p3 [spmem:s3], $0x20, s0, s7, $0xb8;
	[tilespmem:$0x1EA00] =	vst v63  }
0x145: {  	s4 =	simm.s32 @!p4 $0x80;
	p3 =	sle.u32 s6, $0xF;
	_ =	swait.ge @!p4 [sflag:s8], $0x1000  }
0x146: {  	s0 =	simm.s32 @!p4 $0x5180;
	s13 =	simm.s32 @!p3 $0x10D00;
	[sflag:s8] =	ssyncset.done @!p4 $0x0  }
0x147: {  	s7 =	simm.s32 @!p3 $0x780;
	[sflag:s8] =	ssyncadd.s32 @!p4 $0xFFFFF000;
	s8 =	simm.s32 @!p5 $0x80  }
0x148: {  	[spmem:s2] =	stream.indirect.scatter.add.f32 @!p4 [tilespmem:s16], [sflag:$0x9], $0x20, s0, s4, $0xb8;
	[tilespmem:$0x1EA00] =	vst v63  }
0x149: {  	s4 =	simm.s32 @!p3 $0x80;
	s0 =	simm.s32 $0x7;
	s16 =	simm.s32 @!p5 $0x700  }
.LBB2_12:
0x14a: {  	_ =	swait.ge @!p4 [sflag:s17], $0x1000;
	s18 =	simm.s32 @!p5 $0xFD00  }
0x14b: {  	p6 =	sge.u32 s0, s6;
	s20 =	smov.u32 s10;
	s0 =	smov.u32 s31  }
0x14c: {  	[sflag:s17] =	ssyncset.done @!p4 $0x0;
	s25 =	simm.s32 @!p6 $0x8;
	s9 =	sshra.s32 @!p6 s9, $0x2  }
0x14d: {  	s10 =	sadd.s32 $0x1000, s10;
	[sflag:s17] =	ssyncadd.s32 @!p4 $0xFFFFF000;
	s9 =	sadd.s32 @!p6 $0x5200, s9  }
0x14e: {  	[tilespmem:s18], [sflag:$0x7] =	stream.indirect.gather @!p5 [spmem:s3], $0x20, s16, s8, $0xb8;
	[tilespmem:$0x1EA00] =	vst v63  }
0x14f: {  	s17 =	simm.s32 @!p6 $0x9;
	s8 =	sadd.s32 $0xFFFFFFF9, s31;
	_ =	swait.ge @!p6 [sflag:s25], $0x1000  }
0x150: {  	p4 =	sge.u32 s8, s6;
	s8 =	simm.s32 @!p6 $0x10D00;
	[sflag:s25] =	ssyncset.done @!p6 $0x0  }
0x151: {  	s16 =	simm.s32 @!p6 $0x80;
	s18 =	sshra.s32 @!p4 s20, $0x2;
	[sflag:s25] =	ssyncadd.s32 @!p6 $0xFFFFF000  }
0x152: {  	[spmem:s2] =	stream.indirect.scatter.add.f32 @!p6 [tilespmem:s8], [sflag:$0x9], $0x20, s9, s16, $0xb8;
	[tilespmem:$0x1EA00] =	vst v63  }
0x153: {  	s16 =	sshra.s32 s20, $0x2;
	s8 =	sadd.s32 @!p4 $0x400, s18;
	_ =	swait.ge @!p6 [sflag:s17], $0x1000  }
0x154: {  	p2 =	sne.s32 s10, $0x14000;
	s18 =	sadd.s32 $0x4E80, s16;
	[sflag:s17] =	ssyncset.done @!p6 $0x0  }
0x155: {  	s9 =	smov.u32 s20;
	[sflag:s17] =	ssyncadd.s32 @!p6 $0xFFFFF000  }
0x156: {  	[tilespmem:s13], [sflag:$0x8] =	stream.indirect.gather @!p3 [spmem:s3], $0x20, s7, s4, $0xb8;
	[tilespmem:$0x1EA00] =	vst v63  }
0x157: {  	_ =	swait.ge [sflag:s24], $0x1000  }
0x158: {  	s4 =	simm.s32 @!p4 $0x80;
	s7 =	simm.s32 @!p4 $0x9D00;
	[sflag:s24] =	ssyncset.done $0x0  }
0x159: {  	[sflag:s24] =	ssyncadd.s32 $0xFFFFF000  }
0x15a: {  	[spmem:s2] =	stream.indirect.scatter.add.f32 [tilespmem:s19], [sflag:$0x9], $0x20, s18, s15, $0xb8;
	[tilespmem:$0x1EA00] =	vst v63  }
0x15b: {  	_ =	swait.ge [sflag:s11], $0x1000  }
0x15c: {  	s17 =	sadd.s32 $0xFFFFFFFA, s31;
	s13 =	sadd.s32 $0x4F00, s16;
	[sflag:s11] =	ssyncset.done $0x0  }
0x15d: {  	p3 =	sge.u32 s17, s6;
	[sflag:s11] =	ssyncadd.s32 $0xFFFFF000  }
0x15e: {  	[tilespmem:s7], [sflag:$0x1] =	stream.indirect.gather @!p4 [spmem:s3], $0x20, s8, s4, $0xb8;
	[tilespmem:$0x1EA00] =	vst v63  }
0x15f: {  	s4 =	sshra.s32 @!p3 s9, $0x2;
	_ =	swait.ge [sflag:s26], $0x1000  }
0x160: {  	s7 =	simm.s32 @!p3 $0x80;
	s4 =	sadd.s32 @!p3 $0x480, s4;
	[sflag:s26] =	ssyncset.done $0x0  }
0x161: {  	[sflag:s26] =	ssyncadd.s32 $0xFFFFF000  }
0x162: {  	[spmem:s2] =	stream.indirect.scatter.add.f32 [tilespmem:s21], [sflag:$0x9], $0x20, s13, s15, $0xb8;
	[tilespmem:$0x1EA00] =	vst v63  }
0x163: {  	s31 =	sadd.s32 $0x8, s31;
	s13 =	simm.s32 @!p3 $0xAD00;
	_ =	swait.ge [sflag:s11], $0x1000  }
0x164: {  	s17 =	sadd.s32 $0x4F80, s16;
	s8 =	sadd.s32 $0xFFFFFFFB, s0;
	[sflag:s11] =	ssyncset.done $0x0  }
0x165: {  	p4 =	sge.u32 s8, s6;
	s8 =	sadd.s32 $0xFFFFFFFF, s0;
	[sflag:s11] =	ssyncadd.s32 $0xFFFFF000  }
0x166: {  	[tilespmem:s13], [sflag:$0x2] =	stream.indirect.gather @!p3 [spmem:s3], $0x20, s4, s7, $0xb8;
	[tilespmem:$0x1EA00] =	vst v63  }
0x167: {  	s4 =	sshra.s32 @!p4 s9, $0x2;
	s7 =	sadd.s32 $0xFFFFFFF6, s0;
	_ =	swait.ge [sflag:s28], $0x1000  }
0x168: {  	s18 =	simm.s32 @!p4 $0x80;
	s13 =	sadd.s32 @!p4 $0x500, s4;
	[sflag:s28] =	ssyncset.done $0x0  }
0x169: {  	s20 =	sadd.s32 $0xFFFFFFFC, s0;
	s4 =	sadd.s32 $0xFFFFFFF7, s0;
	[sflag:s28] =	ssyncadd.s32 $0xFFFFF000  }
0x16a: {  	[spmem:s2] =	stream.indirect.scatter.add.f32 [tilespmem:s22], [sflag:$0x9], $0x20, s17, s15, $0xb8;
	[tilespmem:$0x1EA00] =	vst v63  }
0x16b: {  	s25 =	sadd.s32 $0xFFFFFFF5, s0;
	s17 =	simm.s32 @!p4 $0xBD00;
	_ =	swait.ge [sflag:s11], $0x1000  }
0x16c: {  	s16 =	sadd.s32 $0x5000, s16;
	p3 =	sge.u32 s25, s6;
	[sflag:s11] =	ssyncset.done $0x0  }
0x16d: {  	p6 =	sge.u32 s20, s6;
	s20 =	sshra.s32 @!p3 s9, $0x2;
	[sflag:s11] =	ssyncadd.s32 $0xFFFFF000  }
0x16e: {  	[tilespmem:s17], [sflag:$0x3] =	stream.indirect.gather @!p4 [spmem:s3], $0x20, s13, s18, $0xb8;
	[tilespmem:$0x1EA00] =	vst v63  }
0x16f: {  	s13 =	sshra.s32 @!p6 s9, $0x2;
	s17 =	sadd.s32 @!p3 $0x5080, s20;
	_ =	swait.ge [sflag:s29], $0x1000  }
0x170: {  	s18 =	simm.s32 @!p3 $0x5;
	s13 =	sadd.s32 @!p6 $0x580, s13;
	[sflag:s29] =	ssyncset.done $0x0  }
0x171: {  	s25 =	simm.s32 @!p6 $0xCD00;
	s20 =	simm.s32 @!p6 $0x80;
	[sflag:s29] =	ssyncadd.s32 $0xFFFFF000  }
0x172: {  	[spmem:s2] =	stream.indirect.scatter.add.f32 [tilespmem:s23], [sflag:$0x9], $0x20, s16, s15, $0xb8;
	[tilespmem:$0x1EA00] =	vst v63  }
0x173: {  	s30 =	sadd.s32 $0xFFFFFFFD, s0;
	s16 =	simm.s32 @!p3 $0x80;
	_ =	swait.ge [sflag:s11], $0x1000  }
0x174: {  	s5 =	simm.s32 @!p3 $0xDD00;
	s14 =	simm.s32 @!p3 $0x9;
	[sflag:s11] =	ssyncset.done $0x0  }
0x175: {  	p5 =	sge.u32 s7, s6;
	p4 =	sge.u32 s30, s6;
	[sflag:s11] =	ssyncadd.s32 $0xFFFFF000  }
0x176: {  	[tilespmem:s25], [sflag:$0x4] =	stream.indirect.gather @!p6 [spmem:s3], $0x20, s13, s20, $0xb8;
	[tilespmem:$0x1EA00] =	vst v63  }
0x177: {  	s7 =	sshra.s32 @!p4 s9, $0x2;
	s13 =	sshra.s32 @!p5 s9, $0x2;
	_ =	swait.ge @!p3 [sflag:s18], $0x1000  }
0x178: {  	s7 =	sadd.s32 @!p4 $0x600, s7;
	s13 =	sadd.s32 @!p5 $0x5100, s13;
	[sflag:s18] =	ssyncset.done @!p3 $0x0  }
0x179: {  	s20 =	simm.s32 @!p4 $0xDD00;
	[sflag:s18] =	ssyncadd.s32 @!p3 $0xFFFFF000;
	s18 =	simm.s32 @!p4 $0x80  }
0x17a: {  	[spmem:s2] =	stream.indirect.scatter.add.f32 @!p3 [tilespmem:s5], [sflag:$0x9], $0x20, s17, s16, $0xb8;
	[tilespmem:$0x1EA00] =	vst v63  }
0x17b: {  	s5 =	simm.s32 @!p5 $0x6;
	s16 =	sadd.s32 $0xFFFFFFFE, s0;
	_ =	swait.ge @!p3 [sflag:s14], $0x1000  }
0x17c: {  	s17 =	simm.s32 @!p5 $0x9;
	p6 =	sge.u32 s16, s6;
	[sflag:s14] =	ssyncset.done @!p3 $0x0  }
0x17d: {  	s16 =	sshra.s32 @!p6 s9, $0x2;
	[sflag:s14] =	ssyncadd.s32 @!p3 $0xFFFFF000;
	s14 =	simm.s32 @!p5 $0xED00  }
0x17e: {  	[tilespmem:s20], [sflag:$0x5] =	stream.indirect.gather @!p4 [spmem:s3], $0x20, s7, s18, $0xb8;
	[tilespmem:$0x1EA00] =	vst v63  }
0x17f: {  	s7 =	simm.s32 @!p5 $0x80;
	p4 =	sge.u32 s4, s6;
	_ =	swait.ge @!p5 [sflag:s5], $0x1000  }
0x180: {  	s16 =	sadd.s32 @!p6 $0x680, s16;
	s18 =	simm.s32 @!p4 $0x7;
	[sflag:s5] =	ssyncset.done @!p5 $0x0  }
0x181: {  	s20 =	simm.s32 @!p6 $0xED00;
	[sflag:s5] =	ssyncadd.s32 @!p5 $0xFFFFF000;
	s5 =	simm.s32 @!p6 $0x80  }
0x182: {  	[spmem:s2] =	stream.indirect.scatter.add.f32 @!p5 [tilespmem:s14], [sflag:$0x9], $0x20, s13, s7, $0xb8;
	[tilespmem:$0x1EA00] =	vst v63  }
0x183: {  	p3 =	sge.u32 s0, s6;
	s4 =	sshra.s32 @!p4 s9, $0x2;
	_ =	swait.ge @!p5 [sflag:s17], $0x1000  }
0x184: {  	s14 =	sadd.s32 @!p4 $0x5180, s4;
	s13 =	simm.s32 @!p3 $0x10D00;
	[sflag:s17] =	ssyncset.done @!p5 $0x0  }
0x185: {  	s25 =	simm.s32 @!p4 $0x80;
	s30 =	simm.s32 @!p4 $0xFD00;
	s4 =	sshra.s32 @!p3 s9, $0x2  }
0x186: {  	s7 =	sadd.s32 @!p3 $0x780, s4;
	s4 =	simm.s32 @!p3 $0x80;
	[sflag:s17] =	ssyncadd.s32 @!p5 $0xFFFFF000  }
0x187: {  	[tilespmem:s20], [sflag:$0x6] =	stream.indirect.gather @!p6 [spmem:s3], $0x20, s16, s5, $0xb8;
	[tilespmem:$0x1EA00] =	vst v63  }
.Ltmp5:
0x188: {  	_ = 	snop;
	(pc) =	sbr.rel @p2 .LBB2_12-.Ltmp5, $4  }
0x189: {  	s0 =	sadd.s32 $0xFFFFFFF8, s0;
	p5 =	sge.u32 s8, s6;
	_ =	swait.ge @!p4 [sflag:s18], $0x1000  }
0x18a: {  	s5 =	sshra.s32 @!p5 s9, $0x2;
	s8 =	simm.s32 @!p5 $0x80;
	[sflag:s18] =	ssyncset.done @!p4 $0x0  }
0x18b: {  	s17 =	simm.s32 @!p4 $0x9;
	s16 =	sadd.s32 @!p5 $0x700, s5;
	[sflag:s18] =	ssyncadd.s32 @!p4 $0xFFFFF000  }
0x18c: {  	[spmem:s2] =	stream.indirect.scatter.add.f32 @!p4 [tilespmem:s30], [sflag:$0x9], $0x20, s14, s25, $0xb8;
	[tilespmem:$0x1EA00] =	vst v63  }
0x18d: {  	_ =	swait.ge @!p4 [sflag:s17], $0x1000  }
0x18e: {  	p2 =	sge.u32 s0, s6;
	[sflag:s17] =	ssyncset.done @!p4 $0x0  }
0x18f: {  	s0 =	simm.s32 @!p5 $0xFD00;
	s5 =	simm.s32 @!p2 $0x8;
	[sflag:s17] =	ssyncadd.s32 @!p4 $0xFFFFF000  }
0x190: {  	[tilespmem:s0], [sflag:$0x7] =	stream.indirect.gather @!p5 [spmem:s3], $0x20, s16, s8, $0xb8;
	[tilespmem:$0x1EA00] =	vst v63  }
0x191: {  	s0 =	sshra.s32 @!p2 s9, $0x2;
	_ =	swait.ge @!p2 [sflag:s5], $0x1000  }
0x192: {  	s8 =	simm.s32 @!p2 $0x9;
	s9 =	simm.s32 @!p2 $0x10D00;
	[sflag:s5] =	ssyncset.done @!p2 $0x0  }
0x193: {  	s0 =	sadd.s32 @!p2 $0x5200, s0;
	[sflag:s5] =	ssyncadd.s32 @!p2 $0xFFFFF000;
	s5 =	simm.s32 @!p2 $0x80  }
0x194: {  	[spmem:s2] =	stream.indirect.scatter.add.f32 @!p2 [tilespmem:s9], [sflag:$0x9], $0x20, s0, s5, $0xb8;
	[tilespmem:$0x1EA00] =	vst v63  }
0x195: {  	_ =	swait.ge @!p2 [sflag:s8], $0x1000  }
0x196: {  	[sflag:s8] =	ssyncset.done @!p2 $0x0  }
0x197: {  	[sflag:s8] =	ssyncadd.s32 @!p2 $0xFFFFF000  }
0x198: {  	[tilespmem:s13], [sflag:$0x8] =	stream.indirect.gather @!p3 [spmem:s3], $0x20, s7, s4, $0xb8;
	[tilespmem:$0x1EA00] =	vst v63  }
0x199: {  	[bflag:$0x0] =	sbarrier.arrive $0xFFFF  }
0x19a: {  	s9 =	simm.s32 $0x1C200;
	s17 =	rddreg [dreg:$0x10]  }
0x19b: {  	[tilespmem:s9], [sflag:$0x9] =	stream.linear.gather [spmem:s17], $0x1400, $0x38;
	[tilespmem:$0x1EA00] =	vst v63  }
0x19c: {  	_ =	swait.ge [sflag:s11], $0x1400  }
0x19d: {  	[sflag:s11] =	ssyncset.done $0x0  }
0x19e: {  	s10 =	simm.s32 $0x1D600;
	s16 =	rddreg [dreg:$0xf];
	[sflag:s11] =	ssyncadd.s32 $0xFFFFEC00  }
0x19f: {  	[tilespmem:s10], [sflag:$0x9] =	stream.linear.gather [spmem:s16], $0x1400, $0x38;
	[tilespmem:$0x1EA00] =	vst v63  }
0x1a0: {  	s30 =	simm.s32 $0x0;
	_ =	swait.ge [sflag:s11], $0x1400  }
0x1a1: {  	v0 =	vmov s30;
	[sflag:s11] =	ssyncset.done $0x0  }
0x1a2: {  	s4 =	simm.s32 $0x1C210;
	[sflag:s11] =	ssyncadd.s32 $0xFFFFEC00  }
0x1a3: {  	s0 =	simm.s32 $0x1D610;
	v1 =	vld [tilespmem:s4+$0xFFFFFFF0]  }
0x1a4: {  	v2 =	vld [tilespmem:s0+$0xFFFFFFF0];
	_ =	sdelay $0x1  }
0x1a5: {  	v0 =	vld.idx.msk [tilespmem:v0+s12+$0x0], $0xffff;
	_ =	sdelay $0x2  }
0x1a6: {  	v1 =	vadd.f32 v2, v1;
	_ =	sdelay $0x1  }
0x1a7: {  	v1 =	vmul.f32 v1, v0;
	_ =	sdelay $0x1  }
0x1a8: {  	[tilespmem:s4+$0xFFFFFFF0] =	vst v1;
	v1 =	vld [tilespmem:s4+$0x0]  }
0x1a9: {  	v2 =	vld [tilespmem:s0+$0x0];
	_ =	sdelay $0x4  }
0x1aa: {  	s31 =	simm.s32 $0x1;
	v2 =	vadd.f32 v2, v1  }
0x1ab: {  	s8 =	simm.s32 $0x2;
	s7 =	simm.s32 $0x1C210;
	v1 =	vmov s31  }
.LBB2_14:
0x1ac: {  	p2 =	sne.s32 s8, $0x9F;
	v0 =	vmul.f32 v2, v0  }
0x1ad: {  	s4 =	sadd.s32 $0x20, s4  }
0x1ae: {  	s0 =	sadd.s32 $0x20, s0;
	v2 =	vld [tilespmem:s4+$0xFFFFFFF0];
	[tilespmem:s7+$0x0] =	vst v0;
	s7 =	smov.u32 s4  }
0x1af: {  	v3 =	vld [tilespmem:s0+$0xFFFFFFF0]  }
0x1b0: {  	v0 =	vld.idx.msk [tilespmem:v1+s12+$0x0], $0xffff;
	_ =	sdelay $0x3  }
0x1b1: {  	v1 =	vadd.f32 v3, v2;
	_ =	sdelay $0x1  }
0x1b2: {  	v1 =	vmul.f32 v1, v0;
	_ =	sdelay $0x1  }
0x1b3: {  	[tilespmem:s4+$0xFFFFFFF0] =	vst v1;
	v1 =	vld [tilespmem:s4+$0x0]  }
0x1b4: {  	v2 =	vld [tilespmem:s0+$0x0];
	_ =	sdelay $0x1  }
.Ltmp6:
0x1b5: {  	(pc) =	sbr.rel @p2 .LBB2_14-.Ltmp6, $3  }
0x1b6: {  	_ =	sdelay $0x1  }
0x1b7: {  	v2 =	vadd.f32 v2, v1  }
0x1b8: {  	v1 =	vmov s8;
	s8 =	sadd.s32 $0x1, s8  }
0x1b9: {  	v0 =	vmul.f32 v2, v0  }
0x1ba: {  	s4 =	sadd.s32 $0x20, s4  }
0x1bb: {  	s0 =	sadd.s32 $0x20, s0;
	v2 =	vld [tilespmem:s4+$0xFFFFFFF0];
	[tilespmem:s7+$0x0] =	vst v0  }
0x1bc: {  	v0 =	vld [tilespmem:s0+$0xFFFFFFF0];
	_ =	sdelay $0x1  }
0x1bd: {  	v1 =	vld.idx.msk [tilespmem:v1+s12+$0x0], $0xffff;
	_ =	sdelay $0x2  }
0x1be: {  	v0 =	vadd.f32 v0, v2;
	_ =	sdelay $0x1  }
0x1bf: {  	v0 =	vmul.f32 v0, v1;
	_ =	sdelay $0x1  }
0x1c0: {  	[tilespmem:s4+$0xFFFFFFF0] =	vst v0;
	v0 =	vld [tilespmem:s4+$0x0]  }
0x1c1: {  	v2 =	vld [tilespmem:s0+$0x0];
	_ =	sdelay $0x4  }
0x1c2: {  	v0 =	vadd.f32 v2, v0;
	_ =	sdelay $0x1  }
0x1c3: {  	v0 =	vmul.f32 v0, v1;
	_ =	sdelay $0x1  }
0x1c4: {  	s25 =	rddreg [dreg:$0x7];
	s13 =	simm.s32 $0x20;
	s14 =	simm.s32 $0x40;
	[tilespmem:s4+$0x0] =	vst v0  }
0x1c5: {  	[hbm4b:s25+s13] =	stream.strided.scatter [tilespmem:s9], [sflag:$0x9], $0x1400, s14, s13, $0x38;
	[tilespmem:$0x1EA00] =	vst v63  }
0x1c6: {  	_ =	swait.ge [sflag:s11], $0x1400  }
0x1c7: {  	[sflag:s11] =	ssyncset.done $0x0  }
0x1c8: {  	s18 =	rddreg [dreg:$0x11];
	[sflag:s11] =	ssyncadd.s32 $0xFFFFEC00  }
0x1c9: {  	[tilespmem:s9], [sflag:$0x9] =	stream.linear.gather [spmem:s18], $0x1400, $0x38;
	[tilespmem:$0x1EA00] =	vst v63  }
0x1ca: {  	_ =	swait.ge [sflag:s11], $0x1400  }
0x1cb: {  	s30 =	simm.s32 $0x0;
	[sflag:s11] =	ssyncset.done $0x0  }
0x1cc: {  	v0 =	vmov s30;
	s31 =	rddreg [dreg:$0x12];
	[sflag:s11] =	ssyncadd.s32 $0xFFFFEC00  }
0x1cd: {  	v0 =	vadd.s32 $0xA0, v0;
	[tilespmem:s10], [sflag:$0x9] =	stream.linear.gather [spmem:s31], $0x1400, $0x38;
	[tilespmem:$0x1EA00] =	vst v63  }
0x1ce: {  	v0 =	vbroadcast v0, $0x0;
	_ =	swait.ge [sflag:s11], $0x1400  }
0x1cf: {  	[sflag:s11] =	ssyncset.done $0x0  }
0x1d0: {  	s4 =	simm.s32 $0x1C210;
	[sflag:s11] =	ssyncadd.s32 $0xFFFFEC00  }
0x1d1: {  	s0 =	simm.s32 $0x1D610;
	v1 =	vld [tilespmem:s4+$0xFFFFFFF0]  }
0x1d2: {  	v2 =	vld [tilespmem:s0+$0xFFFFFFF0];
	_ =	sdelay $0x1  }
0x1d3: {  	v0 =	vld.idx.msk [tilespmem:v0+s12+$0x0], $0xffff;
	_ =	sdelay $0x2  }
0x1d4: {  	v1 =	vadd.f32 v2, v1;
	_ =	sdelay $0x1  }
0x1d5: {  	v1 =	vmul.f32 v1, v0;
	_ =	sdelay $0x1  }
0x1d6: {  	[tilespmem:s4+$0xFFFFFFF0] =	vst v1;
	v1 =	vld [tilespmem:s4+$0x0]  }
0x1d7: {  	v2 =	vld [tilespmem:s0+$0x0];
	_ =	sdelay $0x1  }
0x1d8: {  	s5 =	simm.s32 $0x1  }
0x1d9: {  	s8 =	simm.s32 $0x2;
	v3 =	vmov s5;
	s7 =	simm.s32 $0x1C210;
	s20 =	rddreg [dreg:$0x13]  }
.LBB2_16:
0x1da: {  	p2 =	sne.s32 s8, $0x9F;
	v3 =	vadd.s32 $0xA0, v3  }
0x1db: {  	v3 =	vbroadcast v3, $0x0;
	v1 =	vadd.f32 v2, v1;
	_ =	sdelay $0x1  }
0x1dc: {  	v0 =	vmul.f32 v1, v0  }
0x1dd: {  	s4 =	sadd.s32 $0x20, s4  }
0x1de: {  	s0 =	sadd.s32 $0x20, s0;
	v1 =	vld [tilespmem:s4+$0xFFFFFFF0];
	[tilespmem:s7+$0x0] =	vst v0;
	s7 =	smov.u32 s4  }
0x1df: {  	v2 =	vld [tilespmem:s0+$0xFFFFFFF0]  }
0x1e0: {  	v0 =	vld.idx.msk [tilespmem:v3+s12+$0x0], $0xffff;
	_ =	sdelay $0x3  }
0x1e1: {  	v1 =	vadd.f32 v2, v1;
	_ =	sdelay $0x1  }
0x1e2: {  	v1 =	vmul.f32 v1, v0;
	_ =	sdelay $0x1  }
.Ltmp7:
0x1e3: {  	[tilespmem:s4+$0xFFFFFFF0] =	vst v1;
	v1 =	vld [tilespmem:s4+$0x0];
	(pc) =	sbr.rel @p2 .LBB2_16-.Ltmp7, $2  }
0x1e4: {  	v2 =	vld [tilespmem:s0+$0x0];
	_ =	sdelay $0x2  }
0x1e5: {  	v3 =	vmov s8;
	s8 =	sadd.s32 $0x1, s8  }
0x1e6: {  	_ = 	snop  }
0x1e7: {  	v3 =	vadd.s32 $0xA0, v3;
	v1 =	vadd.f32 v2, v1  }
0x1e8: {  	v2 =	vbroadcast v3, $0x0  }
0x1e9: {  	v0 =	vmul.f32 v1, v0  }
0x1ea: {  	s4 =	sadd.s32 $0x20, s4  }
0x1eb: {  	s0 =	sadd.s32 $0x20, s0;
	v1 =	vld [tilespmem:s4+$0xFFFFFFF0];
	[tilespmem:s7+$0x0] =	vst v0  }
0x1ec: {  	v0 =	vld [tilespmem:s0+$0xFFFFFFF0];
	_ =	sdelay $0x1  }
0x1ed: {  	v2 =	vld.idx.msk [tilespmem:v2+s12+$0x0], $0xffff;
	_ =	sdelay $0x2  }
0x1ee: {  	v0 =	vadd.f32 v0, v1;
	_ =	sdelay $0x1  }
0x1ef: {  	v0 =	vmul.f32 v0, v2;
	_ =	sdelay $0x1  }
0x1f0: {  	[tilespmem:s4+$0xFFFFFFF0] =	vst v0;
	v0 =	vld [tilespmem:s4+$0x0]  }
0x1f1: {  	v1 =	vld [tilespmem:s0+$0x0];
	_ =	sdelay $0x4  }
0x1f2: {  	v0 =	vadd.f32 v1, v0;
	_ =	sdelay $0x1  }
0x1f3: {  	v0 =	vmul.f32 v0, v2;
	_ =	sdelay $0x1  }
0x1f4: {  	s25 =	rddreg [dreg:$0xc];
	[tilespmem:s4+$0x0] =	vst v0  }
0x1f5: {  	[hbm4b:s25+s13] =	stream.strided.scatter [tilespmem:s9], [sflag:$0x9], $0x1400, s14, s13, $0x38;
	[tilespmem:$0x1EA00] =	vst v63  }
0x1f6: {  	_ =	swait.ge [sflag:s11], $0x1400  }
0x1f7: {  	[sflag:s11] =	ssyncset.done $0x0  }
0x1f8: {  	[sflag:s11] =	ssyncadd.s32 $0xFFFFEC00  }
0x1f9: {  	[tilespmem:s9], [sflag:$0x9] =	stream.linear.gather [spmem:s20], $0x1400, $0x38;
	[tilespmem:$0x1EA00] =	vst v63  }
0x1fa: {  	_ =	swait.ge [sflag:s11], $0x1400  }
0x1fb: {  	s30 =	simm.s32 $0x0;
	[sflag:s11] =	ssyncset.done $0x0  }
0x1fc: {  	v0 =	vmov s30;
	s31 =	rddreg [dreg:$0x14];
	[sflag:s11] =	ssyncadd.s32 $0xFFFFEC00  }
0x1fd: {  	v0 =	vadd.s32 $0x140, v0;
	[tilespmem:s10], [sflag:$0x9] =	stream.linear.gather [spmem:s31], $0x1400, $0x38;
	[tilespmem:$0x1EA00] =	vst v63  }
0x1fe: {  	v0 =	vbroadcast v0, $0x0;
	_ =	swait.ge [sflag:s11], $0x1400  }
0x1ff: {  	[sflag:s11] =	ssyncset.done $0x0  }
0x200: {  	s4 =	simm.s32 $0x1C210;
	[sflag:s11] =	ssyncadd.s32 $0xFFFFEC00  }
0x201: {  	s0 =	simm.s32 $0x1D610;
	v1 =	vld [tilespmem:s4+$0xFFFFFFF0]  }
0x202: {  	v2 =	vld [tilespmem:s0+$0xFFFFFFF0];
	_ =	sdelay $0x1  }
0x203: {  	v0 =	vld.idx.msk [tilespmem:v0+s12+$0x0], $0xffff;
	_ =	sdelay $0x2  }
0x204: {  	v1 =	vadd.f32 v2, v1;
	_ =	sdelay $0x1  }
0x205: {  	v1 =	vmul.f32 v1, v0;
	_ =	sdelay $0x1  }
0x206: {  	[tilespmem:s4+$0xFFFFFFF0] =	vst v1;
	v1 =	vld [tilespmem:s4+$0x0]  }
0x207: {  	v2 =	vld [tilespmem:s0+$0x0];
	_ =	sdelay $0x1  }
0x208: {  	s5 =	simm.s32 $0x1  }
0x209: {  	s8 =	simm.s32 $0x2;
	v3 =	vmov s5;
	s7 =	simm.s32 $0x1C210;
	s25 =	rddreg [dreg:$0x18]  }
.LBB2_18:
0x20a: {  	p2 =	sne.s32 s8, $0x9F;
	v3 =	vadd.s32 $0x140, v3  }
0x20b: {  	v3 =	vbroadcast v3, $0x0;
	v1 =	vadd.f32 v2, v1;
	_ =	sdelay $0x1  }
0x20c: {  	v0 =	vmul.f32 v1, v0  }
0x20d: {  	s4 =	sadd.s32 $0x20, s4  }
0x20e: {  	s0 =	sadd.s32 $0x20, s0;
	v1 =	vld [tilespmem:s4+$0xFFFFFFF0];
	[tilespmem:s7+$0x0] =	vst v0;
	s7 =	smov.u32 s4  }
0x20f: {  	v2 =	vld [tilespmem:s0+$0xFFFFFFF0]  }
0x210: {  	v0 =	vld.idx.msk [tilespmem:v3+s12+$0x0], $0xffff;
	_ =	sdelay $0x3  }
0x211: {  	v1 =	vadd.f32 v2, v1;
	_ =	sdelay $0x1  }
0x212: {  	v1 =	vmul.f32 v1, v0;
	_ =	sdelay $0x1  }
.Ltmp8:
0x213: {  	[tilespmem:s4+$0xFFFFFFF0] =	vst v1;
	v1 =	vld [tilespmem:s4+$0x0];
	(pc) =	sbr.rel @p2 .LBB2_18-.Ltmp8, $2  }
0x214: {  	v2 =	vld [tilespmem:s0+$0x0];
	_ =	sdelay $0x2  }
0x215: {  	v3 =	vmov s8;
	s8 =	sadd.s32 $0x1, s8  }
0x216: {  	_ = 	snop  }
0x217: {  	v3 =	vadd.s32 $0x140, v3;
	v1 =	vadd.f32 v2, v1  }
0x218: {  	v2 =	vbroadcast v3, $0x0  }
0x219: {  	v0 =	vmul.f32 v1, v0  }
0x21a: {  	s4 =	sadd.s32 $0x20, s4  }
0x21b: {  	s0 =	sadd.s32 $0x20, s0;
	v1 =	vld [tilespmem:s4+$0xFFFFFFF0];
	[tilespmem:s7+$0x0] =	vst v0  }
0x21c: {  	v0 =	vld [tilespmem:s0+$0xFFFFFFF0];
	_ =	sdelay $0x1  }
0x21d: {  	v2 =	vld.idx.msk [tilespmem:v2+s12+$0x0], $0xffff;
	_ =	sdelay $0x2  }
0x21e: {  	v0 =	vadd.f32 v0, v1;
	_ =	sdelay $0x1  }
0x21f: {  	v0 =	vmul.f32 v0, v2;
	_ =	sdelay $0x1  }
0x220: {  	[tilespmem:s4+$0xFFFFFFF0] =	vst v0;
	v0 =	vld [tilespmem:s4+$0x0]  }
0x221: {  	v1 =	vld [tilespmem:s0+$0x0];
	_ =	sdelay $0x4  }
0x222: {  	v0 =	vadd.f32 v1, v0;
	_ =	sdelay $0x1  }
0x223: {  	v0 =	vmul.f32 v0, v2  }
0x224: {  	s5 =	simm.s32 @p0 $0x1C200  }
0x225: {  	s7 =	rddreg [dreg:$0x17];
	s0 =	simm.s32 @p0 $0x20;
	[tilespmem:s4+$0x0] =	vst v0;
	s4 =	simm.s32 @p0 $0x40  }
0x226: {  	[hbm4b:s7+s0] =	stream.strided.scatter @p0 [tilespmem:s5], [sflag:$0x9], $0xA00, s4, s0, $0x38;
	[tilespmem:$0x1EA00] =	vst v63  }
0x227: {  	s0 =	simm.s32 @p0 $0x9  }
0x228: {  	_ =	swait.ge @p0 [sflag:s0], $0xA00  }
0x229: {  	s4 =	simm.s32 @!p0 $0x40;
	s5 =	simm.s32 @!p0 $0x1C200;
	[sflag:s0] =	ssyncset.done @p0 $0x0  }
0x22a: {  	s7 =	rddreg [dreg:$0x15];
	[sflag:s0] =	ssyncadd.s32 @p0 $0xFFFFF600;
	s0 =	simm.s32 @!p0 $0x20  }
0x22b: {  	[hbm4b:s7+s0] =	stream.strided.scatter @!p0 [tilespmem:s5], [sflag:$0x9], $0x1400, s4, s0, $0x38;
	[tilespmem:$0x1EA00] =	vst v63  }
0x22c: {  	s0 =	simm.s32 @!p0 $0x9  }
0x22d: {  	_ =	swait.ge @!p0 [sflag:s0], $0x1400  }
0x22e: {  	[sflag:s0] =	ssyncset.done @!p0 $0x0  }
0x22f: {  	[sflag:s0] =	ssyncadd.s32 @!p0 $0xFFFFEC00  }
0x230: {  	[tilespmem:s9], [sflag:$0x9] =	stream.linear.gather [spmem:s25], $0x1400, $0x38;
	[tilespmem:$0x1EA00] =	vst v63  }
0x231: {  	_ =	swait.ge [sflag:s11], $0x1400  }
0x232: {  	s14 =	simm.s32 $0x0;
	[sflag:s11] =	ssyncset.done $0x0  }
0x233: {  	v0 =	vmov s14;
	s30 =	rddreg [dreg:$0x19];
	[sflag:s11] =	ssyncadd.s32 $0xFFFFEC00  }
0x234: {  	v0 =	vadd.s32 $0x1E0, v0;
	[tilespmem:s10], [sflag:$0x9] =	stream.linear.gather [spmem:s30], $0x1400, $0x38;
	[tilespmem:$0x1EA00] =	vst v63  }
0x235: {  	v0 =	vbroadcast v0, $0x0;
	_ =	swait.ge [sflag:s11], $0x1400  }
0x236: {  	[sflag:s11] =	ssyncset.done $0x0  }
0x237: {  	s4 =	simm.s32 $0x1C210;
	[sflag:s11] =	ssyncadd.s32 $0xFFFFEC00  }
0x238: {  	s0 =	simm.s32 $0x1D610;
	v1 =	vld [tilespmem:s4+$0xFFFFFFF0]  }
0x239: {  	v2 =	vld [tilespmem:s0+$0xFFFFFFF0];
	_ =	sdelay $0x1  }
0x23a: {  	v0 =	vld.idx.msk [tilespmem:v0+s12+$0x0], $0xffff;
	_ =	sdelay $0x2  }
0x23b: {  	v1 =	vadd.f32 v2, v1;
	_ =	sdelay $0x1  }
0x23c: {  	v1 =	vmul.f32 v1, v0;
	_ =	sdelay $0x1  }
0x23d: {  	[tilespmem:s4+$0xFFFFFFF0] =	vst v1;
	v1 =	vld [tilespmem:s4+$0x0]  }
0x23e: {  	v2 =	vld [tilespmem:s0+$0x0];
	_ =	sdelay $0x1  }
0x23f: {  	s31 =	simm.s32 $0x1  }
0x240: {  	s8 =	simm.s32 $0x2;
	v3 =	vmov s31;
	s7 =	simm.s32 $0x1C210  }
.LBB2_20:
0x241: {  	p2 =	sne.s32 s8, $0x9F;
	v3 =	vadd.s32 $0x1E0, v3  }
0x242: {  	v3 =	vbroadcast v3, $0x0;
	v1 =	vadd.f32 v2, v1;
	_ =	sdelay $0x1  }
0x243: {  	v0 =	vmul.f32 v1, v0  }
0x244: {  	s4 =	sadd.s32 $0x20, s4  }
0x245: {  	s0 =	sadd.s32 $0x20, s0;
	v1 =	vld [tilespmem:s4+$0xFFFFFFF0];
	[tilespmem:s7+$0x0] =	vst v0;
	s7 =	smov.u32 s4  }
0x246: {  	v2 =	vld [tilespmem:s0+$0xFFFFFFF0]  }
0x247: {  	v0 =	vld.idx.msk [tilespmem:v3+s12+$0x0], $0xffff;
	_ =	sdelay $0x3  }
0x248: {  	v1 =	vadd.f32 v2, v1;
	_ =	sdelay $0x1  }
0x249: {  	v1 =	vmul.f32 v1, v0;
	_ =	sdelay $0x1  }
.Ltmp9:
0x24a: {  	[tilespmem:s4+$0xFFFFFFF0] =	vst v1;
	v1 =	vld [tilespmem:s4+$0x0];
	(pc) =	sbr.rel @p2 .LBB2_20-.Ltmp9, $2  }
0x24b: {  	v2 =	vld [tilespmem:s0+$0x0];
	_ =	sdelay $0x2  }
0x24c: {  	v3 =	vmov s8;
	s8 =	sadd.s32 $0x1, s8  }
0x24d: {  	_ = 	snop  }
0x24e: {  	v3 =	vadd.s32 $0x1E0, v3;
	v1 =	vadd.f32 v2, v1  }
0x24f: {  	v60 =	vbroadcast v3, $0x0  }
0x250: {  	v0 =	vmul.f32 v1, v0  }
0x251: {  	s4 =	sadd.s32 $0x20, s4  }
0x252: {  	s0 =	sadd.s32 $0x20, s0;
	v61 =	vld [tilespmem:s4+$0xFFFFFFF0];
	[tilespmem:s7+$0x0] =	vst v0  }
0x253: {  	v0 =	vld [tilespmem:s0+$0xFFFFFFF0];
	_ =	sdelay $0x1  }
0x254: {  	v2 =	vld.idx.msk [tilespmem:v60+s12+$0x0], $0xffff;
	_ =	sdelay $0x2  }
0x255: {  	v0 =	vadd.f32 v0, v61;
	_ =	sdelay $0x1  }
0x256: {  	v0 =	vmul.f32 v0, v2;
	_ =	sdelay $0x1  }
0x257: {  	v62 =	vld [tilespmem:s4+$0x0];
	[tilespmem:s4+$0xFFFFFFF0] =	vst v0  }
0x258: {  	v63 =	vld [tilespmem:s0+$0x0];
	_ =	sdelay $0x4  }
0x259: {  	v0 =	vadd.f32 v63, v62;
	_ =	sdelay $0x1  }
0x25a: {  	v0 =	vmul.f32 v0, v2  }
0x25b: {  	s5 =	simm.s32 @!p0 $0x1C200  }
0x25c: {  	s7 =	rddreg [dreg:$0x16];
	s0 =	simm.s32 @!p0 $0x20;
	[tilespmem:s4+$0x0] =	vst v0;
	s4 =	simm.s32 @!p0 $0x40  }
0x25d: {  	[hbm4b:s7+s0] =	stream.strided.scatter @!p0 [tilespmem:s5], [sflag:$0x9], $0x1400, s4, s0, $0x38;
	[tilespmem:$0x1EA00] =	vst v63  }
0x25e: {  	s0 =	simm.s32 @!p0 $0x9  }
0x25f: {  	_ =	swait.ge @!p0 [sflag:s0], $0x1400  }
0x260: {  	s1 =	sadd.s32 $0x1, s1;
	s31 =	rddreg [dreg:$0x1a]  }
0x261: {  	p2 =	sne.s32 s1, s31  }
.Ltmp10:
0x262: {  	_ = 	snop;
	(pc) =	sbr.rel @p2 .LBB2_1-.Ltmp10, $3  }
0x263: {  	_ =	sdelay $0x1  }
0x264: {  	[sflag:s0] =	ssyncset.done @!p0 $0x0  }
0x265: {  	[sflag:s0] =	ssyncadd.s32 @!p0 $0xFFFFEC00  }
0x266: {  	_ =	sfence.sel $0x180000  }
0x267: {  	[bflag:$0x0] =	sbarrier.arrive $0xFFFF  }
0x268: {  	_ =	strace $0x9000004A  }
0x269: {  	s0 =	stileid.u32;
	[bflag:$0x2] =	sbarrier.arrive $0xFFFF  }
0x26a: {  	p0 =	sne.s32 s0, $0x0;
	s0 =	rddreg [dreg:$0x4]  }
0x26b: {  	s0 =	sadd.s32 @!p0 $0x100000, s0  }
0x26c: {  	[sflag:s0] =	ssyncadd.tile.s32 @!p0 $0x1;
	_ =	shalt  }
.Lfunc_end2:
_tile_overlayer_lowered:
.L_overlay_start_2:
0x26d: {  	(tag) =	ssettag $0x2  }
0x26e: {  	s0 =	rddreg [dreg:$0x0];
	s2 =	stileid.u32  }
0x26f: {  	s1 =	rddreg [dreg:$0x1];
	p0 =	sne.s32 s2, $0x0  }
0x270: {  	s3 =	rddreg [dreg:$0x2];
	[bflag:$0x3] =	sbarrier.arrive $0xFFFF;
	s2 =	simm.s32 @!p0 $0x1C09  }
0x271: {  	[timem:s3], [sflag:s2] =	dma.local @!p0 [hbm:s0], s1  }
0x272: {  	s0 =	simm.s32 @!p0 $0x9  }
0x273: {  	_ =	swait.ge @!p0 [sflag:s0], s1  }
0x274: {  	s1 =	ssub.s32 @!p0 $0x0, s1;
	[sflag:s0] =	ssyncset.done @!p0 $0x0  }
0x275: {  	[sflag:s0] =	ssyncadd.s32 @!p0 s1  }
0x276: {  	[bflag:$0x3] =	sbarrier.arrive $0xFFFF  }
0x277: {  	_ =	shalt  }

</sc_bundles>
